<compile_context>
chip_gen: v7x
topology: tpu7x:2x2x1
jax: 0.10.2.dev20260603
libtpu: 0.0.44.dev20260713+nightly
codegen_flags: <defaults>
</compile_context>

<pallas_src>
import functools

import jax
import jax.numpy as jnp
import numpy as np
from jax.experimental import pallas as pl
from jax.experimental.pallas import tpu as pltpu

_NUM_CLASSES = 80
_C = 5 + _NUM_CLASSES
_N = 20
_ANCHORS = (
    np.array(
        [[10, 13], [16, 30], [33, 23], [30, 61], [62, 45], [59, 119],
         [116, 90], [156, 198], [373, 326]],
        dtype=np.float32,
    )
    / 608.0
)
_GRIDS = (19, 38, 76)
_LAMBDA_NOOBJ = 0.5
_IGNORE_THRESHOLD = 0.5
_BOX_GAIN = 0.05
_OBJ_GAIN = 1.0
_CLS_GAIN = 0.5
_EPS = 1e-9


def _softplus(x):
    return jnp.logaddexp(0.0, x)


def _prep_kernel(boxes_ref, labels_ref,
                 keys0_ref, meta0_ref, tcls0_ref, gidx0_ref,
                 keys1_ref, meta1_ref, tcls1_ref, gidx1_ref,
                 keys2_ref, meta2_ref, tcls2_ref, gidx2_ref):
    bx = boxes_ref[...]
    B = bx.shape[0]
    cx = bx[:, :, 0]
    cy = bx[:, :, 1]
    w = bx[:, :, 2]
    h = bx[:, :, 3]
    labels = labels_ref[...]

    idx9 = jax.lax.broadcasted_iota(jnp.int32, (1, 1, 9), 2)

    def _const_vec(vals):
        v = jnp.full((1, 1, 9), float(vals[8]), jnp.float32)
        for k in range(7, -1, -1):
            v = jnp.where(idx9 == k, float(vals[k]), v)
        return v

    aw9 = _const_vec(_ANCHORS[:, 0])
    ah9 = _const_vec(_ANCHORS[:, 1])
    inter = jnp.minimum(w[:, :, None], aw9) * jnp.minimum(h[:, :, None], ah9)
    union = (w * h)[:, :, None] + aw9 * ah9 - inter
    aiou = inter / (union + _EPS)
    mx = jnp.max(aiou, axis=2, keepdims=True)
    i9 = jax.lax.broadcasted_iota(jnp.int32, (B, _N, 9), 2)
    best = jnp.min(jnp.where(aiou == mx, i9, 9), axis=2)
    a3 = best % 3
    sidx = best // 3
    a3f = a3.astype(jnp.float32)

    lane85 = jax.lax.broadcasted_iota(jnp.int32, (B, _N, _C), 2)
    onehot = (lane85 == labels[:, :, None] + 5).astype(jnp.float32)

    jj = jax.lax.broadcasted_iota(jnp.int32, (B, _N, _N), 2)
    ii = jax.lax.broadcasted_iota(jnp.int32, (B, _N, _N), 1)
    jlt = jj < ii
    k16 = jax.lax.broadcasted_iota(jnp.int32, (B, _N, 16), 2)

    outs = ((keys0_ref, meta0_ref, tcls0_ref, gidx0_ref),
            (keys1_ref, meta1_ref, tcls1_ref, gidx1_ref),
            (keys2_ref, meta2_ref, tcls2_ref, gidx2_ref))
    for s in range(3):
        G = _GRIDS[s]
        keys_ref, meta_ref, tcls_ref, gidx_ref = outs[s]
        asg = sidx == s
        ix = jnp.clip(jnp.floor(cx * G), 0, G - 1).astype(jnp.int32)
        iy = jnp.clip(jnp.floor(cy * G), 0, G - 1).astype(jnp.int32)
        key = (a3 * G + ix) * G + iy
        keys_ref[...] = key.reshape(B, 1, _N)
        bofs = jax.lax.broadcasted_iota(jnp.int32, (B, _N), 0) * (3 * G * G)
        padrow = (jax.lax.broadcasted_iota(jnp.int32, (B, 12), 0) * 12
                  + jax.lax.broadcasted_iota(jnp.int32, (B, 12), 1))
        gidx = jnp.concatenate([key + bofs, padrow], axis=1)
        c85 = jax.lax.broadcasted_iota(jnp.int32, (B, 32, _C), 2)
        gidx_ref[...] = gidx[:, :, None] * _C + c85
        m3 = ((key[:, :, None] == key[:, None, :])
              & asg[:, :, None] & asg[:, None, :])
        anyprev = jnp.any(m3 & jlt, axis=2)
        leader = asg & jnp.logical_not(anyprev)
        lf = leader.astype(jnp.float32)
        mf = m3.astype(jnp.float32)
        sx = jnp.sum(mf * cx[:, None, :], axis=2)
        sy = jnp.sum(mf * cy[:, None, :], axis=2)
        sw = jnp.sum(mf * w[:, None, :], axis=2)
        sh = jnp.sum(mf * h[:, None, :], axis=2)
        tcls = jnp.sum(mf[:, :, :, None] * onehot[:, None, :, :], axis=2)
        tcls_ref[...] = tcls

        def col(v):
            return v[:, :, None]

        meta = jnp.where(
            k16 == 0, col(lf),
            jnp.where(k16 == 1, col(a3f),
                      jnp.where(k16 == 2, col(ix.astype(jnp.float32)),
                                jnp.where(k16 == 3, col(iy.astype(jnp.float32)),
                                          jnp.where(k16 == 4, col(sx),
                                                    jnp.where(k16 == 5, col(sy),
                                                              jnp.where(k16 == 6, col(sw),
                                                                        col(sh))))))))
        meta_ref[...] = meta


def _scale_kernel(s, G, R, planes_ref, boxes_s_ref, boxesT_ref,
                  meta_ref, tcls_ref, rows_ref,
                  loc_ref, cls_ref, objc_ref, noobj_ref, cnt_ref):
    b = pl.program_id(0)
    GG = G * G
    GG3 = 3 * GG

    @pl.when(b == 0)
    def _init():
        loc_ref[0] = 0.0
        cls_ref[0] = 0.0
        objc_ref[0] = 0.0
        noobj_ref[0] = 0.0
        cnt_ref[0] = 0.0

    q = (jax.lax.broadcasted_iota(jnp.int32, (R, 128), 0) * 128
         + jax.lax.broadcasted_iota(jnp.int32, (R, 128), 1))
    a_idx = q // GG
    rem_q = q - a_idx * GG
    gx = (rem_q // G).astype(jnp.float32)
    gy = (rem_q - (rem_q // G) * G).astype(jnp.float32)
    valid = q < GG3
    aw0, aw1, aw2 = (float(_ANCHORS[3 * s + k, 0]) for k in range(3))
    ah0, ah1, ah2 = (float(_ANCHORS[3 * s + k, 1]) for k in range(3))
    awv = jnp.where(a_idx == 0, aw0, jnp.where(a_idx == 1, aw1, aw2))
    ahv = jnp.where(a_idx == 0, ah0, jnp.where(a_idx == 1, ah1, ah2))

    x0 = planes_ref[0, 0]
    x1 = planes_ref[0, 1]
    x2 = planes_ref[0, 2]
    x3 = planes_ref[0, 3]
    x4 = planes_ref[0, 4]
    px = (jax.nn.sigmoid(x0) + gx) * (1.0 / G)
    py = (jax.nn.sigmoid(x1) + gy) * (1.0 / G)
    pw = jnp.exp(x2) * awv
    ph = jnp.exp(x3) * ahv
    p1x = px - pw * 0.5
    p2x = px + pw * 0.5
    p1y = py - ph * 0.5
    p2y = py + ph * 0.5
    area_p = pw * ph
    ign = jnp.zeros((R, 128), jnp.bool_)
    for n in range(_N):
        bcx = boxes_s_ref[0, 0, 4 * n + 0]
        bcy = boxes_s_ref[0, 0, 4 * n + 1]
        bw = boxes_s_ref[0, 0, 4 * n + 2]
        bh = boxes_s_ref[0, 0, 4 * n + 3]
        iw = jnp.maximum(
            jnp.minimum(p2x, bcx + bw * 0.5) - jnp.maximum(p1x, bcx - bw * 0.5), 0.0)
        ih = jnp.maximum(
            jnp.minimum(p2y, bcy + bh * 0.5) - jnp.maximum(p1y, bcy - bh * 0.5), 0.0)
        inter = iw * ih
        ign = ign | (3.0 * inter > area_p + bw * bh)
    noobj_acc = jnp.sum(jnp.where(ign | (~valid), 0.0, _softplus(x4)))

    meta = meta_ref[0]
    lf = meta[:, 0:1]
    af = meta[:, 1:2]
    ixf = meta[:, 2:3]
    iyf = meta[:, 3:4]
    sx = meta[:, 4:5]
    sy = meta[:, 5:6]
    sw = meta[:, 6:7]
    sh = meta[:, 7:8]
    rows = rows_ref[0, 0:_N, :]
    tcls = tcls_ref[0]
    lane = jax.lax.broadcasted_iota(jnp.int32, (1, _C), 1)

    sig = jax.nn.sigmoid(rows)
    ex = jnp.exp(rows)
    sp = _softplus(rows)
    aw0f, aw1f, aw2f = (float(_ANCHORS[3 * s + k, 0]) for k in range(3))
    ah0f, ah1f, ah2f = (float(_ANCHORS[3 * s + k, 1]) for k in range(3))
    awcol = jnp.where(af == 0.0, aw0f, jnp.where(af == 1.0, aw1f, aw2f))
    ahcol = jnp.where(af == 0.0, ah0f, jnp.where(af == 1.0, ah1f, ah2f))
    addv = jnp.where(lane == 0, ixf, iyf)
    anchv = jnp.where(lane == 2, awcol, ahcol)
    tp_xy = (sig + addv) * (1.0 / G)
    tp_wh = ex * anchv
    tgt = jnp.where(lane == 0, sx,
                    jnp.where(lane == 1, sy,
                              jnp.where(lane == 2, sw, sh)))
    m_xy = (lane <= 1).astype(jnp.float32)
    m_wh = ((lane == 2) | (lane == 3)).astype(jnp.float32)
    m_obj = (lane == 4).astype(jnp.float32)
    m_cls = (lane >= 5).astype(jnp.float32)
    dxy = tp_xy - tgt
    dwh = tp_wh - tgt
    loc_c = jnp.sum(lf * (dxy * dxy * m_xy + dwh * dwh * m_wh))
    cls_c = jnp.sum(lf * (sp - rows * tcls) * m_cls)
    po = jnp.sum(rows * m_obj, axis=1, keepdims=True)
    posp = jnp.sum(sp * m_obj, axis=1, keepdims=True)
    pxc = jnp.sum(tp_xy * (lane == 0), axis=1, keepdims=True)
    pyc = jnp.sum(tp_xy * (lane == 1), axis=1, keepdims=True)
    pwc = jnp.sum(tp_wh * (lane == 2), axis=1, keepdims=True)
    phc = jnp.sum(tp_wh * (lane == 3), axis=1, keepdims=True)

    bt = boxesT_ref[0]
    gcxr = bt[0:1, :]
    gcyr = bt[1:2, :]
    gwr = bt[2:3, :]
    ghr = bt[3:4, :]
    g1xr = gcxr - gwr * 0.5
    g2xr = gcxr + gwr * 0.5
    g1yr = gcyr - ghr * 0.5
    g2yr = gcyr + ghr * 0.5
    area_gr = gwr * ghr
    iw2 = jnp.maximum(
        jnp.minimum(pxc + pwc * 0.5, g2xr) - jnp.maximum(pxc - pwc * 0.5, g1xr), 0.0)
    ih2 = jnp.maximum(
        jnp.minimum(pyc + phc * 0.5, g2yr) - jnp.maximum(pyc - phc * 0.5, g1yr), 0.0)
    inter2 = iw2 * ih2
    iou2 = inter2 / (pwc * phc + area_gr - inter2 + _EPS)
    ignf = (jnp.max(iou2, axis=1, keepdims=True) > _IGNORE_THRESHOLD)
    objc_c = jnp.sum(lf * ((posp - po)
                           - jnp.where(ignf, 0.0, 0.5 * posp)))
    cnt_c = jnp.sum(lf)

    loc_ref[0] += loc_c
    cls_ref[0] += cls_c
    objc_ref[0] += objc_c
    noobj_ref[0] += noobj_acc
    cnt_ref[0] += cnt_c


def _run_prep(boxes, labels_i):
    B = boxes.shape[0]
    outs = pl.pallas_call(
        _prep_kernel,
        in_specs=[
            pl.BlockSpec((B, _N, 4), lambda: (0, 0, 0)),
            pl.BlockSpec((B, _N), lambda: (0, 0)),
        ],
        out_specs=[
            spec
            for _ in range(3)
            for spec in (
                pl.BlockSpec((B, 1, _N), lambda: (0, 0, 0)),
                pl.BlockSpec((B, _N, 16), lambda: (0, 0, 0)),
                pl.BlockSpec((B, _N, _C), lambda: (0, 0, 0)),
                pl.BlockSpec((B, 32, _C), lambda: (0, 0, 0)),
            )
        ],
        out_shape=[
            shape
            for _ in range(3)
            for shape in (
                jax.ShapeDtypeStruct((B, 1, _N), jnp.int32),
                jax.ShapeDtypeStruct((B, _N, 16), jnp.float32),
                jax.ShapeDtypeStruct((B, _N, _C), jnp.float32),
                jax.ShapeDtypeStruct((B, 32, _C), jnp.int32),
            )
        ],
    )(boxes, labels_i)
    return outs


def _sc_gather(preds, gidxs):
    import jax.experimental.pallas.tpu_sc as plsc
    from jax import lax

    info = plsc.get_sparse_core_info()
    NC, NS = info.num_cores, info.num_subcores
    NW = NC * NS
    B = gidxs[0].shape[0]
    mesh = plsc.VectorSubcoreMesh(core_axis_name="c", subcore_axis_name="s")

    @functools.partial(
        pl.kernel, mesh=mesh,
        out_type=[jax.ShapeDtypeStruct((NW * 1408,), jnp.float32)
                  for _ in range(3)],
        scratch_types=[
            pltpu.VMEM((1408,), jnp.int32),
            pltpu.VMEM((1408,), jnp.float32),
            pltpu.SemaphoreType.DMA,
        ],
        compiler_params=pltpu.CompilerParams(use_tc_tiling_on_sc=False),
    )
    def gk(tab0, tab1, tab2, idx0, idx1, idx2, out0, out1, out2,
           idx_v, rows_v, sem):
        wid = lax.axis_index("s") * NC + lax.axis_index("c")
        base = wid * 1408
        for tab, idx, out in ((tab0, idx0, out0), (tab1, idx1, out1),
                              (tab2, idx2, out2)):
            pltpu.sync_copy(idx.at[pl.ds(base, 1408)], idx_v)
            pltpu.async_copy(tab.at[idx_v], rows_v, sem).wait()
            pltpu.sync_copy(rows_v, out.at[pl.ds(base, 1408)])

    tabs = [p.reshape(p.size) for p in preds]
    padfill = (jnp.arange(NW, dtype=jnp.int32)[:, None] * 48
               + jnp.arange(48, dtype=jnp.int32)[None, :])
    flat_idx = []
    for g in gidxs:
        g = g.reshape(NW, 1360)
        g = jnp.concatenate([g, padfill], axis=1)
        flat_idx.append(g.reshape(NW * 1408))
    rows = gk(tabs[0], tabs[1], tabs[2],
              flat_idx[0], flat_idx[1], flat_idx[2])
    out = []
    for r in rows:
        r = r.reshape(NW, 1408)[:, :1360]
        out.append(r.reshape(B, 32, _C))
    return out


def _run_scale(s, planes, boxes_flat, boxesT, meta, tcls, rows):
    B = planes.shape[0]
    G = _GRIDS[s]
    R = planes.shape[2]
    outs = pl.pallas_call(
        functools.partial(_scale_kernel, s, G, R),
        grid=(B,),
        in_specs=[
            pl.BlockSpec((1, 5, R, 128), lambda b: (b, 0, 0, 0)),
            pl.BlockSpec((1, 1, 4 * _N), lambda b: (b, 0, 0), memory_space=pltpu.SMEM),
            pl.BlockSpec((1, 4, _N), lambda b: (b, 0, 0)),
            pl.BlockSpec((1, _N, 16), lambda b: (b, 0, 0)),
            pl.BlockSpec((1, _N, _C), lambda b: (b, 0, 0)),
            pl.BlockSpec((1, 32, _C), lambda b: (b, 0, 0)),
        ],
        out_specs=[
            pl.BlockSpec(memory_space=pltpu.SMEM) for _ in range(5)
        ],
        out_shape=[jax.ShapeDtypeStruct((1,), jnp.float32) for _ in range(5)],
        compiler_params=pltpu.CompilerParams(
            dimension_semantics=("arbitrary",)),
    )(planes, boxes_flat, boxesT, meta, tcls, rows)
    return outs


def _make_planes(pred):
    B = pred.shape[0]
    G = pred.shape[2]
    GG3 = 3 * G * G
    p5 = pred.reshape(B, GG3, _C)[:, :, 0:5]
    p5 = jax.lax.optimization_barrier(p5)
    planes = jnp.moveaxis(p5, 2, 1)
    R = (GG3 + 127) // 128
    pad = R * 128 - GG3
    planes = jnp.pad(planes, ((0, 0), (0, 0), (0, pad)))
    return planes.reshape(B, 5, R, 128)


def kernel(pred_large, pred_medium, pred_small, boxes, labels):
    B = pred_large.shape[0]
    boxes_flat = boxes.reshape(B, 1, 4 * _N)
    boxesT = jnp.swapaxes(boxes, 1, 2)
    labels_i = labels.astype(jnp.int32)
    prep = _run_prep(boxes, labels_i)
    preds = [pred_large, pred_medium, pred_small]
    gidxs = [prep[4 * s + 3] for s in range(3)]
    rows_all = _sc_gather(preds, gidxs)
    loc = jnp.float32(0.0)
    cls = jnp.float32(0.0)
    obj = jnp.float32(0.0)
    cnt = jnp.float32(0.0)
    for s, pred in enumerate(preds):
        planes = _make_planes(pred)
        meta, tcls = prep[4 * s + 1], prep[4 * s + 2]
        o_loc, o_cls, o_objc, o_noobj, o_cnt = _run_scale(
            s, planes, boxes_flat, boxesT, meta, tcls, rows_all[s])
        loc = loc + o_loc[0]
        cls = cls + o_cls[0]
        obj = obj + o_objc[0] + _LAMBDA_NOOBJ * o_noobj[0]
        cnt = cnt + o_cnt[0]
    denom = jnp.maximum(1.0, cnt)
    loc_loss = loc / denom
    cls_loss = cls / denom
    obj_loss = obj / B
    total_loss = _BOX_GAIN * loc_loss + _OBJ_GAIN * obj_loss + _CLS_GAIN * cls_loss
    return total_loss, loc_loss, obj_loss, cls_loss

# --- scband reference (transcript-rebuilt; emitter-appended) ---
"""Pipeline reference for scband-yolov3-loss-73547019977097 (READ-ONLY COPY).

The authoritative reference and input builder live on the scoring server;
editing this copy changes nothing except your own understanding.
"""

import jax, jax.numpy as jnp
import numpy as np

NUM_CLASSES = 80
INPUT_SIZE = 608
ANCHORS = np.array([[10,13],[16,30],[33,23],[30,61],[62,45],[59,119],[116,90],[156,198],[373,326]], dtype=np.float32)
LAMBDA_NOOBJ = 0.5
IGNORE_THRESHOLD = 0.5
BOX_GAIN = 0.05
OBJ_GAIN = 1.0
CLS_GAIN = 0.5


def setup_inputs(seed: int = 0) -> dict:
    key = jax.random.key(seed)
    k1, k2, k3, k4, k5 = jax.random.split(key, 5)
    B = 16
    C = 5 + NUM_CLASSES
    pred_large = jax.random.normal(k1, (B, 3, 19, 19, C), dtype=jnp.float32)
    pred_medium = jax.random.normal(k2, (B, 3, 38, 38, C), dtype=jnp.float32)
    pred_small = jax.random.normal(k3, (B, 3, 76, 76, C), dtype=jnp.float32)
    boxes = jax.random.uniform(k4, (B, 20, 4), dtype=jnp.float32)
    labels = jax.random.randint(k5, (B, 20), 0, NUM_CLASSES)
    return {"pred_large": pred_large, "pred_medium": pred_medium, "pred_small": pred_small, "boxes": boxes, "labels": labels}


def _bce_logits(x, z):
    # binary_cross_entropy_with_logits, elementwise, no reduction
    return jnp.logaddexp(0.0, x) - x * z


def _transform_predictions(pred, anchors_norm, G):
    # pred: [B, 3, G, G, 5+C]; anchors_norm: [3, 2] normalized to image size
    gi = jnp.arange(G)
    grid_x, grid_y = jnp.meshgrid(gi, gi, indexing='ij')
    grid = jnp.stack([grid_x, grid_y], axis=-1).astype(pred.dtype)  # [G, G, 2]
    pred_xy = (jax.nn.sigmoid(pred[..., 0:2]) + grid[None, None]) / G
    pred_wh = jnp.exp(pred[..., 2:4]) * anchors_norm[None, :, None, None, :]
    return jnp.concatenate([pred_xy, pred_wh, jax.nn.sigmoid(pred[..., 4:])], axis=-1)


def _build_targets(pred, boxes, labels, scale_idx, G, anchors_all):
    # boxes: [B, N, 4] normalized cx,cy,w,h; labels: [B, N]
    B, N = boxes.shape[0], boxes.shape[1]
    C = NUM_CLASSES
    wh = boxes[..., 2:4]
    aw = anchors_all[:, 0]
    ah = anchors_all[:, 1]
    inter = jnp.minimum(wh[..., 0:1], aw[None, None, :]) * jnp.minimum(wh[..., 1:2], ah[None, None, :])
    union = wh[..., 0:1] * wh[..., 1:2] + aw[None, None, :] * ah[None, None, :] - inter
    anchor_iou = inter / (union + 1e-9)  # [B, N, 9]
    best = jnp.argmax(anchor_iou, axis=-1)
    assigned = (best // 3) == scale_idx
    a = best % 3
    gx = boxes[..., 0] * G
    gy = boxes[..., 1] * G
    ix = jnp.clip(jnp.floor(gx), 0, G - 1).astype(jnp.int32)
    iy = jnp.clip(jnp.floor(gy), 0, G - 1).astype(jnp.int32)
    bidx = jnp.broadcast_to(jnp.arange(B)[:, None], (B, N))
    cnt = jnp.zeros((B, 3, G, G), jnp.int32).at[bidx, a, ix, iy].add(assigned.astype(jnp.int32))
    obj_mask = cnt > 0
    noobj_mask = ~obj_mask
    cls_onehot = jax.nn.one_hot(labels, C, dtype=boxes.dtype)
    vals = jnp.concatenate([boxes, jnp.ones((B, N, 1), boxes.dtype), cls_onehot], axis=-1)
    target = jnp.zeros((B, 3, G, G, 5 + C), boxes.dtype).at[bidx, a, ix, iy].add(vals * assigned[..., None].astype(boxes.dtype))
    # ignore mask: predicted boxes with IoU > threshold against any GT
    anchors_scale = anchors_all[scale_idx * 3:(scale_idx + 1) * 3]
    tp = _transform_predictions(pred, anchors_scale, G)
    pb = tp[..., 0:4]
    p1 = pb[..., 0:2] - pb[..., 2:4] / 2
    p2 = pb[..., 0:2] + pb[..., 2:4] / 2
    g1 = boxes[..., 0:2] - boxes[..., 2:4] / 2
    g2 = boxes[..., 0:2] + boxes[..., 2:4] / 2
    lt = jnp.maximum(p1[..., None, :], g1[:, None, None, None, :, :])
    rb = jnp.minimum(p2[..., None, :], g2[:, None, None, None, :, :])
    whi = jnp.clip(rb - lt, 0.0)
    inter2 = whi[..., 0] * whi[..., 1]
    area_p = pb[..., 2] * pb[..., 3]
    area_g = boxes[..., 2] * boxes[..., 3]
    iou2 = inter2 / (area_p[..., None] + area_g[:, None, None, None, :] - inter2 + 1e-9)
    ignore_mask = jnp.max(iou2, axis=-1) > IGNORE_THRESHOLD
    return target, obj_mask, noobj_mask, ignore_mask, tp


def reference(pred_large, pred_medium, pred_small, boxes, labels):
    anchors_all = jnp.asarray(ANCHORS) / INPUT_SIZE
    preds = [pred_large, pred_medium, pred_small]
    B = pred_large.shape[0]
    loc_loss = jnp.float32(0.0)
    obj_loss = jnp.float32(0.0)
    cls_loss = jnp.float32(0.0)
    total_objects = jnp.int32(0)
    for scale_idx, pred in enumerate(preds):
        G = pred.shape[2]
        target, obj_mask, noobj_mask, ignore_mask, tp = _build_targets(pred, boxes, labels, scale_idx, G, anchors_all)
        noobj_mask = noobj_mask & (~ignore_mask)
        total_objects = total_objects + jnp.sum(obj_mask.astype(jnp.int32))
        m = obj_mask[..., None].astype(pred.dtype)
        xy_loss = jnp.sum(((tp[..., 0:2] - target[..., 0:2]) ** 2) * m)
        wh_loss = jnp.sum(((tp[..., 2:4] - target[..., 2:4]) ** 2) * m)
        loc_loss = loc_loss + xy_loss + wh_loss
        po = pred[..., 4]
        obj_loss = obj_loss + jnp.sum(_bce_logits(po, 1.0) * obj_mask.astype(pred.dtype))
        obj_loss = obj_loss + LAMBDA_NOOBJ * jnp.sum(_bce_logits(po, 0.0) * noobj_mask.astype(pred.dtype))
        cls_loss = cls_loss + jnp.sum(_bce_logits(pred[..., 5:], target[..., 5:]) * m)
    denom = jnp.maximum(1, total_objects).astype(jnp.float32)
    loc_loss = loc_loss / denom
    cls_loss = cls_loss / denom
    obj_loss = obj_loss / B
    total_loss = BOX_GAIN * loc_loss + OBJ_GAIN * obj_loss + CLS_GAIN * cls_loss
    return total_loss, loc_loss, obj_loss, cls_loss

if __name__ == "__main__":
    import jax
    _d = setup_inputs()
    print(jax.jit(kernel)(*tuple(_d.values())))

</pallas_src>

<mosaic_0001>
#map = affine_map<(d0, d1) -> (0)>
module attributes {stable_mosaic.version = 14 : i64} {
  func.func @gk(%arg0: i32, %arg1: i32, %arg2: memref<1472880xf32, #tpu.memory_space<hbm>>, %arg3: memref<5891520xf32, #tpu.memory_space<hbm>>, %arg4: memref<23566080xf32, #tpu.memory_space<hbm>>, %arg5: memref<45056xi32, #tpu.memory_space<hbm>>, %arg6: memref<45056xi32, #tpu.memory_space<hbm>>, %arg7: memref<45056xi32, #tpu.memory_space<hbm>>, %arg8: memref<45056xf32, #tpu.memory_space<hbm>>, %arg9: memref<45056xf32, #tpu.memory_space<hbm>>, %arg10: memref<45056xf32, #tpu.memory_space<hbm>>, %arg11: memref<1408xi32, #tpu.memory_space<vmem>>, %arg12: memref<1408xf32, #tpu.memory_space<vmem>>, %arg13: memref<!tpu.dma_semaphore, #tpu.memory_space<semaphore_mem>>) attributes {dimension_semantics = [#tpu.dimension_semantics<core_parallel>, #tpu.dimension_semantics<subcore_parallel>], iteration_bounds = array<i64: 2, 16>, scalar_prefetch = 0 : i64, scratch_operands = 3 : i64, tpu.core_type = #tpu.core_type<sc_vector_subcore>, window_params = [{transform_indices = #map}, {transform_indices = #map}, {transform_indices = #map}, {transform_indices = #map}, {transform_indices = #map}, {transform_indices = #map}, {transform_indices = #map}, {transform_indices = #map}, {transform_indices = #map}]} {
    %mul3A = arith.constant 2 : i32
    %mul3A_0 = arith.muli %arg1, %mul3A : i32
    %add3A = arith.addi %mul3A_0, %arg0 : i32
    %mul3A_1 = arith.constant 1408 : i32
    %mul3A_2 = arith.muli %add3A, %mul3A_1 : i32
    "tpu.region"() ({
      %run_scoped3A = tpu.sem_alloc : memref<!tpu.dma_semaphore, #tpu.memory_space<semaphore_mem>>
      %dma_start3A_13 = tpu.memref_slice %arg5[%mul3A_2] : memref<45056xi32, #tpu.memory_space<hbm>> -> memref<1408xi32, #tpu.memory_space<hbm>>
      %dma_start3A_14 = tpu.memref_slice %arg5[%mul3A_2] : memref<45056xi32, #tpu.memory_space<hbm>> -> memref<1408xi32, #tpu.memory_space<hbm>>
      tpu.enqueue_dma source(%dma_start3A_14 : memref<1408xi32, #tpu.memory_space<hbm>>) target(%arg11 : memref<1408xi32, #tpu.memory_space<vmem>>) target_semaphore(%run_scoped3A : memref<!tpu.dma_semaphore, #tpu.memory_space<semaphore_mem>>)
      %dma_wait3A_15 = tpu.memref_slice %arg5[%mul3A_2] : memref<45056xi32, #tpu.memory_space<hbm>> -> memref<1408xi32, #tpu.memory_space<hbm>>
      %dma_wait3A_16 = tpu.memref_slice %arg5[%mul3A_2] : memref<45056xi32, #tpu.memory_space<hbm>> -> memref<1408xi32, #tpu.memory_space<hbm>>
      tpu.wait_dma2 semaphore(%run_scoped3A : memref<!tpu.dma_semaphore, #tpu.memory_space<semaphore_mem>>) src(%dma_wait3A_16 : memref<1408xi32, #tpu.memory_space<hbm>>) dst(%arg11 : memref<1408xi32, #tpu.memory_space<vmem>>)
      tpu.yield
    }) : () -> ()
    %dma_start3A = arith.constant 0 : i32
    %dma_start3A_3 = tpu.memref_slice %arg2[%dma_start3A] : memref<1472880xf32, #tpu.memory_space<hbm>> -> memref<1472880xf32, #tpu.memory_space<hbm>>
    tpu.enqueue_indirect_dma source(%dma_start3A_3 : memref<1472880xf32, #tpu.memory_space<hbm>>) target(%arg12 : memref<1408xf32, #tpu.memory_space<vmem>>) offsets(%arg11 : memref<1408xi32, #tpu.memory_space<vmem>>) semaphore(%arg13 : memref<!tpu.dma_semaphore, #tpu.memory_space<semaphore_mem>>)
    %dma_wait3A = arith.constant 0 : i32
    %dma_wait3A_4 = tpu.memref_slice %arg2[%dma_wait3A] : memref<1472880xf32, #tpu.memory_space<hbm>> -> memref<1472880xf32, #tpu.memory_space<hbm>>
    tpu.wait_indirect_dma semaphore(%arg13 : memref<!tpu.dma_semaphore, #tpu.memory_space<semaphore_mem>>) src(%dma_wait3A_4 : memref<1472880xf32, #tpu.memory_space<hbm>>) dst(%arg12 : memref<1408xf32, #tpu.memory_space<vmem>>)
    "tpu.region"() ({
      %run_scoped3A = tpu.sem_alloc : memref<!tpu.dma_semaphore, #tpu.memory_space<semaphore_mem>>
      %dma_start3A_13 = tpu.memref_slice %arg8[%mul3A_2] : memref<45056xf32, #tpu.memory_space<hbm>> -> memref<1408xf32, #tpu.memory_space<hbm>>
      %dma_start3A_14 = tpu.memref_slice %arg8[%mul3A_2] : memref<45056xf32, #tpu.memory_space<hbm>> -> memref<1408xf32, #tpu.memory_space<hbm>>
      tpu.enqueue_dma source(%arg12 : memref<1408xf32, #tpu.memory_space<vmem>>) target(%dma_start3A_14 : memref<1408xf32, #tpu.memory_space<hbm>>) target_semaphore(%run_scoped3A : memref<!tpu.dma_semaphore, #tpu.memory_space<semaphore_mem>>)
      %dma_wait3A_15 = tpu.memref_slice %arg8[%mul3A_2] : memref<45056xf32, #tpu.memory_space<hbm>> -> memref<1408xf32, #tpu.memory_space<hbm>>
      %dma_wait3A_16 = tpu.memref_slice %arg8[%mul3A_2] : memref<45056xf32, #tpu.memory_space<hbm>> -> memref<1408xf32, #tpu.memory_space<hbm>>
      tpu.wait_dma2 semaphore(%run_scoped3A : memref<!tpu.dma_semaphore, #tpu.memory_space<semaphore_mem>>) src(%arg12 : memref<1408xf32, #tpu.memory_space<vmem>>) dst(%dma_wait3A_16 : memref<1408xf32, #tpu.memory_space<hbm>>)
      tpu.yield
    }) : () -> ()
    "tpu.region"() ({
      %run_scoped3A = tpu.sem_alloc : memref<!tpu.dma_semaphore, #tpu.memory_space<semaphore_mem>>
      %dma_start3A_13 = tpu.memref_slice %arg6[%mul3A_2] : memref<45056xi32, #tpu.memory_space<hbm>> -> memref<1408xi32, #tpu.memory_space<hbm>>
      %dma_start3A_14 = tpu.memref_slice %arg6[%mul3A_2] : memref<45056xi32, #tpu.memory_space<hbm>> -> memref<1408xi32, #tpu.memory_space<hbm>>
      tpu.enqueue_dma source(%dma_start3A_14 : memref<1408xi32, #tpu.memory_space<hbm>>) target(%arg11 : memref<1408xi32, #tpu.memory_space<vmem>>) target_semaphore(%run_scoped3A : memref<!tpu.dma_semaphore, #tpu.memory_space<semaphore_mem>>)
      %dma_wait3A_15 = tpu.memref_slice %arg6[%mul3A_2] : memref<45056xi32, #tpu.memory_space<hbm>> -> memref<1408xi32, #tpu.memory_space<hbm>>
      %dma_wait3A_16 = tpu.memref_slice %arg6[%mul3A_2] : memref<45056xi32, #tpu.memory_space<hbm>> -> memref<1408xi32, #tpu.memory_space<hbm>>
      tpu.wait_dma2 semaphore(%run_scoped3A : memref<!tpu.dma_semaphore, #tpu.memory_space<semaphore_mem>>) src(%dma_wait3A_16 : memref<1408xi32, #tpu.memory_space<hbm>>) dst(%arg11 : memref<1408xi32, #tpu.memory_space<vmem>>)
      tpu.yield
    }) : () -> ()
    %dma_start3A_5 = arith.constant 0 : i32
    %dma_start3A_6 = tpu.memref_slice %arg3[%dma_start3A_5] : memref<5891520xf32, #tpu.memory_space<hbm>> -> memref<5891520xf32, #tpu.memory_space<hbm>>
    tpu.enqueue_indirect_dma source(%dma_start3A_6 : memref<5891520xf32, #tpu.memory_space<hbm>>) target(%arg12 : memref<1408xf32, #tpu.memory_space<vmem>>) offsets(%arg11 : memref<1408xi32, #tpu.memory_space<vmem>>) semaphore(%arg13 : memref<!tpu.dma_semaphore, #tpu.memory_space<semaphore_mem>>)
    %dma_wait3A_7 = arith.constant 0 : i32
    %dma_wait3A_8 = tpu.memref_slice %arg3[%dma_wait3A_7] : memref<5891520xf32, #tpu.memory_space<hbm>> -> memref<5891520xf32, #tpu.memory_space<hbm>>
    tpu.wait_indirect_dma semaphore(%arg13 : memref<!tpu.dma_semaphore, #tpu.memory_space<semaphore_mem>>) src(%dma_wait3A_8 : memref<5891520xf32, #tpu.memory_space<hbm>>) dst(%arg12 : memref<1408xf32, #tpu.memory_space<vmem>>)
    "tpu.region"() ({
      %run_scoped3A = tpu.sem_alloc : memref<!tpu.dma_semaphore, #tpu.memory_space<semaphore_mem>>
      %dma_start3A_13 = tpu.memref_slice %arg9[%mul3A_2] : memref<45056xf32, #tpu.memory_space<hbm>> -> memref<1408xf32, #tpu.memory_space<hbm>>
      %dma_start3A_14 = tpu.memref_slice %arg9[%mul3A_2] : memref<45056xf32, #tpu.memory_space<hbm>> -> memref<1408xf32, #tpu.memory_space<hbm>>
      tpu.enqueue_dma source(%arg12 : memref<1408xf32, #tpu.memory_space<vmem>>) target(%dma_start3A_14 : memref<1408xf32, #tpu.memory_space<hbm>>) target_semaphore(%run_scoped3A : memref<!tpu.dma_semaphore, #tpu.memory_space<semaphore_mem>>)
      %dma_wait3A_15 = tpu.memref_slice %arg9[%mul3A_2] : memref<45056xf32, #tpu.memory_space<hbm>> -> memref<1408xf32, #tpu.memory_space<hbm>>
      %dma_wait3A_16 = tpu.memref_slice %arg9[%mul3A_2] : memref<45056xf32, #tpu.memory_space<hbm>> -> memref<1408xf32, #tpu.memory_space<hbm>>
      tpu.wait_dma2 semaphore(%run_scoped3A : memref<!tpu.dma_semaphore, #tpu.memory_space<semaphore_mem>>) src(%arg12 : memref<1408xf32, #tpu.memory_space<vmem>>) dst(%dma_wait3A_16 : memref<1408xf32, #tpu.memory_space<hbm>>)
      tpu.yield
    }) : () -> ()
    "tpu.region"() ({
      %run_scoped3A = tpu.sem_alloc : memref<!tpu.dma_semaphore, #tpu.memory_space<semaphore_mem>>
      %dma_start3A_13 = tpu.memref_slice %arg7[%mul3A_2] : memref<45056xi32, #tpu.memory_space<hbm>> -> memref<1408xi32, #tpu.memory_space<hbm>>
      %dma_start3A_14 = tpu.memref_slice %arg7[%mul3A_2] : memref<45056xi32, #tpu.memory_space<hbm>> -> memref<1408xi32, #tpu.memory_space<hbm>>
      tpu.enqueue_dma source(%dma_start3A_14 : memref<1408xi32, #tpu.memory_space<hbm>>) target(%arg11 : memref<1408xi32, #tpu.memory_space<vmem>>) target_semaphore(%run_scoped3A : memref<!tpu.dma_semaphore, #tpu.memory_space<semaphore_mem>>)
      %dma_wait3A_15 = tpu.memref_slice %arg7[%mul3A_2] : memref<45056xi32, #tpu.memory_space<hbm>> -> memref<1408xi32, #tpu.memory_space<hbm>>
      %dma_wait3A_16 = tpu.memref_slice %arg7[%mul3A_2] : memref<45056xi32, #tpu.memory_space<hbm>> -> memref<1408xi32, #tpu.memory_space<hbm>>
      tpu.wait_dma2 semaphore(%run_scoped3A : memref<!tpu.dma_semaphore, #tpu.memory_space<semaphore_mem>>) src(%dma_wait3A_16 : memref<1408xi32, #tpu.memory_space<hbm>>) dst(%arg11 : memref<1408xi32, #tpu.memory_space<vmem>>)
      tpu.yield
    }) : () -> ()
    %dma_start3A_9 = arith.constant 0 : i32
    %dma_start3A_10 = tpu.memref_slice %arg4[%dma_start3A_9] : memref<23566080xf32, #tpu.memory_space<hbm>> -> memref<23566080xf32, #tpu.memory_space<hbm>>
    tpu.enqueue_indirect_dma source(%dma_start3A_10 : memref<23566080xf32, #tpu.memory_space<hbm>>) target(%arg12 : memref<1408xf32, #tpu.memory_space<vmem>>) offsets(%arg11 : memref<1408xi32, #tpu.memory_space<vmem>>) semaphore(%arg13 : memref<!tpu.dma_semaphore, #tpu.memory_space<semaphore_mem>>)
    %dma_wait3A_11 = arith.constant 0 : i32
    %dma_wait3A_12 = tpu.memref_slice %arg4[%dma_wait3A_11] : memref<23566080xf32, #tpu.memory_space<hbm>> -> memref<23566080xf32, #tpu.memory_space<hbm>>
    tpu.wait_indirect_dma semaphore(%arg13 : memref<!tpu.dma_semaphore, #tpu.memory_space<semaphore_mem>>) src(%dma_wait3A_12 : memref<23566080xf32, #tpu.memory_space<hbm>>) dst(%arg12 : memref<1408xf32, #tpu.memory_space<vmem>>)
    "tpu.region"() ({
      %run_scoped3A = tpu.sem_alloc : memref<!tpu.dma_semaphore, #tpu.memory_space<semaphore_mem>>
      %dma_start3A_13 = tpu.memref_slice %arg10[%mul3A_2] : memref<45056xf32, #tpu.memory_space<hbm>> -> memref<1408xf32, #tpu.memory_space<hbm>>
      %dma_start3A_14 = tpu.memref_slice %arg10[%mul3A_2] : memref<45056xf32, #tpu.memory_space<hbm>> -> memref<1408xf32, #tpu.memory_space<hbm>>
      tpu.enqueue_dma source(%arg12 : memref<1408xf32, #tpu.memory_space<vmem>>) target(%dma_start3A_14 : memref<1408xf32, #tpu.memory_space<hbm>>) target_semaphore(%run_scoped3A : memref<!tpu.dma_semaphore, #tpu.memory_space<semaphore_mem>>)
      %dma_wait3A_15 = tpu.memref_slice %arg10[%mul3A_2] : memref<45056xf32, #tpu.memory_space<hbm>> -> memref<1408xf32, #tpu.memory_space<hbm>>
      %dma_wait3A_16 = tpu.memref_slice %arg10[%mul3A_2] : memref<45056xf32, #tpu.memory_space<hbm>> -> memref<1408xf32, #tpu.memory_space<hbm>>
      tpu.wait_dma2 semaphore(%run_scoped3A : memref<!tpu.dma_semaphore, #tpu.memory_space<semaphore_mem>>) src(%arg12 : memref<1408xf32, #tpu.memory_space<vmem>>) dst(%dma_wait3A_16 : memref<1408xf32, #tpu.memory_space<hbm>>)
      tpu.yield
    }) : () -> ()
    return
  }
}

module attributes {stable_mosaic.version = 14 : i64} {
  func.func @_prep_kernel(%arg0: memref<16x20x4xf32, #tpu.memory_space<vmem>>, %arg1: memref<16x20xi32, #tpu.memory_space<vmem>>, %arg2: memref<16x1x20xi32, #tpu.memory_space<vmem>>, %arg3: memref<16x20x16xf32, #tpu.memory_space<vmem>>, %arg4: memref<16x20x85xf32, #tpu.memory_space<vmem>>, %arg5: memref<16x32x85xi32, #tpu.memory_space<vmem>>, %arg6: memref<16x1x20xi32, #tpu.memory_space<vmem>>, %arg7: memref<16x20x16xf32, #tpu.memory_space<vmem>>, %arg8: memref<16x20x85xf32, #tpu.memory_space<vmem>>, %arg9: memref<16x32x85xi32, #tpu.memory_space<vmem>>, %arg10: memref<16x1x20xi32, #tpu.memory_space<vmem>>, %arg11: memref<16x20x16xf32, #tpu.memory_space<vmem>>, %arg12: memref<16x20x85xf32, #tpu.memory_space<vmem>>, %arg13: memref<16x32x85xi32, #tpu.memory_space<vmem>>) attributes {dimension_semantics = [], scalar_prefetch = 0 : i64, scratch_operands = 0 : i64, tpu.core_type = #tpu.core_type<tc>} {
    %get3A = arith.constant 0 : index
    %get3A_0 = arith.constant 0 : index
    %get3A_1 = arith.constant 0 : index
    %get3A_2 = vector.load %arg0[%get3A, %get3A_0, %get3A_1] : memref<16x20x4xf32, #tpu.memory_space<vmem>>, vector<16x20x4xf32>
    %slice3A = vector.extract_strided_slice %get3A_2 {offsets = [0, 0, 0], sizes = [16, 20, 1], strides = [1, 1, 1]} : vector<16x20x4xf32> to vector<16x20x1xf32>
    %squeeze3A = vector.shape_cast %slice3A : vector<16x20x1xf32> to vector<16x20xf32>
    %slice3A_3 = vector.extract_strided_slice %get3A_2 {offsets = [0, 0, 1], sizes = [16, 20, 1], strides = [1, 1, 1]} : vector<16x20x4xf32> to vector<16x20x1xf32>
    %squeeze3A_4 = vector.shape_cast %slice3A_3 : vector<16x20x1xf32> to vector<16x20xf32>
    %slice3A_5 = vector.extract_strided_slice %get3A_2 {offsets = [0, 0, 2], sizes = [16, 20, 1], strides = [1, 1, 1]} : vector<16x20x4xf32> to vector<16x20x1xf32>
    %squeeze3A_6 = vector.shape_cast %slice3A_5 : vector<16x20x1xf32> to vector<16x20xf32>
    %slice3A_7 = vector.extract_strided_slice %get3A_2 {offsets = [0, 0, 3], sizes = [16, 20, 1], strides = [1, 1, 1]} : vector<16x20x4xf32> to vector<16x20x1xf32>
    %squeeze3A_8 = vector.shape_cast %slice3A_7 : vector<16x20x1xf32> to vector<16x20xf32>
    %get3A_9 = arith.constant 0 : index
    %get3A_10 = arith.constant 0 : index
    %get3A_11 = vector.load %arg1[%get3A_9, %get3A_10] : memref<16x20xi32, #tpu.memory_space<vmem>>, vector<16x20xi32>
    %iota3A = tpu.iota {dimensions = array<i32: 2>} : vector<1x1x9xi32>
    %broadcast_in_dim3A = arith.constant 0.613486826 : f32
    %broadcast_in_dim3A_12 = vector.broadcast %broadcast_in_dim3A : f32 to vector<1x1x9xf32>
    %eq3A = arith.constant 7 : i32
    %eq3A_13 = vector.broadcast %eq3A : i32 to vector<1x1x9xi32>
    %eq3A_14 = arith.cmpi eq, %iota3A, %eq3A_13 : vector<1x1x9xi32>
    %jit3A = arith.constant 0.256578952 : f32
    %broadcast_in_dim3A_15 = vector.broadcast %jit3A : f32 to vector<1x1x9xf32>
    %select_n3A = arith.select %eq3A_14, %broadcast_in_dim3A_15, %broadcast_in_dim3A_12 : vector<1x1x9xi1>, vector<1x1x9xf32>
    %eq3A_16 = arith.constant 6 : i32
    %eq3A_17 = vector.broadcast %eq3A_16 : i32 to vector<1x1x9xi32>
    %eq3A_18 = arith.cmpi eq, %iota3A, %eq3A_17 : vector<1x1x9xi32>
    %jit3A_19 = arith.constant 0.190789476 : f32
    %broadcast_in_dim3A_20 = vector.broadcast %jit3A_19 : f32 to vector<1x1x9xf32>
    %select_n3A_21 = arith.select %eq3A_18, %broadcast_in_dim3A_20, %select_n3A : vector<1x1x9xi1>, vector<1x1x9xf32>
    %eq3A_22 = arith.constant 5 : i32
    %eq3A_23 = vector.broadcast %eq3A_22 : i32 to vector<1x1x9xi32>
    %eq3A_24 = arith.cmpi eq, %iota3A, %eq3A_23 : vector<1x1x9xi32>
    %jit3A_25 = arith.constant 0.097039476 : f32
    %broadcast_in_dim3A_26 = vector.broadcast %jit3A_25 : f32 to vector<1x1x9xf32>
    %select_n3A_27 = arith.select %eq3A_24, %broadcast_in_dim3A_26, %select_n3A_21 : vector<1x1x9xi1>, vector<1x1x9xf32>
    %eq3A_28 = arith.constant 4 : i32
    %eq3A_29 = vector.broadcast %eq3A_28 : i32 to vector<1x1x9xi32>
    %eq3A_30 = arith.cmpi eq, %iota3A, %eq3A_29 : vector<1x1x9xi32>
    %jit3A_31 = arith.constant 0.101973683 : f32
    %broadcast_in_dim3A_32 = vector.broadcast %jit3A_31 : f32 to vector<1x1x9xf32>
    %select_n3A_33 = arith.select %eq3A_30, %broadcast_in_dim3A_32, %select_n3A_27 : vector<1x1x9xi1>, vector<1x1x9xf32>
    %eq3A_34 = arith.constant 3 : i32
    %eq3A_35 = vector.broadcast %eq3A_34 : i32 to vector<1x1x9xi32>
    %eq3A_36 = arith.cmpi eq, %iota3A, %eq3A_35 : vector<1x1x9xi32>
    %jit3A_37 = arith.constant 0.049342107 : f32
    %broadcast_in_dim3A_38 = vector.broadcast %jit3A_37 : f32 to vector<1x1x9xf32>
    %select_n3A_39 = arith.select %eq3A_36, %broadcast_in_dim3A_38, %select_n3A_33 : vector<1x1x9xi1>, vector<1x1x9xf32>
    %eq3A_40 = arith.constant 2 : i32
    %eq3A_41 = vector.broadcast %eq3A_40 : i32 to vector<1x1x9xi32>
    %eq3A_42 = arith.cmpi eq, %iota3A, %eq3A_41 : vector<1x1x9xi32>
    %jit3A_43 = arith.constant 0.0542763174 : f32
    %broadcast_in_dim3A_44 = vector.broadcast %jit3A_43 : f32 to vector<1x1x9xf32>
    %select_n3A_45 = arith.select %eq3A_42, %broadcast_in_dim3A_44, %select_n3A_39 : vector<1x1x9xi1>, vector<1x1x9xf32>
    %eq3A_46 = arith.constant 1 : i32
    %eq3A_47 = vector.broadcast %eq3A_46 : i32 to vector<1x1x9xi32>
    %eq3A_48 = arith.cmpi eq, %iota3A, %eq3A_47 : vector<1x1x9xi32>
    %jit3A_49 = arith.constant 0.0263157897 : f32
    %broadcast_in_dim3A_50 = vector.broadcast %jit3A_49 : f32 to vector<1x1x9xf32>
    %select_n3A_51 = arith.select %eq3A_48, %broadcast_in_dim3A_50, %select_n3A_45 : vector<1x1x9xi1>, vector<1x1x9xf32>
    %eq3A_52 = arith.constant 0 : i32
    %eq3A_53 = vector.broadcast %eq3A_52 : i32 to vector<1x1x9xi32>
    %eq3A_54 = arith.cmpi eq, %iota3A, %eq3A_53 : vector<1x1x9xi32>
    %jit3A_55 = arith.constant 0.016447369 : f32
    %broadcast_in_dim3A_56 = vector.broadcast %jit3A_55 : f32 to vector<1x1x9xf32>
    %select_n3A_57 = arith.select %eq3A_54, %broadcast_in_dim3A_56, %select_n3A_51 : vector<1x1x9xi1>, vector<1x1x9xf32>
    %broadcast_in_dim3A_58 = arith.constant 0.536184192 : f32
    %broadcast_in_dim3A_59 = vector.broadcast %broadcast_in_dim3A_58 : f32 to vector<1x1x9xf32>
    %eq3A_60 = arith.constant 7 : i32
    %eq3A_61 = vector.broadcast %eq3A_60 : i32 to vector<1x1x9xi32>
    %eq3A_62 = arith.cmpi eq, %iota3A, %eq3A_61 : vector<1x1x9xi32>
    %jit3A_63 = arith.constant 0.325657904 : f32
    %broadcast_in_dim3A_64 = vector.broadcast %jit3A_63 : f32 to vector<1x1x9xf32>
    %select_n3A_65 = arith.select %eq3A_62, %broadcast_in_dim3A_64, %broadcast_in_dim3A_59 : vector<1x1x9xi1>, vector<1x1x9xf32>
    %eq3A_66 = arith.constant 6 : i32
    %eq3A_67 = vector.broadcast %eq3A_66 : i32 to vector<1x1x9xi32>
    %eq3A_68 = arith.cmpi eq, %iota3A, %eq3A_67 : vector<1x1x9xi32>
    %jit3A_69 = arith.constant 0.148026317 : f32
    %broadcast_in_dim3A_70 = vector.broadcast %jit3A_69 : f32 to vector<1x1x9xf32>
    %select_n3A_71 = arith.select %eq3A_68, %broadcast_in_dim3A_70, %select_n3A_65 : vector<1x1x9xi1>, vector<1x1x9xf32>
    %eq3A_72 = arith.constant 5 : i32
    %eq3A_73 = vector.broadcast %eq3A_72 : i32 to vector<1x1x9xi32>
    %eq3A_74 = arith.cmpi eq, %iota3A, %eq3A_73 : vector<1x1x9xi32>
    %jit3A_75 = arith.constant 0.195723683 : f32
    %broadcast_in_dim3A_76 = vector.broadcast %jit3A_75 : f32 to vector<1x1x9xf32>
    %select_n3A_77 = arith.select %eq3A_74, %broadcast_in_dim3A_76, %select_n3A_71 : vector<1x1x9xi1>, vector<1x1x9xf32>
    %eq3A_78 = arith.constant 4 : i32
    %eq3A_79 = vector.broadcast %eq3A_78 : i32 to vector<1x1x9xi32>
    %eq3A_80 = arith.cmpi eq, %iota3A, %eq3A_79 : vector<1x1x9xi32>
    %jit3A_81 = arith.constant 0.0740131587 : f32
    %broadcast_in_dim3A_82 = vector.broadcast %jit3A_81 : f32 to vector<1x1x9xf32>
    %select_n3A_83 = arith.select %eq3A_80, %broadcast_in_dim3A_82, %select_n3A_77 : vector<1x1x9xi1>, vector<1x1x9xf32>
    %eq3A_84 = arith.constant 3 : i32
    %eq3A_85 = vector.broadcast %eq3A_84 : i32 to vector<1x1x9xi32>
    %eq3A_86 = arith.cmpi eq, %iota3A, %eq3A_85 : vector<1x1x9xi32>
    %jit3A_87 = arith.constant 0.100328945 : f32
    %broadcast_in_dim3A_88 = vector.broadcast %jit3A_87 : f32 to vector<1x1x9xf32>
    %select_n3A_89 = arith.select %eq3A_86, %broadcast_in_dim3A_88, %select_n3A_83 : vector<1x1x9xi1>, vector<1x1x9xf32>
    %eq3A_90 = arith.constant 2 : i32
    %eq3A_91 = vector.broadcast %eq3A_90 : i32 to vector<1x1x9xi32>
    %eq3A_92 = arith.cmpi eq, %iota3A, %eq3A_91 : vector<1x1x9xi32>
    %jit3A_93 = arith.constant 0.0378289483 : f32
    %broadcast_in_dim3A_94 = vector.broadcast %jit3A_93 : f32 to vector<1x1x9xf32>
    %select_n3A_95 = arith.select %eq3A_92, %broadcast_in_dim3A_94, %select_n3A_89 : vector<1x1x9xi1>, vector<1x1x9xf32>
    %eq3A_96 = arith.constant 1 : i32
    %eq3A_97 = vector.broadcast %eq3A_96 : i32 to vector<1x1x9xi32>
    %eq3A_98 = arith.cmpi eq, %iota3A, %eq3A_97 : vector<1x1x9xi32>
    %jit3A_99 = arith.constant 0.049342107 : f32
    %broadcast_in_dim3A_100 = vector.broadcast %jit3A_99 : f32 to vector<1x1x9xf32>
    %select_n3A_101 = arith.select %eq3A_98, %broadcast_in_dim3A_100, %select_n3A_95 : vector<1x1x9xi1>, vector<1x1x9xf32>
    %eq3A_102 = arith.constant 0 : i32
    %eq3A_103 = vector.broadcast %eq3A_102 : i32 to vector<1x1x9xi32>
    %eq3A_104 = arith.cmpi eq, %iota3A, %eq3A_103 : vector<1x1x9xi32>
    %jit3A_105 = arith.constant 0.0213815793 : f32
    %broadcast_in_dim3A_106 = vector.broadcast %jit3A_105 : f32 to vector<1x1x9xf32>
    %select_n3A_107 = arith.select %eq3A_104, %broadcast_in_dim3A_106, %select_n3A_101 : vector<1x1x9xi1>, vector<1x1x9xf32>
    %broadcast_in_dim3A_108 = vector.shape_cast %squeeze3A_6 : vector<16x20xf32> to vector<16x20x1xf32>
    %min3A = vector.broadcast %broadcast_in_dim3A_108 : vector<16x20x1xf32> to vector<16x20x9xf32>
    %min3A_109 = vector.broadcast %select_n3A_57 : vector<1x1x9xf32> to vector<16x20x9xf32>
    %min3A_110 = arith.minimumf %min3A, %min3A_109 : vector<16x20x9xf32>
    %broadcast_in_dim3A_111 = vector.shape_cast %squeeze3A_8 : vector<16x20xf32> to vector<16x20x1xf32>
    %min3A_112 = vector.broadcast %broadcast_in_dim3A_111 : vector<16x20x1xf32> to vector<16x20x9xf32>
    %min3A_113 = vector.broadcast %select_n3A_107 : vector<1x1x9xf32> to vector<16x20x9xf32>
    %min3A_114 = arith.minimumf %min3A_112, %min3A_113 : vector<16x20x9xf32>
    %mul3A = arith.mulf %min3A_110, %min3A_114 : vector<16x20x9xf32>
    %mul3A_115 = arith.mulf %squeeze3A_6, %squeeze3A_8 : vector<16x20xf32>
    %broadcast_in_dim3A_116 = vector.shape_cast %mul3A_115 : vector<16x20xf32> to vector<16x20x1xf32>
    %mul3A_117 = arith.mulf %select_n3A_57, %select_n3A_107 : vector<1x1x9xf32>
    %add3A = vector.broadcast %broadcast_in_dim3A_116 : vector<16x20x1xf32> to vector<16x20x9xf32>
    %add3A_118 = vector.broadcast %mul3A_117 : vector<1x1x9xf32> to vector<16x20x9xf32>
    %add3A_119 = arith.addf %add3A, %add3A_118 : vector<16x20x9xf32>
    %sub3A = arith.subf %add3A_119, %mul3A : vector<16x20x9xf32>
    %add3A_120 = arith.constant 9.99999971E-10 : f32
    %add3A_121 = vector.broadcast %add3A_120 : f32 to vector<16x20x9xf32>
    %add3A_122 = arith.addf %sub3A, %add3A_121 : vector<16x20x9xf32>
    %div3A = arith.divf %mul3A, %add3A_122 : vector<16x20x9xf32>
    %reduce_max3A = arith.constant dense<0xFF800000> : vector<16x20xf32>
    %reduce_max3A_123 = vector.multi_reduction <maximumf>, %div3A, %reduce_max3A [2] : vector<16x20x9xf32> to vector<16x20xf32>
    %broadcast_in_dim3A_124 = vector.shape_cast %reduce_max3A_123 : vector<16x20xf32> to vector<16x20x1xf32>
    %iota3A_125 = tpu.iota {dimensions = array<i32: 2>} : vector<16x20x9xi32>
    %eq3A_126 = vector.broadcast %broadcast_in_dim3A_124 : vector<16x20x1xf32> to vector<16x20x9xf32>
    %eq3A_127 = arith.cmpf oeq, %div3A, %eq3A_126 : vector<16x20x9xf32>
    %jit3A_128 = arith.constant 9 : i32
    %broadcast_in_dim3A_129 = vector.broadcast %jit3A_128 : i32 to vector<16x20x9xi32>
    %select_n3A_130 = arith.select %eq3A_127, %iota3A_125, %broadcast_in_dim3A_129 : vector<16x20x9xi1>, vector<16x20x9xi32>
    %reduce_min3A = arith.constant dense<2147483647> : vector<16x20xi32>
    %reduce_min3A_131 = vector.multi_reduction <minsi>, %select_n3A_130, %reduce_min3A [2] : vector<16x20x9xi32> to vector<16x20xi32>
    %jit3A_132 = arith.constant 3 : i32
    %eq3A_133 = arith.constant 0 : i32
    %eq3A_134 = arith.cmpi eq, %jit3A_132, %eq3A_133 : i32
    %jit3A_135 = arith.constant 1 : i32
    %select_n3A_136 = arith.select %eq3A_134, %jit3A_135, %jit3A_132 : i32
    %rem3A = vector.broadcast %select_n3A_136 : i32 to vector<16x20xi32>
    %rem3A_137 = arith.remsi %reduce_min3A_131, %rem3A : vector<16x20xi32>
    %ne3A = arith.constant 0 : i32
    %ne3A_138 = vector.broadcast %ne3A : i32 to vector<16x20xi32>
    %ne3A_139 = arith.cmpi ne, %rem3A_137, %ne3A_138 : vector<16x20xi32>
    %lt3A = arith.constant 0 : i32
    %lt3A_140 = vector.broadcast %lt3A : i32 to vector<16x20xi32>
    %lt3A_141 = arith.cmpi slt, %rem3A_137, %lt3A_140 : vector<16x20xi32>
    %lt3A_142 = arith.constant 0 : i32
    %lt3A_143 = arith.cmpi slt, %select_n3A_136, %lt3A_142 : i32
    %ne3A_144 = vector.broadcast %lt3A_143 : i1 to vector<16x20xi1>
    %ne3A_145 = vector.broadcast %ne3A_144 : vector<16x20xi1> to vector<16x20xi1>
    %ne3A_146 = arith.xori %lt3A_141, %ne3A_145 : vector<16x20xi1>
    %and3A = arith.andi %ne3A_146, %ne3A_139 : vector<16x20xi1>
    %add3A_147 = vector.broadcast %select_n3A_136 : i32 to vector<16x20xi32>
    %add3A_148 = arith.addi %rem3A_137, %add3A_147 : vector<16x20xi32>
    %select_n3A_149 = arith.select %and3A, %add3A_148, %rem3A_137 : vector<16x20xi1>, vector<16x20xi32>
    %jit3A_150 = arith.constant 3 : i32
    %div3A_151 = vector.broadcast %jit3A_150 : i32 to vector<16x20xi32>
    %div3A_152 = arith.divsi %reduce_min3A_131, %div3A_151 : vector<16x20xi32>
    %sign3A = arith.constant 0 : i32
    %sign3A_153 = vector.broadcast %sign3A : i32 to vector<16x20xi32>
    %sign3A_154 = arith.cmpi sgt, %reduce_min3A_131, %sign3A_153 : vector<16x20xi32>
    %sign3A_155 = arith.extui %sign3A_154 : vector<16x20xi1> to vector<16x20xi32>
    %sign3A_156 = arith.constant 0 : i32
    %sign3A_157 = vector.broadcast %sign3A_156 : i32 to vector<16x20xi32>
    %sign3A_158 = arith.cmpi slt, %reduce_min3A_131, %sign3A_157 : vector<16x20xi32>
    %sign3A_159 = arith.extui %sign3A_158 : vector<16x20xi1> to vector<16x20xi32>
    %sign3A_160 = arith.subi %sign3A_155, %sign3A_159 : vector<16x20xi32>
    %sign3A_161 = arith.constant 0 : i32
    %sign3A_162 = arith.cmpi sgt, %jit3A_150, %sign3A_161 : i32
    %sign3A_163 = arith.extui %sign3A_162 : i1 to i32
    %sign3A_164 = arith.constant 0 : i32
    %sign3A_165 = arith.cmpi slt, %jit3A_150, %sign3A_164 : i32
    %sign3A_166 = arith.extui %sign3A_165 : i1 to i32
    %sign3A_167 = arith.subi %sign3A_163, %sign3A_166 : i32
    %ne3A_168 = vector.broadcast %sign3A_167 : i32 to vector<16x20xi32>
    %ne3A_169 = arith.cmpi ne, %sign3A_160, %ne3A_168 : vector<16x20xi32>
    %rem3A_170 = vector.broadcast %jit3A_150 : i32 to vector<16x20xi32>
    %rem3A_171 = arith.remsi %reduce_min3A_131, %rem3A_170 : vector<16x20xi32>
    %ne3A_172 = arith.constant 0 : i32
    %ne3A_173 = vector.broadcast %ne3A_172 : i32 to vector<16x20xi32>
    %ne3A_174 = arith.cmpi ne, %rem3A_171, %ne3A_173 : vector<16x20xi32>
    %and3A_175 = arith.andi %ne3A_169, %ne3A_174 : vector<16x20xi1>
    %sub3A_176 = arith.constant 1 : i32
    %sub3A_177 = vector.broadcast %sub3A_176 : i32 to vector<16x20xi32>
    %sub3A_178 = arith.subi %div3A_152, %sub3A_177 : vector<16x20xi32>
    %select_n3A_179 = arith.select %and3A_175, %sub3A_178, %div3A_152 : vector<16x20xi1>, vector<16x20xi32>
    %convert_element_type3A = arith.sitofp %select_n3A_149 : vector<16x20xi32> to vector<16x20xf32>
    %iota3A_180 = tpu.iota {dimensions = array<i32: 2>} : vector<16x20x85xi32>
    %broadcast_in_dim3A_181 = vector.shape_cast %get3A_11 : vector<16x20xi32> to vector<16x20x1xi32>
    %add3A_182 = arith.constant 5 : i32
    %add3A_183 = vector.broadcast %add3A_182 : i32 to vector<16x20x1xi32>
    %add3A_184 = arith.addi %broadcast_in_dim3A_181, %add3A_183 : vector<16x20x1xi32>
    %eq3A_185 = vector.broadcast %add3A_184 : vector<16x20x1xi32> to vector<16x20x85xi32>
    %eq3A_186 = arith.cmpi eq, %iota3A_180, %eq3A_185 : vector<16x20x85xi32>
    %convert_element_type3A_187 = arith.extui %eq3A_186 : vector<16x20x85xi1> to vector<16x20x85xi32>
    %convert_element_type3A_188 = arith.sitofp %convert_element_type3A_187 : vector<16x20x85xi32> to vector<16x20x85xf32>
    %iota3A_189 = tpu.iota {dimensions = array<i32: 2>} : vector<16x20x20xi32>
    %iota3A_190 = tpu.iota {dimensions = array<i32: 1>} : vector<16x20x20xi32>
    %lt3A_191 = arith.cmpi slt, %iota3A_189, %iota3A_190 : vector<16x20x20xi32>
    %iota3A_192 = tpu.iota {dimensions = array<i32: 2>} : vector<16x20x16xi32>
    %eq3A_193 = arith.constant 0 : i32
    %eq3A_194 = vector.broadcast %eq3A_193 : i32 to vector<16x20xi32>
    %eq3A_195 = arith.cmpi eq, %select_n3A_179, %eq3A_194 : vector<16x20xi32>
    %mul3A_196 = arith.constant 1.900000e+01 : f32
    %mul3A_197 = vector.broadcast %mul3A_196 : f32 to vector<16x20xf32>
    %mul3A_198 = arith.mulf %squeeze3A, %mul3A_197 : vector<16x20xf32>
    %floor3A = math.floor %mul3A_198 : vector<16x20xf32>
    %jit3A_199 = arith.constant 0 : i32
    %jit3A_200 = arith.constant 18 : i32
    %convert_element_type3A_201 = arith.sitofp %jit3A_199 : i32 to f32
    %max3A = vector.broadcast %convert_element_type3A_201 : f32 to vector<16x20xf32>
    %max3A_202 = arith.maximumf %max3A, %floor3A : vector<16x20xf32>
    %convert_element_type3A_203 = arith.sitofp %jit3A_200 : i32 to f32
    %min3A_204 = vector.broadcast %convert_element_type3A_203 : f32 to vector<16x20xf32>
    %min3A_205 = arith.minimumf %min3A_204, %max3A_202 : vector<16x20xf32>
    %convert_element_type3A_206 = arith.fptosi %min3A_205 : vector<16x20xf32> to vector<16x20xi32>
    %mul3A_207 = arith.constant 1.900000e+01 : f32
    %mul3A_208 = vector.broadcast %mul3A_207 : f32 to vector<16x20xf32>
    %mul3A_209 = arith.mulf %squeeze3A_4, %mul3A_208 : vector<16x20xf32>
    %floor3A_210 = math.floor %mul3A_209 : vector<16x20xf32>
    %jit3A_211 = arith.constant 0 : i32
    %jit3A_212 = arith.constant 18 : i32
    %convert_element_type3A_213 = arith.sitofp %jit3A_211 : i32 to f32
    %max3A_214 = vector.broadcast %convert_element_type3A_213 : f32 to vector<16x20xf32>
    %max3A_215 = arith.maximumf %max3A_214, %floor3A_210 : vector<16x20xf32>
    %convert_element_type3A_216 = arith.sitofp %jit3A_212 : i32 to f32
    %min3A_217 = vector.broadcast %convert_element_type3A_216 : f32 to vector<16x20xf32>
    %min3A_218 = arith.minimumf %min3A_217, %max3A_215 : vector<16x20xf32>
    %convert_element_type3A_219 = arith.fptosi %min3A_218 : vector<16x20xf32> to vector<16x20xi32>
    %mul3A_220 = arith.constant 19 : i32
    %mul3A_221 = vector.broadcast %mul3A_220 : i32 to vector<16x20xi32>
    %mul3A_222 = arith.muli %select_n3A_149, %mul3A_221 : vector<16x20xi32>
    %add3A_223 = arith.addi %mul3A_222, %convert_element_type3A_206 : vector<16x20xi32>
    %mul3A_224 = arith.constant 19 : i32
    %mul3A_225 = vector.broadcast %mul3A_224 : i32 to vector<16x20xi32>
    %mul3A_226 = arith.muli %add3A_223, %mul3A_225 : vector<16x20xi32>
    %add3A_227 = arith.addi %mul3A_226, %convert_element_type3A_219 : vector<16x20xi32>
    %reshape3A = vector.shape_cast %add3A_227 : vector<16x20xi32> to vector<16x1x20xi32>
    %swap3A = arith.constant 0 : index
    %swap3A_228 = arith.constant 0 : index
    %swap3A_229 = arith.constant 0 : index
    %swap3A_230 = vector.load %arg2[%swap3A, %swap3A_228, %swap3A_229] : memref<16x1x20xi32, #tpu.memory_space<vmem>>, vector<16x1x20xi32>
    tpu.vector_store %arg2[%swap3A, %swap3A_228, %swap3A_229], %reshape3A {strides = array<i32>} : memref<16x1x20xi32, #tpu.memory_space<vmem>>, vector<16x1x20xi32>,
    %iota3A_231 = tpu.iota {dimensions = array<i32: 0>} : vector<16x20xi32>
    %mul3A_232 = arith.constant 1083 : i32
    %mul3A_233 = vector.broadcast %mul3A_232 : i32 to vector<16x20xi32>
    %mul3A_234 = arith.muli %iota3A_231, %mul3A_233 : vector<16x20xi32>
    %iota3A_235 = tpu.iota {dimensions = array<i32: 0>} : vector<16x12xi32>
    %mul3A_236 = arith.constant 12 : i32
    %mul3A_237 = vector.broadcast %mul3A_236 : i32 to vector<16x12xi32>
    %mul3A_238 = arith.muli %iota3A_235, %mul3A_237 : vector<16x12xi32>
    %iota3A_239 = tpu.iota {dimensions = array<i32: 1>} : vector<16x12xi32>
    %add3A_240 = arith.addi %mul3A_238, %iota3A_239 : vector<16x12xi32>
    %add3A_241 = arith.addi %add3A_227, %mul3A_234 : vector<16x20xi32>
    %concatenate3A = tpu.concatenate %add3A_241, %add3A_240 in 1 : vector<16x20xi32>, vector<16x12xi32> -> vector<16x32xi32>
    %iota3A_242 = tpu.iota {dimensions = array<i32: 2>} : vector<16x32x85xi32>
    %broadcast_in_dim3A_243 = vector.shape_cast %concatenate3A : vector<16x32xi32> to vector<16x32x1xi32>
    %mul3A_244 = arith.constant 85 : i32
    %mul3A_245 = vector.broadcast %mul3A_244 : i32 to vector<16x32x1xi32>
    %mul3A_246 = arith.muli %broadcast_in_dim3A_243, %mul3A_245 : vector<16x32x1xi32>
    %add3A_247 = vector.broadcast %mul3A_246 : vector<16x32x1xi32> to vector<16x32x85xi32>
    %add3A_248 = arith.addi %add3A_247, %iota3A_242 : vector<16x32x85xi32>
    %swap3A_249 = arith.constant 0 : index
    %swap3A_250 = arith.constant 0 : index
    %swap3A_251 = arith.constant 0 : index
    %swap3A_252 = vector.load %arg5[%swap3A_249, %swap3A_250, %swap3A_251] : memref<16x32x85xi32, #tpu.memory_space<vmem>>, vector<16x32x85xi32>
    tpu.vector_store %arg5[%swap3A_249, %swap3A_250, %swap3A_251], %add3A_248 {strides = array<i32>} : memref<16x32x85xi32, #tpu.memory_space<vmem>>, vector<16x32x85xi32>,
    %broadcast_in_dim3A_253 = vector.shape_cast %add3A_227 : vector<16x20xi32> to vector<16x20x1xi32>
    %broadcast_in_dim3A_254 = vector.shape_cast %add3A_227 : vector<16x20xi32> to vector<16x1x20xi32>
    %eq3A_255 = vector.broadcast %broadcast_in_dim3A_253 : vector<16x20x1xi32> to vector<16x20x20xi32>
    %eq3A_256 = vector.broadcast %broadcast_in_dim3A_254 : vector<16x1x20xi32> to vector<16x20x20xi32>
    %eq3A_257 = arith.cmpi eq, %eq3A_255, %eq3A_256 : vector<16x20x20xi32>
    %broadcast_in_dim3A_258 = vector.shape_cast %eq3A_195 : vector<16x20xi1> to vector<16x20x1xi1>
    %and3A_259 = vector.broadcast %broadcast_in_dim3A_258 : vector<16x20x1xi1> to vector<16x20x20xi1>
    %and3A_260 = arith.andi %eq3A_257, %and3A_259 : vector<16x20x20xi1>
    %broadcast_in_dim3A_261 = vector.shape_cast %eq3A_195 : vector<16x20xi1> to vector<16x1x20xi1>
    %and3A_262 = vector.broadcast %broadcast_in_dim3A_261 : vector<16x1x20xi1> to vector<16x20x20xi1>
    %and3A_263 = arith.andi %and3A_260, %and3A_262 : vector<16x20x20xi1>
    %and3A_264 = arith.andi %and3A_263, %lt3A_191 : vector<16x20x20xi1>
    %reduce_or3A = arith.constant 1.000000e+00 : f32
    %reduce_or3A_265 = arith.constant 0.000000e+00 : f32
    %reduce_or3A_266 = vector.broadcast %reduce_or3A : f32 to vector<16x20x20xf32>
    %reduce_or3A_267 = vector.broadcast %reduce_or3A_265 : f32 to vector<16x20x20xf32>
    %reduce_or3A_268 = arith.select %and3A_264, %reduce_or3A_266, %reduce_or3A_267 : vector<16x20x20xi1>, vector<16x20x20xf32>
    %reduce_or3A_269 = arith.constant dense<0xFF800000> : vector<16x20xf32>
    %reduce_or3A_270 = vector.multi_reduction <maximumf>, %reduce_or3A_268, %reduce_or3A_269 [2] : vector<16x20x20xf32> to vector<16x20xf32>
    %reduce_or3A_271 = arith.constant 0.000000e+00 : f32
    %reduce_or3A_272 = vector.broadcast %reduce_or3A_271 : f32 to vector<16x20xf32>
    %reduce_or3A_273 = arith.cmpf ogt, %reduce_or3A_270, %reduce_or3A_272 : vector<16x20xf32>
    %not3A = arith.constant dense<true> : vector<16x20xi1>
    %not3A_274 = arith.xori %reduce_or3A_273, %not3A : vector<16x20xi1>
    %and3A_275 = arith.andi %eq3A_195, %not3A_274 : vector<16x20xi1>
    %convert_element_type3A_276 = arith.extui %and3A_275 : vector<16x20xi1> to vector<16x20xi32>
    %convert_element_type3A_277 = arith.sitofp %convert_element_type3A_276 : vector<16x20xi32> to vector<16x20xf32>
    %convert_element_type3A_278 = arith.extui %and3A_263 : vector<16x20x20xi1> to vector<16x20x20xi32>
    %convert_element_type3A_279 = arith.sitofp %convert_element_type3A_278 : vector<16x20x20xi32> to vector<16x20x20xf32>
    %broadcast_in_dim3A_280 = vector.shape_cast %squeeze3A : vector<16x20xf32> to vector<16x1x20xf32>
    %mul3A_281 = vector.broadcast %broadcast_in_dim3A_280 : vector<16x1x20xf32> to vector<16x20x20xf32>
    %mul3A_282 = arith.mulf %convert_element_type3A_279, %mul3A_281 : vector<16x20x20xf32>
    %reduce_sum3A = arith.constant dense<0.000000e+00> : vector<16x20xf32>
    %reduce_sum3A_283 = vector.multi_reduction <add>, %mul3A_282, %reduce_sum3A [2] : vector<16x20x20xf32> to vector<16x20xf32>
    %broadcast_in_dim3A_284 = vector.shape_cast %squeeze3A_4 : vector<16x20xf32> to vector<16x1x20xf32>
    %mul3A_285 = vector.broadcast %broadcast_in_dim3A_284 : vector<16x1x20xf32> to vector<16x20x20xf32>
    %mul3A_286 = arith.mulf %convert_element_type3A_279, %mul3A_285 : vector<16x20x20xf32>
    %reduce_sum3A_287 = arith.constant dense<0.000000e+00> : vector<16x20xf32>
    %reduce_sum3A_288 = vector.multi_reduction <add>, %mul3A_286, %reduce_sum3A_287 [2] : vector<16x20x20xf32> to vector<16x20xf32>
    %broadcast_in_dim3A_289 = vector.shape_cast %squeeze3A_6 : vector<16x20xf32> to vector<16x1x20xf32>
    %mul3A_290 = vector.broadcast %broadcast_in_dim3A_289 : vector<16x1x20xf32> to vector<16x20x20xf32>
    %mul3A_291 = arith.mulf %convert_element_type3A_279, %mul3A_290 : vector<16x20x20xf32>
    %reduce_sum3A_292 = arith.constant dense<0.000000e+00> : vector<16x20xf32>
    %reduce_sum3A_293 = vector.multi_reduction <add>, %mul3A_291, %reduce_sum3A_292 [2] : vector<16x20x20xf32> to vector<16x20xf32>
    %broadcast_in_dim3A_294 = vector.shape_cast %squeeze3A_8 : vector<16x20xf32> to vector<16x1x20xf32>
    %mul3A_295 = vector.broadcast %broadcast_in_dim3A_294 : vector<16x1x20xf32> to vector<16x20x20xf32>
    %mul3A_296 = arith.mulf %convert_element_type3A_279, %mul3A_295 : vector<16x20x20xf32>
    %reduce_sum3A_297 = arith.constant dense<0.000000e+00> : vector<16x20xf32>
    %reduce_sum3A_298 = vector.multi_reduction <add>, %mul3A_296, %reduce_sum3A_297 [2] : vector<16x20x20xf32> to vector<16x20xf32>
    %broadcast_in_dim3A_299 = vector.shape_cast %convert_element_type3A_279 : vector<16x20x20xf32> to vector<16x20x20x1xf32>
    %broadcast_in_dim3A_300 = vector.shape_cast %convert_element_type3A_188 : vector<16x20x85xf32> to vector<16x1x20x85xf32>
    %mul3A_301 = vector.broadcast %broadcast_in_dim3A_299 : vector<16x20x20x1xf32> to vector<16x20x20x85xf32>
    %mul3A_302 = vector.broadcast %broadcast_in_dim3A_300 : vector<16x1x20x85xf32> to vector<16x20x20x85xf32>
    %mul3A_303 = arith.mulf %mul3A_301, %mul3A_302 : vector<16x20x20x85xf32>
    %reduce_sum3A_304 = arith.constant dense<0.000000e+00> : vector<16x20x85xf32>
    %reduce_sum3A_305 = vector.multi_reduction <add>, %mul3A_303, %reduce_sum3A_304 [2] : vector<16x20x20x85xf32> to vector<16x20x85xf32>
    %swap3A_306 = arith.constant 0 : index
    %swap3A_307 = arith.constant 0 : index
    %swap3A_308 = arith.constant 0 : index
    %swap3A_309 = vector.load %arg4[%swap3A_306, %swap3A_307, %swap3A_308] : memref<16x20x85xf32, #tpu.memory_space<vmem>>, vector<16x20x85xf32>
    tpu.vector_store %arg4[%swap3A_306, %swap3A_307, %swap3A_308], %reduce_sum3A_305 {strides = array<i32>} : memref<16x20x85xf32, #tpu.memory_space<vmem>>, vector<16x20x85xf32>,
    %eq3A_310 = arith.constant 0 : i32
    %eq3A_311 = vector.broadcast %eq3A_310 : i32 to vector<16x20x16xi32>
    %eq3A_312 = arith.cmpi eq, %iota3A_192, %eq3A_311 : vector<16x20x16xi32>
    %broadcast_in_dim3A_313 = vector.shape_cast %convert_element_type3A_277 : vector<16x20xf32> to vector<16x20x1xf32>
    %eq3A_314 = arith.constant 1 : i32
    %eq3A_315 = vector.broadcast %eq3A_314 : i32 to vector<16x20x16xi32>
    %eq3A_316 = arith.cmpi eq, %iota3A_192, %eq3A_315 : vector<16x20x16xi32>
    %broadcast_in_dim3A_317 = vector.shape_cast %convert_element_type3A : vector<16x20xf32> to vector<16x20x1xf32>
    %eq3A_318 = arith.constant 2 : i32
    %eq3A_319 = vector.broadcast %eq3A_318 : i32 to vector<16x20x16xi32>
    %eq3A_320 = arith.cmpi eq, %iota3A_192, %eq3A_319 : vector<16x20x16xi32>
    %convert_element_type3A_321 = arith.sitofp %convert_element_type3A_206 : vector<16x20xi32> to vector<16x20xf32>
    %broadcast_in_dim3A_322 = vector.shape_cast %convert_element_type3A_321 : vector<16x20xf32> to vector<16x20x1xf32>
    %eq3A_323 = arith.constant 3 : i32
    %eq3A_324 = vector.broadcast %eq3A_323 : i32 to vector<16x20x16xi32>
    %eq3A_325 = arith.cmpi eq, %iota3A_192, %eq3A_324 : vector<16x20x16xi32>
    %convert_element_type3A_326 = arith.sitofp %convert_element_type3A_219 : vector<16x20xi32> to vector<16x20xf32>
    %broadcast_in_dim3A_327 = vector.shape_cast %convert_element_type3A_326 : vector<16x20xf32> to vector<16x20x1xf32>
    %eq3A_328 = arith.constant 4 : i32
    %eq3A_329 = vector.broadcast %eq3A_328 : i32 to vector<16x20x16xi32>
    %eq3A_330 = arith.cmpi eq, %iota3A_192, %eq3A_329 : vector<16x20x16xi32>
    %broadcast_in_dim3A_331 = vector.shape_cast %reduce_sum3A_283 : vector<16x20xf32> to vector<16x20x1xf32>
    %eq3A_332 = arith.constant 5 : i32
    %eq3A_333 = vector.broadcast %eq3A_332 : i32 to vector<16x20x16xi32>
    %eq3A_334 = arith.cmpi eq, %iota3A_192, %eq3A_333 : vector<16x20x16xi32>
    %broadcast_in_dim3A_335 = vector.shape_cast %reduce_sum3A_288 : vector<16x20xf32> to vector<16x20x1xf32>
    %eq3A_336 = arith.constant 6 : i32
    %eq3A_337 = vector.broadcast %eq3A_336 : i32 to vector<16x20x16xi32>
    %eq3A_338 = arith.cmpi eq, %iota3A_192, %eq3A_337 : vector<16x20x16xi32>
    %broadcast_in_dim3A_339 = vector.shape_cast %reduce_sum3A_293 : vector<16x20xf32> to vector<16x20x1xf32>
    %broadcast_in_dim3A_340 = vector.shape_cast %reduce_sum3A_298 : vector<16x20xf32> to vector<16x20x1xf32>
    %broadcast_in_dim3A_341 = vector.shape_cast %broadcast_in_dim3A_339 : vector<16x20x1xf32> to vector<16x20x1xf32>
    %broadcast_in_dim3A_342 = vector.broadcast %broadcast_in_dim3A_341 : vector<16x20x1xf32> to vector<16x20x16xf32>
    %broadcast_in_dim3A_343 = vector.shape_cast %broadcast_in_dim3A_340 : vector<16x20x1xf32> to vector<16x20x1xf32>
    %broadcast_in_dim3A_344 = vector.broadcast %broadcast_in_dim3A_343 : vector<16x20x1xf32> to vector<16x20x16xf32>
    %select_n3A_345 = arith.select %eq3A_338, %broadcast_in_dim3A_342, %broadcast_in_dim3A_344 : vector<16x20x16xi1>, vector<16x20x16xf32>
    %broadcast_in_dim3A_346 = vector.shape_cast %broadcast_in_dim3A_335 : vector<16x20x1xf32> to vector<16x20x1xf32>
    %broadcast_in_dim3A_347 = vector.broadcast %broadcast_in_dim3A_346 : vector<16x20x1xf32> to vector<16x20x16xf32>
    %select_n3A_348 = arith.select %eq3A_334, %broadcast_in_dim3A_347, %select_n3A_345 : vector<16x20x16xi1>, vector<16x20x16xf32>
    %broadcast_in_dim3A_349 = vector.shape_cast %broadcast_in_dim3A_331 : vector<16x20x1xf32> to vector<16x20x1xf32>
    %broadcast_in_dim3A_350 = vector.broadcast %broadcast_in_dim3A_349 : vector<16x20x1xf32> to vector<16x20x16xf32>
    %select_n3A_351 = arith.select %eq3A_330, %broadcast_in_dim3A_350, %select_n3A_348 : vector<16x20x16xi1>, vector<16x20x16xf32>
    %broadcast_in_dim3A_352 = vector.shape_cast %broadcast_in_dim3A_327 : vector<16x20x1xf32> to vector<16x20x1xf32>
    %broadcast_in_dim3A_353 = vector.broadcast %broadcast_in_dim3A_352 : vector<16x20x1xf32> to vector<16x20x16xf32>
    %select_n3A_354 = arith.select %eq3A_325, %broadcast_in_dim3A_353, %select_n3A_351 : vector<16x20x16xi1>, vector<16x20x16xf32>
    %broadcast_in_dim3A_355 = vector.shape_cast %broadcast_in_dim3A_322 : vector<16x20x1xf32> to vector<16x20x1xf32>
    %broadcast_in_dim3A_356 = vector.broadcast %broadcast_in_dim3A_355 : vector<16x20x1xf32> to vector<16x20x16xf32>
    %select_n3A_357 = arith.select %eq3A_320, %broadcast_in_dim3A_356, %select_n3A_354 : vector<16x20x16xi1>, vector<16x20x16xf32>
    %broadcast_in_dim3A_358 = vector.shape_cast %broadcast_in_dim3A_317 : vector<16x20x1xf32> to vector<16x20x1xf32>
    %broadcast_in_dim3A_359 = vector.broadcast %broadcast_in_dim3A_358 : vector<16x20x1xf32> to vector<16x20x16xf32>
    %select_n3A_360 = arith.select %eq3A_316, %broadcast_in_dim3A_359, %select_n3A_357 : vector<16x20x16xi1>, vector<16x20x16xf32>
    %broadcast_in_dim3A_361 = vector.shape_cast %broadcast_in_dim3A_313 : vector<16x20x1xf32> to vector<16x20x1xf32>
    %broadcast_in_dim3A_362 = vector.broadcast %broadcast_in_dim3A_361 : vector<16x20x1xf32> to vector<16x20x16xf32>
    %select_n3A_363 = arith.select %eq3A_312, %broadcast_in_dim3A_362, %select_n3A_360 : vector<16x20x16xi1>, vector<16x20x16xf32>
    %swap3A_364 = arith.constant 0 : index
    %swap3A_365 = arith.constant 0 : index
    %swap3A_366 = arith.constant 0 : index
    %swap3A_367 = vector.load %arg3[%swap3A_364, %swap3A_365, %swap3A_366] : memref<16x20x16xf32, #tpu.memory_space<vmem>>, vector<16x20x16xf32>
    tpu.vector_store %arg3[%swap3A_364, %swap3A_365, %swap3A_366], %select_n3A_363 {strides = array<i32>} : memref<16x20x16xf32, #tpu.memory_space<vmem>>, vector<16x20x16xf32>,
    %eq3A_368 = arith.constant 1 : i32
    %eq3A_369 = vector.broadcast %eq3A_368 : i32 to vector<16x20xi32>
    %eq3A_370 = arith.cmpi eq, %select_n3A_179, %eq3A_369 : vector<16x20xi32>
    %mul3A_371 = arith.constant 3.800000e+01 : f32
    %mul3A_372 = vector.broadcast %mul3A_371 : f32 to vector<16x20xf32>
    %mul3A_373 = arith.mulf %squeeze3A, %mul3A_372 : vector<16x20xf32>
    %floor3A_374 = math.floor %mul3A_373 : vector<16x20xf32>
    %jit3A_375 = arith.constant 0 : i32
    %jit3A_376 = arith.constant 37 : i32
    %convert_element_type3A_377 = arith.sitofp %jit3A_375 : i32 to f32
    %max3A_378 = vector.broadcast %convert_element_type3A_377 : f32 to vector<16x20xf32>
    %max3A_379 = arith.maximumf %max3A_378, %floor3A_374 : vector<16x20xf32>
    %convert_element_type3A_380 = arith.sitofp %jit3A_376 : i32 to f32
    %min3A_381 = vector.broadcast %convert_element_type3A_380 : f32 to vector<16x20xf32>
    %min3A_382 = arith.minimumf %min3A_381, %max3A_379 : vector<16x20xf32>
    %convert_element_type3A_383 = arith.fptosi %min3A_382 : vector<16x20xf32> to vector<16x20xi32>
    %mul3A_384 = arith.constant 3.800000e+01 : f32
    %mul3A_385 = vector.broadcast %mul3A_384 : f32 to vector<16x20xf32>
    %mul3A_386 = arith.mulf %squeeze3A_4, %mul3A_385 : vector<16x20xf32>
    %floor3A_387 = math.floor %mul3A_386 : vector<16x20xf32>
    %jit3A_388 = arith.constant 0 : i32
    %jit3A_389 = arith.constant 37 : i32
    %convert_element_type3A_390 = arith.sitofp %jit3A_388 : i32 to f32
    %max3A_391 = vector.broadcast %convert_element_type3A_390 : f32 to vector<16x20xf32>
    %max3A_392 = arith.maximumf %max3A_391, %floor3A_387 : vector<16x20xf32>
    %convert_element_type3A_393 = arith.sitofp %jit3A_389 : i32 to f32
    %min3A_394 = vector.broadcast %convert_element_type3A_393 : f32 to vector<16x20xf32>
    %min3A_395 = arith.minimumf %min3A_394, %max3A_392 : vector<16x20xf32>
    %convert_element_type3A_396 = arith.fptosi %min3A_395 : vector<16x20xf32> to vector<16x20xi32>
    %mul3A_397 = arith.constant 38 : i32
    %mul3A_398 = vector.broadcast %mul3A_397 : i32 to vector<16x20xi32>
    %mul3A_399 = arith.muli %select_n3A_149, %mul3A_398 : vector<16x20xi32>
    %add3A_400 = arith.addi %mul3A_399, %convert_element_type3A_383 : vector<16x20xi32>
    %mul3A_401 = arith.constant 38 : i32
    %mul3A_402 = vector.broadcast %mul3A_401 : i32 to vector<16x20xi32>
    %mul3A_403 = arith.muli %add3A_400, %mul3A_402 : vector<16x20xi32>
    %add3A_404 = arith.addi %mul3A_403, %convert_element_type3A_396 : vector<16x20xi32>
    %reshape3A_405 = vector.shape_cast %add3A_404 : vector<16x20xi32> to vector<16x1x20xi32>
    %swap3A_406 = arith.constant 0 : index
    %swap3A_407 = arith.constant 0 : index
    %swap3A_408 = arith.constant 0 : index
    %swap3A_409 = vector.load %arg6[%swap3A_406, %swap3A_407, %swap3A_408] : memref<16x1x20xi32, #tpu.memory_space<vmem>>, vector<16x1x20xi32>
    tpu.vector_store %arg6[%swap3A_406, %swap3A_407, %swap3A_408], %reshape3A_405 {strides = array<i32>} : memref<16x1x20xi32, #tpu.memory_space<vmem>>, vector<16x1x20xi32>,
    %iota3A_410 = tpu.iota {dimensions = array<i32: 0>} : vector<16x20xi32>
    %mul3A_411 = arith.constant 4332 : i32
    %mul3A_412 = vector.broadcast %mul3A_411 : i32 to vector<16x20xi32>
    %mul3A_413 = arith.muli %iota3A_410, %mul3A_412 : vector<16x20xi32>
    %iota3A_414 = tpu.iota {dimensions = array<i32: 0>} : vector<16x12xi32>
    %mul3A_415 = arith.constant 12 : i32
    %mul3A_416 = vector.broadcast %mul3A_415 : i32 to vector<16x12xi32>
    %mul3A_417 = arith.muli %iota3A_414, %mul3A_416 : vector<16x12xi32>
    %iota3A_418 = tpu.iota {dimensions = array<i32: 1>} : vector<16x12xi32>
    %add3A_419 = arith.addi %mul3A_417, %iota3A_418 : vector<16x12xi32>
    %add3A_420 = arith.addi %add3A_404, %mul3A_413 : vector<16x20xi32>
    %concatenate3A_421 = tpu.concatenate %add3A_420, %add3A_419 in 1 : vector<16x20xi32>, vector<16x12xi32> -> vector<16x32xi32>
    %iota3A_422 = tpu.iota {dimensions = array<i32: 2>} : vector<16x32x85xi32>
    %broadcast_in_dim3A_423 = vector.shape_cast %concatenate3A_421 : vector<16x32xi32> to vector<16x32x1xi32>
    %mul3A_424 = arith.constant 85 : i32
    %mul3A_425 = vector.broadcast %mul3A_424 : i32 to vector<16x32x1xi32>
    %mul3A_426 = arith.muli %broadcast_in_dim3A_423, %mul3A_425 : vector<16x32x1xi32>
    %add3A_427 = vector.broadcast %mul3A_426 : vector<16x32x1xi32> to vector<16x32x85xi32>
    %add3A_428 = arith.addi %add3A_427, %iota3A_422 : vector<16x32x85xi32>
    %swap3A_429 = arith.constant 0 : index
    %swap3A_430 = arith.constant 0 : index
    %swap3A_431 = arith.constant 0 : index
    %swap3A_432 = vector.load %arg9[%swap3A_429, %swap3A_430, %swap3A_431] : memref<16x32x85xi32, #tpu.memory_space<vmem>>, vector<16x32x85xi32>
    tpu.vector_store %arg9[%swap3A_429, %swap3A_430, %swap3A_431], %add3A_428 {strides = array<i32>} : memref<16x32x85xi32, #tpu.memory_space<vmem>>, vector<16x32x85xi32>,
    %broadcast_in_dim3A_433 = vector.shape_cast %add3A_404 : vector<16x20xi32> to vector<16x20x1xi32>
    %broadcast_in_dim3A_434 = vector.shape_cast %add3A_404 : vector<16x20xi32> to vector<16x1x20xi32>
    %eq3A_435 = vector.broadcast %broadcast_in_dim3A_433 : vector<16x20x1xi32> to vector<16x20x20xi32>
    %eq3A_436 = vector.broadcast %broadcast_in_dim3A_434 : vector<16x1x20xi32> to vector<16x20x20xi32>
    %eq3A_437 = arith.cmpi eq, %eq3A_435, %eq3A_436 : vector<16x20x20xi32>
    %broadcast_in_dim3A_438 = vector.shape_cast %eq3A_370 : vector<16x20xi1> to vector<16x20x1xi1>
    %and3A_439 = vector.broadcast %broadcast_in_dim3A_438 : vector<16x20x1xi1> to vector<16x20x20xi1>
    %and3A_440 = arith.andi %eq3A_437, %and3A_439 : vector<16x20x20xi1>
    %broadcast_in_dim3A_441 = vector.shape_cast %eq3A_370 : vector<16x20xi1> to vector<16x1x20xi1>
    %and3A_442 = vector.broadcast %broadcast_in_dim3A_441 : vector<16x1x20xi1> to vector<16x20x20xi1>
    %and3A_443 = arith.andi %and3A_440, %and3A_442 : vector<16x20x20xi1>
    %and3A_444 = arith.andi %and3A_443, %lt3A_191 : vector<16x20x20xi1>
    %reduce_or3A_445 = arith.constant 1.000000e+00 : f32
    %reduce_or3A_446 = arith.constant 0.000000e+00 : f32
    %reduce_or3A_447 = vector.broadcast %reduce_or3A_445 : f32 to vector<16x20x20xf32>
    %reduce_or3A_448 = vector.broadcast %reduce_or3A_446 : f32 to vector<16x20x20xf32>
    %reduce_or3A_449 = arith.select %and3A_444, %reduce_or3A_447, %reduce_or3A_448 : vector<16x20x20xi1>, vector<16x20x20xf32>
    %reduce_or3A_450 = arith.constant dense<0xFF800000> : vector<16x20xf32>
    %reduce_or3A_451 = vector.multi_reduction <maximumf>, %reduce_or3A_449, %reduce_or3A_450 [2] : vector<16x20x20xf32> to vector<16x20xf32>
    %reduce_or3A_452 = arith.constant 0.000000e+00 : f32
    %reduce_or3A_453 = vector.broadcast %reduce_or3A_452 : f32 to vector<16x20xf32>
    %reduce_or3A_454 = arith.cmpf ogt, %reduce_or3A_451, %reduce_or3A_453 : vector<16x20xf32>
    %not3A_455 = arith.constant dense<true> : vector<16x20xi1>
    %not3A_456 = arith.xori %reduce_or3A_454, %not3A_455 : vector<16x20xi1>
    %and3A_457 = arith.andi %eq3A_370, %not3A_456 : vector<16x20xi1>
    %convert_element_type3A_458 = arith.extui %and3A_457 : vector<16x20xi1> to vector<16x20xi32>
    %convert_element_type3A_459 = arith.sitofp %convert_element_type3A_458 : vector<16x20xi32> to vector<16x20xf32>
    %convert_element_type3A_460 = arith.extui %and3A_443 : vector<16x20x20xi1> to vector<16x20x20xi32>
    %convert_element_type3A_461 = arith.sitofp %convert_element_type3A_460 : vector<16x20x20xi32> to vector<16x20x20xf32>
    %broadcast_in_dim3A_462 = vector.shape_cast %squeeze3A : vector<16x20xf32> to vector<16x1x20xf32>
    %mul3A_463 = vector.broadcast %broadcast_in_dim3A_462 : vector<16x1x20xf32> to vector<16x20x20xf32>
    %mul3A_464 = arith.mulf %convert_element_type3A_461, %mul3A_463 : vector<16x20x20xf32>
    %reduce_sum3A_465 = arith.constant dense<0.000000e+00> : vector<16x20xf32>
    %reduce_sum3A_466 = vector.multi_reduction <add>, %mul3A_464, %reduce_sum3A_465 [2] : vector<16x20x20xf32> to vector<16x20xf32>
    %broadcast_in_dim3A_467 = vector.shape_cast %squeeze3A_4 : vector<16x20xf32> to vector<16x1x20xf32>
    %mul3A_468 = vector.broadcast %broadcast_in_dim3A_467 : vector<16x1x20xf32> to vector<16x20x20xf32>
    %mul3A_469 = arith.mulf %convert_element_type3A_461, %mul3A_468 : vector<16x20x20xf32>
    %reduce_sum3A_470 = arith.constant dense<0.000000e+00> : vector<16x20xf32>
    %reduce_sum3A_471 = vector.multi_reduction <add>, %mul3A_469, %reduce_sum3A_470 [2] : vector<16x20x20xf32> to vector<16x20xf32>
    %broadcast_in_dim3A_472 = vector.shape_cast %squeeze3A_6 : vector<16x20xf32> to vector<16x1x20xf32>
    %mul3A_473 = vector.broadcast %broadcast_in_dim3A_472 : vector<16x1x20xf32> to vector<16x20x20xf32>
    %mul3A_474 = arith.mulf %convert_element_type3A_461, %mul3A_473 : vector<16x20x20xf32>
    %reduce_sum3A_475 = arith.constant dense<0.000000e+00> : vector<16x20xf32>
    %reduce_sum3A_476 = vector.multi_reduction <add>, %mul3A_474, %reduce_sum3A_475 [2] : vector<16x20x20xf32> to vector<16x20xf32>
    %broadcast_in_dim3A_477 = vector.shape_cast %squeeze3A_8 : vector<16x20xf32> to vector<16x1x20xf32>
    %mul3A_478 = vector.broadcast %broadcast_in_dim3A_477 : vector<16x1x20xf32> to vector<16x20x20xf32>
    %mul3A_479 = arith.mulf %convert_element_type3A_461, %mul3A_478 : vector<16x20x20xf32>
    %reduce_sum3A_480 = arith.constant dense<0.000000e+00> : vector<16x20xf32>
    %reduce_sum3A_481 = vector.multi_reduction <add>, %mul3A_479, %reduce_sum3A_480 [2] : vector<16x20x20xf32> to vector<16x20xf32>
    %broadcast_in_dim3A_482 = vector.shape_cast %convert_element_type3A_461 : vector<16x20x20xf32> to vector<16x20x20x1xf32>
    %broadcast_in_dim3A_483 = vector.shape_cast %convert_element_type3A_188 : vector<16x20x85xf32> to vector<16x1x20x85xf32>
    %mul3A_484 = vector.broadcast %broadcast_in_dim3A_482 : vector<16x20x20x1xf32> to vector<16x20x20x85xf32>
    %mul3A_485 = vector.broadcast %broadcast_in_dim3A_483 : vector<16x1x20x85xf32> to vector<16x20x20x85xf32>
    %mul3A_486 = arith.mulf %mul3A_484, %mul3A_485 : vector<16x20x20x85xf32>
    %reduce_sum3A_487 = arith.constant dense<0.000000e+00> : vector<16x20x85xf32>
    %reduce_sum3A_488 = vector.multi_reduction <add>, %mul3A_486, %reduce_sum3A_487 [2] : vector<16x20x20x85xf32> to vector<16x20x85xf32>
    %swap3A_489 = arith.constant 0 : index
    %swap3A_490 = arith.constant 0 : index
    %swap3A_491 = arith.constant 0 : index
    %swap3A_492 = vector.load %arg8[%swap3A_489, %swap3A_490, %swap3A_491] : memref<16x20x85xf32, #tpu.memory_space<vmem>>, vector<16x20x85xf32>
    tpu.vector_store %arg8[%swap3A_489, %swap3A_490, %swap3A_491], %reduce_sum3A_488 {strides = array<i32>} : memref<16x20x85xf32, #tpu.memory_space<vmem>>, vector<16x20x85xf32>,
    %eq3A_493 = arith.constant 0 : i32
    %eq3A_494 = vector.broadcast %eq3A_493 : i32 to vector<16x20x16xi32>
    %eq3A_495 = arith.cmpi eq, %iota3A_192, %eq3A_494 : vector<16x20x16xi32>
    %broadcast_in_dim3A_496 = vector.shape_cast %convert_element_type3A_459 : vector<16x20xf32> to vector<16x20x1xf32>
    %eq3A_497 = arith.constant 1 : i32
    %eq3A_498 = vector.broadcast %eq3A_497 : i32 to vector<16x20x16xi32>
    %eq3A_499 = arith.cmpi eq, %iota3A_192, %eq3A_498 : vector<16x20x16xi32>
    %broadcast_in_dim3A_500 = vector.shape_cast %convert_element_type3A : vector<16x20xf32> to vector<16x20x1xf32>
    %eq3A_501 = arith.constant 2 : i32
    %eq3A_502 = vector.broadcast %eq3A_501 : i32 to vector<16x20x16xi32>
    %eq3A_503 = arith.cmpi eq, %iota3A_192, %eq3A_502 : vector<16x20x16xi32>
    %convert_element_type3A_504 = arith.sitofp %convert_element_type3A_383 : vector<16x20xi32> to vector<16x20xf32>
    %broadcast_in_dim3A_505 = vector.shape_cast %convert_element_type3A_504 : vector<16x20xf32> to vector<16x20x1xf32>
    %eq3A_506 = arith.constant 3 : i32
    %eq3A_507 = vector.broadcast %eq3A_506 : i32 to vector<16x20x16xi32>
    %eq3A_508 = arith.cmpi eq, %iota3A_192, %eq3A_507 : vector<16x20x16xi32>
    %convert_element_type3A_509 = arith.sitofp %convert_element_type3A_396 : vector<16x20xi32> to vector<16x20xf32>
    %broadcast_in_dim3A_510 = vector.shape_cast %convert_element_type3A_509 : vector<16x20xf32> to vector<16x20x1xf32>
    %eq3A_511 = arith.constant 4 : i32
    %eq3A_512 = vector.broadcast %eq3A_511 : i32 to vector<16x20x16xi32>
    %eq3A_513 = arith.cmpi eq, %iota3A_192, %eq3A_512 : vector<16x20x16xi32>
    %broadcast_in_dim3A_514 = vector.shape_cast %reduce_sum3A_466 : vector<16x20xf32> to vector<16x20x1xf32>
    %eq3A_515 = arith.constant 5 : i32
    %eq3A_516 = vector.broadcast %eq3A_515 : i32 to vector<16x20x16xi32>
    %eq3A_517 = arith.cmpi eq, %iota3A_192, %eq3A_516 : vector<16x20x16xi32>
    %broadcast_in_dim3A_518 = vector.shape_cast %reduce_sum3A_471 : vector<16x20xf32> to vector<16x20x1xf32>
    %eq3A_519 = arith.constant 6 : i32
    %eq3A_520 = vector.broadcast %eq3A_519 : i32 to vector<16x20x16xi32>
    %eq3A_521 = arith.cmpi eq, %iota3A_192, %eq3A_520 : vector<16x20x16xi32>
    %broadcast_in_dim3A_522 = vector.shape_cast %reduce_sum3A_476 : vector<16x20xf32> to vector<16x20x1xf32>
    %broadcast_in_dim3A_523 = vector.shape_cast %reduce_sum3A_481 : vector<16x20xf32> to vector<16x20x1xf32>
    %broadcast_in_dim3A_524 = vector.shape_cast %broadcast_in_dim3A_522 : vector<16x20x1xf32> to vector<16x20x1xf32>
    %broadcast_in_dim3A_525 = vector.broadcast %broadcast_in_dim3A_524 : vector<16x20x1xf32> to vector<16x20x16xf32>
    %broadcast_in_dim3A_526 = vector.shape_cast %broadcast_in_dim3A_523 : vector<16x20x1xf32> to vector<16x20x1xf32>
    %broadcast_in_dim3A_527 = vector.broadcast %broadcast_in_dim3A_526 : vector<16x20x1xf32> to vector<16x20x16xf32>
    %select_n3A_528 = arith.select %eq3A_521, %broadcast_in_dim3A_525, %broadcast_in_dim3A_527 : vector<16x20x16xi1>, vector<16x20x16xf32>
    %broadcast_in_dim3A_529 = vector.shape_cast %broadcast_in_dim3A_518 : vector<16x20x1xf32> to vector<16x20x1xf32>
    %broadcast_in_dim3A_530 = vector.broadcast %broadcast_in_dim3A_529 : vector<16x20x1xf32> to vector<16x20x16xf32>
    %select_n3A_531 = arith.select %eq3A_517, %broadcast_in_dim3A_530, %select_n3A_528 : vector<16x20x16xi1>, vector<16x20x16xf32>
    %broadcast_in_dim3A_532 = vector.shape_cast %broadcast_in_dim3A_514 : vector<16x20x1xf32> to vector<16x20x1xf32>
    %broadcast_in_dim3A_533 = vector.broadcast %broadcast_in_dim3A_532 : vector<16x20x1xf32> to vector<16x20x16xf32>
    %select_n3A_534 = arith.select %eq3A_513, %broadcast_in_dim3A_533, %select_n3A_531 : vector<16x20x16xi1>, vector<16x20x16xf32>
    %broadcast_in_dim3A_535 = vector.shape_cast %broadcast_in_dim3A_510 : vector<16x20x1xf32> to vector<16x20x1xf32>
    %broadcast_in_dim3A_536 = vector.broadcast %broadcast_in_dim3A_535 : vector<16x20x1xf32> to vector<16x20x16xf32>
    %select_n3A_537 = arith.select %eq3A_508, %broadcast_in_dim3A_536, %select_n3A_534 : vector<16x20x16xi1>, vector<16x20x16xf32>
    %broadcast_in_dim3A_538 = vector.shape_cast %broadcast_in_dim3A_505 : vector<16x20x1xf32> to vector<16x20x1xf32>
    %broadcast_in_dim3A_539 = vector.broadcast %broadcast_in_dim3A_538 : vector<16x20x1xf32> to vector<16x20x16xf32>
    %select_n3A_540 = arith.select %eq3A_503, %broadcast_in_dim3A_539, %select_n3A_537 : vector<16x20x16xi1>, vector<16x20x16xf32>
    %broadcast_in_dim3A_541 = vector.shape_cast %broadcast_in_dim3A_500 : vector<16x20x1xf32> to vector<16x20x1xf32>
    %broadcast_in_dim3A_542 = vector.broadcast %broadcast_in_dim3A_541 : vector<16x20x1xf32> to vector<16x20x16xf32>
    %select_n3A_543 = arith.select %eq3A_499, %broadcast_in_dim3A_542, %select_n3A_540 : vector<16x20x16xi1>, vector<16x20x16xf32>
    %broadcast_in_dim3A_544 = vector.shape_cast %broadcast_in_dim3A_496 : vector<16x20x1xf32> to vector<16x20x1xf32>
    %broadcast_in_dim3A_545 = vector.broadcast %broadcast_in_dim3A_544 : vector<16x20x1xf32> to vector<16x20x16xf32>
    %select_n3A_546 = arith.select %eq3A_495, %broadcast_in_dim3A_545, %select_n3A_543 : vector<16x20x16xi1>, vector<16x20x16xf32>
    %swap3A_547 = arith.constant 0 : index
    %swap3A_548 = arith.constant 0 : index
    %swap3A_549 = arith.constant 0 : index
    %swap3A_550 = vector.load %arg7[%swap3A_547, %swap3A_548, %swap3A_549] : memref<16x20x16xf32, #tpu.memory_space<vmem>>, vector<16x20x16xf32>
    tpu.vector_store %arg7[%swap3A_547, %swap3A_548, %swap3A_549], %select_n3A_546 {strides = array<i32>} : memref<16x20x16xf32, #tpu.memory_space<vmem>>, vector<16x20x16xf32>,
    %eq3A_551 = arith.constant 2 : i32
    %eq3A_552 = vector.broadcast %eq3A_551 : i32 to vector<16x20xi32>
    %eq3A_553 = arith.cmpi eq, %select_n3A_179, %eq3A_552 : vector<16x20xi32>
    %mul3A_554 = arith.constant 7.600000e+01 : f32
    %mul3A_555 = vector.broadcast %mul3A_554 : f32 to vector<16x20xf32>
    %mul3A_556 = arith.mulf %squeeze3A, %mul3A_555 : vector<16x20xf32>
    %floor3A_557 = math.floor %mul3A_556 : vector<16x20xf32>
    %jit3A_558 = arith.constant 0 : i32
    %jit3A_559 = arith.constant 75 : i32
    %convert_element_type3A_560 = arith.sitofp %jit3A_558 : i32 to f32
    %max3A_561 = vector.broadcast %convert_element_type3A_560 : f32 to vector<16x20xf32>
    %max3A_562 = arith.maximumf %max3A_561, %floor3A_557 : vector<16x20xf32>
    %convert_element_type3A_563 = arith.sitofp %jit3A_559 : i32 to f32
    %min3A_564 = vector.broadcast %convert_element_type3A_563 : f32 to vector<16x20xf32>
    %min3A_565 = arith.minimumf %min3A_564, %max3A_562 : vector<16x20xf32>
    %convert_element_type3A_566 = arith.fptosi %min3A_565 : vector<16x20xf32> to vector<16x20xi32>
    %mul3A_567 = arith.constant 7.600000e+01 : f32
    %mul3A_568 = vector.broadcast %mul3A_567 : f32 to vector<16x20xf32>
    %mul3A_569 = arith.mulf %squeeze3A_4, %mul3A_568 : vector<16x20xf32>
    %floor3A_570 = math.floor %mul3A_569 : vector<16x20xf32>
    %jit3A_571 = arith.constant 0 : i32
    %jit3A_572 = arith.constant 75 : i32
    %convert_element_type3A_573 = arith.sitofp %jit3A_571 : i32 to f32
    %max3A_574 = vector.broadcast %convert_element_type3A_573 : f32 to vector<16x20xf32>
    %max3A_575 = arith.maximumf %max3A_574, %floor3A_570 : vector<16x20xf32>
    %convert_element_type3A_576 = arith.sitofp %jit3A_572 : i32 to f32
    %min3A_577 = vector.broadcast %convert_element_type3A_576 : f32 to vector<16x20xf32>
    %min3A_578 = arith.minimumf %min3A_577, %max3A_575 : vector<16x20xf32>
    %convert_element_type3A_579 = arith.fptosi %min3A_578 : vector<16x20xf32> to vector<16x20xi32>
    %mul3A_580 = arith.constant 76 : i32
    %mul3A_581 = vector.broadcast %mul3A_580 : i32 to vector<16x20xi32>
    %mul3A_582 = arith.muli %select_n3A_149, %mul3A_581 : vector<16x20xi32>
    %add3A_583 = arith.addi %mul3A_582, %convert_element_type3A_566 : vector<16x20xi32>
    %mul3A_584 = arith.constant 76 : i32
    %mul3A_585 = vector.broadcast %mul3A_584 : i32 to vector<16x20xi32>
    %mul3A_586 = arith.muli %add3A_583, %mul3A_585 : vector<16x20xi32>
    %add3A_587 = arith.addi %mul3A_586, %convert_element_type3A_579 : vector<16x20xi32>
    %reshape3A_588 = vector.shape_cast %add3A_587 : vector<16x20xi32> to vector<16x1x20xi32>
    %swap3A_589 = arith.constant 0 : index
    %swap3A_590 = arith.constant 0 : index
    %swap3A_591 = arith.constant 0 : index
    %swap3A_592 = vector.load %arg10[%swap3A_589, %swap3A_590, %swap3A_591] : memref<16x1x20xi32, #tpu.memory_space<vmem>>, vector<16x1x20xi32>
    tpu.vector_store %arg10[%swap3A_589, %swap3A_590, %swap3A_591], %reshape3A_588 {strides = array<i32>} : memref<16x1x20xi32, #tpu.memory_space<vmem>>, vector<16x1x20xi32>,
    %iota3A_593 = tpu.iota {dimensions = array<i32: 0>} : vector<16x20xi32>
    %mul3A_594 = arith.constant 17328 : i32
    %mul3A_595 = vector.broadcast %mul3A_594 : i32 to vector<16x20xi32>
    %mul3A_596 = arith.muli %iota3A_593, %mul3A_595 : vector<16x20xi32>
    %iota3A_597 = tpu.iota {dimensions = array<i32: 0>} : vector<16x12xi32>
    %mul3A_598 = arith.constant 12 : i32
    %mul3A_599 = vector.broadcast %mul3A_598 : i32 to vector<16x12xi32>
    %mul3A_600 = arith.muli %iota3A_597, %mul3A_599 : vector<16x12xi32>
    %iota3A_601 = tpu.iota {dimensions = array<i32: 1>} : vector<16x12xi32>
    %add3A_602 = arith.addi %mul3A_600, %iota3A_601 : vector<16x12xi32>
    %add3A_603 = arith.addi %add3A_587, %mul3A_596 : vector<16x20xi32>
    %concatenate3A_604 = tpu.concatenate %add3A_603, %add3A_602 in 1 : vector<16x20xi32>, vector<16x12xi32> -> vector<16x32xi32>
    %iota3A_605 = tpu.iota {dimensions = array<i32: 2>} : vector<16x32x85xi32>
    %broadcast_in_dim3A_606 = vector.shape_cast %concatenate3A_604 : vector<16x32xi32> to vector<16x32x1xi32>
    %mul3A_607 = arith.constant 85 : i32
    %mul3A_608 = vector.broadcast %mul3A_607 : i32 to vector<16x32x1xi32>
    %mul3A_609 = arith.muli %broadcast_in_dim3A_606, %mul3A_608 : vector<16x32x1xi32>
    %add3A_610 = vector.broadcast %mul3A_609 : vector<16x32x1xi32> to vector<16x32x85xi32>
    %add3A_611 = arith.addi %add3A_610, %iota3A_605 : vector<16x32x85xi32>
    %swap3A_612 = arith.constant 0 : index
    %swap3A_613 = arith.constant 0 : index
    %swap3A_614 = arith.constant 0 : index
    %swap3A_615 = vector.load %arg13[%swap3A_612, %swap3A_613, %swap3A_614] : memref<16x32x85xi32, #tpu.memory_space<vmem>>, vector<16x32x85xi32>
    tpu.vector_store %arg13[%swap3A_612, %swap3A_613, %swap3A_614], %add3A_611 {strides = array<i32>} : memref<16x32x85xi32, #tpu.memory_space<vmem>>, vector<16x32x85xi32>,
    %broadcast_in_dim3A_616 = vector.shape_cast %add3A_587 : vector<16x20xi32> to vector<16x20x1xi32>
    %broadcast_in_dim3A_617 = vector.shape_cast %add3A_587 : vector<16x20xi32> to vector<16x1x20xi32>
    %eq3A_618 = vector.broadcast %broadcast_in_dim3A_616 : vector<16x20x1xi32> to vector<16x20x20xi32>
    %eq3A_619 = vector.broadcast %broadcast_in_dim3A_617 : vector<16x1x20xi32> to vector<16x20x20xi32>
    %eq3A_620 = arith.cmpi eq, %eq3A_618, %eq3A_619 : vector<16x20x20xi32>
    %broadcast_in_dim3A_621 = vector.shape_cast %eq3A_553 : vector<16x20xi1> to vector<16x20x1xi1>
    %and3A_622 = vector.broadcast %broadcast_in_dim3A_621 : vector<16x20x1xi1> to vector<16x20x20xi1>
    %and3A_623 = arith.andi %eq3A_620, %and3A_622 : vector<16x20x20xi1>
    %broadcast_in_dim3A_624 = vector.shape_cast %eq3A_553 : vector<16x20xi1> to vector<16x1x20xi1>
    %and3A_625 = vector.broadcast %broadcast_in_dim3A_624 : vector<16x1x20xi1> to vector<16x20x20xi1>
    %and3A_626 = arith.andi %and3A_623, %and3A_625 : vector<16x20x20xi1>
    %and3A_627 = arith.andi %and3A_626, %lt3A_191 : vector<16x20x20xi1>
    %reduce_or3A_628 = arith.constant 1.000000e+00 : f32
    %reduce_or3A_629 = arith.constant 0.000000e+00 : f32
    %reduce_or3A_630 = vector.broadcast %reduce_or3A_628 : f32 to vector<16x20x20xf32>
    %reduce_or3A_631 = vector.broadcast %reduce_or3A_629 : f32 to vector<16x20x20xf32>
    %reduce_or3A_632 = arith.select %and3A_627, %reduce_or3A_630, %reduce_or3A_631 : vector<16x20x20xi1>, vector<16x20x20xf32>
    %reduce_or3A_633 = arith.constant dense<0xFF800000> : vector<16x20xf32>
    %reduce_or3A_634 = vector.multi_reduction <maximumf>, %reduce_or3A_632, %reduce_or3A_633 [2] : vector<16x20x20xf32> to vector<16x20xf32>
    %reduce_or3A_635 = arith.constant 0.000000e+00 : f32
    %reduce_or3A_636 = vector.broadcast %reduce_or3A_635 : f32 to vector<16x20xf32>
    %reduce_or3A_637 = arith.cmpf ogt, %reduce_or3A_634, %reduce_or3A_636 : vector<16x20xf32>
    %not3A_638 = arith.constant dense<true> : vector<16x20xi1>
    %not3A_639 = arith.xori %reduce_or3A_637, %not3A_638 : vector<16x20xi1>
    %and3A_640 = arith.andi %eq3A_553, %not3A_639 : vector<16x20xi1>
    %convert_element_type3A_641 = arith.extui %and3A_640 : vector<16x20xi1> to vector<16x20xi32>
    %convert_element_type3A_642 = arith.sitofp %convert_element_type3A_641 : vector<16x20xi32> to vector<16x20xf32>
    %convert_element_type3A_643 = arith.extui %and3A_626 : vector<16x20x20xi1> to vector<16x20x20xi32>
    %convert_element_type3A_644 = arith.sitofp %convert_element_type3A_643 : vector<16x20x20xi32> to vector<16x20x20xf32>
    %broadcast_in_dim3A_645 = vector.shape_cast %squeeze3A : vector<16x20xf32> to vector<16x1x20xf32>
    %mul3A_646 = vector.broadcast %broadcast_in_dim3A_645 : vector<16x1x20xf32> to vector<16x20x20xf32>
    %mul3A_647 = arith.mulf %convert_element_type3A_644, %mul3A_646 : vector<16x20x20xf32>
    %reduce_sum3A_648 = arith.constant dense<0.000000e+00> : vector<16x20xf32>
    %reduce_sum3A_649 = vector.multi_reduction <add>, %mul3A_647, %reduce_sum3A_648 [2] : vector<16x20x20xf32> to vector<16x20xf32>
    %broadcast_in_dim3A_650 = vector.shape_cast %squeeze3A_4 : vector<16x20xf32> to vector<16x1x20xf32>
    %mul3A_651 = vector.broadcast %broadcast_in_dim3A_650 : vector<16x1x20xf32> to vector<16x20x20xf32>
    %mul3A_652 = arith.mulf %convert_element_type3A_644, %mul3A_651 : vector<16x20x20xf32>
    %reduce_sum3A_653 = arith.constant dense<0.000000e+00> : vector<16x20xf32>
    %reduce_sum3A_654 = vector.multi_reduction <add>, %mul3A_652, %reduce_sum3A_653 [2] : vector<16x20x20xf32> to vector<16x20xf32>
    %broadcast_in_dim3A_655 = vector.shape_cast %squeeze3A_6 : vector<16x20xf32> to vector<16x1x20xf32>
    %mul3A_656 = vector.broadcast %broadcast_in_dim3A_655 : vector<16x1x20xf32> to vector<16x20x20xf32>
    %mul3A_657 = arith.mulf %convert_element_type3A_644, %mul3A_656 : vector<16x20x20xf32>
    %reduce_sum3A_658 = arith.constant dense<0.000000e+00> : vector<16x20xf32>
    %reduce_sum3A_659 = vector.multi_reduction <add>, %mul3A_657, %reduce_sum3A_658 [2] : vector<16x20x20xf32> to vector<16x20xf32>
    %broadcast_in_dim3A_660 = vector.shape_cast %squeeze3A_8 : vector<16x20xf32> to vector<16x1x20xf32>
    %mul3A_661 = vector.broadcast %broadcast_in_dim3A_660 : vector<16x1x20xf32> to vector<16x20x20xf32>
    %mul3A_662 = arith.mulf %convert_element_type3A_644, %mul3A_661 : vector<16x20x20xf32>
    %reduce_sum3A_663 = arith.constant dense<0.000000e+00> : vector<16x20xf32>
    %reduce_sum3A_664 = vector.multi_reduction <add>, %mul3A_662, %reduce_sum3A_663 [2] : vector<16x20x20xf32> to vector<16x20xf32>
    %broadcast_in_dim3A_665 = vector.shape_cast %convert_element_type3A_644 : vector<16x20x20xf32> to vector<16x20x20x1xf32>
    %broadcast_in_dim3A_666 = vector.shape_cast %convert_element_type3A_188 : vector<16x20x85xf32> to vector<16x1x20x85xf32>
    %mul3A_667 = vector.broadcast %broadcast_in_dim3A_665 : vector<16x20x20x1xf32> to vector<16x20x20x85xf32>
    %mul3A_668 = vector.broadcast %broadcast_in_dim3A_666 : vector<16x1x20x85xf32> to vector<16x20x20x85xf32>
    %mul3A_669 = arith.mulf %mul3A_667, %mul3A_668 : vector<16x20x20x85xf32>
    %reduce_sum3A_670 = arith.constant dense<0.000000e+00> : vector<16x20x85xf32>
    %reduce_sum3A_671 = vector.multi_reduction <add>, %mul3A_669, %reduce_sum3A_670 [2] : vector<16x20x20x85xf32> to vector<16x20x85xf32>
    %swap3A_672 = arith.constant 0 : index
    %swap3A_673 = arith.constant 0 : index
    %swap3A_674 = arith.constant 0 : index
    %swap3A_675 = vector.load %arg12[%swap3A_672, %swap3A_673, %swap3A_674] : memref<16x20x85xf32, #tpu.memory_space<vmem>>, vector<16x20x85xf32>
    tpu.vector_store %arg12[%swap3A_672, %swap3A_673, %swap3A_674], %reduce_sum3A_671 {strides = array<i32>} : memref<16x20x85xf32, #tpu.memory_space<vmem>>, vector<16x20x85xf32>,
    %eq3A_676 = arith.constant 0 : i32
    %eq3A_677 = vector.broadcast %eq3A_676 : i32 to vector<16x20x16xi32>
    %eq3A_678 = arith.cmpi eq, %iota3A_192, %eq3A_677 : vector<16x20x16xi32>
    %broadcast_in_dim3A_679 = vector.shape_cast %convert_element_type3A_642 : vector<16x20xf32> to vector<16x20x1xf32>
    %eq3A_680 = arith.constant 1 : i32
    %eq3A_681 = vector.broadcast %eq3A_680 : i32 to vector<16x20x16xi32>
    %eq3A_682 = arith.cmpi eq, %iota3A_192, %eq3A_681 : vector<16x20x16xi32>
    %broadcast_in_dim3A_683 = vector.shape_cast %convert_element_type3A : vector<16x20xf32> to vector<16x20x1xf32>
    %eq3A_684 = arith.constant 2 : i32
    %eq3A_685 = vector.broadcast %eq3A_684 : i32 to vector<16x20x16xi32>
    %eq3A_686 = arith.cmpi eq, %iota3A_192, %eq3A_685 : vector<16x20x16xi32>
    %convert_element_type3A_687 = arith.sitofp %convert_element_type3A_566 : vector<16x20xi32> to vector<16x20xf32>
    %broadcast_in_dim3A_688 = vector.shape_cast %convert_element_type3A_687 : vector<16x20xf32> to vector<16x20x1xf32>
    %eq3A_689 = arith.constant 3 : i32
    %eq3A_690 = vector.broadcast %eq3A_689 : i32 to vector<16x20x16xi32>
    %eq3A_691 = arith.cmpi eq, %iota3A_192, %eq3A_690 : vector<16x20x16xi32>
    %convert_element_type3A_692 = arith.sitofp %convert_element_type3A_579 : vector<16x20xi32> to vector<16x20xf32>
    %broadcast_in_dim3A_693 = vector.shape_cast %convert_element_type3A_692 : vector<16x20xf32> to vector<16x20x1xf32>
    %eq3A_694 = arith.constant 4 : i32
    %eq3A_695 = vector.broadcast %eq3A_694 : i32 to vector<16x20x16xi32>
    %eq3A_696 = arith.cmpi eq, %iota3A_192, %eq3A_695 : vector<16x20x16xi32>
    %broadcast_in_dim3A_697 = vector.shape_cast %reduce_sum3A_649 : vector<16x20xf32> to vector<16x20x1xf32>
    %eq3A_698 = arith.constant 5 : i32
    %eq3A_699 = vector.broadcast %eq3A_698 : i32 to vector<16x20x16xi32>
    %eq3A_700 = arith.cmpi eq, %iota3A_192, %eq3A_699 : vector<16x20x16xi32>
    %broadcast_in_dim3A_701 = vector.shape_cast %reduce_sum3A_654 : vector<16x20xf32> to vector<16x20x1xf32>
    %eq3A_702 = arith.constant 6 : i32
    %eq3A_703 = vector.broadcast %eq3A_702 : i32 to vector<16x20x16xi32>
    %eq3A_704 = arith.cmpi eq, %iota3A_192, %eq3A_703 : vector<16x20x16xi32>
    %broadcast_in_dim3A_705 = vector.shape_cast %reduce_sum3A_659 : vector<16x20xf32> to vector<16x20x1xf32>
    %broadcast_in_dim3A_706 = vector.shape_cast %reduce_sum3A_664 : vector<16x20xf32> to vector<16x20x1xf32>
    %broadcast_in_dim3A_707 = vector.shape_cast %broadcast_in_dim3A_705 : vector<16x20x1xf32> to vector<16x20x1xf32>
    %broadcast_in_dim3A_708 = vector.broadcast %broadcast_in_dim3A_707 : vector<16x20x1xf32> to vector<16x20x16xf32>
    %broadcast_in_dim3A_709 = vector.shape_cast %broadcast_in_dim3A_706 : vector<16x20x1xf32> to vector<16x20x1xf32>
    %broadcast_in_dim3A_710 = vector.broadcast %broadcast_in_dim3A_709 : vector<16x20x1xf32> to vector<16x20x16xf32>
    %select_n3A_711 = arith.select %eq3A_704, %broadcast_in_dim3A_708, %broadcast_in_dim3A_710 : vector<16x20x16xi1>, vector<16x20x16xf32>
    %broadcast_in_dim3A_712 = vector.shape_cast %broadcast_in_dim3A_701 : vector<16x20x1xf32> to vector<16x20x1xf32>
    %broadcast_in_dim3A_713 = vector.broadcast %broadcast_in_dim3A_712 : vector<16x20x1xf32> to vector<16x20x16xf32>
    %select_n3A_714 = arith.select %eq3A_700, %broadcast_in_dim3A_713, %select_n3A_711 : vector<16x20x16xi1>, vector<16x20x16xf32>
    %broadcast_in_dim3A_715 = vector.shape_cast %broadcast_in_dim3A_697 : vector<16x20x1xf32> to vector<16x20x1xf32>
    %broadcast_in_dim3A_716 = vector.broadcast %broadcast_in_dim3A_715 : vector<16x20x1xf32> to vector<16x20x16xf32>
    %select_n3A_717 = arith.select %eq3A_696, %broadcast_in_dim3A_716, %select_n3A_714 : vector<16x20x16xi1>, vector<16x20x16xf32>
    %broadcast_in_dim3A_718 = vector.shape_cast %broadcast_in_dim3A_693 : vector<16x20x1xf32> to vector<16x20x1xf32>
    %broadcast_in_dim3A_719 = vector.broadcast %broadcast_in_dim3A_718 : vector<16x20x1xf32> to vector<16x20x16xf32>
    %select_n3A_720 = arith.select %eq3A_691, %broadcast_in_dim3A_719, %select_n3A_717 : vector<16x20x16xi1>, vector<16x20x16xf32>
    %broadcast_in_dim3A_721 = vector.shape_cast %broadcast_in_dim3A_688 : vector<16x20x1xf32> to vector<16x20x1xf32>
    %broadcast_in_dim3A_722 = vector.broadcast %broadcast_in_dim3A_721 : vector<16x20x1xf32> to vector<16x20x16xf32>
    %select_n3A_723 = arith.select %eq3A_686, %broadcast_in_dim3A_722, %select_n3A_720 : vector<16x20x16xi1>, vector<16x20x16xf32>
    %broadcast_in_dim3A_724 = vector.shape_cast %broadcast_in_dim3A_683 : vector<16x20x1xf32> to vector<16x20x1xf32>
    %broadcast_in_dim3A_725 = vector.broadcast %broadcast_in_dim3A_724 : vector<16x20x1xf32> to vector<16x20x16xf32>
    %select_n3A_726 = arith.select %eq3A_682, %broadcast_in_dim3A_725, %select_n3A_723 : vector<16x20x16xi1>, vector<16x20x16xf32>
    %broadcast_in_dim3A_727 = vector.shape_cast %broadcast_in_dim3A_679 : vector<16x20x1xf32> to vector<16x20x1xf32>
    %broadcast_in_dim3A_728 = vector.broadcast %broadcast_in_dim3A_727 : vector<16x20x1xf32> to vector<16x20x16xf32>
    %select_n3A_729 = arith.select %eq3A_678, %broadcast_in_dim3A_728, %select_n3A_726 : vector<16x20x16xi1>, vector<16x20x16xf32>
    %swap3A_730 = arith.constant 0 : index
    %swap3A_731 = arith.constant 0 : index
    %swap3A_732 = arith.constant 0 : index
    %swap3A_733 = vector.load %arg11[%swap3A_730, %swap3A_731, %swap3A_732] : memref<16x20x16xf32, #tpu.memory_space<vmem>>, vector<16x20x16xf32>
    tpu.vector_store %arg11[%swap3A_730, %swap3A_731, %swap3A_732], %select_n3A_729 {strides = array<i32>} : memref<16x20x16xf32, #tpu.memory_space<vmem>>, vector<16x20x16xf32>,
    return
  }
}

module attributes {stable_mosaic.version = 14 : i64} {
  func.func @_scale_kernel(%arg0: i32, %arg1: memref<1x5x9x128xf32, #tpu.memory_space<vmem>>, %arg2: memref<1x1x80xf32, #tpu.memory_space<smem>>, %arg3: memref<1x4x20xf32, #tpu.memory_space<vmem>>, %arg4: memref<1x20x16xf32, #tpu.memory_space<vmem>>, %arg5: memref<1x20x85xf32, #tpu.memory_space<vmem>>, %arg6: memref<1x32x85xf32, #tpu.memory_space<vmem>>, %arg7: memref<1xf32, #tpu.memory_space<smem>>, %arg8: memref<1xf32, #tpu.memory_space<smem>>, %arg9: memref<1xf32, #tpu.memory_space<smem>>, %arg10: memref<1xf32, #tpu.memory_space<smem>>, %arg11: memref<1xf32, #tpu.memory_space<smem>>) attributes {dimension_semantics = [#tpu.dimension_semantics<arbitrary>], iteration_bounds = array<i64: 16>, scalar_prefetch = 0 : i64, scratch_operands = 0 : i64, tpu.core_type = #tpu.core_type<tc>, window_params = [{transform_indices = @transform_0, window_bounds = array<i64: 1, 5, 9, 128>}, {transform_indices = @transform_1, window_bounds = array<i64: 1, 1, 80>}, {transform_indices = @transform_2, window_bounds = array<i64: 1, 4, 20>}, {transform_indices = @transform_3, window_bounds = array<i64: 1, 20, 16>}, {transform_indices = @transform_4, window_bounds = array<i64: 1, 20, 85>}, {transform_indices = @transform_5, window_bounds = array<i64: 1, 32, 85>}, {transform_indices = @transform_6, window_bounds = array<i64: 1>}, {transform_indices = @transform_7, window_bounds = array<i64: 1>}, {transform_indices = @transform_8, window_bounds = array<i64: 1>}, {transform_indices = @transform_9, window_bounds = array<i64: 1>}, {transform_indices = @transform_10, window_bounds = array<i64: 1>}]} {
    %eq3A = arith.constant 0 : i32
    %eq3A_0 = arith.cmpi eq, %arg0, %eq3A : i32
    %convert_element_type3A = arith.extui %eq3A_0 : i1 to i32
    %cond3A = arith.constant 0 : i32
    %cond3A_1 = arith.cmpi ne, %convert_element_type3A, %cond3A : i32
    scf.if %cond3A_1 {
      %swap3A_1620 = arith.constant 0.000000e+00 : f32
      %swap3A_1621 = arith.constant 0 : index
      %swap3A_1622 = memref.load %arg7[%swap3A_1621] : memref<1xf32, #tpu.memory_space<smem>>
      memref.store %swap3A_1620, %arg7[%swap3A_1621] : memref<1xf32, #tpu.memory_space<smem>>
      %swap3A_1623 = arith.constant 0.000000e+00 : f32
      %swap3A_1624 = arith.constant 0 : index
      %swap3A_1625 = memref.load %arg8[%swap3A_1624] : memref<1xf32, #tpu.memory_space<smem>>
      memref.store %swap3A_1623, %arg8[%swap3A_1624] : memref<1xf32, #tpu.memory_space<smem>>
      %swap3A_1626 = arith.constant 0.000000e+00 : f32
      %swap3A_1627 = arith.constant 0 : index
      %swap3A_1628 = memref.load %arg9[%swap3A_1627] : memref<1xf32, #tpu.memory_space<smem>>
      memref.store %swap3A_1626, %arg9[%swap3A_1627] : memref<1xf32, #tpu.memory_space<smem>>
      %swap3A_1629 = arith.constant 0.000000e+00 : f32
      %swap3A_1630 = arith.constant 0 : index
      %swap3A_1631 = memref.load %arg10[%swap3A_1630] : memref<1xf32, #tpu.memory_space<smem>>
      memref.store %swap3A_1629, %arg10[%swap3A_1630] : memref<1xf32, #tpu.memory_space<smem>>
      %swap3A_1632 = arith.constant 0.000000e+00 : f32
      %swap3A_1633 = arith.constant 0 : index
      %swap3A_1634 = memref.load %arg11[%swap3A_1633] : memref<1xf32, #tpu.memory_space<smem>>
      memref.store %swap3A_1632, %arg11[%swap3A_1633] : memref<1xf32, #tpu.memory_space<smem>>
    } else {
    }
    %iota3A = tpu.iota {dimensions = array<i32: 0>} : vector<9x128xi32>
    %mul3A = arith.constant 128 : i32
    %mul3A_2 = vector.broadcast %mul3A : i32 to vector<9x128xi32>
    %mul3A_3 = arith.muli %iota3A, %mul3A_2 : vector<9x128xi32>
    %iota3A_4 = tpu.iota {dimensions = array<i32: 1>} : vector<9x128xi32>
    %add3A = arith.addi %mul3A_3, %iota3A_4 : vector<9x128xi32>
    %jit3A = arith.constant 361 : i32
    %div3A = vector.broadcast %jit3A : i32 to vector<9x128xi32>
    %div3A_5 = arith.divsi %add3A, %div3A : vector<9x128xi32>
    %sign3A = arith.constant 0 : i32
    %sign3A_6 = vector.broadcast %sign3A : i32 to vector<9x128xi32>
    %sign3A_7 = arith.cmpi sgt, %add3A, %sign3A_6 : vector<9x128xi32>
    %sign3A_8 = arith.extui %sign3A_7 : vector<9x128xi1> to vector<9x128xi32>
    %sign3A_9 = arith.constant 0 : i32
    %sign3A_10 = vector.broadcast %sign3A_9 : i32 to vector<9x128xi32>
    %sign3A_11 = arith.cmpi slt, %add3A, %sign3A_10 : vector<9x128xi32>
    %sign3A_12 = arith.extui %sign3A_11 : vector<9x128xi1> to vector<9x128xi32>
    %sign3A_13 = arith.subi %sign3A_8, %sign3A_12 : vector<9x128xi32>
    %sign3A_14 = arith.constant 0 : i32
    %sign3A_15 = arith.cmpi sgt, %jit3A, %sign3A_14 : i32
    %sign3A_16 = arith.extui %sign3A_15 : i1 to i32
    %sign3A_17 = arith.constant 0 : i32
    %sign3A_18 = arith.cmpi slt, %jit3A, %sign3A_17 : i32
    %sign3A_19 = arith.extui %sign3A_18 : i1 to i32
    %sign3A_20 = arith.subi %sign3A_16, %sign3A_19 : i32
    %ne3A = vector.broadcast %sign3A_20 : i32 to vector<9x128xi32>
    %ne3A_21 = arith.cmpi ne, %sign3A_13, %ne3A : vector<9x128xi32>
    %rem3A = vector.broadcast %jit3A : i32 to vector<9x128xi32>
    %rem3A_22 = arith.remsi %add3A, %rem3A : vector<9x128xi32>
    %ne3A_23 = arith.constant 0 : i32
    %ne3A_24 = vector.broadcast %ne3A_23 : i32 to vector<9x128xi32>
    %ne3A_25 = arith.cmpi ne, %rem3A_22, %ne3A_24 : vector<9x128xi32>
    %and3A = arith.andi %ne3A_21, %ne3A_25 : vector<9x128xi1>
    %sub3A = arith.constant 1 : i32
    %sub3A_26 = vector.broadcast %sub3A : i32 to vector<9x128xi32>
    %sub3A_27 = arith.subi %div3A_5, %sub3A_26 : vector<9x128xi32>
    %select_n3A = arith.select %and3A, %sub3A_27, %div3A_5 : vector<9x128xi1>, vector<9x128xi32>
    %mul3A_28 = arith.constant 361 : i32
    %mul3A_29 = vector.broadcast %mul3A_28 : i32 to vector<9x128xi32>
    %mul3A_30 = arith.muli %select_n3A, %mul3A_29 : vector<9x128xi32>
    %sub3A_31 = arith.subi %add3A, %mul3A_30 : vector<9x128xi32>
    %jit3A_32 = arith.constant 19 : i32
    %div3A_33 = vector.broadcast %jit3A_32 : i32 to vector<9x128xi32>
    %div3A_34 = arith.divsi %sub3A_31, %div3A_33 : vector<9x128xi32>
    %sign3A_35 = arith.constant 0 : i32
    %sign3A_36 = vector.broadcast %sign3A_35 : i32 to vector<9x128xi32>
    %sign3A_37 = arith.cmpi sgt, %sub3A_31, %sign3A_36 : vector<9x128xi32>
    %sign3A_38 = arith.extui %sign3A_37 : vector<9x128xi1> to vector<9x128xi32>
    %sign3A_39 = arith.constant 0 : i32
    %sign3A_40 = vector.broadcast %sign3A_39 : i32 to vector<9x128xi32>
    %sign3A_41 = arith.cmpi slt, %sub3A_31, %sign3A_40 : vector<9x128xi32>
    %sign3A_42 = arith.extui %sign3A_41 : vector<9x128xi1> to vector<9x128xi32>
    %sign3A_43 = arith.subi %sign3A_38, %sign3A_42 : vector<9x128xi32>
    %sign3A_44 = arith.constant 0 : i32
    %sign3A_45 = arith.cmpi sgt, %jit3A_32, %sign3A_44 : i32
    %sign3A_46 = arith.extui %sign3A_45 : i1 to i32
    %sign3A_47 = arith.constant 0 : i32
    %sign3A_48 = arith.cmpi slt, %jit3A_32, %sign3A_47 : i32
    %sign3A_49 = arith.extui %sign3A_48 : i1 to i32
    %sign3A_50 = arith.subi %sign3A_46, %sign3A_49 : i32
    %ne3A_51 = vector.broadcast %sign3A_50 : i32 to vector<9x128xi32>
    %ne3A_52 = arith.cmpi ne, %sign3A_43, %ne3A_51 : vector<9x128xi32>
    %rem3A_53 = vector.broadcast %jit3A_32 : i32 to vector<9x128xi32>
    %rem3A_54 = arith.remsi %sub3A_31, %rem3A_53 : vector<9x128xi32>
    %ne3A_55 = arith.constant 0 : i32
    %ne3A_56 = vector.broadcast %ne3A_55 : i32 to vector<9x128xi32>
    %ne3A_57 = arith.cmpi ne, %rem3A_54, %ne3A_56 : vector<9x128xi32>
    %and3A_58 = arith.andi %ne3A_52, %ne3A_57 : vector<9x128xi1>
    %sub3A_59 = arith.constant 1 : i32
    %sub3A_60 = vector.broadcast %sub3A_59 : i32 to vector<9x128xi32>
    %sub3A_61 = arith.subi %div3A_34, %sub3A_60 : vector<9x128xi32>
    %select_n3A_62 = arith.select %and3A_58, %sub3A_61, %div3A_34 : vector<9x128xi1>, vector<9x128xi32>
    %convert_element_type3A_63 = arith.sitofp %select_n3A_62 : vector<9x128xi32> to vector<9x128xf32>
    %jit3A_64 = arith.constant 19 : i32
    %div3A_65 = vector.broadcast %jit3A_64 : i32 to vector<9x128xi32>
    %div3A_66 = arith.divsi %sub3A_31, %div3A_65 : vector<9x128xi32>
    %sign3A_67 = arith.constant 0 : i32
    %sign3A_68 = vector.broadcast %sign3A_67 : i32 to vector<9x128xi32>
    %sign3A_69 = arith.cmpi sgt, %sub3A_31, %sign3A_68 : vector<9x128xi32>
    %sign3A_70 = arith.extui %sign3A_69 : vector<9x128xi1> to vector<9x128xi32>
    %sign3A_71 = arith.constant 0 : i32
    %sign3A_72 = vector.broadcast %sign3A_71 : i32 to vector<9x128xi32>
    %sign3A_73 = arith.cmpi slt, %sub3A_31, %sign3A_72 : vector<9x128xi32>
    %sign3A_74 = arith.extui %sign3A_73 : vector<9x128xi1> to vector<9x128xi32>
    %sign3A_75 = arith.subi %sign3A_70, %sign3A_74 : vector<9x128xi32>
    %sign3A_76 = arith.constant 0 : i32
    %sign3A_77 = arith.cmpi sgt, %jit3A_64, %sign3A_76 : i32
    %sign3A_78 = arith.extui %sign3A_77 : i1 to i32
    %sign3A_79 = arith.constant 0 : i32
    %sign3A_80 = arith.cmpi slt, %jit3A_64, %sign3A_79 : i32
    %sign3A_81 = arith.extui %sign3A_80 : i1 to i32
    %sign3A_82 = arith.subi %sign3A_78, %sign3A_81 : i32
    %ne3A_83 = vector.broadcast %sign3A_82 : i32 to vector<9x128xi32>
    %ne3A_84 = arith.cmpi ne, %sign3A_75, %ne3A_83 : vector<9x128xi32>
    %rem3A_85 = vector.broadcast %jit3A_64 : i32 to vector<9x128xi32>
    %rem3A_86 = arith.remsi %sub3A_31, %rem3A_85 : vector<9x128xi32>
    %ne3A_87 = arith.constant 0 : i32
    %ne3A_88 = vector.broadcast %ne3A_87 : i32 to vector<9x128xi32>
    %ne3A_89 = arith.cmpi ne, %rem3A_86, %ne3A_88 : vector<9x128xi32>
    %and3A_90 = arith.andi %ne3A_84, %ne3A_89 : vector<9x128xi1>
    %sub3A_91 = arith.constant 1 : i32
    %sub3A_92 = vector.broadcast %sub3A_91 : i32 to vector<9x128xi32>
    %sub3A_93 = arith.subi %div3A_66, %sub3A_92 : vector<9x128xi32>
    %select_n3A_94 = arith.select %and3A_90, %sub3A_93, %div3A_66 : vector<9x128xi1>, vector<9x128xi32>
    %mul3A_95 = arith.constant 19 : i32
    %mul3A_96 = vector.broadcast %mul3A_95 : i32 to vector<9x128xi32>
    %mul3A_97 = arith.muli %select_n3A_94, %mul3A_96 : vector<9x128xi32>
    %sub3A_98 = arith.subi %sub3A_31, %mul3A_97 : vector<9x128xi32>
    %convert_element_type3A_99 = arith.sitofp %sub3A_98 : vector<9x128xi32> to vector<9x128xf32>
    %lt3A = arith.constant 1083 : i32
    %lt3A_100 = vector.broadcast %lt3A : i32 to vector<9x128xi32>
    %lt3A_101 = arith.cmpi slt, %add3A, %lt3A_100 : vector<9x128xi32>
    %eq3A_102 = arith.constant 0 : i32
    %eq3A_103 = vector.broadcast %eq3A_102 : i32 to vector<9x128xi32>
    %eq3A_104 = arith.cmpi eq, %select_n3A, %eq3A_103 : vector<9x128xi32>
    %eq3A_105 = arith.constant 1 : i32
    %eq3A_106 = vector.broadcast %eq3A_105 : i32 to vector<9x128xi32>
    %eq3A_107 = arith.cmpi eq, %select_n3A, %eq3A_106 : vector<9x128xi32>
    %jit3A_108 = arith.constant 0.0263157897 : f32
    %jit3A_109 = arith.constant 0.0542763174 : f32
    %broadcast_in_dim3A = vector.broadcast %jit3A_108 : f32 to vector<9x128xf32>
    %broadcast_in_dim3A_110 = vector.broadcast %jit3A_109 : f32 to vector<9x128xf32>
    %select_n3A_111 = arith.select %eq3A_107, %broadcast_in_dim3A, %broadcast_in_dim3A_110 : vector<9x128xi1>, vector<9x128xf32>
    %jit3A_112 = arith.constant 0.016447369 : f32
    %broadcast_in_dim3A_113 = vector.broadcast %jit3A_112 : f32 to vector<9x128xf32>
    %select_n3A_114 = arith.select %eq3A_104, %broadcast_in_dim3A_113, %select_n3A_111 : vector<9x128xi1>, vector<9x128xf32>
    %eq3A_115 = arith.constant 0 : i32
    %eq3A_116 = vector.broadcast %eq3A_115 : i32 to vector<9x128xi32>
    %eq3A_117 = arith.cmpi eq, %select_n3A, %eq3A_116 : vector<9x128xi32>
    %eq3A_118 = arith.constant 1 : i32
    %eq3A_119 = vector.broadcast %eq3A_118 : i32 to vector<9x128xi32>
    %eq3A_120 = arith.cmpi eq, %select_n3A, %eq3A_119 : vector<9x128xi32>
    %jit3A_121 = arith.constant 0.049342107 : f32
    %jit3A_122 = arith.constant 0.0378289483 : f32
    %broadcast_in_dim3A_123 = vector.broadcast %jit3A_121 : f32 to vector<9x128xf32>
    %broadcast_in_dim3A_124 = vector.broadcast %jit3A_122 : f32 to vector<9x128xf32>
    %select_n3A_125 = arith.select %eq3A_120, %broadcast_in_dim3A_123, %broadcast_in_dim3A_124 : vector<9x128xi1>, vector<9x128xf32>
    %jit3A_126 = arith.constant 0.0213815793 : f32
    %broadcast_in_dim3A_127 = vector.broadcast %jit3A_126 : f32 to vector<9x128xf32>
    %select_n3A_128 = arith.select %eq3A_117, %broadcast_in_dim3A_127, %select_n3A_125 : vector<9x128xi1>, vector<9x128xf32>
    %get3A = arith.constant 0 : index
    %get3A_129 = arith.constant 0 : index
    %get3A_130 = arith.constant 0 : index
    %get3A_131 = arith.constant 0 : index
    %get3A_132 = vector.load %arg1[%get3A, %get3A_129, %get3A_130, %get3A_131] : memref<1x5x9x128xf32, #tpu.memory_space<vmem>>, vector<1x1x9x128xf32>
    %get3A_133 = vector.shape_cast %get3A_132 : vector<1x1x9x128xf32> to vector<9x128xf32>
    %get3A_134 = arith.constant 0 : index
    %get3A_135 = arith.constant 1 : index
    %get3A_136 = arith.constant 0 : index
    %get3A_137 = arith.constant 0 : index
    %get3A_138 = vector.load %arg1[%get3A_134, %get3A_135, %get3A_136, %get3A_137] : memref<1x5x9x128xf32, #tpu.memory_space<vmem>>, vector<1x1x9x128xf32>
    %get3A_139 = vector.shape_cast %get3A_138 : vector<1x1x9x128xf32> to vector<9x128xf32>
    %get3A_140 = arith.constant 0 : index
    %get3A_141 = arith.constant 2 : index
    %get3A_142 = arith.constant 0 : index
    %get3A_143 = arith.constant 0 : index
    %get3A_144 = vector.load %arg1[%get3A_140, %get3A_141, %get3A_142, %get3A_143] : memref<1x5x9x128xf32, #tpu.memory_space<vmem>>, vector<1x1x9x128xf32>
    %get3A_145 = vector.shape_cast %get3A_144 : vector<1x1x9x128xf32> to vector<9x128xf32>
    %get3A_146 = arith.constant 0 : index
    %get3A_147 = arith.constant 3 : index
    %get3A_148 = arith.constant 0 : index
    %get3A_149 = arith.constant 0 : index
    %get3A_150 = vector.load %arg1[%get3A_146, %get3A_147, %get3A_148, %get3A_149] : memref<1x5x9x128xf32, #tpu.memory_space<vmem>>, vector<1x1x9x128xf32>
    %get3A_151 = vector.shape_cast %get3A_150 : vector<1x1x9x128xf32> to vector<9x128xf32>
    %get3A_152 = arith.constant 0 : index
    %get3A_153 = arith.constant 4 : index
    %get3A_154 = arith.constant 0 : index
    %get3A_155 = arith.constant 0 : index
    %get3A_156 = vector.load %arg1[%get3A_152, %get3A_153, %get3A_154, %get3A_155] : memref<1x5x9x128xf32, #tpu.memory_space<vmem>>, vector<1x1x9x128xf32>
    %get3A_157 = vector.shape_cast %get3A_156 : vector<1x1x9x128xf32> to vector<9x128xf32>
    %logistic3A = arith.negf %get3A_133 : vector<9x128xf32>
    %logistic3A_158 = math.exp %logistic3A : vector<9x128xf32>
    %logistic3A_159 = arith.constant 1.000000e+00 : f32
    %logistic3A_160 = vector.broadcast %logistic3A_159 : f32 to vector<9x128xf32>
    %logistic3A_161 = arith.addf %logistic3A_160, %logistic3A_158 : vector<9x128xf32>
    %logistic3A_162 = arith.divf %logistic3A_160, %logistic3A_161 : vector<9x128xf32>
    %add3A_163 = arith.addf %logistic3A_162, %convert_element_type3A_63 : vector<9x128xf32>
    %mul3A_164 = arith.constant 0.0526315793 : f32
    %mul3A_165 = vector.broadcast %mul3A_164 : f32 to vector<9x128xf32>
    %mul3A_166 = arith.mulf %add3A_163, %mul3A_165 : vector<9x128xf32>
    %logistic3A_167 = arith.negf %get3A_139 : vector<9x128xf32>
    %logistic3A_168 = math.exp %logistic3A_167 : vector<9x128xf32>
    %logistic3A_169 = arith.constant 1.000000e+00 : f32
    %logistic3A_170 = vector.broadcast %logistic3A_169 : f32 to vector<9x128xf32>
    %logistic3A_171 = arith.addf %logistic3A_170, %logistic3A_168 : vector<9x128xf32>
    %logistic3A_172 = arith.divf %logistic3A_170, %logistic3A_171 : vector<9x128xf32>
    %add3A_173 = arith.addf %logistic3A_172, %convert_element_type3A_99 : vector<9x128xf32>
    %mul3A_174 = arith.constant 0.0526315793 : f32
    %mul3A_175 = vector.broadcast %mul3A_174 : f32 to vector<9x128xf32>
    %mul3A_176 = arith.mulf %add3A_173, %mul3A_175 : vector<9x128xf32>
    %exp3A = math.exp %get3A_145 : vector<9x128xf32>
    %mul3A_177 = arith.mulf %exp3A, %select_n3A_114 : vector<9x128xf32>
    %exp3A_178 = math.exp %get3A_151 : vector<9x128xf32>
    %mul3A_179 = arith.mulf %exp3A_178, %select_n3A_128 : vector<9x128xf32>
    %mul3A_180 = arith.constant 5.000000e-01 : f32
    %mul3A_181 = vector.broadcast %mul3A_180 : f32 to vector<9x128xf32>
    %mul3A_182 = arith.mulf %mul3A_177, %mul3A_181 : vector<9x128xf32>
    %sub3A_183 = arith.subf %mul3A_166, %mul3A_182 : vector<9x128xf32>
    %mul3A_184 = arith.constant 5.000000e-01 : f32
    %mul3A_185 = vector.broadcast %mul3A_184 : f32 to vector<9x128xf32>
    %mul3A_186 = arith.mulf %mul3A_177, %mul3A_185 : vector<9x128xf32>
    %add3A_187 = arith.addf %mul3A_166, %mul3A_186 : vector<9x128xf32>
    %mul3A_188 = arith.constant 5.000000e-01 : f32
    %mul3A_189 = vector.broadcast %mul3A_188 : f32 to vector<9x128xf32>
    %mul3A_190 = arith.mulf %mul3A_179, %mul3A_189 : vector<9x128xf32>
    %sub3A_191 = arith.subf %mul3A_176, %mul3A_190 : vector<9x128xf32>
    %mul3A_192 = arith.constant 5.000000e-01 : f32
    %mul3A_193 = vector.broadcast %mul3A_192 : f32 to vector<9x128xf32>
    %mul3A_194 = arith.mulf %mul3A_179, %mul3A_193 : vector<9x128xf32>
    %add3A_195 = arith.addf %mul3A_176, %mul3A_194 : vector<9x128xf32>
    %mul3A_196 = arith.mulf %mul3A_177, %mul3A_179 : vector<9x128xf32>
    %broadcast_in_dim3A_197 = arith.constant false
    %broadcast_in_dim3A_198 = vector.broadcast %broadcast_in_dim3A_197 : i1 to vector<9x128xi1>
    %get3A_199 = arith.constant 0 : index
    %get3A_200 = arith.constant 0 : index
    %get3A_201 = arith.constant 0 : index
    %get3A_202 = memref.load %arg2[%get3A_199, %get3A_200, %get3A_201] : memref<1x1x80xf32, #tpu.memory_space<smem>>
    %get3A_203 = arith.constant 0 : index
    %get3A_204 = arith.constant 0 : index
    %get3A_205 = arith.constant 1 : index
    %get3A_206 = memref.load %arg2[%get3A_203, %get3A_204, %get3A_205] : memref<1x1x80xf32, #tpu.memory_space<smem>>
    %get3A_207 = arith.constant 0 : index
    %get3A_208 = arith.constant 0 : index
    %get3A_209 = arith.constant 2 : index
    %get3A_210 = memref.load %arg2[%get3A_207, %get3A_208, %get3A_209] : memref<1x1x80xf32, #tpu.memory_space<smem>>
    %get3A_211 = arith.constant 0 : index
    %get3A_212 = arith.constant 0 : index
    %get3A_213 = arith.constant 3 : index
    %get3A_214 = memref.load %arg2[%get3A_211, %get3A_212, %get3A_213] : memref<1x1x80xf32, #tpu.memory_space<smem>>
    %mul3A_215 = arith.constant 5.000000e-01 : f32
    %mul3A_216 = arith.mulf %get3A_210, %mul3A_215 : f32
    %add3A_217 = arith.addf %get3A_202, %mul3A_216 : f32
    %min3A = vector.broadcast %add3A_217 : f32 to vector<9x128xf32>
    %min3A_218 = arith.minimumf %add3A_187, %min3A : vector<9x128xf32>
    %mul3A_219 = arith.constant 5.000000e-01 : f32
    %mul3A_220 = arith.mulf %get3A_210, %mul3A_219 : f32
    %sub3A_221 = arith.subf %get3A_202, %mul3A_220 : f32
    %max3A = vector.broadcast %sub3A_221 : f32 to vector<9x128xf32>
    %max3A_222 = arith.maximumf %sub3A_183, %max3A : vector<9x128xf32>
    %sub3A_223 = arith.subf %min3A_218, %max3A_222 : vector<9x128xf32>
    %max3A_224 = arith.constant 0.000000e+00 : f32
    %max3A_225 = vector.broadcast %max3A_224 : f32 to vector<9x128xf32>
    %max3A_226 = arith.maximumf %sub3A_223, %max3A_225 : vector<9x128xf32>
    %mul3A_227 = arith.constant 5.000000e-01 : f32
    %mul3A_228 = arith.mulf %get3A_214, %mul3A_227 : f32
    %add3A_229 = arith.addf %get3A_206, %mul3A_228 : f32
    %min3A_230 = vector.broadcast %add3A_229 : f32 to vector<9x128xf32>
    %min3A_231 = arith.minimumf %add3A_195, %min3A_230 : vector<9x128xf32>
    %mul3A_232 = arith.constant 5.000000e-01 : f32
    %mul3A_233 = arith.mulf %get3A_214, %mul3A_232 : f32
    %sub3A_234 = arith.subf %get3A_206, %mul3A_233 : f32
    %max3A_235 = vector.broadcast %sub3A_234 : f32 to vector<9x128xf32>
    %max3A_236 = arith.maximumf %sub3A_191, %max3A_235 : vector<9x128xf32>
    %sub3A_237 = arith.subf %min3A_231, %max3A_236 : vector<9x128xf32>
    %max3A_238 = arith.constant 0.000000e+00 : f32
    %max3A_239 = vector.broadcast %max3A_238 : f32 to vector<9x128xf32>
    %max3A_240 = arith.maximumf %sub3A_237, %max3A_239 : vector<9x128xf32>
    %mul3A_241 = arith.mulf %max3A_226, %max3A_240 : vector<9x128xf32>
    %mul3A_242 = arith.constant 3.000000e+00 : f32
    %mul3A_243 = vector.broadcast %mul3A_242 : f32 to vector<9x128xf32>
    %mul3A_244 = arith.mulf %mul3A_243, %mul3A_241 : vector<9x128xf32>
    %mul3A_245 = arith.mulf %get3A_210, %get3A_214 : f32
    %add3A_246 = vector.broadcast %mul3A_245 : f32 to vector<9x128xf32>
    %add3A_247 = arith.addf %mul3A_196, %add3A_246 : vector<9x128xf32>
    %gt3A = arith.cmpf ogt, %mul3A_244, %add3A_247 : vector<9x128xf32>
    %or3A = arith.ori %broadcast_in_dim3A_198, %gt3A : vector<9x128xi1>
    %get3A_248 = arith.constant 0 : index
    %get3A_249 = arith.constant 0 : index
    %get3A_250 = arith.constant 4 : index
    %get3A_251 = memref.load %arg2[%get3A_248, %get3A_249, %get3A_250] : memref<1x1x80xf32, #tpu.memory_space<smem>>
    %get3A_252 = arith.constant 0 : index
    %get3A_253 = arith.constant 0 : index
    %get3A_254 = arith.constant 5 : index
    %get3A_255 = memref.load %arg2[%get3A_252, %get3A_253, %get3A_254] : memref<1x1x80xf32, #tpu.memory_space<smem>>
    %get3A_256 = arith.constant 0 : index
    %get3A_257 = arith.constant 0 : index
    %get3A_258 = arith.constant 6 : index
    %get3A_259 = memref.load %arg2[%get3A_256, %get3A_257, %get3A_258] : memref<1x1x80xf32, #tpu.memory_space<smem>>
    %get3A_260 = arith.constant 0 : index
    %get3A_261 = arith.constant 0 : index
    %get3A_262 = arith.constant 7 : index
    %get3A_263 = memref.load %arg2[%get3A_260, %get3A_261, %get3A_262] : memref<1x1x80xf32, #tpu.memory_space<smem>>
    %mul3A_264 = arith.constant 5.000000e-01 : f32
    %mul3A_265 = arith.mulf %get3A_259, %mul3A_264 : f32
    %add3A_266 = arith.addf %get3A_251, %mul3A_265 : f32
    %min3A_267 = vector.broadcast %add3A_266 : f32 to vector<9x128xf32>
    %min3A_268 = arith.minimumf %add3A_187, %min3A_267 : vector<9x128xf32>
    %mul3A_269 = arith.constant 5.000000e-01 : f32
    %mul3A_270 = arith.mulf %get3A_259, %mul3A_269 : f32
    %sub3A_271 = arith.subf %get3A_251, %mul3A_270 : f32
    %max3A_272 = vector.broadcast %sub3A_271 : f32 to vector<9x128xf32>
    %max3A_273 = arith.maximumf %sub3A_183, %max3A_272 : vector<9x128xf32>
    %sub3A_274 = arith.subf %min3A_268, %max3A_273 : vector<9x128xf32>
    %max3A_275 = arith.constant 0.000000e+00 : f32
    %max3A_276 = vector.broadcast %max3A_275 : f32 to vector<9x128xf32>
    %max3A_277 = arith.maximumf %sub3A_274, %max3A_276 : vector<9x128xf32>
    %mul3A_278 = arith.constant 5.000000e-01 : f32
    %mul3A_279 = arith.mulf %get3A_263, %mul3A_278 : f32
    %add3A_280 = arith.addf %get3A_255, %mul3A_279 : f32
    %min3A_281 = vector.broadcast %add3A_280 : f32 to vector<9x128xf32>
    %min3A_282 = arith.minimumf %add3A_195, %min3A_281 : vector<9x128xf32>
    %mul3A_283 = arith.constant 5.000000e-01 : f32
    %mul3A_284 = arith.mulf %get3A_263, %mul3A_283 : f32
    %sub3A_285 = arith.subf %get3A_255, %mul3A_284 : f32
    %max3A_286 = vector.broadcast %sub3A_285 : f32 to vector<9x128xf32>
    %max3A_287 = arith.maximumf %sub3A_191, %max3A_286 : vector<9x128xf32>
    %sub3A_288 = arith.subf %min3A_282, %max3A_287 : vector<9x128xf32>
    %max3A_289 = arith.constant 0.000000e+00 : f32
    %max3A_290 = vector.broadcast %max3A_289 : f32 to vector<9x128xf32>
    %max3A_291 = arith.maximumf %sub3A_288, %max3A_290 : vector<9x128xf32>
    %mul3A_292 = arith.mulf %max3A_277, %max3A_291 : vector<9x128xf32>
    %mul3A_293 = arith.constant 3.000000e+00 : f32
    %mul3A_294 = vector.broadcast %mul3A_293 : f32 to vector<9x128xf32>
    %mul3A_295 = arith.mulf %mul3A_294, %mul3A_292 : vector<9x128xf32>
    %mul3A_296 = arith.mulf %get3A_259, %get3A_263 : f32
    %add3A_297 = vector.broadcast %mul3A_296 : f32 to vector<9x128xf32>
    %add3A_298 = arith.addf %mul3A_196, %add3A_297 : vector<9x128xf32>
    %gt3A_299 = arith.cmpf ogt, %mul3A_295, %add3A_298 : vector<9x128xf32>
    %or3A_300 = arith.ori %or3A, %gt3A_299 : vector<9x128xi1>
    %get3A_301 = arith.constant 0 : index
    %get3A_302 = arith.constant 0 : index
    %get3A_303 = arith.constant 8 : index
    %get3A_304 = memref.load %arg2[%get3A_301, %get3A_302, %get3A_303] : memref<1x1x80xf32, #tpu.memory_space<smem>>
    %get3A_305 = arith.constant 0 : index
    %get3A_306 = arith.constant 0 : index
    %get3A_307 = arith.constant 9 : index
    %get3A_308 = memref.load %arg2[%get3A_305, %get3A_306, %get3A_307] : memref<1x1x80xf32, #tpu.memory_space<smem>>
    %get3A_309 = arith.constant 0 : index
    %get3A_310 = arith.constant 0 : index
    %get3A_311 = arith.constant 10 : index
    %get3A_312 = memref.load %arg2[%get3A_309, %get3A_310, %get3A_311] : memref<1x1x80xf32, #tpu.memory_space<smem>>
    %get3A_313 = arith.constant 0 : index
    %get3A_314 = arith.constant 0 : index
    %get3A_315 = arith.constant 11 : index
    %get3A_316 = memref.load %arg2[%get3A_313, %get3A_314, %get3A_315] : memref<1x1x80xf32, #tpu.memory_space<smem>>
    %mul3A_317 = arith.constant 5.000000e-01 : f32
    %mul3A_318 = arith.mulf %get3A_312, %mul3A_317 : f32
    %add3A_319 = arith.addf %get3A_304, %mul3A_318 : f32
    %min3A_320 = vector.broadcast %add3A_319 : f32 to vector<9x128xf32>
    %min3A_321 = arith.minimumf %add3A_187, %min3A_320 : vector<9x128xf32>
    %mul3A_322 = arith.constant 5.000000e-01 : f32
    %mul3A_323 = arith.mulf %get3A_312, %mul3A_322 : f32
    %sub3A_324 = arith.subf %get3A_304, %mul3A_323 : f32
    %max3A_325 = vector.broadcast %sub3A_324 : f32 to vector<9x128xf32>
    %max3A_326 = arith.maximumf %sub3A_183, %max3A_325 : vector<9x128xf32>
    %sub3A_327 = arith.subf %min3A_321, %max3A_326 : vector<9x128xf32>
    %max3A_328 = arith.constant 0.000000e+00 : f32
    %max3A_329 = vector.broadcast %max3A_328 : f32 to vector<9x128xf32>
    %max3A_330 = arith.maximumf %sub3A_327, %max3A_329 : vector<9x128xf32>
    %mul3A_331 = arith.constant 5.000000e-01 : f32
    %mul3A_332 = arith.mulf %get3A_316, %mul3A_331 : f32
    %add3A_333 = arith.addf %get3A_308, %mul3A_332 : f32
    %min3A_334 = vector.broadcast %add3A_333 : f32 to vector<9x128xf32>
    %min3A_335 = arith.minimumf %add3A_195, %min3A_334 : vector<9x128xf32>
    %mul3A_336 = arith.constant 5.000000e-01 : f32
    %mul3A_337 = arith.mulf %get3A_316, %mul3A_336 : f32
    %sub3A_338 = arith.subf %get3A_308, %mul3A_337 : f32
    %max3A_339 = vector.broadcast %sub3A_338 : f32 to vector<9x128xf32>
    %max3A_340 = arith.maximumf %sub3A_191, %max3A_339 : vector<9x128xf32>
    %sub3A_341 = arith.subf %min3A_335, %max3A_340 : vector<9x128xf32>
    %max3A_342 = arith.constant 0.000000e+00 : f32
    %max3A_343 = vector.broadcast %max3A_342 : f32 to vector<9x128xf32>
    %max3A_344 = arith.maximumf %sub3A_341, %max3A_343 : vector<9x128xf32>
    %mul3A_345 = arith.mulf %max3A_330, %max3A_344 : vector<9x128xf32>
    %mul3A_346 = arith.constant 3.000000e+00 : f32
    %mul3A_347 = vector.broadcast %mul3A_346 : f32 to vector<9x128xf32>
    %mul3A_348 = arith.mulf %mul3A_347, %mul3A_345 : vector<9x128xf32>
    %mul3A_349 = arith.mulf %get3A_312, %get3A_316 : f32
    %add3A_350 = vector.broadcast %mul3A_349 : f32 to vector<9x128xf32>
    %add3A_351 = arith.addf %mul3A_196, %add3A_350 : vector<9x128xf32>
    %gt3A_352 = arith.cmpf ogt, %mul3A_348, %add3A_351 : vector<9x128xf32>
    %or3A_353 = arith.ori %or3A_300, %gt3A_352 : vector<9x128xi1>
    %get3A_354 = arith.constant 0 : index
    %get3A_355 = arith.constant 0 : index
    %get3A_356 = arith.constant 12 : index
    %get3A_357 = memref.load %arg2[%get3A_354, %get3A_355, %get3A_356] : memref<1x1x80xf32, #tpu.memory_space<smem>>
    %get3A_358 = arith.constant 0 : index
    %get3A_359 = arith.constant 0 : index
    %get3A_360 = arith.constant 13 : index
    %get3A_361 = memref.load %arg2[%get3A_358, %get3A_359, %get3A_360] : memref<1x1x80xf32, #tpu.memory_space<smem>>
    %get3A_362 = arith.constant 0 : index
    %get3A_363 = arith.constant 0 : index
    %get3A_364 = arith.constant 14 : index
    %get3A_365 = memref.load %arg2[%get3A_362, %get3A_363, %get3A_364] : memref<1x1x80xf32, #tpu.memory_space<smem>>
    %get3A_366 = arith.constant 0 : index
    %get3A_367 = arith.constant 0 : index
    %get3A_368 = arith.constant 15 : index
    %get3A_369 = memref.load %arg2[%get3A_366, %get3A_367, %get3A_368] : memref<1x1x80xf32, #tpu.memory_space<smem>>
    %mul3A_370 = arith.constant 5.000000e-01 : f32
    %mul3A_371 = arith.mulf %get3A_365, %mul3A_370 : f32
    %add3A_372 = arith.addf %get3A_357, %mul3A_371 : f32
    %min3A_373 = vector.broadcast %add3A_372 : f32 to vector<9x128xf32>
    %min3A_374 = arith.minimumf %add3A_187, %min3A_373 : vector<9x128xf32>
    %mul3A_375 = arith.constant 5.000000e-01 : f32
    %mul3A_376 = arith.mulf %get3A_365, %mul3A_375 : f32
    %sub3A_377 = arith.subf %get3A_357, %mul3A_376 : f32
    %max3A_378 = vector.broadcast %sub3A_377 : f32 to vector<9x128xf32>
    %max3A_379 = arith.maximumf %sub3A_183, %max3A_378 : vector<9x128xf32>
    %sub3A_380 = arith.subf %min3A_374, %max3A_379 : vector<9x128xf32>
    %max3A_381 = arith.constant 0.000000e+00 : f32
    %max3A_382 = vector.broadcast %max3A_381 : f32 to vector<9x128xf32>
    %max3A_383 = arith.maximumf %sub3A_380, %max3A_382 : vector<9x128xf32>
    %mul3A_384 = arith.constant 5.000000e-01 : f32
    %mul3A_385 = arith.mulf %get3A_369, %mul3A_384 : f32
    %add3A_386 = arith.addf %get3A_361, %mul3A_385 : f32
    %min3A_387 = vector.broadcast %add3A_386 : f32 to vector<9x128xf32>
    %min3A_388 = arith.minimumf %add3A_195, %min3A_387 : vector<9x128xf32>
    %mul3A_389 = arith.constant 5.000000e-01 : f32
    %mul3A_390 = arith.mulf %get3A_369, %mul3A_389 : f32
    %sub3A_391 = arith.subf %get3A_361, %mul3A_390 : f32
    %max3A_392 = vector.broadcast %sub3A_391 : f32 to vector<9x128xf32>
    %max3A_393 = arith.maximumf %sub3A_191, %max3A_392 : vector<9x128xf32>
    %sub3A_394 = arith.subf %min3A_388, %max3A_393 : vector<9x128xf32>
    %max3A_395 = arith.constant 0.000000e+00 : f32
    %max3A_396 = vector.broadcast %max3A_395 : f32 to vector<9x128xf32>
    %max3A_397 = arith.maximumf %sub3A_394, %max3A_396 : vector<9x128xf32>
    %mul3A_398 = arith.mulf %max3A_383, %max3A_397 : vector<9x128xf32>
    %mul3A_399 = arith.constant 3.000000e+00 : f32
    %mul3A_400 = vector.broadcast %mul3A_399 : f32 to vector<9x128xf32>
    %mul3A_401 = arith.mulf %mul3A_400, %mul3A_398 : vector<9x128xf32>
    %mul3A_402 = arith.mulf %get3A_365, %get3A_369 : f32
    %add3A_403 = vector.broadcast %mul3A_402 : f32 to vector<9x128xf32>
    %add3A_404 = arith.addf %mul3A_196, %add3A_403 : vector<9x128xf32>
    %gt3A_405 = arith.cmpf ogt, %mul3A_401, %add3A_404 : vector<9x128xf32>
    %or3A_406 = arith.ori %or3A_353, %gt3A_405 : vector<9x128xi1>
    %get3A_407 = arith.constant 0 : index
    %get3A_408 = arith.constant 0 : index
    %get3A_409 = arith.constant 16 : index
    %get3A_410 = memref.load %arg2[%get3A_407, %get3A_408, %get3A_409] : memref<1x1x80xf32, #tpu.memory_space<smem>>
    %get3A_411 = arith.constant 0 : index
    %get3A_412 = arith.constant 0 : index
    %get3A_413 = arith.constant 17 : index
    %get3A_414 = memref.load %arg2[%get3A_411, %get3A_412, %get3A_413] : memref<1x1x80xf32, #tpu.memory_space<smem>>
    %get3A_415 = arith.constant 0 : index
    %get3A_416 = arith.constant 0 : index
    %get3A_417 = arith.constant 18 : index
    %get3A_418 = memref.load %arg2[%get3A_415, %get3A_416, %get3A_417] : memref<1x1x80xf32, #tpu.memory_space<smem>>
    %get3A_419 = arith.constant 0 : index
    %get3A_420 = arith.constant 0 : index
    %get3A_421 = arith.constant 19 : index
    %get3A_422 = memref.load %arg2[%get3A_419, %get3A_420, %get3A_421] : memref<1x1x80xf32, #tpu.memory_space<smem>>
    %mul3A_423 = arith.constant 5.000000e-01 : f32
    %mul3A_424 = arith.mulf %get3A_418, %mul3A_423 : f32
    %add3A_425 = arith.addf %get3A_410, %mul3A_424 : f32
    %min3A_426 = vector.broadcast %add3A_425 : f32 to vector<9x128xf32>
    %min3A_427 = arith.minimumf %add3A_187, %min3A_426 : vector<9x128xf32>
    %mul3A_428 = arith.constant 5.000000e-01 : f32
    %mul3A_429 = arith.mulf %get3A_418, %mul3A_428 : f32
    %sub3A_430 = arith.subf %get3A_410, %mul3A_429 : f32
    %max3A_431 = vector.broadcast %sub3A_430 : f32 to vector<9x128xf32>
    %max3A_432 = arith.maximumf %sub3A_183, %max3A_431 : vector<9x128xf32>
    %sub3A_433 = arith.subf %min3A_427, %max3A_432 : vector<9x128xf32>
    %max3A_434 = arith.constant 0.000000e+00 : f32
    %max3A_435 = vector.broadcast %max3A_434 : f32 to vector<9x128xf32>
    %max3A_436 = arith.maximumf %sub3A_433, %max3A_435 : vector<9x128xf32>
    %mul3A_437 = arith.constant 5.000000e-01 : f32
    %mul3A_438 = arith.mulf %get3A_422, %mul3A_437 : f32
    %add3A_439 = arith.addf %get3A_414, %mul3A_438 : f32
    %min3A_440 = vector.broadcast %add3A_439 : f32 to vector<9x128xf32>
    %min3A_441 = arith.minimumf %add3A_195, %min3A_440 : vector<9x128xf32>
    %mul3A_442 = arith.constant 5.000000e-01 : f32
    %mul3A_443 = arith.mulf %get3A_422, %mul3A_442 : f32
    %sub3A_444 = arith.subf %get3A_414, %mul3A_443 : f32
    %max3A_445 = vector.broadcast %sub3A_444 : f32 to vector<9x128xf32>
    %max3A_446 = arith.maximumf %sub3A_191, %max3A_445 : vector<9x128xf32>
    %sub3A_447 = arith.subf %min3A_441, %max3A_446 : vector<9x128xf32>
    %max3A_448 = arith.constant 0.000000e+00 : f32
    %max3A_449 = vector.broadcast %max3A_448 : f32 to vector<9x128xf32>
    %max3A_450 = arith.maximumf %sub3A_447, %max3A_449 : vector<9x128xf32>
    %mul3A_451 = arith.mulf %max3A_436, %max3A_450 : vector<9x128xf32>
    %mul3A_452 = arith.constant 3.000000e+00 : f32
    %mul3A_453 = vector.broadcast %mul3A_452 : f32 to vector<9x128xf32>
    %mul3A_454 = arith.mulf %mul3A_453, %mul3A_451 : vector<9x128xf32>
    %mul3A_455 = arith.mulf %get3A_418, %get3A_422 : f32
    %add3A_456 = vector.broadcast %mul3A_455 : f32 to vector<9x128xf32>
    %add3A_457 = arith.addf %mul3A_196, %add3A_456 : vector<9x128xf32>
    %gt3A_458 = arith.cmpf ogt, %mul3A_454, %add3A_457 : vector<9x128xf32>
    %or3A_459 = arith.ori %or3A_406, %gt3A_458 : vector<9x128xi1>
    %get3A_460 = arith.constant 0 : index
    %get3A_461 = arith.constant 0 : index
    %get3A_462 = arith.constant 20 : index
    %get3A_463 = memref.load %arg2[%get3A_460, %get3A_461, %get3A_462] : memref<1x1x80xf32, #tpu.memory_space<smem>>
    %get3A_464 = arith.constant 0 : index
    %get3A_465 = arith.constant 0 : index
    %get3A_466 = arith.constant 21 : index
    %get3A_467 = memref.load %arg2[%get3A_464, %get3A_465, %get3A_466] : memref<1x1x80xf32, #tpu.memory_space<smem>>
    %get3A_468 = arith.constant 0 : index
    %get3A_469 = arith.constant 0 : index
    %get3A_470 = arith.constant 22 : index
    %get3A_471 = memref.load %arg2[%get3A_468, %get3A_469, %get3A_470] : memref<1x1x80xf32, #tpu.memory_space<smem>>
    %get3A_472 = arith.constant 0 : index
    %get3A_473 = arith.constant 0 : index
    %get3A_474 = arith.constant 23 : index
    %get3A_475 = memref.load %arg2[%get3A_472, %get3A_473, %get3A_474] : memref<1x1x80xf32, #tpu.memory_space<smem>>
    %mul3A_476 = arith.constant 5.000000e-01 : f32
    %mul3A_477 = arith.mulf %get3A_471, %mul3A_476 : f32
    %add3A_478 = arith.addf %get3A_463, %mul3A_477 : f32
    %min3A_479 = vector.broadcast %add3A_478 : f32 to vector<9x128xf32>
    %min3A_480 = arith.minimumf %add3A_187, %min3A_479 : vector<9x128xf32>
    %mul3A_481 = arith.constant 5.000000e-01 : f32
    %mul3A_482 = arith.mulf %get3A_471, %mul3A_481 : f32
    %sub3A_483 = arith.subf %get3A_463, %mul3A_482 : f32
    %max3A_484 = vector.broadcast %sub3A_483 : f32 to vector<9x128xf32>
    %max3A_485 = arith.maximumf %sub3A_183, %max3A_484 : vector<9x128xf32>
    %sub3A_486 = arith.subf %min3A_480, %max3A_485 : vector<9x128xf32>
    %max3A_487 = arith.constant 0.000000e+00 : f32
    %max3A_488 = vector.broadcast %max3A_487 : f32 to vector<9x128xf32>
    %max3A_489 = arith.maximumf %sub3A_486, %max3A_488 : vector<9x128xf32>
    %mul3A_490 = arith.constant 5.000000e-01 : f32
    %mul3A_491 = arith.mulf %get3A_475, %mul3A_490 : f32
    %add3A_492 = arith.addf %get3A_467, %mul3A_491 : f32
    %min3A_493 = vector.broadcast %add3A_492 : f32 to vector<9x128xf32>
    %min3A_494 = arith.minimumf %add3A_195, %min3A_493 : vector<9x128xf32>
    %mul3A_495 = arith.constant 5.000000e-01 : f32
    %mul3A_496 = arith.mulf %get3A_475, %mul3A_495 : f32
    %sub3A_497 = arith.subf %get3A_467, %mul3A_496 : f32
    %max3A_498 = vector.broadcast %sub3A_497 : f32 to vector<9x128xf32>
    %max3A_499 = arith.maximumf %sub3A_191, %max3A_498 : vector<9x128xf32>
    %sub3A_500 = arith.subf %min3A_494, %max3A_499 : vector<9x128xf32>
    %max3A_501 = arith.constant 0.000000e+00 : f32
    %max3A_502 = vector.broadcast %max3A_501 : f32 to vector<9x128xf32>
    %max3A_503 = arith.maximumf %sub3A_500, %max3A_502 : vector<9x128xf32>
    %mul3A_504 = arith.mulf %max3A_489, %max3A_503 : vector<9x128xf32>
    %mul3A_505 = arith.constant 3.000000e+00 : f32
    %mul3A_506 = vector.broadcast %mul3A_505 : f32 to vector<9x128xf32>
    %mul3A_507 = arith.mulf %mul3A_506, %mul3A_504 : vector<9x128xf32>
    %mul3A_508 = arith.mulf %get3A_471, %get3A_475 : f32
    %add3A_509 = vector.broadcast %mul3A_508 : f32 to vector<9x128xf32>
    %add3A_510 = arith.addf %mul3A_196, %add3A_509 : vector<9x128xf32>
    %gt3A_511 = arith.cmpf ogt, %mul3A_507, %add3A_510 : vector<9x128xf32>
    %or3A_512 = arith.ori %or3A_459, %gt3A_511 : vector<9x128xi1>
    %get3A_513 = arith.constant 0 : index
    %get3A_514 = arith.constant 0 : index
    %get3A_515 = arith.constant 24 : index
    %get3A_516 = memref.load %arg2[%get3A_513, %get3A_514, %get3A_515] : memref<1x1x80xf32, #tpu.memory_space<smem>>
    %get3A_517 = arith.constant 0 : index
    %get3A_518 = arith.constant 0 : index
    %get3A_519 = arith.constant 25 : index
    %get3A_520 = memref.load %arg2[%get3A_517, %get3A_518, %get3A_519] : memref<1x1x80xf32, #tpu.memory_space<smem>>
    %get3A_521 = arith.constant 0 : index
    %get3A_522 = arith.constant 0 : index
    %get3A_523 = arith.constant 26 : index
    %get3A_524 = memref.load %arg2[%get3A_521, %get3A_522, %get3A_523] : memref<1x1x80xf32, #tpu.memory_space<smem>>
    %get3A_525 = arith.constant 0 : index
    %get3A_526 = arith.constant 0 : index
    %get3A_527 = arith.constant 27 : index
    %get3A_528 = memref.load %arg2[%get3A_525, %get3A_526, %get3A_527] : memref<1x1x80xf32, #tpu.memory_space<smem>>
    %mul3A_529 = arith.constant 5.000000e-01 : f32
    %mul3A_530 = arith.mulf %get3A_524, %mul3A_529 : f32
    %add3A_531 = arith.addf %get3A_516, %mul3A_530 : f32
    %min3A_532 = vector.broadcast %add3A_531 : f32 to vector<9x128xf32>
    %min3A_533 = arith.minimumf %add3A_187, %min3A_532 : vector<9x128xf32>
    %mul3A_534 = arith.constant 5.000000e-01 : f32
    %mul3A_535 = arith.mulf %get3A_524, %mul3A_534 : f32
    %sub3A_536 = arith.subf %get3A_516, %mul3A_535 : f32
    %max3A_537 = vector.broadcast %sub3A_536 : f32 to vector<9x128xf32>
    %max3A_538 = arith.maximumf %sub3A_183, %max3A_537 : vector<9x128xf32>
    %sub3A_539 = arith.subf %min3A_533, %max3A_538 : vector<9x128xf32>
    %max3A_540 = arith.constant 0.000000e+00 : f32
    %max3A_541 = vector.broadcast %max3A_540 : f32 to vector<9x128xf32>
    %max3A_542 = arith.maximumf %sub3A_539, %max3A_541 : vector<9x128xf32>
    %mul3A_543 = arith.constant 5.000000e-01 : f32
    %mul3A_544 = arith.mulf %get3A_528, %mul3A_543 : f32
    %add3A_545 = arith.addf %get3A_520, %mul3A_544 : f32
    %min3A_546 = vector.broadcast %add3A_545 : f32 to vector<9x128xf32>
    %min3A_547 = arith.minimumf %add3A_195, %min3A_546 : vector<9x128xf32>
    %mul3A_548 = arith.constant 5.000000e-01 : f32
    %mul3A_549 = arith.mulf %get3A_528, %mul3A_548 : f32
    %sub3A_550 = arith.subf %get3A_520, %mul3A_549 : f32
    %max3A_551 = vector.broadcast %sub3A_550 : f32 to vector<9x128xf32>
    %max3A_552 = arith.maximumf %sub3A_191, %max3A_551 : vector<9x128xf32>
    %sub3A_553 = arith.subf %min3A_547, %max3A_552 : vector<9x128xf32>
    %max3A_554 = arith.constant 0.000000e+00 : f32
    %max3A_555 = vector.broadcast %max3A_554 : f32 to vector<9x128xf32>
    %max3A_556 = arith.maximumf %sub3A_553, %max3A_555 : vector<9x128xf32>
    %mul3A_557 = arith.mulf %max3A_542, %max3A_556 : vector<9x128xf32>
    %mul3A_558 = arith.constant 3.000000e+00 : f32
    %mul3A_559 = vector.broadcast %mul3A_558 : f32 to vector<9x128xf32>
    %mul3A_560 = arith.mulf %mul3A_559, %mul3A_557 : vector<9x128xf32>
    %mul3A_561 = arith.mulf %get3A_524, %get3A_528 : f32
    %add3A_562 = vector.broadcast %mul3A_561 : f32 to vector<9x128xf32>
    %add3A_563 = arith.addf %mul3A_196, %add3A_562 : vector<9x128xf32>
    %gt3A_564 = arith.cmpf ogt, %mul3A_560, %add3A_563 : vector<9x128xf32>
    %or3A_565 = arith.ori %or3A_512, %gt3A_564 : vector<9x128xi1>
    %get3A_566 = arith.constant 0 : index
    %get3A_567 = arith.constant 0 : index
    %get3A_568 = arith.constant 28 : index
    %get3A_569 = memref.load %arg2[%get3A_566, %get3A_567, %get3A_568] : memref<1x1x80xf32, #tpu.memory_space<smem>>
    %get3A_570 = arith.constant 0 : index
    %get3A_571 = arith.constant 0 : index
    %get3A_572 = arith.constant 29 : index
    %get3A_573 = memref.load %arg2[%get3A_570, %get3A_571, %get3A_572] : memref<1x1x80xf32, #tpu.memory_space<smem>>
    %get3A_574 = arith.constant 0 : index
    %get3A_575 = arith.constant 0 : index
    %get3A_576 = arith.constant 30 : index
    %get3A_577 = memref.load %arg2[%get3A_574, %get3A_575, %get3A_576] : memref<1x1x80xf32, #tpu.memory_space<smem>>
    %get3A_578 = arith.constant 0 : index
    %get3A_579 = arith.constant 0 : index
    %get3A_580 = arith.constant 31 : index
    %get3A_581 = memref.load %arg2[%get3A_578, %get3A_579, %get3A_580] : memref<1x1x80xf32, #tpu.memory_space<smem>>
    %mul3A_582 = arith.constant 5.000000e-01 : f32
    %mul3A_583 = arith.mulf %get3A_577, %mul3A_582 : f32
    %add3A_584 = arith.addf %get3A_569, %mul3A_583 : f32
    %min3A_585 = vector.broadcast %add3A_584 : f32 to vector<9x128xf32>
    %min3A_586 = arith.minimumf %add3A_187, %min3A_585 : vector<9x128xf32>
    %mul3A_587 = arith.constant 5.000000e-01 : f32
    %mul3A_588 = arith.mulf %get3A_577, %mul3A_587 : f32
    %sub3A_589 = arith.subf %get3A_569, %mul3A_588 : f32
    %max3A_590 = vector.broadcast %sub3A_589 : f32 to vector<9x128xf32>
    %max3A_591 = arith.maximumf %sub3A_183, %max3A_590 : vector<9x128xf32>
    %sub3A_592 = arith.subf %min3A_586, %max3A_591 : vector<9x128xf32>
    %max3A_593 = arith.constant 0.000000e+00 : f32
    %max3A_594 = vector.broadcast %max3A_593 : f32 to vector<9x128xf32>
    %max3A_595 = arith.maximumf %sub3A_592, %max3A_594 : vector<9x128xf32>
    %mul3A_596 = arith.constant 5.000000e-01 : f32
    %mul3A_597 = arith.mulf %get3A_581, %mul3A_596 : f32
    %add3A_598 = arith.addf %get3A_573, %mul3A_597 : f32
    %min3A_599 = vector.broadcast %add3A_598 : f32 to vector<9x128xf32>
    %min3A_600 = arith.minimumf %add3A_195, %min3A_599 : vector<9x128xf32>
    %mul3A_601 = arith.constant 5.000000e-01 : f32
    %mul3A_602 = arith.mulf %get3A_581, %mul3A_601 : f32
    %sub3A_603 = arith.subf %get3A_573, %mul3A_602 : f32
    %max3A_604 = vector.broadcast %sub3A_603 : f32 to vector<9x128xf32>
    %max3A_605 = arith.maximumf %sub3A_191, %max3A_604 : vector<9x128xf32>
    %sub3A_606 = arith.subf %min3A_600, %max3A_605 : vector<9x128xf32>
    %max3A_607 = arith.constant 0.000000e+00 : f32
    %max3A_608 = vector.broadcast %max3A_607 : f32 to vector<9x128xf32>
    %max3A_609 = arith.maximumf %sub3A_606, %max3A_608 : vector<9x128xf32>
    %mul3A_610 = arith.mulf %max3A_595, %max3A_609 : vector<9x128xf32>
    %mul3A_611 = arith.constant 3.000000e+00 : f32
    %mul3A_612 = vector.broadcast %mul3A_611 : f32 to vector<9x128xf32>
    %mul3A_613 = arith.mulf %mul3A_612, %mul3A_610 : vector<9x128xf32>
    %mul3A_614 = arith.mulf %get3A_577, %get3A_581 : f32
    %add3A_615 = vector.broadcast %mul3A_614 : f32 to vector<9x128xf32>
    %add3A_616 = arith.addf %mul3A_196, %add3A_615 : vector<9x128xf32>
    %gt3A_617 = arith.cmpf ogt, %mul3A_613, %add3A_616 : vector<9x128xf32>
    %or3A_618 = arith.ori %or3A_565, %gt3A_617 : vector<9x128xi1>
    %get3A_619 = arith.constant 0 : index
    %get3A_620 = arith.constant 0 : index
    %get3A_621 = arith.constant 32 : index
    %get3A_622 = memref.load %arg2[%get3A_619, %get3A_620, %get3A_621] : memref<1x1x80xf32, #tpu.memory_space<smem>>
    %get3A_623 = arith.constant 0 : index
    %get3A_624 = arith.constant 0 : index
    %get3A_625 = arith.constant 33 : index
    %get3A_626 = memref.load %arg2[%get3A_623, %get3A_624, %get3A_625] : memref<1x1x80xf32, #tpu.memory_space<smem>>
    %get3A_627 = arith.constant 0 : index
    %get3A_628 = arith.constant 0 : index
    %get3A_629 = arith.constant 34 : index
    %get3A_630 = memref.load %arg2[%get3A_627, %get3A_628, %get3A_629] : memref<1x1x80xf32, #tpu.memory_space<smem>>
    %get3A_631 = arith.constant 0 : index
    %get3A_632 = arith.constant 0 : index
    %get3A_633 = arith.constant 35 : index
    %get3A_634 = memref.load %arg2[%get3A_631, %get3A_632, %get3A_633] : memref<1x1x80xf32, #tpu.memory_space<smem>>
    %mul3A_635 = arith.constant 5.000000e-01 : f32
    %mul3A_636 = arith.mulf %get3A_630, %mul3A_635 : f32
    %add3A_637 = arith.addf %get3A_622, %mul3A_636 : f32
    %min3A_638 = vector.broadcast %add3A_637 : f32 to vector<9x128xf32>
    %min3A_639 = arith.minimumf %add3A_187, %min3A_638 : vector<9x128xf32>
    %mul3A_640 = arith.constant 5.000000e-01 : f32
    %mul3A_641 = arith.mulf %get3A_630, %mul3A_640 : f32
    %sub3A_642 = arith.subf %get3A_622, %mul3A_641 : f32
    %max3A_643 = vector.broadcast %sub3A_642 : f32 to vector<9x128xf32>
    %max3A_644 = arith.maximumf %sub3A_183, %max3A_643 : vector<9x128xf32>
    %sub3A_645 = arith.subf %min3A_639, %max3A_644 : vector<9x128xf32>
    %max3A_646 = arith.constant 0.000000e+00 : f32
    %max3A_647 = vector.broadcast %max3A_646 : f32 to vector<9x128xf32>
    %max3A_648 = arith.maximumf %sub3A_645, %max3A_647 : vector<9x128xf32>
    %mul3A_649 = arith.constant 5.000000e-01 : f32
    %mul3A_650 = arith.mulf %get3A_634, %mul3A_649 : f32
    %add3A_651 = arith.addf %get3A_626, %mul3A_650 : f32
    %min3A_652 = vector.broadcast %add3A_651 : f32 to vector<9x128xf32>
    %min3A_653 = arith.minimumf %add3A_195, %min3A_652 : vector<9x128xf32>
    %mul3A_654 = arith.constant 5.000000e-01 : f32
    %mul3A_655 = arith.mulf %get3A_634, %mul3A_654 : f32
    %sub3A_656 = arith.subf %get3A_626, %mul3A_655 : f32
    %max3A_657 = vector.broadcast %sub3A_656 : f32 to vector<9x128xf32>
    %max3A_658 = arith.maximumf %sub3A_191, %max3A_657 : vector<9x128xf32>
    %sub3A_659 = arith.subf %min3A_653, %max3A_658 : vector<9x128xf32>
    %max3A_660 = arith.constant 0.000000e+00 : f32
    %max3A_661 = vector.broadcast %max3A_660 : f32 to vector<9x128xf32>
    %max3A_662 = arith.maximumf %sub3A_659, %max3A_661 : vector<9x128xf32>
    %mul3A_663 = arith.mulf %max3A_648, %max3A_662 : vector<9x128xf32>
    %mul3A_664 = arith.constant 3.000000e+00 : f32
    %mul3A_665 = vector.broadcast %mul3A_664 : f32 to vector<9x128xf32>
    %mul3A_666 = arith.mulf %mul3A_665, %mul3A_663 : vector<9x128xf32>
    %mul3A_667 = arith.mulf %get3A_630, %get3A_634 : f32
    %add3A_668 = vector.broadcast %mul3A_667 : f32 to vector<9x128xf32>
    %add3A_669 = arith.addf %mul3A_196, %add3A_668 : vector<9x128xf32>
    %gt3A_670 = arith.cmpf ogt, %mul3A_666, %add3A_669 : vector<9x128xf32>
    %or3A_671 = arith.ori %or3A_618, %gt3A_670 : vector<9x128xi1>
    %get3A_672 = arith.constant 0 : index
    %get3A_673 = arith.constant 0 : index
    %get3A_674 = arith.constant 36 : index
    %get3A_675 = memref.load %arg2[%get3A_672, %get3A_673, %get3A_674] : memref<1x1x80xf32, #tpu.memory_space<smem>>
    %get3A_676 = arith.constant 0 : index
    %get3A_677 = arith.constant 0 : index
    %get3A_678 = arith.constant 37 : index
    %get3A_679 = memref.load %arg2[%get3A_676, %get3A_677, %get3A_678] : memref<1x1x80xf32, #tpu.memory_space<smem>>
    %get3A_680 = arith.constant 0 : index
    %get3A_681 = arith.constant 0 : index
    %get3A_682 = arith.constant 38 : index
    %get3A_683 = memref.load %arg2[%get3A_680, %get3A_681, %get3A_682] : memref<1x1x80xf32, #tpu.memory_space<smem>>
    %get3A_684 = arith.constant 0 : index
    %get3A_685 = arith.constant 0 : index
    %get3A_686 = arith.constant 39 : index
    %get3A_687 = memref.load %arg2[%get3A_684, %get3A_685, %get3A_686] : memref<1x1x80xf32, #tpu.memory_space<smem>>
    %mul3A_688 = arith.constant 5.000000e-01 : f32
    %mul3A_689 = arith.mulf %get3A_683, %mul3A_688 : f32
    %add3A_690 = arith.addf %get3A_675, %mul3A_689 : f32
    %min3A_691 = vector.broadcast %add3A_690 : f32 to vector<9x128xf32>
    %min3A_692 = arith.minimumf %add3A_187, %min3A_691 : vector<9x128xf32>
    %mul3A_693 = arith.constant 5.000000e-01 : f32
    %mul3A_694 = arith.mulf %get3A_683, %mul3A_693 : f32
    %sub3A_695 = arith.subf %get3A_675, %mul3A_694 : f32
    %max3A_696 = vector.broadcast %sub3A_695 : f32 to vector<9x128xf32>
    %max3A_697 = arith.maximumf %sub3A_183, %max3A_696 : vector<9x128xf32>
    %sub3A_698 = arith.subf %min3A_692, %max3A_697 : vector<9x128xf32>
    %max3A_699 = arith.constant 0.000000e+00 : f32
    %max3A_700 = vector.broadcast %max3A_699 : f32 to vector<9x128xf32>
    %max3A_701 = arith.maximumf %sub3A_698, %max3A_700 : vector<9x128xf32>
    %mul3A_702 = arith.constant 5.000000e-01 : f32
    %mul3A_703 = arith.mulf %get3A_687, %mul3A_702 : f32
    %add3A_704 = arith.addf %get3A_679, %mul3A_703 : f32
    %min3A_705 = vector.broadcast %add3A_704 : f32 to vector<9x128xf32>
    %min3A_706 = arith.minimumf %add3A_195, %min3A_705 : vector<9x128xf32>
    %mul3A_707 = arith.constant 5.000000e-01 : f32
    %mul3A_708 = arith.mulf %get3A_687, %mul3A_707 : f32
    %sub3A_709 = arith.subf %get3A_679, %mul3A_708 : f32
    %max3A_710 = vector.broadcast %sub3A_709 : f32 to vector<9x128xf32>
    %max3A_711 = arith.maximumf %sub3A_191, %max3A_710 : vector<9x128xf32>
    %sub3A_712 = arith.subf %min3A_706, %max3A_711 : vector<9x128xf32>
    %max3A_713 = arith.constant 0.000000e+00 : f32
    %max3A_714 = vector.broadcast %max3A_713 : f32 to vector<9x128xf32>
    %max3A_715 = arith.maximumf %sub3A_712, %max3A_714 : vector<9x128xf32>
    %mul3A_716 = arith.mulf %max3A_701, %max3A_715 : vector<9x128xf32>
    %mul3A_717 = arith.constant 3.000000e+00 : f32
    %mul3A_718 = vector.broadcast %mul3A_717 : f32 to vector<9x128xf32>
    %mul3A_719 = arith.mulf %mul3A_718, %mul3A_716 : vector<9x128xf32>
    %mul3A_720 = arith.mulf %get3A_683, %get3A_687 : f32
    %add3A_721 = vector.broadcast %mul3A_720 : f32 to vector<9x128xf32>
    %add3A_722 = arith.addf %mul3A_196, %add3A_721 : vector<9x128xf32>
    %gt3A_723 = arith.cmpf ogt, %mul3A_719, %add3A_722 : vector<9x128xf32>
    %or3A_724 = arith.ori %or3A_671, %gt3A_723 : vector<9x128xi1>
    %get3A_725 = arith.constant 0 : index
    %get3A_726 = arith.constant 0 : index
    %get3A_727 = arith.constant 40 : index
    %get3A_728 = memref.load %arg2[%get3A_725, %get3A_726, %get3A_727] : memref<1x1x80xf32, #tpu.memory_space<smem>>
    %get3A_729 = arith.constant 0 : index
    %get3A_730 = arith.constant 0 : index
    %get3A_731 = arith.constant 41 : index
    %get3A_732 = memref.load %arg2[%get3A_729, %get3A_730, %get3A_731] : memref<1x1x80xf32, #tpu.memory_space<smem>>
    %get3A_733 = arith.constant 0 : index
    %get3A_734 = arith.constant 0 : index
    %get3A_735 = arith.constant 42 : index
    %get3A_736 = memref.load %arg2[%get3A_733, %get3A_734, %get3A_735] : memref<1x1x80xf32, #tpu.memory_space<smem>>
    %get3A_737 = arith.constant 0 : index
    %get3A_738 = arith.constant 0 : index
    %get3A_739 = arith.constant 43 : index
    %get3A_740 = memref.load %arg2[%get3A_737, %get3A_738, %get3A_739] : memref<1x1x80xf32, #tpu.memory_space<smem>>
    %mul3A_741 = arith.constant 5.000000e-01 : f32
    %mul3A_742 = arith.mulf %get3A_736, %mul3A_741 : f32
    %add3A_743 = arith.addf %get3A_728, %mul3A_742 : f32
    %min3A_744 = vector.broadcast %add3A_743 : f32 to vector<9x128xf32>
    %min3A_745 = arith.minimumf %add3A_187, %min3A_744 : vector<9x128xf32>
    %mul3A_746 = arith.constant 5.000000e-01 : f32
    %mul3A_747 = arith.mulf %get3A_736, %mul3A_746 : f32
    %sub3A_748 = arith.subf %get3A_728, %mul3A_747 : f32
    %max3A_749 = vector.broadcast %sub3A_748 : f32 to vector<9x128xf32>
    %max3A_750 = arith.maximumf %sub3A_183, %max3A_749 : vector<9x128xf32>
    %sub3A_751 = arith.subf %min3A_745, %max3A_750 : vector<9x128xf32>
    %max3A_752 = arith.constant 0.000000e+00 : f32
    %max3A_753 = vector.broadcast %max3A_752 : f32 to vector<9x128xf32>
    %max3A_754 = arith.maximumf %sub3A_751, %max3A_753 : vector<9x128xf32>
    %mul3A_755 = arith.constant 5.000000e-01 : f32
    %mul3A_756 = arith.mulf %get3A_740, %mul3A_755 : f32
    %add3A_757 = arith.addf %get3A_732, %mul3A_756 : f32
    %min3A_758 = vector.broadcast %add3A_757 : f32 to vector<9x128xf32>
    %min3A_759 = arith.minimumf %add3A_195, %min3A_758 : vector<9x128xf32>
    %mul3A_760 = arith.constant 5.000000e-01 : f32
    %mul3A_761 = arith.mulf %get3A_740, %mul3A_760 : f32
    %sub3A_762 = arith.subf %get3A_732, %mul3A_761 : f32
    %max3A_763 = vector.broadcast %sub3A_762 : f32 to vector<9x128xf32>
    %max3A_764 = arith.maximumf %sub3A_191, %max3A_763 : vector<9x128xf32>
    %sub3A_765 = arith.subf %min3A_759, %max3A_764 : vector<9x128xf32>
    %max3A_766 = arith.constant 0.000000e+00 : f32
    %max3A_767 = vector.broadcast %max3A_766 : f32 to vector<9x128xf32>
    %max3A_768 = arith.maximumf %sub3A_765, %max3A_767 : vector<9x128xf32>
    %mul3A_769 = arith.mulf %max3A_754, %max3A_768 : vector<9x128xf32>
    %mul3A_770 = arith.constant 3.000000e+00 : f32
    %mul3A_771 = vector.broadcast %mul3A_770 : f32 to vector<9x128xf32>
    %mul3A_772 = arith.mulf %mul3A_771, %mul3A_769 : vector<9x128xf32>
    %mul3A_773 = arith.mulf %get3A_736, %get3A_740 : f32
    %add3A_774 = vector.broadcast %mul3A_773 : f32 to vector<9x128xf32>
    %add3A_775 = arith.addf %mul3A_196, %add3A_774 : vector<9x128xf32>
    %gt3A_776 = arith.cmpf ogt, %mul3A_772, %add3A_775 : vector<9x128xf32>
    %or3A_777 = arith.ori %or3A_724, %gt3A_776 : vector<9x128xi1>
    %get3A_778 = arith.constant 0 : index
    %get3A_779 = arith.constant 0 : index
    %get3A_780 = arith.constant 44 : index
    %get3A_781 = memref.load %arg2[%get3A_778, %get3A_779, %get3A_780] : memref<1x1x80xf32, #tpu.memory_space<smem>>
    %get3A_782 = arith.constant 0 : index
    %get3A_783 = arith.constant 0 : index
    %get3A_784 = arith.constant 45 : index
    %get3A_785 = memref.load %arg2[%get3A_782, %get3A_783, %get3A_784] : memref<1x1x80xf32, #tpu.memory_space<smem>>
    %get3A_786 = arith.constant 0 : index
    %get3A_787 = arith.constant 0 : index
    %get3A_788 = arith.constant 46 : index
    %get3A_789 = memref.load %arg2[%get3A_786, %get3A_787, %get3A_788] : memref<1x1x80xf32, #tpu.memory_space<smem>>
    %get3A_790 = arith.constant 0 : index
    %get3A_791 = arith.constant 0 : index
    %get3A_792 = arith.constant 47 : index
    %get3A_793 = memref.load %arg2[%get3A_790, %get3A_791, %get3A_792] : memref<1x1x80xf32, #tpu.memory_space<smem>>
    %mul3A_794 = arith.constant 5.000000e-01 : f32
    %mul3A_795 = arith.mulf %get3A_789, %mul3A_794 : f32
    %add3A_796 = arith.addf %get3A_781, %mul3A_795 : f32
    %min3A_797 = vector.broadcast %add3A_796 : f32 to vector<9x128xf32>
    %min3A_798 = arith.minimumf %add3A_187, %min3A_797 : vector<9x128xf32>
    %mul3A_799 = arith.constant 5.000000e-01 : f32
    %mul3A_800 = arith.mulf %get3A_789, %mul3A_799 : f32
    %sub3A_801 = arith.subf %get3A_781, %mul3A_800 : f32
    %max3A_802 = vector.broadcast %sub3A_801 : f32 to vector<9x128xf32>
    %max3A_803 = arith.maximumf %sub3A_183, %max3A_802 : vector<9x128xf32>
    %sub3A_804 = arith.subf %min3A_798, %max3A_803 : vector<9x128xf32>
    %max3A_805 = arith.constant 0.000000e+00 : f32
    %max3A_806 = vector.broadcast %max3A_805 : f32 to vector<9x128xf32>
    %max3A_807 = arith.maximumf %sub3A_804, %max3A_806 : vector<9x128xf32>
    %mul3A_808 = arith.constant 5.000000e-01 : f32
    %mul3A_809 = arith.mulf %get3A_793, %mul3A_808 : f32
    %add3A_810 = arith.addf %get3A_785, %mul3A_809 : f32
    %min3A_811 = vector.broadcast %add3A_810 : f32 to vector<9x128xf32>
    %min3A_812 = arith.minimumf %add3A_195, %min3A_811 : vector<9x128xf32>
    %mul3A_813 = arith.constant 5.000000e-01 : f32
    %mul3A_814 = arith.mulf %get3A_793, %mul3A_813 : f32
    %sub3A_815 = arith.subf %get3A_785, %mul3A_814 : f32
    %max3A_816 = vector.broadcast %sub3A_815 : f32 to vector<9x128xf32>
    %max3A_817 = arith.maximumf %sub3A_191, %max3A_816 : vector<9x128xf32>
    %sub3A_818 = arith.subf %min3A_812, %max3A_817 : vector<9x128xf32>
    %max3A_819 = arith.constant 0.000000e+00 : f32
    %max3A_820 = vector.broadcast %max3A_819 : f32 to vector<9x128xf32>
    %max3A_821 = arith.maximumf %sub3A_818, %max3A_820 : vector<9x128xf32>
    %mul3A_822 = arith.mulf %max3A_807, %max3A_821 : vector<9x128xf32>
    %mul3A_823 = arith.constant 3.000000e+00 : f32
    %mul3A_824 = vector.broadcast %mul3A_823 : f32 to vector<9x128xf32>
    %mul3A_825 = arith.mulf %mul3A_824, %mul3A_822 : vector<9x128xf32>
    %mul3A_826 = arith.mulf %get3A_789, %get3A_793 : f32
    %add3A_827 = vector.broadcast %mul3A_826 : f32 to vector<9x128xf32>
    %add3A_828 = arith.addf %mul3A_196, %add3A_827 : vector<9x128xf32>
    %gt3A_829 = arith.cmpf ogt, %mul3A_825, %add3A_828 : vector<9x128xf32>
    %or3A_830 = arith.ori %or3A_777, %gt3A_829 : vector<9x128xi1>
    %get3A_831 = arith.constant 0 : index
    %get3A_832 = arith.constant 0 : index
    %get3A_833 = arith.constant 48 : index
    %get3A_834 = memref.load %arg2[%get3A_831, %get3A_832, %get3A_833] : memref<1x1x80xf32, #tpu.memory_space<smem>>
    %get3A_835 = arith.constant 0 : index
    %get3A_836 = arith.constant 0 : index
    %get3A_837 = arith.constant 49 : index
    %get3A_838 = memref.load %arg2[%get3A_835, %get3A_836, %get3A_837] : memref<1x1x80xf32, #tpu.memory_space<smem>>
    %get3A_839 = arith.constant 0 : index
    %get3A_840 = arith.constant 0 : index
    %get3A_841 = arith.constant 50 : index
    %get3A_842 = memref.load %arg2[%get3A_839, %get3A_840, %get3A_841] : memref<1x1x80xf32, #tpu.memory_space<smem>>
    %get3A_843 = arith.constant 0 : index
    %get3A_844 = arith.constant 0 : index
    %get3A_845 = arith.constant 51 : index
    %get3A_846 = memref.load %arg2[%get3A_843, %get3A_844, %get3A_845] : memref<1x1x80xf32, #tpu.memory_space<smem>>
    %mul3A_847 = arith.constant 5.000000e-01 : f32
    %mul3A_848 = arith.mulf %get3A_842, %mul3A_847 : f32
    %add3A_849 = arith.addf %get3A_834, %mul3A_848 : f32
    %min3A_850 = vector.broadcast %add3A_849 : f32 to vector<9x128xf32>
    %min3A_851 = arith.minimumf %add3A_187, %min3A_850 : vector<9x128xf32>
    %mul3A_852 = arith.constant 5.000000e-01 : f32
    %mul3A_853 = arith.mulf %get3A_842, %mul3A_852 : f32
    %sub3A_854 = arith.subf %get3A_834, %mul3A_853 : f32
    %max3A_855 = vector.broadcast %sub3A_854 : f32 to vector<9x128xf32>
    %max3A_856 = arith.maximumf %sub3A_183, %max3A_855 : vector<9x128xf32>
    %sub3A_857 = arith.subf %min3A_851, %max3A_856 : vector<9x128xf32>
    %max3A_858 = arith.constant 0.000000e+00 : f32
    %max3A_859 = vector.broadcast %max3A_858 : f32 to vector<9x128xf32>
    %max3A_860 = arith.maximumf %sub3A_857, %max3A_859 : vector<9x128xf32>
    %mul3A_861 = arith.constant 5.000000e-01 : f32
    %mul3A_862 = arith.mulf %get3A_846, %mul3A_861 : f32
    %add3A_863 = arith.addf %get3A_838, %mul3A_862 : f32
    %min3A_864 = vector.broadcast %add3A_863 : f32 to vector<9x128xf32>
    %min3A_865 = arith.minimumf %add3A_195, %min3A_864 : vector<9x128xf32>
    %mul3A_866 = arith.constant 5.000000e-01 : f32
    %mul3A_867 = arith.mulf %get3A_846, %mul3A_866 : f32
    %sub3A_868 = arith.subf %get3A_838, %mul3A_867 : f32
    %max3A_869 = vector.broadcast %sub3A_868 : f32 to vector<9x128xf32>
    %max3A_870 = arith.maximumf %sub3A_191, %max3A_869 : vector<9x128xf32>
    %sub3A_871 = arith.subf %min3A_865, %max3A_870 : vector<9x128xf32>
    %max3A_872 = arith.constant 0.000000e+00 : f32
    %max3A_873 = vector.broadcast %max3A_872 : f32 to vector<9x128xf32>
    %max3A_874 = arith.maximumf %sub3A_871, %max3A_873 : vector<9x128xf32>
    %mul3A_875 = arith.mulf %max3A_860, %max3A_874 : vector<9x128xf32>
    %mul3A_876 = arith.constant 3.000000e+00 : f32
    %mul3A_877 = vector.broadcast %mul3A_876 : f32 to vector<9x128xf32>
    %mul3A_878 = arith.mulf %mul3A_877, %mul3A_875 : vector<9x128xf32>
    %mul3A_879 = arith.mulf %get3A_842, %get3A_846 : f32
    %add3A_880 = vector.broadcast %mul3A_879 : f32 to vector<9x128xf32>
    %add3A_881 = arith.addf %mul3A_196, %add3A_880 : vector<9x128xf32>
    %gt3A_882 = arith.cmpf ogt, %mul3A_878, %add3A_881 : vector<9x128xf32>
    %or3A_883 = arith.ori %or3A_830, %gt3A_882 : vector<9x128xi1>
    %get3A_884 = arith.constant 0 : index
    %get3A_885 = arith.constant 0 : index
    %get3A_886 = arith.constant 52 : index
    %get3A_887 = memref.load %arg2[%get3A_884, %get3A_885, %get3A_886] : memref<1x1x80xf32, #tpu.memory_space<smem>>
    %get3A_888 = arith.constant 0 : index
    %get3A_889 = arith.constant 0 : index
    %get3A_890 = arith.constant 53 : index
    %get3A_891 = memref.load %arg2[%get3A_888, %get3A_889, %get3A_890] : memref<1x1x80xf32, #tpu.memory_space<smem>>
    %get3A_892 = arith.constant 0 : index
    %get3A_893 = arith.constant 0 : index
    %get3A_894 = arith.constant 54 : index
    %get3A_895 = memref.load %arg2[%get3A_892, %get3A_893, %get3A_894] : memref<1x1x80xf32, #tpu.memory_space<smem>>
    %get3A_896 = arith.constant 0 : index
    %get3A_897 = arith.constant 0 : index
    %get3A_898 = arith.constant 55 : index
    %get3A_899 = memref.load %arg2[%get3A_896, %get3A_897, %get3A_898] : memref<1x1x80xf32, #tpu.memory_space<smem>>
    %mul3A_900 = arith.constant 5.000000e-01 : f32
    %mul3A_901 = arith.mulf %get3A_895, %mul3A_900 : f32
    %add3A_902 = arith.addf %get3A_887, %mul3A_901 : f32
    %min3A_903 = vector.broadcast %add3A_902 : f32 to vector<9x128xf32>
    %min3A_904 = arith.minimumf %add3A_187, %min3A_903 : vector<9x128xf32>
    %mul3A_905 = arith.constant 5.000000e-01 : f32
    %mul3A_906 = arith.mulf %get3A_895, %mul3A_905 : f32
    %sub3A_907 = arith.subf %get3A_887, %mul3A_906 : f32
    %max3A_908 = vector.broadcast %sub3A_907 : f32 to vector<9x128xf32>
    %max3A_909 = arith.maximumf %sub3A_183, %max3A_908 : vector<9x128xf32>
    %sub3A_910 = arith.subf %min3A_904, %max3A_909 : vector<9x128xf32>
    %max3A_911 = arith.constant 0.000000e+00 : f32
    %max3A_912 = vector.broadcast %max3A_911 : f32 to vector<9x128xf32>
    %max3A_913 = arith.maximumf %sub3A_910, %max3A_912 : vector<9x128xf32>
    %mul3A_914 = arith.constant 5.000000e-01 : f32
    %mul3A_915 = arith.mulf %get3A_899, %mul3A_914 : f32
    %add3A_916 = arith.addf %get3A_891, %mul3A_915 : f32
    %min3A_917 = vector.broadcast %add3A_916 : f32 to vector<9x128xf32>
    %min3A_918 = arith.minimumf %add3A_195, %min3A_917 : vector<9x128xf32>
    %mul3A_919 = arith.constant 5.000000e-01 : f32
    %mul3A_920 = arith.mulf %get3A_899, %mul3A_919 : f32
    %sub3A_921 = arith.subf %get3A_891, %mul3A_920 : f32
    %max3A_922 = vector.broadcast %sub3A_921 : f32 to vector<9x128xf32>
    %max3A_923 = arith.maximumf %sub3A_191, %max3A_922 : vector<9x128xf32>
    %sub3A_924 = arith.subf %min3A_918, %max3A_923 : vector<9x128xf32>
    %max3A_925 = arith.constant 0.000000e+00 : f32
    %max3A_926 = vector.broadcast %max3A_925 : f32 to vector<9x128xf32>
    %max3A_927 = arith.maximumf %sub3A_924, %max3A_926 : vector<9x128xf32>
    %mul3A_928 = arith.mulf %max3A_913, %max3A_927 : vector<9x128xf32>
    %mul3A_929 = arith.constant 3.000000e+00 : f32
    %mul3A_930 = vector.broadcast %mul3A_929 : f32 to vector<9x128xf32>
    %mul3A_931 = arith.mulf %mul3A_930, %mul3A_928 : vector<9x128xf32>
    %mul3A_932 = arith.mulf %get3A_895, %get3A_899 : f32
    %add3A_933 = vector.broadcast %mul3A_932 : f32 to vector<9x128xf32>
    %add3A_934 = arith.addf %mul3A_196, %add3A_933 : vector<9x128xf32>
    %gt3A_935 = arith.cmpf ogt, %mul3A_931, %add3A_934 : vector<9x128xf32>
    %or3A_936 = arith.ori %or3A_883, %gt3A_935 : vector<9x128xi1>
    %get3A_937 = arith.constant 0 : index
    %get3A_938 = arith.constant 0 : index
    %get3A_939 = arith.constant 56 : index
    %get3A_940 = memref.load %arg2[%get3A_937, %get3A_938, %get3A_939] : memref<1x1x80xf32, #tpu.memory_space<smem>>
    %get3A_941 = arith.constant 0 : index
    %get3A_942 = arith.constant 0 : index
    %get3A_943 = arith.constant 57 : index
    %get3A_944 = memref.load %arg2[%get3A_941, %get3A_942, %get3A_943] : memref<1x1x80xf32, #tpu.memory_space<smem>>
    %get3A_945 = arith.constant 0 : index
    %get3A_946 = arith.constant 0 : index
    %get3A_947 = arith.constant 58 : index
    %get3A_948 = memref.load %arg2[%get3A_945, %get3A_946, %get3A_947] : memref<1x1x80xf32, #tpu.memory_space<smem>>
    %get3A_949 = arith.constant 0 : index
    %get3A_950 = arith.constant 0 : index
    %get3A_951 = arith.constant 59 : index
    %get3A_952 = memref.load %arg2[%get3A_949, %get3A_950, %get3A_951] : memref<1x1x80xf32, #tpu.memory_space<smem>>
    %mul3A_953 = arith.constant 5.000000e-01 : f32
    %mul3A_954 = arith.mulf %get3A_948, %mul3A_953 : f32
    %add3A_955 = arith.addf %get3A_940, %mul3A_954 : f32
    %min3A_956 = vector.broadcast %add3A_955 : f32 to vector<9x128xf32>
    %min3A_957 = arith.minimumf %add3A_187, %min3A_956 : vector<9x128xf32>
    %mul3A_958 = arith.constant 5.000000e-01 : f32
    %mul3A_959 = arith.mulf %get3A_948, %mul3A_958 : f32
    %sub3A_960 = arith.subf %get3A_940, %mul3A_959 : f32
    %max3A_961 = vector.broadcast %sub3A_960 : f32 to vector<9x128xf32>
    %max3A_962 = arith.maximumf %sub3A_183, %max3A_961 : vector<9x128xf32>
    %sub3A_963 = arith.subf %min3A_957, %max3A_962 : vector<9x128xf32>
    %max3A_964 = arith.constant 0.000000e+00 : f32
    %max3A_965 = vector.broadcast %max3A_964 : f32 to vector<9x128xf32>
    %max3A_966 = arith.maximumf %sub3A_963, %max3A_965 : vector<9x128xf32>
    %mul3A_967 = arith.constant 5.000000e-01 : f32
    %mul3A_968 = arith.mulf %get3A_952, %mul3A_967 : f32
    %add3A_969 = arith.addf %get3A_944, %mul3A_968 : f32
    %min3A_970 = vector.broadcast %add3A_969 : f32 to vector<9x128xf32>
    %min3A_971 = arith.minimumf %add3A_195, %min3A_970 : vector<9x128xf32>
    %mul3A_972 = arith.constant 5.000000e-01 : f32
    %mul3A_973 = arith.mulf %get3A_952, %mul3A_972 : f32
    %sub3A_974 = arith.subf %get3A_944, %mul3A_973 : f32
    %max3A_975 = vector.broadcast %sub3A_974 : f32 to vector<9x128xf32>
    %max3A_976 = arith.maximumf %sub3A_191, %max3A_975 : vector<9x128xf32>
    %sub3A_977 = arith.subf %min3A_971, %max3A_976 : vector<9x128xf32>
    %max3A_978 = arith.constant 0.000000e+00 : f32
    %max3A_979 = vector.broadcast %max3A_978 : f32 to vector<9x128xf32>
    %max3A_980 = arith.maximumf %sub3A_977, %max3A_979 : vector<9x128xf32>
    %mul3A_981 = arith.mulf %max3A_966, %max3A_980 : vector<9x128xf32>
    %mul3A_982 = arith.constant 3.000000e+00 : f32
    %mul3A_983 = vector.broadcast %mul3A_982 : f32 to vector<9x128xf32>
    %mul3A_984 = arith.mulf %mul3A_983, %mul3A_981 : vector<9x128xf32>
    %mul3A_985 = arith.mulf %get3A_948, %get3A_952 : f32
    %add3A_986 = vector.broadcast %mul3A_985 : f32 to vector<9x128xf32>
    %add3A_987 = arith.addf %mul3A_196, %add3A_986 : vector<9x128xf32>
    %gt3A_988 = arith.cmpf ogt, %mul3A_984, %add3A_987 : vector<9x128xf32>
    %or3A_989 = arith.ori %or3A_936, %gt3A_988 : vector<9x128xi1>
    %get3A_990 = arith.constant 0 : index
    %get3A_991 = arith.constant 0 : index
    %get3A_992 = arith.constant 60 : index
    %get3A_993 = memref.load %arg2[%get3A_990, %get3A_991, %get3A_992] : memref<1x1x80xf32, #tpu.memory_space<smem>>
    %get3A_994 = arith.constant 0 : index
    %get3A_995 = arith.constant 0 : index
    %get3A_996 = arith.constant 61 : index
    %get3A_997 = memref.load %arg2[%get3A_994, %get3A_995, %get3A_996] : memref<1x1x80xf32, #tpu.memory_space<smem>>
    %get3A_998 = arith.constant 0 : index
    %get3A_999 = arith.constant 0 : index
    %get3A_1000 = arith.constant 62 : index
    %get3A_1001 = memref.load %arg2[%get3A_998, %get3A_999, %get3A_1000] : memref<1x1x80xf32, #tpu.memory_space<smem>>
    %get3A_1002 = arith.constant 0 : index
    %get3A_1003 = arith.constant 0 : index
    %get3A_1004 = arith.constant 63 : index
    %get3A_1005 = memref.load %arg2[%get3A_1002, %get3A_1003, %get3A_1004] : memref<1x1x80xf32, #tpu.memory_space<smem>>
    %mul3A_1006 = arith.constant 5.000000e-01 : f32
    %mul3A_1007 = arith.mulf %get3A_1001, %mul3A_1006 : f32
    %add3A_1008 = arith.addf %get3A_993, %mul3A_1007 : f32
    %min3A_1009 = vector.broadcast %add3A_1008 : f32 to vector<9x128xf32>
    %min3A_1010 = arith.minimumf %add3A_187, %min3A_1009 : vector<9x128xf32>
    %mul3A_1011 = arith.constant 5.000000e-01 : f32
    %mul3A_1012 = arith.mulf %get3A_1001, %mul3A_1011 : f32
    %sub3A_1013 = arith.subf %get3A_993, %mul3A_1012 : f32
    %max3A_1014 = vector.broadcast %sub3A_1013 : f32 to vector<9x128xf32>
    %max3A_1015 = arith.maximumf %sub3A_183, %max3A_1014 : vector<9x128xf32>
    %sub3A_1016 = arith.subf %min3A_1010, %max3A_1015 : vector<9x128xf32>
    %max3A_1017 = arith.constant 0.000000e+00 : f32
    %max3A_1018 = vector.broadcast %max3A_1017 : f32 to vector<9x128xf32>
    %max3A_1019 = arith.maximumf %sub3A_1016, %max3A_1018 : vector<9x128xf32>
    %mul3A_1020 = arith.constant 5.000000e-01 : f32
    %mul3A_1021 = arith.mulf %get3A_1005, %mul3A_1020 : f32
    %add3A_1022 = arith.addf %get3A_997, %mul3A_1021 : f32
    %min3A_1023 = vector.broadcast %add3A_1022 : f32 to vector<9x128xf32>
    %min3A_1024 = arith.minimumf %add3A_195, %min3A_1023 : vector<9x128xf32>
    %mul3A_1025 = arith.constant 5.000000e-01 : f32
    %mul3A_1026 = arith.mulf %get3A_1005, %mul3A_1025 : f32
    %sub3A_1027 = arith.subf %get3A_997, %mul3A_1026 : f32
    %max3A_1028 = vector.broadcast %sub3A_1027 : f32 to vector<9x128xf32>
    %max3A_1029 = arith.maximumf %sub3A_191, %max3A_1028 : vector<9x128xf32>
    %sub3A_1030 = arith.subf %min3A_1024, %max3A_1029 : vector<9x128xf32>
    %max3A_1031 = arith.constant 0.000000e+00 : f32
    %max3A_1032 = vector.broadcast %max3A_1031 : f32 to vector<9x128xf32>
    %max3A_1033 = arith.maximumf %sub3A_1030, %max3A_1032 : vector<9x128xf32>
    %mul3A_1034 = arith.mulf %max3A_1019, %max3A_1033 : vector<9x128xf32>
    %mul3A_1035 = arith.constant 3.000000e+00 : f32
    %mul3A_1036 = vector.broadcast %mul3A_1035 : f32 to vector<9x128xf32>
    %mul3A_1037 = arith.mulf %mul3A_1036, %mul3A_1034 : vector<9x128xf32>
    %mul3A_1038 = arith.mulf %get3A_1001, %get3A_1005 : f32
    %add3A_1039 = vector.broadcast %mul3A_1038 : f32 to vector<9x128xf32>
    %add3A_1040 = arith.addf %mul3A_196, %add3A_1039 : vector<9x128xf32>
    %gt3A_1041 = arith.cmpf ogt, %mul3A_1037, %add3A_1040 : vector<9x128xf32>
    %or3A_1042 = arith.ori %or3A_989, %gt3A_1041 : vector<9x128xi1>
    %get3A_1043 = arith.constant 0 : index
    %get3A_1044 = arith.constant 0 : index
    %get3A_1045 = arith.constant 64 : index
    %get3A_1046 = memref.load %arg2[%get3A_1043, %get3A_1044, %get3A_1045] : memref<1x1x80xf32, #tpu.memory_space<smem>>
    %get3A_1047 = arith.constant 0 : index
    %get3A_1048 = arith.constant 0 : index
    %get3A_1049 = arith.constant 65 : index
    %get3A_1050 = memref.load %arg2[%get3A_1047, %get3A_1048, %get3A_1049] : memref<1x1x80xf32, #tpu.memory_space<smem>>
    %get3A_1051 = arith.constant 0 : index
    %get3A_1052 = arith.constant 0 : index
    %get3A_1053 = arith.constant 66 : index
    %get3A_1054 = memref.load %arg2[%get3A_1051, %get3A_1052, %get3A_1053] : memref<1x1x80xf32, #tpu.memory_space<smem>>
    %get3A_1055 = arith.constant 0 : index
    %get3A_1056 = arith.constant 0 : index
    %get3A_1057 = arith.constant 67 : index
    %get3A_1058 = memref.load %arg2[%get3A_1055, %get3A_1056, %get3A_1057] : memref<1x1x80xf32, #tpu.memory_space<smem>>
    %mul3A_1059 = arith.constant 5.000000e-01 : f32
    %mul3A_1060 = arith.mulf %get3A_1054, %mul3A_1059 : f32
    %add3A_1061 = arith.addf %get3A_1046, %mul3A_1060 : f32
    %min3A_1062 = vector.broadcast %add3A_1061 : f32 to vector<9x128xf32>
    %min3A_1063 = arith.minimumf %add3A_187, %min3A_1062 : vector<9x128xf32>
    %mul3A_1064 = arith.constant 5.000000e-01 : f32
    %mul3A_1065 = arith.mulf %get3A_1054, %mul3A_1064 : f32
    %sub3A_1066 = arith.subf %get3A_1046, %mul3A_1065 : f32
    %max3A_1067 = vector.broadcast %sub3A_1066 : f32 to vector<9x128xf32>
    %max3A_1068 = arith.maximumf %sub3A_183, %max3A_1067 : vector<9x128xf32>
    %sub3A_1069 = arith.subf %min3A_1063, %max3A_1068 : vector<9x128xf32>
    %max3A_1070 = arith.constant 0.000000e+00 : f32
    %max3A_1071 = vector.broadcast %max3A_1070 : f32 to vector<9x128xf32>
    %max3A_1072 = arith.maximumf %sub3A_1069, %max3A_1071 : vector<9x128xf32>
    %mul3A_1073 = arith.constant 5.000000e-01 : f32
    %mul3A_1074 = arith.mulf %get3A_1058, %mul3A_1073 : f32
    %add3A_1075 = arith.addf %get3A_1050, %mul3A_1074 : f32
    %min3A_1076 = vector.broadcast %add3A_1075 : f32 to vector<9x128xf32>
    %min3A_1077 = arith.minimumf %add3A_195, %min3A_1076 : vector<9x128xf32>
    %mul3A_1078 = arith.constant 5.000000e-01 : f32
    %mul3A_1079 = arith.mulf %get3A_1058, %mul3A_1078 : f32
    %sub3A_1080 = arith.subf %get3A_1050, %mul3A_1079 : f32
    %max3A_1081 = vector.broadcast %sub3A_1080 : f32 to vector<9x128xf32>
    %max3A_1082 = arith.maximumf %sub3A_191, %max3A_1081 : vector<9x128xf32>
    %sub3A_1083 = arith.subf %min3A_1077, %max3A_1082 : vector<9x128xf32>
    %max3A_1084 = arith.constant 0.000000e+00 : f32
    %max3A_1085 = vector.broadcast %max3A_1084 : f32 to vector<9x128xf32>
    %max3A_1086 = arith.maximumf %sub3A_1083, %max3A_1085 : vector<9x128xf32>
    %mul3A_1087 = arith.mulf %max3A_1072, %max3A_1086 : vector<9x128xf32>
    %mul3A_1088 = arith.constant 3.000000e+00 : f32
    %mul3A_1089 = vector.broadcast %mul3A_1088 : f32 to vector<9x128xf32>
    %mul3A_1090 = arith.mulf %mul3A_1089, %mul3A_1087 : vector<9x128xf32>
    %mul3A_1091 = arith.mulf %get3A_1054, %get3A_1058 : f32
    %add3A_1092 = vector.broadcast %mul3A_1091 : f32 to vector<9x128xf32>
    %add3A_1093 = arith.addf %mul3A_196, %add3A_1092 : vector<9x128xf32>
    %gt3A_1094 = arith.cmpf ogt, %mul3A_1090, %add3A_1093 : vector<9x128xf32>
    %or3A_1095 = arith.ori %or3A_1042, %gt3A_1094 : vector<9x128xi1>
    %get3A_1096 = arith.constant 0 : index
    %get3A_1097 = arith.constant 0 : index
    %get3A_1098 = arith.constant 68 : index
    %get3A_1099 = memref.load %arg2[%get3A_1096, %get3A_1097, %get3A_1098] : memref<1x1x80xf32, #tpu.memory_space<smem>>
    %get3A_1100 = arith.constant 0 : index
    %get3A_1101 = arith.constant 0 : index
    %get3A_1102 = arith.constant 69 : index
    %get3A_1103 = memref.load %arg2[%get3A_1100, %get3A_1101, %get3A_1102] : memref<1x1x80xf32, #tpu.memory_space<smem>>
    %get3A_1104 = arith.constant 0 : index
    %get3A_1105 = arith.constant 0 : index
    %get3A_1106 = arith.constant 70 : index
    %get3A_1107 = memref.load %arg2[%get3A_1104, %get3A_1105, %get3A_1106] : memref<1x1x80xf32, #tpu.memory_space<smem>>
    %get3A_1108 = arith.constant 0 : index
    %get3A_1109 = arith.constant 0 : index
    %get3A_1110 = arith.constant 71 : index
    %get3A_1111 = memref.load %arg2[%get3A_1108, %get3A_1109, %get3A_1110] : memref<1x1x80xf32, #tpu.memory_space<smem>>
    %mul3A_1112 = arith.constant 5.000000e-01 : f32
    %mul3A_1113 = arith.mulf %get3A_1107, %mul3A_1112 : f32
    %add3A_1114 = arith.addf %get3A_1099, %mul3A_1113 : f32
    %min3A_1115 = vector.broadcast %add3A_1114 : f32 to vector<9x128xf32>
    %min3A_1116 = arith.minimumf %add3A_187, %min3A_1115 : vector<9x128xf32>
    %mul3A_1117 = arith.constant 5.000000e-01 : f32
    %mul3A_1118 = arith.mulf %get3A_1107, %mul3A_1117 : f32
    %sub3A_1119 = arith.subf %get3A_1099, %mul3A_1118 : f32
    %max3A_1120 = vector.broadcast %sub3A_1119 : f32 to vector<9x128xf32>
    %max3A_1121 = arith.maximumf %sub3A_183, %max3A_1120 : vector<9x128xf32>
    %sub3A_1122 = arith.subf %min3A_1116, %max3A_1121 : vector<9x128xf32>
    %max3A_1123 = arith.constant 0.000000e+00 : f32
    %max3A_1124 = vector.broadcast %max3A_1123 : f32 to vector<9x128xf32>
    %max3A_1125 = arith.maximumf %sub3A_1122, %max3A_1124 : vector<9x128xf32>
    %mul3A_1126 = arith.constant 5.000000e-01 : f32
    %mul3A_1127 = arith.mulf %get3A_1111, %mul3A_1126 : f32
    %add3A_1128 = arith.addf %get3A_1103, %mul3A_1127 : f32
    %min3A_1129 = vector.broadcast %add3A_1128 : f32 to vector<9x128xf32>
    %min3A_1130 = arith.minimumf %add3A_195, %min3A_1129 : vector<9x128xf32>
    %mul3A_1131 = arith.constant 5.000000e-01 : f32
    %mul3A_1132 = arith.mulf %get3A_1111, %mul3A_1131 : f32
    %sub3A_1133 = arith.subf %get3A_1103, %mul3A_1132 : f32
    %max3A_1134 = vector.broadcast %sub3A_1133 : f32 to vector<9x128xf32>
    %max3A_1135 = arith.maximumf %sub3A_191, %max3A_1134 : vector<9x128xf32>
    %sub3A_1136 = arith.subf %min3A_1130, %max3A_1135 : vector<9x128xf32>
    %max3A_1137 = arith.constant 0.000000e+00 : f32
    %max3A_1138 = vector.broadcast %max3A_1137 : f32 to vector<9x128xf32>
    %max3A_1139 = arith.maximumf %sub3A_1136, %max3A_1138 : vector<9x128xf32>
    %mul3A_1140 = arith.mulf %max3A_1125, %max3A_1139 : vector<9x128xf32>
    %mul3A_1141 = arith.constant 3.000000e+00 : f32
    %mul3A_1142 = vector.broadcast %mul3A_1141 : f32 to vector<9x128xf32>
    %mul3A_1143 = arith.mulf %mul3A_1142, %mul3A_1140 : vector<9x128xf32>
    %mul3A_1144 = arith.mulf %get3A_1107, %get3A_1111 : f32
    %add3A_1145 = vector.broadcast %mul3A_1144 : f32 to vector<9x128xf32>
    %add3A_1146 = arith.addf %mul3A_196, %add3A_1145 : vector<9x128xf32>
    %gt3A_1147 = arith.cmpf ogt, %mul3A_1143, %add3A_1146 : vector<9x128xf32>
    %or3A_1148 = arith.ori %or3A_1095, %gt3A_1147 : vector<9x128xi1>
    %get3A_1149 = arith.constant 0 : index
    %get3A_1150 = arith.constant 0 : index
    %get3A_1151 = arith.constant 72 : index
    %get3A_1152 = memref.load %arg2[%get3A_1149, %get3A_1150, %get3A_1151] : memref<1x1x80xf32, #tpu.memory_space<smem>>
    %get3A_1153 = arith.constant 0 : index
    %get3A_1154 = arith.constant 0 : index
    %get3A_1155 = arith.constant 73 : index
    %get3A_1156 = memref.load %arg2[%get3A_1153, %get3A_1154, %get3A_1155] : memref<1x1x80xf32, #tpu.memory_space<smem>>
    %get3A_1157 = arith.constant 0 : index
    %get3A_1158 = arith.constant 0 : index
    %get3A_1159 = arith.constant 74 : index
    %get3A_1160 = memref.load %arg2[%get3A_1157, %get3A_1158, %get3A_1159] : memref<1x1x80xf32, #tpu.memory_space<smem>>
    %get3A_1161 = arith.constant 0 : index
    %get3A_1162 = arith.constant 0 : index
    %get3A_1163 = arith.constant 75 : index
    %get3A_1164 = memref.load %arg2[%get3A_1161, %get3A_1162, %get3A_1163] : memref<1x1x80xf32, #tpu.memory_space<smem>>
    %mul3A_1165 = arith.constant 5.000000e-01 : f32
    %mul3A_1166 = arith.mulf %get3A_1160, %mul3A_1165 : f32
    %add3A_1167 = arith.addf %get3A_1152, %mul3A_1166 : f32
    %min3A_1168 = vector.broadcast %add3A_1167 : f32 to vector<9x128xf32>
    %min3A_1169 = arith.minimumf %add3A_187, %min3A_1168 : vector<9x128xf32>
    %mul3A_1170 = arith.constant 5.000000e-01 : f32
    %mul3A_1171 = arith.mulf %get3A_1160, %mul3A_1170 : f32
    %sub3A_1172 = arith.subf %get3A_1152, %mul3A_1171 : f32
    %max3A_1173 = vector.broadcast %sub3A_1172 : f32 to vector<9x128xf32>
    %max3A_1174 = arith.maximumf %sub3A_183, %max3A_1173 : vector<9x128xf32>
    %sub3A_1175 = arith.subf %min3A_1169, %max3A_1174 : vector<9x128xf32>
    %max3A_1176 = arith.constant 0.000000e+00 : f32
    %max3A_1177 = vector.broadcast %max3A_1176 : f32 to vector<9x128xf32>
    %max3A_1178 = arith.maximumf %sub3A_1175, %max3A_1177 : vector<9x128xf32>
    %mul3A_1179 = arith.constant 5.000000e-01 : f32
    %mul3A_1180 = arith.mulf %get3A_1164, %mul3A_1179 : f32
    %add3A_1181 = arith.addf %get3A_1156, %mul3A_1180 : f32
    %min3A_1182 = vector.broadcast %add3A_1181 : f32 to vector<9x128xf32>
    %min3A_1183 = arith.minimumf %add3A_195, %min3A_1182 : vector<9x128xf32>
    %mul3A_1184 = arith.constant 5.000000e-01 : f32
    %mul3A_1185 = arith.mulf %get3A_1164, %mul3A_1184 : f32
    %sub3A_1186 = arith.subf %get3A_1156, %mul3A_1185 : f32
    %max3A_1187 = vector.broadcast %sub3A_1186 : f32 to vector<9x128xf32>
    %max3A_1188 = arith.maximumf %sub3A_191, %max3A_1187 : vector<9x128xf32>
    %sub3A_1189 = arith.subf %min3A_1183, %max3A_1188 : vector<9x128xf32>
    %max3A_1190 = arith.constant 0.000000e+00 : f32
    %max3A_1191 = vector.broadcast %max3A_1190 : f32 to vector<9x128xf32>
    %max3A_1192 = arith.maximumf %sub3A_1189, %max3A_1191 : vector<9x128xf32>
    %mul3A_1193 = arith.mulf %max3A_1178, %max3A_1192 : vector<9x128xf32>
    %mul3A_1194 = arith.constant 3.000000e+00 : f32
    %mul3A_1195 = vector.broadcast %mul3A_1194 : f32 to vector<9x128xf32>
    %mul3A_1196 = arith.mulf %mul3A_1195, %mul3A_1193 : vector<9x128xf32>
    %mul3A_1197 = arith.mulf %get3A_1160, %get3A_1164 : f32
    %add3A_1198 = vector.broadcast %mul3A_1197 : f32 to vector<9x128xf32>
    %add3A_1199 = arith.addf %mul3A_196, %add3A_1198 : vector<9x128xf32>
    %gt3A_1200 = arith.cmpf ogt, %mul3A_1196, %add3A_1199 : vector<9x128xf32>
    %or3A_1201 = arith.ori %or3A_1148, %gt3A_1200 : vector<9x128xi1>
    %get3A_1202 = arith.constant 0 : index
    %get3A_1203 = arith.constant 0 : index
    %get3A_1204 = arith.constant 76 : index
    %get3A_1205 = memref.load %arg2[%get3A_1202, %get3A_1203, %get3A_1204] : memref<1x1x80xf32, #tpu.memory_space<smem>>
    %get3A_1206 = arith.constant 0 : index
    %get3A_1207 = arith.constant 0 : index
    %get3A_1208 = arith.constant 77 : index
    %get3A_1209 = memref.load %arg2[%get3A_1206, %get3A_1207, %get3A_1208] : memref<1x1x80xf32, #tpu.memory_space<smem>>
    %get3A_1210 = arith.constant 0 : index
    %get3A_1211 = arith.constant 0 : index
    %get3A_1212 = arith.constant 78 : index
    %get3A_1213 = memref.load %arg2[%get3A_1210, %get3A_1211, %get3A_1212] : memref<1x1x80xf32, #tpu.memory_space<smem>>
    %get3A_1214 = arith.constant 0 : index
    %get3A_1215 = arith.constant 0 : index
    %get3A_1216 = arith.constant 79 : index
    %get3A_1217 = memref.load %arg2[%get3A_1214, %get3A_1215, %get3A_1216] : memref<1x1x80xf32, #tpu.memory_space<smem>>
    %mul3A_1218 = arith.constant 5.000000e-01 : f32
    %mul3A_1219 = arith.mulf %get3A_1213, %mul3A_1218 : f32
    %add3A_1220 = arith.addf %get3A_1205, %mul3A_1219 : f32
    %min3A_1221 = vector.broadcast %add3A_1220 : f32 to vector<9x128xf32>
    %min3A_1222 = arith.minimumf %add3A_187, %min3A_1221 : vector<9x128xf32>
    %mul3A_1223 = arith.constant 5.000000e-01 : f32
    %mul3A_1224 = arith.mulf %get3A_1213, %mul3A_1223 : f32
    %sub3A_1225 = arith.subf %get3A_1205, %mul3A_1224 : f32
    %max3A_1226 = vector.broadcast %sub3A_1225 : f32 to vector<9x128xf32>
    %max3A_1227 = arith.maximumf %sub3A_183, %max3A_1226 : vector<9x128xf32>
    %sub3A_1228 = arith.subf %min3A_1222, %max3A_1227 : vector<9x128xf32>
    %max3A_1229 = arith.constant 0.000000e+00 : f32
    %max3A_1230 = vector.broadcast %max3A_1229 : f32 to vector<9x128xf32>
    %max3A_1231 = arith.maximumf %sub3A_1228, %max3A_1230 : vector<9x128xf32>
    %mul3A_1232 = arith.constant 5.000000e-01 : f32
    %mul3A_1233 = arith.mulf %get3A_1217, %mul3A_1232 : f32
    %add3A_1234 = arith.addf %get3A_1209, %mul3A_1233 : f32
    %min3A_1235 = vector.broadcast %add3A_1234 : f32 to vector<9x128xf32>
    %min3A_1236 = arith.minimumf %add3A_195, %min3A_1235 : vector<9x128xf32>
    %mul3A_1237 = arith.constant 5.000000e-01 : f32
    %mul3A_1238 = arith.mulf %get3A_1217, %mul3A_1237 : f32
    %sub3A_1239 = arith.subf %get3A_1209, %mul3A_1238 : f32
    %max3A_1240 = vector.broadcast %sub3A_1239 : f32 to vector<9x128xf32>
    %max3A_1241 = arith.maximumf %sub3A_191, %max3A_1240 : vector<9x128xf32>
    %sub3A_1242 = arith.subf %min3A_1236, %max3A_1241 : vector<9x128xf32>
    %max3A_1243 = arith.constant 0.000000e+00 : f32
    %max3A_1244 = vector.broadcast %max3A_1243 : f32 to vector<9x128xf32>
    %max3A_1245 = arith.maximumf %sub3A_1242, %max3A_1244 : vector<9x128xf32>
    %mul3A_1246 = arith.mulf %max3A_1231, %max3A_1245 : vector<9x128xf32>
    %mul3A_1247 = arith.constant 3.000000e+00 : f32
    %mul3A_1248 = vector.broadcast %mul3A_1247 : f32 to vector<9x128xf32>
    %mul3A_1249 = arith.mulf %mul3A_1248, %mul3A_1246 : vector<9x128xf32>
    %mul3A_1250 = arith.mulf %get3A_1213, %get3A_1217 : f32
    %add3A_1251 = vector.broadcast %mul3A_1250 : f32 to vector<9x128xf32>
    %add3A_1252 = arith.addf %mul3A_196, %add3A_1251 : vector<9x128xf32>
    %gt3A_1253 = arith.cmpf ogt, %mul3A_1249, %add3A_1252 : vector<9x128xf32>
    %or3A_1254 = arith.ori %or3A_1201, %gt3A_1253 : vector<9x128xi1>
    %not3A = arith.constant dense<true> : vector<9x128xi1>
    %not3A_1255 = arith.xori %lt3A_101, %not3A : vector<9x128xi1>
    %or3A_1256 = arith.ori %or3A_1254, %not3A_1255 : vector<9x128xi1>
    %custom_jvp_call3A = arith.constant 0.000000e+00 : f32
    %max3A_1257 = vector.broadcast %custom_jvp_call3A : f32 to vector<9x128xf32>
    %max3A_1258 = arith.maximumf %max3A_1257, %get3A_157 : vector<9x128xf32>
    %sub3A_1259 = vector.broadcast %custom_jvp_call3A : f32 to vector<9x128xf32>
    %sub3A_1260 = arith.subf %sub3A_1259, %get3A_157 : vector<9x128xf32>
    %ne3A_1261 = arith.cmpf one, %sub3A_1260, %sub3A_1260 : vector<9x128xf32>
    %add3A_1262 = vector.broadcast %custom_jvp_call3A : f32 to vector<9x128xf32>
    %add3A_1263 = arith.addf %add3A_1262, %get3A_157 : vector<9x128xf32>
    %abs3A = math.absf %sub3A_1260 : vector<9x128xf32>
    %neg3A = arith.constant 0.000000e+00 : f32
    %neg3A_1264 = vector.broadcast %neg3A : f32 to vector<9x128xf32>
    %neg3A_1265 = arith.subf %neg3A_1264, %abs3A : vector<9x128xf32>
    %exp3A_1266 = math.exp %neg3A_1265 : vector<9x128xf32>
    %log1p3A = math.log1p %exp3A_1266 : vector<9x128xf32>
    %add3A_1267 = arith.addf %max3A_1258, %log1p3A : vector<9x128xf32>
    %select_n3A_1268 = arith.select %ne3A_1261, %add3A_1263, %add3A_1267 : vector<9x128xi1>, vector<9x128xf32>
    %jit3A_1269 = arith.constant 0.000000e+00 : f32
    %broadcast_in_dim3A_1270 = vector.broadcast %jit3A_1269 : f32 to vector<9x128xf32>
    %select_n3A_1271 = arith.select %or3A_1256, %broadcast_in_dim3A_1270, %select_n3A_1268 : vector<9x128xi1>, vector<9x128xf32>
    %reduce_sum3A = vector.shape_cast %select_n3A_1271 : vector<9x128xf32> to vector<1x9x128xf32>
    %reduce_sum3A_1272 = arith.constant dense<0.000000e+00> : vector<1xf32>
    %reduce_sum3A_1273 = vector.multi_reduction <add>, %reduce_sum3A, %reduce_sum3A_1272 [1, 2] : vector<1x9x128xf32> to vector<1xf32>
    %reduce_sum3A_1274 = vector.shape_cast %reduce_sum3A_1273 : vector<1xf32> to vector<1x1x1xf32>
    %reduce_sum3A_1275 = vector.extract %reduce_sum3A_1274[0, 0, 0] : f32 from vector<1x1x1xf32>
    %get3A_1276 = arith.constant 0 : index
    %get3A_1277 = arith.constant 0 : index
    %get3A_1278 = arith.constant 0 : index
    %get3A_1279 = vector.load %arg4[%get3A_1276, %get3A_1277, %get3A_1278] : memref<1x20x16xf32, #tpu.memory_space<vmem>>, vector<1x20x16xf32>
    %get3A_1280 = vector.shape_cast %get3A_1279 : vector<1x20x16xf32> to vector<20x16xf32>
    %slice3A = vector.extract_strided_slice %get3A_1280 {offsets = [0, 0], sizes = [20, 1], strides = [1, 1]} : vector<20x16xf32> to vector<20x1xf32>
    %slice3A_1281 = vector.extract_strided_slice %get3A_1280 {offsets = [0, 1], sizes = [20, 1], strides = [1, 1]} : vector<20x16xf32> to vector<20x1xf32>
    %slice3A_1282 = vector.extract_strided_slice %get3A_1280 {offsets = [0, 2], sizes = [20, 1], strides = [1, 1]} : vector<20x16xf32> to vector<20x1xf32>
    %slice3A_1283 = vector.extract_strided_slice %get3A_1280 {offsets = [0, 3], sizes = [20, 1], strides = [1, 1]} : vector<20x16xf32> to vector<20x1xf32>
    %slice3A_1284 = vector.extract_strided_slice %get3A_1280 {offsets = [0, 4], sizes = [20, 1], strides = [1, 1]} : vector<20x16xf32> to vector<20x1xf32>
    %slice3A_1285 = vector.extract_strided_slice %get3A_1280 {offsets = [0, 5], sizes = [20, 1], strides = [1, 1]} : vector<20x16xf32> to vector<20x1xf32>
    %slice3A_1286 = vector.extract_strided_slice %get3A_1280 {offsets = [0, 6], sizes = [20, 1], strides = [1, 1]} : vector<20x16xf32> to vector<20x1xf32>
    %slice3A_1287 = vector.extract_strided_slice %get3A_1280 {offsets = [0, 7], sizes = [20, 1], strides = [1, 1]} : vector<20x16xf32> to vector<20x1xf32>
    %get3A_1288 = arith.constant 0 : index
    %get3A_1289 = arith.constant 0 : index
    %get3A_1290 = arith.constant 0 : index
    %get3A_1291 = vector.load %arg6[%get3A_1288, %get3A_1289, %get3A_1290] : memref<1x32x85xf32, #tpu.memory_space<vmem>>, vector<1x20x85xf32>
    %get3A_1292 = vector.shape_cast %get3A_1291 : vector<1x20x85xf32> to vector<20x85xf32>
    %get3A_1293 = arith.constant 0 : index
    %get3A_1294 = arith.constant 0 : index
    %get3A_1295 = arith.constant 0 : index
    %get3A_1296 = vector.load %arg5[%get3A_1293, %get3A_1294, %get3A_1295] : memref<1x20x85xf32, #tpu.memory_space<vmem>>, vector<1x20x85xf32>
    %get3A_1297 = vector.shape_cast %get3A_1296 : vector<1x20x85xf32> to vector<20x85xf32>
    %iota3A_1298 = tpu.iota {dimensions = array<i32: 1>} : vector<1x85xi32>
    %logistic3A_1299 = arith.negf %get3A_1292 : vector<20x85xf32>
    %logistic3A_1300 = math.exp %logistic3A_1299 : vector<20x85xf32>
    %logistic3A_1301 = arith.constant 1.000000e+00 : f32
    %logistic3A_1302 = vector.broadcast %logistic3A_1301 : f32 to vector<20x85xf32>
    %logistic3A_1303 = arith.addf %logistic3A_1302, %logistic3A_1300 : vector<20x85xf32>
    %logistic3A_1304 = arith.divf %logistic3A_1302, %logistic3A_1303 : vector<20x85xf32>
    %exp3A_1305 = math.exp %get3A_1292 : vector<20x85xf32>
    %custom_jvp_call3A_1306 = arith.constant 0.000000e+00 : f32
    %max3A_1307 = vector.broadcast %custom_jvp_call3A_1306 : f32 to vector<20x85xf32>
    %max3A_1308 = arith.maximumf %max3A_1307, %get3A_1292 : vector<20x85xf32>
    %sub3A_1309 = vector.broadcast %custom_jvp_call3A_1306 : f32 to vector<20x85xf32>
    %sub3A_1310 = arith.subf %sub3A_1309, %get3A_1292 : vector<20x85xf32>
    %ne3A_1311 = arith.cmpf one, %sub3A_1310, %sub3A_1310 : vector<20x85xf32>
    %add3A_1312 = vector.broadcast %custom_jvp_call3A_1306 : f32 to vector<20x85xf32>
    %add3A_1313 = arith.addf %add3A_1312, %get3A_1292 : vector<20x85xf32>
    %abs3A_1314 = math.absf %sub3A_1310 : vector<20x85xf32>
    %neg3A_1315 = arith.constant 0.000000e+00 : f32
    %neg3A_1316 = vector.broadcast %neg3A_1315 : f32 to vector<20x85xf32>
    %neg3A_1317 = arith.subf %neg3A_1316, %abs3A_1314 : vector<20x85xf32>
    %exp3A_1318 = math.exp %neg3A_1317 : vector<20x85xf32>
    %log1p3A_1319 = math.log1p %exp3A_1318 : vector<20x85xf32>
    %add3A_1320 = arith.addf %max3A_1308, %log1p3A_1319 : vector<20x85xf32>
    %select_n3A_1321 = arith.select %ne3A_1311, %add3A_1313, %add3A_1320 : vector<20x85xi1>, vector<20x85xf32>
    %eq3A_1322 = arith.constant 0.000000e+00 : f32
    %eq3A_1323 = vector.broadcast %eq3A_1322 : f32 to vector<20x1xf32>
    %eq3A_1324 = arith.cmpf oeq, %slice3A_1281, %eq3A_1323 : vector<20x1xf32>
    %eq3A_1325 = arith.constant 1.000000e+00 : f32
    %eq3A_1326 = vector.broadcast %eq3A_1325 : f32 to vector<20x1xf32>
    %eq3A_1327 = arith.cmpf oeq, %slice3A_1281, %eq3A_1326 : vector<20x1xf32>
    %jit3A_1328 = arith.constant 0.0263157897 : f32
    %jit3A_1329 = arith.constant 0.0542763174 : f32
    %broadcast_in_dim3A_1330 = vector.broadcast %jit3A_1328 : f32 to vector<20x1xf32>
    %broadcast_in_dim3A_1331 = vector.broadcast %jit3A_1329 : f32 to vector<20x1xf32>
    %select_n3A_1332 = arith.select %eq3A_1327, %broadcast_in_dim3A_1330, %broadcast_in_dim3A_1331 : vector<20x1xi1>, vector<20x1xf32>
    %jit3A_1333 = arith.constant 0.016447369 : f32
    %broadcast_in_dim3A_1334 = vector.broadcast %jit3A_1333 : f32 to vector<20x1xf32>
    %select_n3A_1335 = arith.select %eq3A_1324, %broadcast_in_dim3A_1334, %select_n3A_1332 : vector<20x1xi1>, vector<20x1xf32>
    %eq3A_1336 = arith.constant 0.000000e+00 : f32
    %eq3A_1337 = vector.broadcast %eq3A_1336 : f32 to vector<20x1xf32>
    %eq3A_1338 = arith.cmpf oeq, %slice3A_1281, %eq3A_1337 : vector<20x1xf32>
    %eq3A_1339 = arith.constant 1.000000e+00 : f32
    %eq3A_1340 = vector.broadcast %eq3A_1339 : f32 to vector<20x1xf32>
    %eq3A_1341 = arith.cmpf oeq, %slice3A_1281, %eq3A_1340 : vector<20x1xf32>
    %jit3A_1342 = arith.constant 0.049342107 : f32
    %jit3A_1343 = arith.constant 0.0378289483 : f32
    %broadcast_in_dim3A_1344 = vector.broadcast %jit3A_1342 : f32 to vector<20x1xf32>
    %broadcast_in_dim3A_1345 = vector.broadcast %jit3A_1343 : f32 to vector<20x1xf32>
    %select_n3A_1346 = arith.select %eq3A_1341, %broadcast_in_dim3A_1344, %broadcast_in_dim3A_1345 : vector<20x1xi1>, vector<20x1xf32>
    %jit3A_1347 = arith.constant 0.0213815793 : f32
    %broadcast_in_dim3A_1348 = vector.broadcast %jit3A_1347 : f32 to vector<20x1xf32>
    %select_n3A_1349 = arith.select %eq3A_1338, %broadcast_in_dim3A_1348, %select_n3A_1346 : vector<20x1xi1>, vector<20x1xf32>
    %eq3A_1350 = arith.constant 0 : i32
    %eq3A_1351 = vector.broadcast %eq3A_1350 : i32 to vector<1x85xi32>
    %eq3A_1352 = arith.cmpi eq, %iota3A_1298, %eq3A_1351 : vector<1x85xi32>
    %broadcast_in_dim3A_1353 = vector.shape_cast %eq3A_1352 : vector<1x85xi1> to vector<1x85xi1>
    %broadcast_in_dim3A_1354 = vector.broadcast %broadcast_in_dim3A_1353 : vector<1x85xi1> to vector<20x85xi1>
    %broadcast_in_dim3A_1355 = vector.shape_cast %slice3A_1282 : vector<20x1xf32> to vector<20x1xf32>
    %broadcast_in_dim3A_1356 = vector.broadcast %broadcast_in_dim3A_1355 : vector<20x1xf32> to vector<20x85xf32>
    %broadcast_in_dim3A_1357 = vector.shape_cast %slice3A_1283 : vector<20x1xf32> to vector<20x1xf32>
    %broadcast_in_dim3A_1358 = vector.broadcast %broadcast_in_dim3A_1357 : vector<20x1xf32> to vector<20x85xf32>
    %select_n3A_1359 = arith.select %broadcast_in_dim3A_1354, %broadcast_in_dim3A_1356, %broadcast_in_dim3A_1358 : vector<20x85xi1>, vector<20x85xf32>
    %eq3A_1360 = arith.constant 2 : i32
    %eq3A_1361 = vector.broadcast %eq3A_1360 : i32 to vector<1x85xi32>
    %eq3A_1362 = arith.cmpi eq, %iota3A_1298, %eq3A_1361 : vector<1x85xi32>
    %broadcast_in_dim3A_1363 = vector.shape_cast %eq3A_1362 : vector<1x85xi1> to vector<1x85xi1>
    %broadcast_in_dim3A_1364 = vector.broadcast %broadcast_in_dim3A_1363 : vector<1x85xi1> to vector<20x85xi1>
    %broadcast_in_dim3A_1365 = vector.shape_cast %select_n3A_1335 : vector<20x1xf32> to vector<20x1xf32>
    %broadcast_in_dim3A_1366 = vector.broadcast %broadcast_in_dim3A_1365 : vector<20x1xf32> to vector<20x85xf32>
    %broadcast_in_dim3A_1367 = vector.shape_cast %select_n3A_1349 : vector<20x1xf32> to vector<20x1xf32>
    %broadcast_in_dim3A_1368 = vector.broadcast %broadcast_in_dim3A_1367 : vector<20x1xf32> to vector<20x85xf32>
    %select_n3A_1369 = arith.select %broadcast_in_dim3A_1364, %broadcast_in_dim3A_1366, %broadcast_in_dim3A_1368 : vector<20x85xi1>, vector<20x85xf32>
    %add3A_1370 = arith.addf %logistic3A_1304, %select_n3A_1359 : vector<20x85xf32>
    %mul3A_1371 = arith.constant 0.0526315793 : f32
    %mul3A_1372 = vector.broadcast %mul3A_1371 : f32 to vector<20x85xf32>
    %mul3A_1373 = arith.mulf %add3A_1370, %mul3A_1372 : vector<20x85xf32>
    %mul3A_1374 = arith.mulf %exp3A_1305, %select_n3A_1369 : vector<20x85xf32>
    %eq3A_1375 = arith.constant 0 : i32
    %eq3A_1376 = vector.broadcast %eq3A_1375 : i32 to vector<1x85xi32>
    %eq3A_1377 = arith.cmpi eq, %iota3A_1298, %eq3A_1376 : vector<1x85xi32>
    %eq3A_1378 = arith.constant 1 : i32
    %eq3A_1379 = vector.broadcast %eq3A_1378 : i32 to vector<1x85xi32>
    %eq3A_1380 = arith.cmpi eq, %iota3A_1298, %eq3A_1379 : vector<1x85xi32>
    %eq3A_1381 = arith.constant 2 : i32
    %eq3A_1382 = vector.broadcast %eq3A_1381 : i32 to vector<1x85xi32>
    %eq3A_1383 = arith.cmpi eq, %iota3A_1298, %eq3A_1382 : vector<1x85xi32>
    %broadcast_in_dim3A_1384 = vector.shape_cast %eq3A_1383 : vector<1x85xi1> to vector<1x85xi1>
    %broadcast_in_dim3A_1385 = vector.broadcast %broadcast_in_dim3A_1384 : vector<1x85xi1> to vector<20x85xi1>
    %broadcast_in_dim3A_1386 = vector.shape_cast %slice3A_1286 : vector<20x1xf32> to vector<20x1xf32>
    %broadcast_in_dim3A_1387 = vector.broadcast %broadcast_in_dim3A_1386 : vector<20x1xf32> to vector<20x85xf32>
    %broadcast_in_dim3A_1388 = vector.shape_cast %slice3A_1287 : vector<20x1xf32> to vector<20x1xf32>
    %broadcast_in_dim3A_1389 = vector.broadcast %broadcast_in_dim3A_1388 : vector<20x1xf32> to vector<20x85xf32>
    %select_n3A_1390 = arith.select %broadcast_in_dim3A_1385, %broadcast_in_dim3A_1387, %broadcast_in_dim3A_1389 : vector<20x85xi1>, vector<20x85xf32>
    %broadcast_in_dim3A_1391 = vector.shape_cast %eq3A_1380 : vector<1x85xi1> to vector<1x85xi1>
    %broadcast_in_dim3A_1392 = vector.broadcast %broadcast_in_dim3A_1391 : vector<1x85xi1> to vector<20x85xi1>
    %broadcast_in_dim3A_1393 = vector.shape_cast %slice3A_1285 : vector<20x1xf32> to vector<20x1xf32>
    %broadcast_in_dim3A_1394 = vector.broadcast %broadcast_in_dim3A_1393 : vector<20x1xf32> to vector<20x85xf32>
    %select_n3A_1395 = arith.select %broadcast_in_dim3A_1392, %broadcast_in_dim3A_1394, %select_n3A_1390 : vector<20x85xi1>, vector<20x85xf32>
    %broadcast_in_dim3A_1396 = vector.shape_cast %eq3A_1377 : vector<1x85xi1> to vector<1x85xi1>
    %broadcast_in_dim3A_1397 = vector.broadcast %broadcast_in_dim3A_1396 : vector<1x85xi1> to vector<20x85xi1>
    %broadcast_in_dim3A_1398 = vector.shape_cast %slice3A_1284 : vector<20x1xf32> to vector<20x1xf32>
    %broadcast_in_dim3A_1399 = vector.broadcast %broadcast_in_dim3A_1398 : vector<20x1xf32> to vector<20x85xf32>
    %select_n3A_1400 = arith.select %broadcast_in_dim3A_1397, %broadcast_in_dim3A_1399, %select_n3A_1395 : vector<20x85xi1>, vector<20x85xf32>
    %le3A = arith.constant 1 : i32
    %le3A_1401 = vector.broadcast %le3A : i32 to vector<1x85xi32>
    %le3A_1402 = arith.cmpi sle, %iota3A_1298, %le3A_1401 : vector<1x85xi32>
    %convert_element_type3A_1403 = arith.extui %le3A_1402 : vector<1x85xi1> to vector<1x85xi32>
    %convert_element_type3A_1404 = arith.sitofp %convert_element_type3A_1403 : vector<1x85xi32> to vector<1x85xf32>
    %eq3A_1405 = arith.constant 2 : i32
    %eq3A_1406 = vector.broadcast %eq3A_1405 : i32 to vector<1x85xi32>
    %eq3A_1407 = arith.cmpi eq, %iota3A_1298, %eq3A_1406 : vector<1x85xi32>
    %eq3A_1408 = arith.constant 3 : i32
    %eq3A_1409 = vector.broadcast %eq3A_1408 : i32 to vector<1x85xi32>
    %eq3A_1410 = arith.cmpi eq, %iota3A_1298, %eq3A_1409 : vector<1x85xi32>
    %or3A_1411 = arith.ori %eq3A_1407, %eq3A_1410 : vector<1x85xi1>
    %convert_element_type3A_1412 = arith.extui %or3A_1411 : vector<1x85xi1> to vector<1x85xi32>
    %convert_element_type3A_1413 = arith.sitofp %convert_element_type3A_1412 : vector<1x85xi32> to vector<1x85xf32>
    %eq3A_1414 = arith.constant 4 : i32
    %eq3A_1415 = vector.broadcast %eq3A_1414 : i32 to vector<1x85xi32>
    %eq3A_1416 = arith.cmpi eq, %iota3A_1298, %eq3A_1415 : vector<1x85xi32>
    %convert_element_type3A_1417 = arith.extui %eq3A_1416 : vector<1x85xi1> to vector<1x85xi32>
    %convert_element_type3A_1418 = arith.sitofp %convert_element_type3A_1417 : vector<1x85xi32> to vector<1x85xf32>
    %ge3A = arith.constant 5 : i32
    %ge3A_1419 = vector.broadcast %ge3A : i32 to vector<1x85xi32>
    %ge3A_1420 = arith.cmpi sge, %iota3A_1298, %ge3A_1419 : vector<1x85xi32>
    %convert_element_type3A_1421 = arith.extui %ge3A_1420 : vector<1x85xi1> to vector<1x85xi32>
    %convert_element_type3A_1422 = arith.sitofp %convert_element_type3A_1421 : vector<1x85xi32> to vector<1x85xf32>
    %sub3A_1423 = arith.subf %mul3A_1373, %select_n3A_1400 : vector<20x85xf32>
    %sub3A_1424 = arith.subf %mul3A_1374, %select_n3A_1400 : vector<20x85xf32>
    %mul3A_1425 = arith.mulf %sub3A_1423, %sub3A_1423 : vector<20x85xf32>
    %mul3A_1426 = vector.broadcast %convert_element_type3A_1404 : vector<1x85xf32> to vector<20x85xf32>
    %mul3A_1427 = arith.mulf %mul3A_1425, %mul3A_1426 : vector<20x85xf32>
    %mul3A_1428 = arith.mulf %sub3A_1424, %sub3A_1424 : vector<20x85xf32>
    %mul3A_1429 = vector.broadcast %convert_element_type3A_1413 : vector<1x85xf32> to vector<20x85xf32>
    %mul3A_1430 = arith.mulf %mul3A_1428, %mul3A_1429 : vector<20x85xf32>
    %add3A_1431 = arith.addf %mul3A_1427, %mul3A_1430 : vector<20x85xf32>
    %mul3A_1432 = vector.broadcast %slice3A : vector<20x1xf32> to vector<20x85xf32>
    %mul3A_1433 = arith.mulf %mul3A_1432, %add3A_1431 : vector<20x85xf32>
    %reduce_sum3A_1434 = vector.shape_cast %mul3A_1433 : vector<20x85xf32> to vector<1x20x85xf32>
    %reduce_sum3A_1435 = arith.constant dense<0.000000e+00> : vector<1xf32>
    %reduce_sum3A_1436 = vector.multi_reduction <add>, %reduce_sum3A_1434, %reduce_sum3A_1435 [1, 2] : vector<1x20x85xf32> to vector<1xf32>
    %reduce_sum3A_1437 = vector.shape_cast %reduce_sum3A_1436 : vector<1xf32> to vector<1x1x1xf32>
    %reduce_sum3A_1438 = vector.extract %reduce_sum3A_1437[0, 0, 0] : f32 from vector<1x1x1xf32>
    %mul3A_1439 = arith.mulf %get3A_1292, %get3A_1297 : vector<20x85xf32>
    %sub3A_1440 = arith.subf %select_n3A_1321, %mul3A_1439 : vector<20x85xf32>
    %mul3A_1441 = vector.broadcast %slice3A : vector<20x1xf32> to vector<20x85xf32>
    %mul3A_1442 = arith.mulf %mul3A_1441, %sub3A_1440 : vector<20x85xf32>
    %mul3A_1443 = vector.broadcast %convert_element_type3A_1422 : vector<1x85xf32> to vector<20x85xf32>
    %mul3A_1444 = arith.mulf %mul3A_1442, %mul3A_1443 : vector<20x85xf32>
    %reduce_sum3A_1445 = vector.shape_cast %mul3A_1444 : vector<20x85xf32> to vector<1x20x85xf32>
    %reduce_sum3A_1446 = arith.constant dense<0.000000e+00> : vector<1xf32>
    %reduce_sum3A_1447 = vector.multi_reduction <add>, %reduce_sum3A_1445, %reduce_sum3A_1446 [1, 2] : vector<1x20x85xf32> to vector<1xf32>
    %reduce_sum3A_1448 = vector.shape_cast %reduce_sum3A_1447 : vector<1xf32> to vector<1x1x1xf32>
    %reduce_sum3A_1449 = vector.extract %reduce_sum3A_1448[0, 0, 0] : f32 from vector<1x1x1xf32>
    %mul3A_1450 = vector.broadcast %convert_element_type3A_1418 : vector<1x85xf32> to vector<20x85xf32>
    %mul3A_1451 = arith.mulf %get3A_1292, %mul3A_1450 : vector<20x85xf32>
    %reduce_sum3A_1452 = arith.constant dense<0.000000e+00> : vector<20xf32>
    %reduce_sum3A_1453 = vector.multi_reduction <add>, %mul3A_1451, %reduce_sum3A_1452 [1] : vector<20x85xf32> to vector<20xf32>
    %broadcast_in_dim3A_1454 = vector.shape_cast %reduce_sum3A_1453 : vector<20xf32> to vector<20x1xf32>
    %mul3A_1455 = vector.broadcast %convert_element_type3A_1418 : vector<1x85xf32> to vector<20x85xf32>
    %mul3A_1456 = arith.mulf %select_n3A_1321, %mul3A_1455 : vector<20x85xf32>
    %reduce_sum3A_1457 = arith.constant dense<0.000000e+00> : vector<20xf32>
    %reduce_sum3A_1458 = vector.multi_reduction <add>, %mul3A_1456, %reduce_sum3A_1457 [1] : vector<20x85xf32> to vector<20xf32>
    %broadcast_in_dim3A_1459 = vector.shape_cast %reduce_sum3A_1458 : vector<20xf32> to vector<20x1xf32>
    %eq3A_1460 = arith.constant 0 : i32
    %eq3A_1461 = vector.broadcast %eq3A_1460 : i32 to vector<1x85xi32>
    %eq3A_1462 = arith.cmpi eq, %iota3A_1298, %eq3A_1461 : vector<1x85xi32>
    %convert_element_type3A_1463 = arith.extui %eq3A_1462 : vector<1x85xi1> to vector<1x85xi32>
    %convert_element_type3A_1464 = arith.sitofp %convert_element_type3A_1463 : vector<1x85xi32> to vector<1x85xf32>
    %mul3A_1465 = vector.broadcast %convert_element_type3A_1464 : vector<1x85xf32> to vector<20x85xf32>
    %mul3A_1466 = arith.mulf %mul3A_1373, %mul3A_1465 : vector<20x85xf32>
    %reduce_sum3A_1467 = arith.constant dense<0.000000e+00> : vector<20xf32>
    %reduce_sum3A_1468 = vector.multi_reduction <add>, %mul3A_1466, %reduce_sum3A_1467 [1] : vector<20x85xf32> to vector<20xf32>
    %broadcast_in_dim3A_1469 = vector.shape_cast %reduce_sum3A_1468 : vector<20xf32> to vector<20x1xf32>
    %eq3A_1470 = arith.constant 1 : i32
    %eq3A_1471 = vector.broadcast %eq3A_1470 : i32 to vector<1x85xi32>
    %eq3A_1472 = arith.cmpi eq, %iota3A_1298, %eq3A_1471 : vector<1x85xi32>
    %convert_element_type3A_1473 = arith.extui %eq3A_1472 : vector<1x85xi1> to vector<1x85xi32>
    %convert_element_type3A_1474 = arith.sitofp %convert_element_type3A_1473 : vector<1x85xi32> to vector<1x85xf32>
    %mul3A_1475 = vector.broadcast %convert_element_type3A_1474 : vector<1x85xf32> to vector<20x85xf32>
    %mul3A_1476 = arith.mulf %mul3A_1373, %mul3A_1475 : vector<20x85xf32>
    %reduce_sum3A_1477 = arith.constant dense<0.000000e+00> : vector<20xf32>
    %reduce_sum3A_1478 = vector.multi_reduction <add>, %mul3A_1476, %reduce_sum3A_1477 [1] : vector<20x85xf32> to vector<20xf32>
    %broadcast_in_dim3A_1479 = vector.shape_cast %reduce_sum3A_1478 : vector<20xf32> to vector<20x1xf32>
    %eq3A_1480 = arith.constant 2 : i32
    %eq3A_1481 = vector.broadcast %eq3A_1480 : i32 to vector<1x85xi32>
    %eq3A_1482 = arith.cmpi eq, %iota3A_1298, %eq3A_1481 : vector<1x85xi32>
    %convert_element_type3A_1483 = arith.extui %eq3A_1482 : vector<1x85xi1> to vector<1x85xi32>
    %convert_element_type3A_1484 = arith.sitofp %convert_element_type3A_1483 : vector<1x85xi32> to vector<1x85xf32>
    %mul3A_1485 = vector.broadcast %convert_element_type3A_1484 : vector<1x85xf32> to vector<20x85xf32>
    %mul3A_1486 = arith.mulf %mul3A_1374, %mul3A_1485 : vector<20x85xf32>
    %reduce_sum3A_1487 = arith.constant dense<0.000000e+00> : vector<20xf32>
    %reduce_sum3A_1488 = vector.multi_reduction <add>, %mul3A_1486, %reduce_sum3A_1487 [1] : vector<20x85xf32> to vector<20xf32>
    %broadcast_in_dim3A_1489 = vector.shape_cast %reduce_sum3A_1488 : vector<20xf32> to vector<20x1xf32>
    %eq3A_1490 = arith.constant 3 : i32
    %eq3A_1491 = vector.broadcast %eq3A_1490 : i32 to vector<1x85xi32>
    %eq3A_1492 = arith.cmpi eq, %iota3A_1298, %eq3A_1491 : vector<1x85xi32>
    %convert_element_type3A_1493 = arith.extui %eq3A_1492 : vector<1x85xi1> to vector<1x85xi32>
    %convert_element_type3A_1494 = arith.sitofp %convert_element_type3A_1493 : vector<1x85xi32> to vector<1x85xf32>
    %mul3A_1495 = vector.broadcast %convert_element_type3A_1494 : vector<1x85xf32> to vector<20x85xf32>
    %mul3A_1496 = arith.mulf %mul3A_1374, %mul3A_1495 : vector<20x85xf32>
    %reduce_sum3A_1497 = arith.constant dense<0.000000e+00> : vector<20xf32>
    %reduce_sum3A_1498 = vector.multi_reduction <add>, %mul3A_1496, %reduce_sum3A_1497 [1] : vector<20x85xf32> to vector<20xf32>
    %broadcast_in_dim3A_1499 = vector.shape_cast %reduce_sum3A_1498 : vector<20xf32> to vector<20x1xf32>
    %get3A_1500 = arith.constant 0 : index
    %get3A_1501 = arith.constant 0 : index
    %get3A_1502 = arith.constant 0 : index
    %get3A_1503 = vector.load %arg3[%get3A_1500, %get3A_1501, %get3A_1502] : memref<1x4x20xf32, #tpu.memory_space<vmem>>, vector<1x4x20xf32>
    %get3A_1504 = vector.shape_cast %get3A_1503 : vector<1x4x20xf32> to vector<4x20xf32>
    %slice3A_1505 = vector.extract_strided_slice %get3A_1504 {offsets = [0, 0], sizes = [1, 20], strides = [1, 1]} : vector<4x20xf32> to vector<1x20xf32>
    %slice3A_1506 = vector.extract_strided_slice %get3A_1504 {offsets = [1, 0], sizes = [1, 20], strides = [1, 1]} : vector<4x20xf32> to vector<1x20xf32>
    %slice3A_1507 = vector.extract_strided_slice %get3A_1504 {offsets = [2, 0], sizes = [1, 20], strides = [1, 1]} : vector<4x20xf32> to vector<1x20xf32>
    %slice3A_1508 = vector.extract_strided_slice %get3A_1504 {offsets = [3, 0], sizes = [1, 20], strides = [1, 1]} : vector<4x20xf32> to vector<1x20xf32>
    %mul3A_1509 = arith.constant 5.000000e-01 : f32
    %mul3A_1510 = vector.broadcast %mul3A_1509 : f32 to vector<1x20xf32>
    %mul3A_1511 = arith.mulf %slice3A_1507, %mul3A_1510 : vector<1x20xf32>
    %sub3A_1512 = arith.subf %slice3A_1505, %mul3A_1511 : vector<1x20xf32>
    %mul3A_1513 = arith.constant 5.000000e-01 : f32
    %mul3A_1514 = vector.broadcast %mul3A_1513 : f32 to vector<1x20xf32>
    %mul3A_1515 = arith.mulf %slice3A_1507, %mul3A_1514 : vector<1x20xf32>
    %add3A_1516 = arith.addf %slice3A_1505, %mul3A_1515 : vector<1x20xf32>
    %mul3A_1517 = arith.constant 5.000000e-01 : f32
    %mul3A_1518 = vector.broadcast %mul3A_1517 : f32 to vector<1x20xf32>
    %mul3A_1519 = arith.mulf %slice3A_1508, %mul3A_1518 : vector<1x20xf32>
    %sub3A_1520 = arith.subf %slice3A_1506, %mul3A_1519 : vector<1x20xf32>
    %mul3A_1521 = arith.constant 5.000000e-01 : f32
    %mul3A_1522 = vector.broadcast %mul3A_1521 : f32 to vector<1x20xf32>
    %mul3A_1523 = arith.mulf %slice3A_1508, %mul3A_1522 : vector<1x20xf32>
    %add3A_1524 = arith.addf %slice3A_1506, %mul3A_1523 : vector<1x20xf32>
    %mul3A_1525 = arith.mulf %slice3A_1507, %slice3A_1508 : vector<1x20xf32>
    %mul3A_1526 = arith.constant 5.000000e-01 : f32
    %mul3A_1527 = vector.broadcast %mul3A_1526 : f32 to vector<20x1xf32>
    %mul3A_1528 = arith.mulf %broadcast_in_dim3A_1489, %mul3A_1527 : vector<20x1xf32>
    %add3A_1529 = arith.addf %broadcast_in_dim3A_1469, %mul3A_1528 : vector<20x1xf32>
    %min3A_1530 = vector.broadcast %add3A_1529 : vector<20x1xf32> to vector<20x20xf32>
    %min3A_1531 = vector.broadcast %add3A_1516 : vector<1x20xf32> to vector<20x20xf32>
    %min3A_1532 = arith.minimumf %min3A_1530, %min3A_1531 : vector<20x20xf32>
    %mul3A_1533 = arith.constant 5.000000e-01 : f32
    %mul3A_1534 = vector.broadcast %mul3A_1533 : f32 to vector<20x1xf32>
    %mul3A_1535 = arith.mulf %broadcast_in_dim3A_1489, %mul3A_1534 : vector<20x1xf32>
    %sub3A_1536 = arith.subf %broadcast_in_dim3A_1469, %mul3A_1535 : vector<20x1xf32>
    %max3A_1537 = vector.broadcast %sub3A_1536 : vector<20x1xf32> to vector<20x20xf32>
    %max3A_1538 = vector.broadcast %sub3A_1512 : vector<1x20xf32> to vector<20x20xf32>
    %max3A_1539 = arith.maximumf %max3A_1537, %max3A_1538 : vector<20x20xf32>
    %sub3A_1540 = arith.subf %min3A_1532, %max3A_1539 : vector<20x20xf32>
    %max3A_1541 = arith.constant 0.000000e+00 : f32
    %max3A_1542 = vector.broadcast %max3A_1541 : f32 to vector<20x20xf32>
    %max3A_1543 = arith.maximumf %sub3A_1540, %max3A_1542 : vector<20x20xf32>
    %mul3A_1544 = arith.constant 5.000000e-01 : f32
    %mul3A_1545 = vector.broadcast %mul3A_1544 : f32 to vector<20x1xf32>
    %mul3A_1546 = arith.mulf %broadcast_in_dim3A_1499, %mul3A_1545 : vector<20x1xf32>
    %add3A_1547 = arith.addf %broadcast_in_dim3A_1479, %mul3A_1546 : vector<20x1xf32>
    %min3A_1548 = vector.broadcast %add3A_1547 : vector<20x1xf32> to vector<20x20xf32>
    %min3A_1549 = vector.broadcast %add3A_1524 : vector<1x20xf32> to vector<20x20xf32>
    %min3A_1550 = arith.minimumf %min3A_1548, %min3A_1549 : vector<20x20xf32>
    %mul3A_1551 = arith.constant 5.000000e-01 : f32
    %mul3A_1552 = vector.broadcast %mul3A_1551 : f32 to vector<20x1xf32>
    %mul3A_1553 = arith.mulf %broadcast_in_dim3A_1499, %mul3A_1552 : vector<20x1xf32>
    %sub3A_1554 = arith.subf %broadcast_in_dim3A_1479, %mul3A_1553 : vector<20x1xf32>
    %max3A_1555 = vector.broadcast %sub3A_1554 : vector<20x1xf32> to vector<20x20xf32>
    %max3A_1556 = vector.broadcast %sub3A_1520 : vector<1x20xf32> to vector<20x20xf32>
    %max3A_1557 = arith.maximumf %max3A_1555, %max3A_1556 : vector<20x20xf32>
    %sub3A_1558 = arith.subf %min3A_1550, %max3A_1557 : vector<20x20xf32>
    %max3A_1559 = arith.constant 0.000000e+00 : f32
    %max3A_1560 = vector.broadcast %max3A_1559 : f32 to vector<20x20xf32>
    %max3A_1561 = arith.maximumf %sub3A_1558, %max3A_1560 : vector<20x20xf32>
    %mul3A_1562 = arith.mulf %max3A_1543, %max3A_1561 : vector<20x20xf32>
    %mul3A_1563 = arith.mulf %broadcast_in_dim3A_1489, %broadcast_in_dim3A_1499 : vector<20x1xf32>
    %add3A_1564 = vector.broadcast %mul3A_1563 : vector<20x1xf32> to vector<20x20xf32>
    %add3A_1565 = vector.broadcast %mul3A_1525 : vector<1x20xf32> to vector<20x20xf32>
    %add3A_1566 = arith.addf %add3A_1564, %add3A_1565 : vector<20x20xf32>
    %sub3A_1567 = arith.subf %add3A_1566, %mul3A_1562 : vector<20x20xf32>
    %add3A_1568 = arith.constant 9.99999971E-10 : f32
    %add3A_1569 = vector.broadcast %add3A_1568 : f32 to vector<20x20xf32>
    %add3A_1570 = arith.addf %sub3A_1567, %add3A_1569 : vector<20x20xf32>
    %div3A_1571 = arith.divf %mul3A_1562, %add3A_1570 : vector<20x20xf32>
    %reduce_max3A = arith.constant dense<0xFF800000> : vector<20xf32>
    %reduce_max3A_1572 = vector.multi_reduction <maximumf>, %div3A_1571, %reduce_max3A [1] : vector<20x20xf32> to vector<20xf32>
    %broadcast_in_dim3A_1573 = vector.shape_cast %reduce_max3A_1572 : vector<20xf32> to vector<20x1xf32>
    %gt3A_1574 = arith.constant 5.000000e-01 : f32
    %gt3A_1575 = vector.broadcast %gt3A_1574 : f32 to vector<20x1xf32>
    %gt3A_1576 = arith.cmpf ogt, %broadcast_in_dim3A_1573, %gt3A_1575 : vector<20x1xf32>
    %sub3A_1577 = arith.subf %broadcast_in_dim3A_1459, %broadcast_in_dim3A_1454 : vector<20x1xf32>
    %mul3A_1578 = arith.constant 5.000000e-01 : f32
    %mul3A_1579 = vector.broadcast %mul3A_1578 : f32 to vector<20x1xf32>
    %mul3A_1580 = arith.mulf %mul3A_1579, %broadcast_in_dim3A_1459 : vector<20x1xf32>
    %jit3A_1581 = arith.constant 0.000000e+00 : f32
    %broadcast_in_dim3A_1582 = vector.broadcast %jit3A_1581 : f32 to vector<20x1xf32>
    %select_n3A_1583 = arith.select %gt3A_1576, %broadcast_in_dim3A_1582, %mul3A_1580 : vector<20x1xi1>, vector<20x1xf32>
    %sub3A_1584 = arith.subf %sub3A_1577, %select_n3A_1583 : vector<20x1xf32>
    %mul3A_1585 = arith.mulf %slice3A, %sub3A_1584 : vector<20x1xf32>
    %reduce_sum3A_1586 = vector.shape_cast %mul3A_1585 : vector<20x1xf32> to vector<1x20x1xf32>
    %reduce_sum3A_1587 = arith.constant dense<0.000000e+00> : vector<1xf32>
    %reduce_sum3A_1588 = vector.multi_reduction <add>, %reduce_sum3A_1586, %reduce_sum3A_1587 [1, 2] : vector<1x20x1xf32> to vector<1xf32>
    %reduce_sum3A_1589 = vector.shape_cast %reduce_sum3A_1588 : vector<1xf32> to vector<1x1x1xf32>
    %reduce_sum3A_1590 = vector.extract %reduce_sum3A_1589[0, 0, 0] : f32 from vector<1x1x1xf32>
    %reduce_sum3A_1591 = vector.shape_cast %slice3A : vector<20x1xf32> to vector<1x20x1xf32>
    %reduce_sum3A_1592 = arith.constant dense<0.000000e+00> : vector<1xf32>
    %reduce_sum3A_1593 = vector.multi_reduction <add>, %reduce_sum3A_1591, %reduce_sum3A_1592 [1, 2] : vector<1x20x1xf32> to vector<1xf32>
    %reduce_sum3A_1594 = vector.shape_cast %reduce_sum3A_1593 : vector<1xf32> to vector<1x1x1xf32>
    %reduce_sum3A_1595 = vector.extract %reduce_sum3A_1594[0, 0, 0] : f32 from vector<1x1x1xf32>
    %get3A_1596 = arith.constant 0 : index
    %get3A_1597 = memref.load %arg7[%get3A_1596] : memref<1xf32, #tpu.memory_space<smem>>
    %add3A_1598 = arith.addf %get3A_1597, %reduce_sum3A_1438 : f32
    %swap3A = arith.constant 0 : index
    %swap3A_1599 = memref.load %arg7[%swap3A] : memref<1xf32, #tpu.memory_space<smem>>
    memref.store %add3A_1598, %arg7[%swap3A] : memref<1xf32, #tpu.memory_space<smem>>
    %get3A_1600 = arith.constant 0 : index
    %get3A_1601 = memref.load %arg8[%get3A_1600] : memref<1xf32, #tpu.memory_space<smem>>
    %add3A_1602 = arith.addf %get3A_1601, %reduce_sum3A_1449 : f32
    %swap3A_1603 = arith.constant 0 : index
    %swap3A_1604 = memref.load %arg8[%swap3A_1603] : memref<1xf32, #tpu.memory_space<smem>>
    memref.store %add3A_1602, %arg8[%swap3A_1603] : memref<1xf32, #tpu.memory_space<smem>>
    %get3A_1605 = arith.constant 0 : index
    %get3A_1606 = memref.load %arg9[%get3A_1605] : memref<1xf32, #tpu.memory_space<smem>>
    %add3A_1607 = arith.addf %get3A_1606, %reduce_sum3A_1590 : f32
    %swap3A_1608 = arith.constant 0 : index
    %swap3A_1609 = memref.load %arg9[%swap3A_1608] : memref<1xf32, #tpu.memory_space<smem>>
    memref.store %add3A_1607, %arg9[%swap3A_1608] : memref<1xf32, #tpu.memory_space<smem>>
    %get3A_1610 = arith.constant 0 : index
    %get3A_1611 = memref.load %arg10[%get3A_1610] : memref<1xf32, #tpu.memory_space<smem>>
    %add3A_1612 = arith.addf %get3A_1611, %reduce_sum3A_1275 : f32
    %swap3A_1613 = arith.constant 0 : index
    %swap3A_1614 = memref.load %arg10[%swap3A_1613] : memref<1xf32, #tpu.memory_space<smem>>
    memref.store %add3A_1612, %arg10[%swap3A_1613] : memref<1xf32, #tpu.memory_space<smem>>
    %get3A_1615 = arith.constant 0 : index
    %get3A_1616 = memref.load %arg11[%get3A_1615] : memref<1xf32, #tpu.memory_space<smem>>
    %add3A_1617 = arith.addf %get3A_1616, %reduce_sum3A_1595 : f32
    %swap3A_1618 = arith.constant 0 : index
    %swap3A_1619 = memref.load %arg11[%swap3A_1618] : memref<1xf32, #tpu.memory_space<smem>>
    memref.store %add3A_1617, %arg11[%swap3A_1618] : memref<1xf32, #tpu.memory_space<smem>>
    return
  }
  func.func @transform_0(%arg0: i32) -> (i32, i32, i32, i32) {
    %c0_i32 = arith.constant 0 : i32
    %c0_i32_0 = arith.constant 0 : i32
    %c0_i32_1 = arith.constant 0 : i32
    %c0_i32_2 = arith.constant 0 : i32
    return %arg0, %c0_i32, %c0_i32_0, %c0_i32_1 : i32, i32, i32, i32
  }
  func.func @transform_1(%arg0: i32) -> (i32, i32, i32) {
    %c0_i32 = arith.constant 0 : i32
    %c0_i32_0 = arith.constant 0 : i32
    %c0_i32_1 = arith.constant 0 : i32
    return %arg0, %c0_i32, %c0_i32_0 : i32, i32, i32
  }
  func.func @transform_2(%arg0: i32) -> (i32, i32, i32) {
    %c0_i32 = arith.constant 0 : i32
    %c0_i32_0 = arith.constant 0 : i32
    %c0_i32_1 = arith.constant 0 : i32
    return %arg0, %c0_i32, %c0_i32_0 : i32, i32, i32
  }
  func.func @transform_3(%arg0: i32) -> (i32, i32, i32) {
    %c0_i32 = arith.constant 0 : i32
    %c0_i32_0 = arith.constant 0 : i32
    %c0_i32_1 = arith.constant 0 : i32
    return %arg0, %c0_i32, %c0_i32_0 : i32, i32, i32
  }
  func.func @transform_4(%arg0: i32) -> (i32, i32, i32) {
    %c0_i32 = arith.constant 0 : i32
    %c0_i32_0 = arith.constant 0 : i32
    %c0_i32_1 = arith.constant 0 : i32
    return %arg0, %c0_i32, %c0_i32_0 : i32, i32, i32
  }
  func.func @transform_5(%arg0: i32) -> (i32, i32, i32) {
    %c0_i32 = arith.constant 0 : i32
    %c0_i32_0 = arith.constant 0 : i32
    %c0_i32_1 = arith.constant 0 : i32
    return %arg0, %c0_i32, %c0_i32_0 : i32, i32, i32
  }
  func.func @transform_6(%arg0: i32) -> i32 {
    %c0_i32 = arith.constant 0 : i32
    %c0_i32_0 = arith.constant 0 : i32
    return %c0_i32 : i32
  }
  func.func @transform_7(%arg0: i32) -> i32 {
    %c0_i32 = arith.constant 0 : i32
    %c0_i32_0 = arith.constant 0 : i32
    return %c0_i32 : i32
  }
  func.func @transform_8(%arg0: i32) -> i32 {
    %c0_i32 = arith.constant 0 : i32
    %c0_i32_0 = arith.constant 0 : i32
    return %c0_i32 : i32
  }
  func.func @transform_9(%arg0: i32) -> i32 {
    %c0_i32 = arith.constant 0 : i32
    %c0_i32_0 = arith.constant 0 : i32
    return %c0_i32 : i32
  }
  func.func @transform_10(%arg0: i32) -> i32 {
    %c0_i32 = arith.constant 0 : i32
    %c0_i32_0 = arith.constant 0 : i32
    return %c0_i32 : i32
  }
}

module attributes {stable_mosaic.version = 14 : i64} {
  func.func @_scale_kernel(%arg0: i32, %arg1: memref<1x5x34x128xf32, #tpu.memory_space<vmem>>, %arg2: memref<1x1x80xf32, #tpu.memory_space<smem>>, %arg3: memref<1x4x20xf32, #tpu.memory_space<vmem>>, %arg4: memref<1x20x16xf32, #tpu.memory_space<vmem>>, %arg5: memref<1x20x85xf32, #tpu.memory_space<vmem>>, %arg6: memref<1x32x85xf32, #tpu.memory_space<vmem>>, %arg7: memref<1xf32, #tpu.memory_space<smem>>, %arg8: memref<1xf32, #tpu.memory_space<smem>>, %arg9: memref<1xf32, #tpu.memory_space<smem>>, %arg10: memref<1xf32, #tpu.memory_space<smem>>, %arg11: memref<1xf32, #tpu.memory_space<smem>>) attributes {dimension_semantics = [#tpu.dimension_semantics<arbitrary>], iteration_bounds = array<i64: 16>, scalar_prefetch = 0 : i64, scratch_operands = 0 : i64, tpu.core_type = #tpu.core_type<tc>, window_params = [{transform_indices = @transform_0, window_bounds = array<i64: 1, 5, 34, 128>}, {transform_indices = @transform_1, window_bounds = array<i64: 1, 1, 80>}, {transform_indices = @transform_2, window_bounds = array<i64: 1, 4, 20>}, {transform_indices = @transform_3, window_bounds = array<i64: 1, 20, 16>}, {transform_indices = @transform_4, window_bounds = array<i64: 1, 20, 85>}, {transform_indices = @transform_5, window_bounds = array<i64: 1, 32, 85>}, {transform_indices = @transform_6, window_bounds = array<i64: 1>}, {transform_indices = @transform_7, window_bounds = array<i64: 1>}, {transform_indices = @transform_8, window_bounds = array<i64: 1>}, {transform_indices = @transform_9, window_bounds = array<i64: 1>}, {transform_indices = @transform_10, window_bounds = array<i64: 1>}]} {
    %eq3A = arith.constant 0 : i32
    %eq3A_0 = arith.cmpi eq, %arg0, %eq3A : i32
    %convert_element_type3A = arith.extui %eq3A_0 : i1 to i32
    %cond3A = arith.constant 0 : i32
    %cond3A_1 = arith.cmpi ne, %convert_element_type3A, %cond3A : i32
    scf.if %cond3A_1 {
      %swap3A_1620 = arith.constant 0.000000e+00 : f32
      %swap3A_1621 = arith.constant 0 : index
      %swap3A_1622 = memref.load %arg7[%swap3A_1621] : memref<1xf32, #tpu.memory_space<smem>>
      memref.store %swap3A_1620, %arg7[%swap3A_1621] : memref<1xf32, #tpu.memory_space<smem>>
      %swap3A_1623 = arith.constant 0.000000e+00 : f32
      %swap3A_1624 = arith.constant 0 : index
      %swap3A_1625 = memref.load %arg8[%swap3A_1624] : memref<1xf32, #tpu.memory_space<smem>>
      memref.store %swap3A_1623, %arg8[%swap3A_1624] : memref<1xf32, #tpu.memory_space<smem>>
      %swap3A_1626 = arith.constant 0.000000e+00 : f32
      %swap3A_1627 = arith.constant 0 : index
      %swap3A_1628 = memref.load %arg9[%swap3A_1627] : memref<1xf32, #tpu.memory_space<smem>>
      memref.store %swap3A_1626, %arg9[%swap3A_1627] : memref<1xf32, #tpu.memory_space<smem>>
      %swap3A_1629 = arith.constant 0.000000e+00 : f32
      %swap3A_1630 = arith.constant 0 : index
      %swap3A_1631 = memref.load %arg10[%swap3A_1630] : memref<1xf32, #tpu.memory_space<smem>>
      memref.store %swap3A_1629, %arg10[%swap3A_1630] : memref<1xf32, #tpu.memory_space<smem>>
      %swap3A_1632 = arith.constant 0.000000e+00 : f32
      %swap3A_1633 = arith.constant 0 : index
      %swap3A_1634 = memref.load %arg11[%swap3A_1633] : memref<1xf32, #tpu.memory_space<smem>>
      memref.store %swap3A_1632, %arg11[%swap3A_1633] : memref<1xf32, #tpu.memory_space<smem>>
    } else {
    }
    %iota3A = tpu.iota {dimensions = array<i32: 0>} : vector<34x128xi32>
    %mul3A = arith.constant 128 : i32
    %mul3A_2 = vector.broadcast %mul3A : i32 to vector<34x128xi32>
    %mul3A_3 = arith.muli %iota3A, %mul3A_2 : vector<34x128xi32>
    %iota3A_4 = tpu.iota {dimensions = array<i32: 1>} : vector<34x128xi32>
    %add3A = arith.addi %mul3A_3, %iota3A_4 : vector<34x128xi32>
    %jit3A = arith.constant 1444 : i32
    %div3A = vector.broadcast %jit3A : i32 to vector<34x128xi32>
    %div3A_5 = arith.divsi %add3A, %div3A : vector<34x128xi32>
    %sign3A = arith.constant 0 : i32
    %sign3A_6 = vector.broadcast %sign3A : i32 to vector<34x128xi32>
    %sign3A_7 = arith.cmpi sgt, %add3A, %sign3A_6 : vector<34x128xi32>
    %sign3A_8 = arith.extui %sign3A_7 : vector<34x128xi1> to vector<34x128xi32>
    %sign3A_9 = arith.constant 0 : i32
    %sign3A_10 = vector.broadcast %sign3A_9 : i32 to vector<34x128xi32>
    %sign3A_11 = arith.cmpi slt, %add3A, %sign3A_10 : vector<34x128xi32>
    %sign3A_12 = arith.extui %sign3A_11 : vector<34x128xi1> to vector<34x128xi32>
    %sign3A_13 = arith.subi %sign3A_8, %sign3A_12 : vector<34x128xi32>
    %sign3A_14 = arith.constant 0 : i32
    %sign3A_15 = arith.cmpi sgt, %jit3A, %sign3A_14 : i32
    %sign3A_16 = arith.extui %sign3A_15 : i1 to i32
    %sign3A_17 = arith.constant 0 : i32
    %sign3A_18 = arith.cmpi slt, %jit3A, %sign3A_17 : i32
    %sign3A_19 = arith.extui %sign3A_18 : i1 to i32
    %sign3A_20 = arith.subi %sign3A_16, %sign3A_19 : i32
    %ne3A = vector.broadcast %sign3A_20 : i32 to vector<34x128xi32>
    %ne3A_21 = arith.cmpi ne, %sign3A_13, %ne3A : vector<34x128xi32>
    %rem3A = vector.broadcast %jit3A : i32 to vector<34x128xi32>
    %rem3A_22 = arith.remsi %add3A, %rem3A : vector<34x128xi32>
    %ne3A_23 = arith.constant 0 : i32
    %ne3A_24 = vector.broadcast %ne3A_23 : i32 to vector<34x128xi32>
    %ne3A_25 = arith.cmpi ne, %rem3A_22, %ne3A_24 : vector<34x128xi32>
    %and3A = arith.andi %ne3A_21, %ne3A_25 : vector<34x128xi1>
    %sub3A = arith.constant 1 : i32
    %sub3A_26 = vector.broadcast %sub3A : i32 to vector<34x128xi32>
    %sub3A_27 = arith.subi %div3A_5, %sub3A_26 : vector<34x128xi32>
    %select_n3A = arith.select %and3A, %sub3A_27, %div3A_5 : vector<34x128xi1>, vector<34x128xi32>
    %mul3A_28 = arith.constant 1444 : i32
    %mul3A_29 = vector.broadcast %mul3A_28 : i32 to vector<34x128xi32>
    %mul3A_30 = arith.muli %select_n3A, %mul3A_29 : vector<34x128xi32>
    %sub3A_31 = arith.subi %add3A, %mul3A_30 : vector<34x128xi32>
    %jit3A_32 = arith.constant 38 : i32
    %div3A_33 = vector.broadcast %jit3A_32 : i32 to vector<34x128xi32>
    %div3A_34 = arith.divsi %sub3A_31, %div3A_33 : vector<34x128xi32>
    %sign3A_35 = arith.constant 0 : i32
    %sign3A_36 = vector.broadcast %sign3A_35 : i32 to vector<34x128xi32>
    %sign3A_37 = arith.cmpi sgt, %sub3A_31, %sign3A_36 : vector<34x128xi32>
    %sign3A_38 = arith.extui %sign3A_37 : vector<34x128xi1> to vector<34x128xi32>
    %sign3A_39 = arith.constant 0 : i32
    %sign3A_40 = vector.broadcast %sign3A_39 : i32 to vector<34x128xi32>
    %sign3A_41 = arith.cmpi slt, %sub3A_31, %sign3A_40 : vector<34x128xi32>
    %sign3A_42 = arith.extui %sign3A_41 : vector<34x128xi1> to vector<34x128xi32>
    %sign3A_43 = arith.subi %sign3A_38, %sign3A_42 : vector<34x128xi32>
    %sign3A_44 = arith.constant 0 : i32
    %sign3A_45 = arith.cmpi sgt, %jit3A_32, %sign3A_44 : i32
    %sign3A_46 = arith.extui %sign3A_45 : i1 to i32
    %sign3A_47 = arith.constant 0 : i32
    %sign3A_48 = arith.cmpi slt, %jit3A_32, %sign3A_47 : i32
    %sign3A_49 = arith.extui %sign3A_48 : i1 to i32
    %sign3A_50 = arith.subi %sign3A_46, %sign3A_49 : i32
    %ne3A_51 = vector.broadcast %sign3A_50 : i32 to vector<34x128xi32>
    %ne3A_52 = arith.cmpi ne, %sign3A_43, %ne3A_51 : vector<34x128xi32>
    %rem3A_53 = vector.broadcast %jit3A_32 : i32 to vector<34x128xi32>
    %rem3A_54 = arith.remsi %sub3A_31, %rem3A_53 : vector<34x128xi32>
    %ne3A_55 = arith.constant 0 : i32
    %ne3A_56 = vector.broadcast %ne3A_55 : i32 to vector<34x128xi32>
    %ne3A_57 = arith.cmpi ne, %rem3A_54, %ne3A_56 : vector<34x128xi32>
    %and3A_58 = arith.andi %ne3A_52, %ne3A_57 : vector<34x128xi1>
    %sub3A_59 = arith.constant 1 : i32
    %sub3A_60 = vector.broadcast %sub3A_59 : i32 to vector<34x128xi32>
    %sub3A_61 = arith.subi %div3A_34, %sub3A_60 : vector<34x128xi32>
    %select_n3A_62 = arith.select %and3A_58, %sub3A_61, %div3A_34 : vector<34x128xi1>, vector<34x128xi32>
    %convert_element_type3A_63 = arith.sitofp %select_n3A_62 : vector<34x128xi32> to vector<34x128xf32>
    %jit3A_64 = arith.constant 38 : i32
    %div3A_65 = vector.broadcast %jit3A_64 : i32 to vector<34x128xi32>
    %div3A_66 = arith.divsi %sub3A_31, %div3A_65 : vector<34x128xi32>
    %sign3A_67 = arith.constant 0 : i32
    %sign3A_68 = vector.broadcast %sign3A_67 : i32 to vector<34x128xi32>
    %sign3A_69 = arith.cmpi sgt, %sub3A_31, %sign3A_68 : vector<34x128xi32>
    %sign3A_70 = arith.extui %sign3A_69 : vector<34x128xi1> to vector<34x128xi32>
    %sign3A_71 = arith.constant 0 : i32
    %sign3A_72 = vector.broadcast %sign3A_71 : i32 to vector<34x128xi32>
    %sign3A_73 = arith.cmpi slt, %sub3A_31, %sign3A_72 : vector<34x128xi32>
    %sign3A_74 = arith.extui %sign3A_73 : vector<34x128xi1> to vector<34x128xi32>
    %sign3A_75 = arith.subi %sign3A_70, %sign3A_74 : vector<34x128xi32>
    %sign3A_76 = arith.constant 0 : i32
    %sign3A_77 = arith.cmpi sgt, %jit3A_64, %sign3A_76 : i32
    %sign3A_78 = arith.extui %sign3A_77 : i1 to i32
    %sign3A_79 = arith.constant 0 : i32
    %sign3A_80 = arith.cmpi slt, %jit3A_64, %sign3A_79 : i32
    %sign3A_81 = arith.extui %sign3A_80 : i1 to i32
    %sign3A_82 = arith.subi %sign3A_78, %sign3A_81 : i32
    %ne3A_83 = vector.broadcast %sign3A_82 : i32 to vector<34x128xi32>
    %ne3A_84 = arith.cmpi ne, %sign3A_75, %ne3A_83 : vector<34x128xi32>
    %rem3A_85 = vector.broadcast %jit3A_64 : i32 to vector<34x128xi32>
    %rem3A_86 = arith.remsi %sub3A_31, %rem3A_85 : vector<34x128xi32>
    %ne3A_87 = arith.constant 0 : i32
    %ne3A_88 = vector.broadcast %ne3A_87 : i32 to vector<34x128xi32>
    %ne3A_89 = arith.cmpi ne, %rem3A_86, %ne3A_88 : vector<34x128xi32>
    %and3A_90 = arith.andi %ne3A_84, %ne3A_89 : vector<34x128xi1>
    %sub3A_91 = arith.constant 1 : i32
    %sub3A_92 = vector.broadcast %sub3A_91 : i32 to vector<34x128xi32>
    %sub3A_93 = arith.subi %div3A_66, %sub3A_92 : vector<34x128xi32>
    %select_n3A_94 = arith.select %and3A_90, %sub3A_93, %div3A_66 : vector<34x128xi1>, vector<34x128xi32>
    %mul3A_95 = arith.constant 38 : i32
    %mul3A_96 = vector.broadcast %mul3A_95 : i32 to vector<34x128xi32>
    %mul3A_97 = arith.muli %select_n3A_94, %mul3A_96 : vector<34x128xi32>
    %sub3A_98 = arith.subi %sub3A_31, %mul3A_97 : vector<34x128xi32>
    %convert_element_type3A_99 = arith.sitofp %sub3A_98 : vector<34x128xi32> to vector<34x128xf32>
    %lt3A = arith.constant 4332 : i32
    %lt3A_100 = vector.broadcast %lt3A : i32 to vector<34x128xi32>
    %lt3A_101 = arith.cmpi slt, %add3A, %lt3A_100 : vector<34x128xi32>
    %eq3A_102 = arith.constant 0 : i32
    %eq3A_103 = vector.broadcast %eq3A_102 : i32 to vector<34x128xi32>
    %eq3A_104 = arith.cmpi eq, %select_n3A, %eq3A_103 : vector<34x128xi32>
    %eq3A_105 = arith.constant 1 : i32
    %eq3A_106 = vector.broadcast %eq3A_105 : i32 to vector<34x128xi32>
    %eq3A_107 = arith.cmpi eq, %select_n3A, %eq3A_106 : vector<34x128xi32>
    %jit3A_108 = arith.constant 0.101973683 : f32
    %jit3A_109 = arith.constant 0.097039476 : f32
    %broadcast_in_dim3A = vector.broadcast %jit3A_108 : f32 to vector<34x128xf32>
    %broadcast_in_dim3A_110 = vector.broadcast %jit3A_109 : f32 to vector<34x128xf32>
    %select_n3A_111 = arith.select %eq3A_107, %broadcast_in_dim3A, %broadcast_in_dim3A_110 : vector<34x128xi1>, vector<34x128xf32>
    %jit3A_112 = arith.constant 0.049342107 : f32
    %broadcast_in_dim3A_113 = vector.broadcast %jit3A_112 : f32 to vector<34x128xf32>
    %select_n3A_114 = arith.select %eq3A_104, %broadcast_in_dim3A_113, %select_n3A_111 : vector<34x128xi1>, vector<34x128xf32>
    %eq3A_115 = arith.constant 0 : i32
    %eq3A_116 = vector.broadcast %eq3A_115 : i32 to vector<34x128xi32>
    %eq3A_117 = arith.cmpi eq, %select_n3A, %eq3A_116 : vector<34x128xi32>
    %eq3A_118 = arith.constant 1 : i32
    %eq3A_119 = vector.broadcast %eq3A_118 : i32 to vector<34x128xi32>
    %eq3A_120 = arith.cmpi eq, %select_n3A, %eq3A_119 : vector<34x128xi32>
    %jit3A_121 = arith.constant 0.0740131587 : f32
    %jit3A_122 = arith.constant 0.195723683 : f32
    %broadcast_in_dim3A_123 = vector.broadcast %jit3A_121 : f32 to vector<34x128xf32>
    %broadcast_in_dim3A_124 = vector.broadcast %jit3A_122 : f32 to vector<34x128xf32>
    %select_n3A_125 = arith.select %eq3A_120, %broadcast_in_dim3A_123, %broadcast_in_dim3A_124 : vector<34x128xi1>, vector<34x128xf32>
    %jit3A_126 = arith.constant 0.100328945 : f32
    %broadcast_in_dim3A_127 = vector.broadcast %jit3A_126 : f32 to vector<34x128xf32>
    %select_n3A_128 = arith.select %eq3A_117, %broadcast_in_dim3A_127, %select_n3A_125 : vector<34x128xi1>, vector<34x128xf32>
    %get3A = arith.constant 0 : index
    %get3A_129 = arith.constant 0 : index
    %get3A_130 = arith.constant 0 : index
    %get3A_131 = arith.constant 0 : index
    %get3A_132 = vector.load %arg1[%get3A, %get3A_129, %get3A_130, %get3A_131] : memref<1x5x34x128xf32, #tpu.memory_space<vmem>>, vector<1x1x34x128xf32>
    %get3A_133 = vector.shape_cast %get3A_132 : vector<1x1x34x128xf32> to vector<34x128xf32>
    %get3A_134 = arith.constant 0 : index
    %get3A_135 = arith.constant 1 : index
    %get3A_136 = arith.constant 0 : index
    %get3A_137 = arith.constant 0 : index
    %get3A_138 = vector.load %arg1[%get3A_134, %get3A_135, %get3A_136, %get3A_137] : memref<1x5x34x128xf32, #tpu.memory_space<vmem>>, vector<1x1x34x128xf32>
    %get3A_139 = vector.shape_cast %get3A_138 : vector<1x1x34x128xf32> to vector<34x128xf32>
    %get3A_140 = arith.constant 0 : index
    %get3A_141 = arith.constant 2 : index
    %get3A_142 = arith.constant 0 : index
    %get3A_143 = arith.constant 0 : index
    %get3A_144 = vector.load %arg1[%get3A_140, %get3A_141, %get3A_142, %get3A_143] : memref<1x5x34x128xf32, #tpu.memory_space<vmem>>, vector<1x1x34x128xf32>
    %get3A_145 = vector.shape_cast %get3A_144 : vector<1x1x34x128xf32> to vector<34x128xf32>
    %get3A_146 = arith.constant 0 : index
    %get3A_147 = arith.constant 3 : index
    %get3A_148 = arith.constant 0 : index
    %get3A_149 = arith.constant 0 : index
    %get3A_150 = vector.load %arg1[%get3A_146, %get3A_147, %get3A_148, %get3A_149] : memref<1x5x34x128xf32, #tpu.memory_space<vmem>>, vector<1x1x34x128xf32>
    %get3A_151 = vector.shape_cast %get3A_150 : vector<1x1x34x128xf32> to vector<34x128xf32>
    %get3A_152 = arith.constant 0 : index
    %get3A_153 = arith.constant 4 : index
    %get3A_154 = arith.constant 0 : index
    %get3A_155 = arith.constant 0 : index
    %get3A_156 = vector.load %arg1[%get3A_152, %get3A_153, %get3A_154, %get3A_155] : memref<1x5x34x128xf32, #tpu.memory_space<vmem>>, vector<1x1x34x128xf32>
    %get3A_157 = vector.shape_cast %get3A_156 : vector<1x1x34x128xf32> to vector<34x128xf32>
    %logistic3A = arith.negf %get3A_133 : vector<34x128xf32>
    %logistic3A_158 = math.exp %logistic3A : vector<34x128xf32>
    %logistic3A_159 = arith.constant 1.000000e+00 : f32
    %logistic3A_160 = vector.broadcast %logistic3A_159 : f32 to vector<34x128xf32>
    %logistic3A_161 = arith.addf %logistic3A_160, %logistic3A_158 : vector<34x128xf32>
    %logistic3A_162 = arith.divf %logistic3A_160, %logistic3A_161 : vector<34x128xf32>
    %add3A_163 = arith.addf %logistic3A_162, %convert_element_type3A_63 : vector<34x128xf32>
    %mul3A_164 = arith.constant 0.0263157897 : f32
    %mul3A_165 = vector.broadcast %mul3A_164 : f32 to vector<34x128xf32>
    %mul3A_166 = arith.mulf %add3A_163, %mul3A_165 : vector<34x128xf32>
    %logistic3A_167 = arith.negf %get3A_139 : vector<34x128xf32>
    %logistic3A_168 = math.exp %logistic3A_167 : vector<34x128xf32>
    %logistic3A_169 = arith.constant 1.000000e+00 : f32
    %logistic3A_170 = vector.broadcast %logistic3A_169 : f32 to vector<34x128xf32>
    %logistic3A_171 = arith.addf %logistic3A_170, %logistic3A_168 : vector<34x128xf32>
    %logistic3A_172 = arith.divf %logistic3A_170, %logistic3A_171 : vector<34x128xf32>
    %add3A_173 = arith.addf %logistic3A_172, %convert_element_type3A_99 : vector<34x128xf32>
    %mul3A_174 = arith.constant 0.0263157897 : f32
    %mul3A_175 = vector.broadcast %mul3A_174 : f32 to vector<34x128xf32>
    %mul3A_176 = arith.mulf %add3A_173, %mul3A_175 : vector<34x128xf32>
    %exp3A = math.exp %get3A_145 : vector<34x128xf32>
    %mul3A_177 = arith.mulf %exp3A, %select_n3A_114 : vector<34x128xf32>
    %exp3A_178 = math.exp %get3A_151 : vector<34x128xf32>
    %mul3A_179 = arith.mulf %exp3A_178, %select_n3A_128 : vector<34x128xf32>
    %mul3A_180 = arith.constant 5.000000e-01 : f32
    %mul3A_181 = vector.broadcast %mul3A_180 : f32 to vector<34x128xf32>
    %mul3A_182 = arith.mulf %mul3A_177, %mul3A_181 : vector<34x128xf32>
    %sub3A_183 = arith.subf %mul3A_166, %mul3A_182 : vector<34x128xf32>
    %mul3A_184 = arith.constant 5.000000e-01 : f32
    %mul3A_185 = vector.broadcast %mul3A_184 : f32 to vector<34x128xf32>
    %mul3A_186 = arith.mulf %mul3A_177, %mul3A_185 : vector<34x128xf32>
    %add3A_187 = arith.addf %mul3A_166, %mul3A_186 : vector<34x128xf32>
    %mul3A_188 = arith.constant 5.000000e-01 : f32
    %mul3A_189 = vector.broadcast %mul3A_188 : f32 to vector<34x128xf32>
    %mul3A_190 = arith.mulf %mul3A_179, %mul3A_189 : vector<34x128xf32>
    %sub3A_191 = arith.subf %mul3A_176, %mul3A_190 : vector<34x128xf32>
    %mul3A_192 = arith.constant 5.000000e-01 : f32
    %mul3A_193 = vector.broadcast %mul3A_192 : f32 to vector<34x128xf32>
    %mul3A_194 = arith.mulf %mul3A_179, %mul3A_193 : vector<34x128xf32>
    %add3A_195 = arith.addf %mul3A_176, %mul3A_194 : vector<34x128xf32>
    %mul3A_196 = arith.mulf %mul3A_177, %mul3A_179 : vector<34x128xf32>
    %broadcast_in_dim3A_197 = arith.constant false
    %broadcast_in_dim3A_198 = vector.broadcast %broadcast_in_dim3A_197 : i1 to vector<34x128xi1>
    %get3A_199 = arith.constant 0 : index
    %get3A_200 = arith.constant 0 : index
    %get3A_201 = arith.constant 0 : index
    %get3A_202 = memref.load %arg2[%get3A_199, %get3A_200, %get3A_201] : memref<1x1x80xf32, #tpu.memory_space<smem>>
    %get3A_203 = arith.constant 0 : index
    %get3A_204 = arith.constant 0 : index
    %get3A_205 = arith.constant 1 : index
    %get3A_206 = memref.load %arg2[%get3A_203, %get3A_204, %get3A_205] : memref<1x1x80xf32, #tpu.memory_space<smem>>
    %get3A_207 = arith.constant 0 : index
    %get3A_208 = arith.constant 0 : index
    %get3A_209 = arith.constant 2 : index
    %get3A_210 = memref.load %arg2[%get3A_207, %get3A_208, %get3A_209] : memref<1x1x80xf32, #tpu.memory_space<smem>>
    %get3A_211 = arith.constant 0 : index
    %get3A_212 = arith.constant 0 : index
    %get3A_213 = arith.constant 3 : index
    %get3A_214 = memref.load %arg2[%get3A_211, %get3A_212, %get3A_213] : memref<1x1x80xf32, #tpu.memory_space<smem>>
    %mul3A_215 = arith.constant 5.000000e-01 : f32
    %mul3A_216 = arith.mulf %get3A_210, %mul3A_215 : f32
    %add3A_217 = arith.addf %get3A_202, %mul3A_216 : f32
    %min3A = vector.broadcast %add3A_217 : f32 to vector<34x128xf32>
    %min3A_218 = arith.minimumf %add3A_187, %min3A : vector<34x128xf32>
    %mul3A_219 = arith.constant 5.000000e-01 : f32
    %mul3A_220 = arith.mulf %get3A_210, %mul3A_219 : f32
    %sub3A_221 = arith.subf %get3A_202, %mul3A_220 : f32
    %max3A = vector.broadcast %sub3A_221 : f32 to vector<34x128xf32>
    %max3A_222 = arith.maximumf %sub3A_183, %max3A : vector<34x128xf32>
    %sub3A_223 = arith.subf %min3A_218, %max3A_222 : vector<34x128xf32>
    %max3A_224 = arith.constant 0.000000e+00 : f32
    %max3A_225 = vector.broadcast %max3A_224 : f32 to vector<34x128xf32>
    %max3A_226 = arith.maximumf %sub3A_223, %max3A_225 : vector<34x128xf32>
    %mul3A_227 = arith.constant 5.000000e-01 : f32
    %mul3A_228 = arith.mulf %get3A_214, %mul3A_227 : f32
    %add3A_229 = arith.addf %get3A_206, %mul3A_228 : f32
    %min3A_230 = vector.broadcast %add3A_229 : f32 to vector<34x128xf32>
    %min3A_231 = arith.minimumf %add3A_195, %min3A_230 : vector<34x128xf32>
    %mul3A_232 = arith.constant 5.000000e-01 : f32
    %mul3A_233 = arith.mulf %get3A_214, %mul3A_232 : f32
    %sub3A_234 = arith.subf %get3A_206, %mul3A_233 : f32
    %max3A_235 = vector.broadcast %sub3A_234 : f32 to vector<34x128xf32>
    %max3A_236 = arith.maximumf %sub3A_191, %max3A_235 : vector<34x128xf32>
    %sub3A_237 = arith.subf %min3A_231, %max3A_236 : vector<34x128xf32>
    %max3A_238 = arith.constant 0.000000e+00 : f32
    %max3A_239 = vector.broadcast %max3A_238 : f32 to vector<34x128xf32>
    %max3A_240 = arith.maximumf %sub3A_237, %max3A_239 : vector<34x128xf32>
    %mul3A_241 = arith.mulf %max3A_226, %max3A_240 : vector<34x128xf32>
    %mul3A_242 = arith.constant 3.000000e+00 : f32
    %mul3A_243 = vector.broadcast %mul3A_242 : f32 to vector<34x128xf32>
    %mul3A_244 = arith.mulf %mul3A_243, %mul3A_241 : vector<34x128xf32>
    %mul3A_245 = arith.mulf %get3A_210, %get3A_214 : f32
    %add3A_246 = vector.broadcast %mul3A_245 : f32 to vector<34x128xf32>
    %add3A_247 = arith.addf %mul3A_196, %add3A_246 : vector<34x128xf32>
    %gt3A = arith.cmpf ogt, %mul3A_244, %add3A_247 : vector<34x128xf32>
    %or3A = arith.ori %broadcast_in_dim3A_198, %gt3A : vector<34x128xi1>
    %get3A_248 = arith.constant 0 : index
    %get3A_249 = arith.constant 0 : index
    %get3A_250 = arith.constant 4 : index
    %get3A_251 = memref.load %arg2[%get3A_248, %get3A_249, %get3A_250] : memref<1x1x80xf32, #tpu.memory_space<smem>>
    %get3A_252 = arith.constant 0 : index
    %get3A_253 = arith.constant 0 : index
    %get3A_254 = arith.constant 5 : index
    %get3A_255 = memref.load %arg2[%get3A_252, %get3A_253, %get3A_254] : memref<1x1x80xf32, #tpu.memory_space<smem>>
    %get3A_256 = arith.constant 0 : index
    %get3A_257 = arith.constant 0 : index
    %get3A_258 = arith.constant 6 : index
    %get3A_259 = memref.load %arg2[%get3A_256, %get3A_257, %get3A_258] : memref<1x1x80xf32, #tpu.memory_space<smem>>
    %get3A_260 = arith.constant 0 : index
    %get3A_261 = arith.constant 0 : index
    %get3A_262 = arith.constant 7 : index
    %get3A_263 = memref.load %arg2[%get3A_260, %get3A_261, %get3A_262] : memref<1x1x80xf32, #tpu.memory_space<smem>>
    %mul3A_264 = arith.constant 5.000000e-01 : f32
    %mul3A_265 = arith.mulf %get3A_259, %mul3A_264 : f32
    %add3A_266 = arith.addf %get3A_251, %mul3A_265 : f32
    %min3A_267 = vector.broadcast %add3A_266 : f32 to vector<34x128xf32>
    %min3A_268 = arith.minimumf %add3A_187, %min3A_267 : vector<34x128xf32>
    %mul3A_269 = arith.constant 5.000000e-01 : f32
    %mul3A_270 = arith.mulf %get3A_259, %mul3A_269 : f32
    %sub3A_271 = arith.subf %get3A_251, %mul3A_270 : f32
    %max3A_272 = vector.broadcast %sub3A_271 : f32 to vector<34x128xf32>
    %max3A_273 = arith.maximumf %sub3A_183, %max3A_272 : vector<34x128xf32>
    %sub3A_274 = arith.subf %min3A_268, %max3A_273 : vector<34x128xf32>
    %max3A_275 = arith.constant 0.000000e+00 : f32
    %max3A_276 = vector.broadcast %max3A_275 : f32 to vector<34x128xf32>
    %max3A_277 = arith.maximumf %sub3A_274, %max3A_276 : vector<34x128xf32>
    %mul3A_278 = arith.constant 5.000000e-01 : f32
    %mul3A_279 = arith.mulf %get3A_263, %mul3A_278 : f32
    %add3A_280 = arith.addf %get3A_255, %mul3A_279 : f32
    %min3A_281 = vector.broadcast %add3A_280 : f32 to vector<34x128xf32>
    %min3A_282 = arith.minimumf %add3A_195, %min3A_281 : vector<34x128xf32>
    %mul3A_283 = arith.constant 5.000000e-01 : f32
    %mul3A_284 = arith.mulf %get3A_263, %mul3A_283 : f32
    %sub3A_285 = arith.subf %get3A_255, %mul3A_284 : f32
    %max3A_286 = vector.broadcast %sub3A_285 : f32 to vector<34x128xf32>
    %max3A_287 = arith.maximumf %sub3A_191, %max3A_286 : vector<34x128xf32>
    %sub3A_288 = arith.subf %min3A_282, %max3A_287 : vector<34x128xf32>
    %max3A_289 = arith.constant 0.000000e+00 : f32
    %max3A_290 = vector.broadcast %max3A_289 : f32 to vector<34x128xf32>
    %max3A_291 = arith.maximumf %sub3A_288, %max3A_290 : vector<34x128xf32>
    %mul3A_292 = arith.mulf %max3A_277, %max3A_291 : vector<34x128xf32>
    %mul3A_293 = arith.constant 3.000000e+00 : f32
    %mul3A_294 = vector.broadcast %mul3A_293 : f32 to vector<34x128xf32>
    %mul3A_295 = arith.mulf %mul3A_294, %mul3A_292 : vector<34x128xf32>
    %mul3A_296 = arith.mulf %get3A_259, %get3A_263 : f32
    %add3A_297 = vector.broadcast %mul3A_296 : f32 to vector<34x128xf32>
    %add3A_298 = arith.addf %mul3A_196, %add3A_297 : vector<34x128xf32>
    %gt3A_299 = arith.cmpf ogt, %mul3A_295, %add3A_298 : vector<34x128xf32>
    %or3A_300 = arith.ori %or3A, %gt3A_299 : vector<34x128xi1>
    %get3A_301 = arith.constant 0 : index
    %get3A_302 = arith.constant 0 : index
    %get3A_303 = arith.constant 8 : index
    %get3A_304 = memref.load %arg2[%get3A_301, %get3A_302, %get3A_303] : memref<1x1x80xf32, #tpu.memory_space<smem>>
    %get3A_305 = arith.constant 0 : index
    %get3A_306 = arith.constant 0 : index
    %get3A_307 = arith.constant 9 : index
    %get3A_308 = memref.load %arg2[%get3A_305, %get3A_306, %get3A_307] : memref<1x1x80xf32, #tpu.memory_space<smem>>
    %get3A_309 = arith.constant 0 : index
    %get3A_310 = arith.constant 0 : index
    %get3A_311 = arith.constant 10 : index
    %get3A_312 = memref.load %arg2[%get3A_309, %get3A_310, %get3A_311] : memref<1x1x80xf32, #tpu.memory_space<smem>>
    %get3A_313 = arith.constant 0 : index
    %get3A_314 = arith.constant 0 : index
    %get3A_315 = arith.constant 11 : index
    %get3A_316 = memref.load %arg2[%get3A_313, %get3A_314, %get3A_315] : memref<1x1x80xf32, #tpu.memory_space<smem>>
    %mul3A_317 = arith.constant 5.000000e-01 : f32
    %mul3A_318 = arith.mulf %get3A_312, %mul3A_317 : f32
    %add3A_319 = arith.addf %get3A_304, %mul3A_318 : f32
    %min3A_320 = vector.broadcast %add3A_319 : f32 to vector<34x128xf32>
    %min3A_321 = arith.minimumf %add3A_187, %min3A_320 : vector<34x128xf32>
    %mul3A_322 = arith.constant 5.000000e-01 : f32
    %mul3A_323 = arith.mulf %get3A_312, %mul3A_322 : f32
    %sub3A_324 = arith.subf %get3A_304, %mul3A_323 : f32
    %max3A_325 = vector.broadcast %sub3A_324 : f32 to vector<34x128xf32>
    %max3A_326 = arith.maximumf %sub3A_183, %max3A_325 : vector<34x128xf32>
    %sub3A_327 = arith.subf %min3A_321, %max3A_326 : vector<34x128xf32>
    %max3A_328 = arith.constant 0.000000e+00 : f32
    %max3A_329 = vector.broadcast %max3A_328 : f32 to vector<34x128xf32>
    %max3A_330 = arith.maximumf %sub3A_327, %max3A_329 : vector<34x128xf32>
    %mul3A_331 = arith.constant 5.000000e-01 : f32
    %mul3A_332 = arith.mulf %get3A_316, %mul3A_331 : f32
    %add3A_333 = arith.addf %get3A_308, %mul3A_332 : f32
    %min3A_334 = vector.broadcast %add3A_333 : f32 to vector<34x128xf32>
    %min3A_335 = arith.minimumf %add3A_195, %min3A_334 : vector<34x128xf32>
    %mul3A_336 = arith.constant 5.000000e-01 : f32
    %mul3A_337 = arith.mulf %get3A_316, %mul3A_336 : f32
    %sub3A_338 = arith.subf %get3A_308, %mul3A_337 : f32
    %max3A_339 = vector.broadcast %sub3A_338 : f32 to vector<34x128xf32>
    %max3A_340 = arith.maximumf %sub3A_191, %max3A_339 : vector<34x128xf32>
    %sub3A_341 = arith.subf %min3A_335, %max3A_340 : vector<34x128xf32>
    %max3A_342 = arith.constant 0.000000e+00 : f32
    %max3A_343 = vector.broadcast %max3A_342 : f32 to vector<34x128xf32>
    %max3A_344 = arith.maximumf %sub3A_341, %max3A_343 : vector<34x128xf32>
    %mul3A_345 = arith.mulf %max3A_330, %max3A_344 : vector<34x128xf32>
    %mul3A_346 = arith.constant 3.000000e+00 : f32
    %mul3A_347 = vector.broadcast %mul3A_346 : f32 to vector<34x128xf32>
    %mul3A_348 = arith.mulf %mul3A_347, %mul3A_345 : vector<34x128xf32>
    %mul3A_349 = arith.mulf %get3A_312, %get3A_316 : f32
    %add3A_350 = vector.broadcast %mul3A_349 : f32 to vector<34x128xf32>
    %add3A_351 = arith.addf %mul3A_196, %add3A_350 : vector<34x128xf32>
    %gt3A_352 = arith.cmpf ogt, %mul3A_348, %add3A_351 : vector<34x128xf32>
    %or3A_353 = arith.ori %or3A_300, %gt3A_352 : vector<34x128xi1>
    %get3A_354 = arith.constant 0 : index
    %get3A_355 = arith.constant 0 : index
    %get3A_356 = arith.constant 12 : index
    %get3A_357 = memref.load %arg2[%get3A_354, %get3A_355, %get3A_356] : memref<1x1x80xf32, #tpu.memory_space<smem>>
    %get3A_358 = arith.constant 0 : index
    %get3A_359 = arith.constant 0 : index
    %get3A_360 = arith.constant 13 : index
    %get3A_361 = memref.load %arg2[%get3A_358, %get3A_359, %get3A_360] : memref<1x1x80xf32, #tpu.memory_space<smem>>
    %get3A_362 = arith.constant 0 : index
    %get3A_363 = arith.constant 0 : index
    %get3A_364 = arith.constant 14 : index
    %get3A_365 = memref.load %arg2[%get3A_362, %get3A_363, %get3A_364] : memref<1x1x80xf32, #tpu.memory_space<smem>>
    %get3A_366 = arith.constant 0 : index
    %get3A_367 = arith.constant 0 : index
    %get3A_368 = arith.constant 15 : index
    %get3A_369 = memref.load %arg2[%get3A_366, %get3A_367, %get3A_368] : memref<1x1x80xf32, #tpu.memory_space<smem>>
    %mul3A_370 = arith.constant 5.000000e-01 : f32
    %mul3A_371 = arith.mulf %get3A_365, %mul3A_370 : f32
    %add3A_372 = arith.addf %get3A_357, %mul3A_371 : f32
    %min3A_373 = vector.broadcast %add3A_372 : f32 to vector<34x128xf32>
    %min3A_374 = arith.minimumf %add3A_187, %min3A_373 : vector<34x128xf32>
    %mul3A_375 = arith.constant 5.000000e-01 : f32
    %mul3A_376 = arith.mulf %get3A_365, %mul3A_375 : f32
    %sub3A_377 = arith.subf %get3A_357, %mul3A_376 : f32
    %max3A_378 = vector.broadcast %sub3A_377 : f32 to vector<34x128xf32>
    %max3A_379 = arith.maximumf %sub3A_183, %max3A_378 : vector<34x128xf32>
    %sub3A_380 = arith.subf %min3A_374, %max3A_379 : vector<34x128xf32>
    %max3A_381 = arith.constant 0.000000e+00 : f32
    %max3A_382 = vector.broadcast %max3A_381 : f32 to vector<34x128xf32>
    %max3A_383 = arith.maximumf %sub3A_380, %max3A_382 : vector<34x128xf32>
    %mul3A_384 = arith.constant 5.000000e-01 : f32
    %mul3A_385 = arith.mulf %get3A_369, %mul3A_384 : f32
    %add3A_386 = arith.addf %get3A_361, %mul3A_385 : f32
    %min3A_387 = vector.broadcast %add3A_386 : f32 to vector<34x128xf32>
    %min3A_388 = arith.minimumf %add3A_195, %min3A_387 : vector<34x128xf32>
    %mul3A_389 = arith.constant 5.000000e-01 : f32
    %mul3A_390 = arith.mulf %get3A_369, %mul3A_389 : f32
    %sub3A_391 = arith.subf %get3A_361, %mul3A_390 : f32
    %max3A_392 = vector.broadcast %sub3A_391 : f32 to vector<34x128xf32>
    %max3A_393 = arith.maximumf %sub3A_191, %max3A_392 : vector<34x128xf32>
    %sub3A_394 = arith.subf %min3A_388, %max3A_393 : vector<34x128xf32>
    %max3A_395 = arith.constant 0.000000e+00 : f32
    %max3A_396 = vector.broadcast %max3A_395 : f32 to vector<34x128xf32>
    %max3A_397 = arith.maximumf %sub3A_394, %max3A_396 : vector<34x128xf32>
    %mul3A_398 = arith.mulf %max3A_383, %max3A_397 : vector<34x128xf32>
    %mul3A_399 = arith.constant 3.000000e+00 : f32
    %mul3A_400 = vector.broadcast %mul3A_399 : f32 to vector<34x128xf32>
    %mul3A_401 = arith.mulf %mul3A_400, %mul3A_398 : vector<34x128xf32>
    %mul3A_402 = arith.mulf %get3A_365, %get3A_369 : f32
    %add3A_403 = vector.broadcast %mul3A_402 : f32 to vector<34x128xf32>
    %add3A_404 = arith.addf %mul3A_196, %add3A_403 : vector<34x128xf32>
    %gt3A_405 = arith.cmpf ogt, %mul3A_401, %add3A_404 : vector<34x128xf32>
    %or3A_406 = arith.ori %or3A_353, %gt3A_405 : vector<34x128xi1>
    %get3A_407 = arith.constant 0 : index
    %get3A_408 = arith.constant 0 : index
    %get3A_409 = arith.constant 16 : index
    %get3A_410 = memref.load %arg2[%get3A_407, %get3A_408, %get3A_409] : memref<1x1x80xf32, #tpu.memory_space<smem>>
    %get3A_411 = arith.constant 0 : index
    %get3A_412 = arith.constant 0 : index
    %get3A_413 = arith.constant 17 : index
    %get3A_414 = memref.load %arg2[%get3A_411, %get3A_412, %get3A_413] : memref<1x1x80xf32, #tpu.memory_space<smem>>
    %get3A_415 = arith.constant 0 : index
    %get3A_416 = arith.constant 0 : index
    %get3A_417 = arith.constant 18 : index
    %get3A_418 = memref.load %arg2[%get3A_415, %get3A_416, %get3A_417] : memref<1x1x80xf32, #tpu.memory_space<smem>>
    %get3A_419 = arith.constant 0 : index
    %get3A_420 = arith.constant 0 : index
    %get3A_421 = arith.constant 19 : index
    %get3A_422 = memref.load %arg2[%get3A_419, %get3A_420, %get3A_421] : memref<1x1x80xf32, #tpu.memory_space<smem>>
    %mul3A_423 = arith.constant 5.000000e-01 : f32
    %mul3A_424 = arith.mulf %get3A_418, %mul3A_423 : f32
    %add3A_425 = arith.addf %get3A_410, %mul3A_424 : f32
    %min3A_426 = vector.broadcast %add3A_425 : f32 to vector<34x128xf32>
    %min3A_427 = arith.minimumf %add3A_187, %min3A_426 : vector<34x128xf32>
    %mul3A_428 = arith.constant 5.000000e-01 : f32
    %mul3A_429 = arith.mulf %get3A_418, %mul3A_428 : f32
    %sub3A_430 = arith.subf %get3A_410, %mul3A_429 : f32
    %max3A_431 = vector.broadcast %sub3A_430 : f32 to vector<34x128xf32>
    %max3A_432 = arith.maximumf %sub3A_183, %max3A_431 : vector<34x128xf32>
    %sub3A_433 = arith.subf %min3A_427, %max3A_432 : vector<34x128xf32>
    %max3A_434 = arith.constant 0.000000e+00 : f32
    %max3A_435 = vector.broadcast %max3A_434 : f32 to vector<34x128xf32>
    %max3A_436 = arith.maximumf %sub3A_433, %max3A_435 : vector<34x128xf32>
    %mul3A_437 = arith.constant 5.000000e-01 : f32
    %mul3A_438 = arith.mulf %get3A_422, %mul3A_437 : f32
    %add3A_439 = arith.addf %get3A_414, %mul3A_438 : f32
    %min3A_440 = vector.broadcast %add3A_439 : f32 to vector<34x128xf32>
    %min3A_441 = arith.minimumf %add3A_195, %min3A_440 : vector<34x128xf32>
    %mul3A_442 = arith.constant 5.000000e-01 : f32
    %mul3A_443 = arith.mulf %get3A_422, %mul3A_442 : f32
    %sub3A_444 = arith.subf %get3A_414, %mul3A_443 : f32
    %max3A_445 = vector.broadcast %sub3A_444 : f32 to vector<34x128xf32>
    %max3A_446 = arith.maximumf %sub3A_191, %max3A_445 : vector<34x128xf32>
    %sub3A_447 = arith.subf %min3A_441, %max3A_446 : vector<34x128xf32>
    %max3A_448 = arith.constant 0.000000e+00 : f32
    %max3A_449 = vector.broadcast %max3A_448 : f32 to vector<34x128xf32>
    %max3A_450 = arith.maximumf %sub3A_447, %max3A_449 : vector<34x128xf32>
    %mul3A_451 = arith.mulf %max3A_436, %max3A_450 : vector<34x128xf32>
    %mul3A_452 = arith.constant 3.000000e+00 : f32
    %mul3A_453 = vector.broadcast %mul3A_452 : f32 to vector<34x128xf32>
    %mul3A_454 = arith.mulf %mul3A_453, %mul3A_451 : vector<34x128xf32>
    %mul3A_455 = arith.mulf %get3A_418, %get3A_422 : f32
    %add3A_456 = vector.broadcast %mul3A_455 : f32 to vector<34x128xf32>
    %add3A_457 = arith.addf %mul3A_196, %add3A_456 : vector<34x128xf32>
    %gt3A_458 = arith.cmpf ogt, %mul3A_454, %add3A_457 : vector<34x128xf32>
    %or3A_459 = arith.ori %or3A_406, %gt3A_458 : vector<34x128xi1>
    %get3A_460 = arith.constant 0 : index
    %get3A_461 = arith.constant 0 : index
    %get3A_462 = arith.constant 20 : index
    %get3A_463 = memref.load %arg2[%get3A_460, %get3A_461, %get3A_462] : memref<1x1x80xf32, #tpu.memory_space<smem>>
    %get3A_464 = arith.constant 0 : index
    %get3A_465 = arith.constant 0 : index
    %get3A_466 = arith.constant 21 : index
    %get3A_467 = memref.load %arg2[%get3A_464, %get3A_465, %get3A_466] : memref<1x1x80xf32, #tpu.memory_space<smem>>
    %get3A_468 = arith.constant 0 : index
    %get3A_469 = arith.constant 0 : index
    %get3A_470 = arith.constant 22 : index
    %get3A_471 = memref.load %arg2[%get3A_468, %get3A_469, %get3A_470] : memref<1x1x80xf32, #tpu.memory_space<smem>>
    %get3A_472 = arith.constant 0 : index
    %get3A_473 = arith.constant 0 : index
    %get3A_474 = arith.constant 23 : index
    %get3A_475 = memref.load %arg2[%get3A_472, %get3A_473, %get3A_474] : memref<1x1x80xf32, #tpu.memory_space<smem>>
    %mul3A_476 = arith.constant 5.000000e-01 : f32
    %mul3A_477 = arith.mulf %get3A_471, %mul3A_476 : f32
    %add3A_478 = arith.addf %get3A_463, %mul3A_477 : f32
    %min3A_479 = vector.broadcast %add3A_478 : f32 to vector<34x128xf32>
    %min3A_480 = arith.minimumf %add3A_187, %min3A_479 : vector<34x128xf32>
    %mul3A_481 = arith.constant 5.000000e-01 : f32
    %mul3A_482 = arith.mulf %get3A_471, %mul3A_481 : f32
    %sub3A_483 = arith.subf %get3A_463, %mul3A_482 : f32
    %max3A_484 = vector.broadcast %sub3A_483 : f32 to vector<34x128xf32>
    %max3A_485 = arith.maximumf %sub3A_183, %max3A_484 : vector<34x128xf32>
    %sub3A_486 = arith.subf %min3A_480, %max3A_485 : vector<34x128xf32>
    %max3A_487 = arith.constant 0.000000e+00 : f32
    %max3A_488 = vector.broadcast %max3A_487 : f32 to vector<34x128xf32>
    %max3A_489 = arith.maximumf %sub3A_486, %max3A_488 : vector<34x128xf32>
    %mul3A_490 = arith.constant 5.000000e-01 : f32
    %mul3A_491 = arith.mulf %get3A_475, %mul3A_490 : f32
    %add3A_492 = arith.addf %get3A_467, %mul3A_491 : f32
    %min3A_493 = vector.broadcast %add3A_492 : f32 to vector<34x128xf32>
    %min3A_494 = arith.minimumf %add3A_195, %min3A_493 : vector<34x128xf32>
    %mul3A_495 = arith.constant 5.000000e-01 : f32
    %mul3A_496 = arith.mulf %get3A_475, %mul3A_495 : f32
    %sub3A_497 = arith.subf %get3A_467, %mul3A_496 : f32
    %max3A_498 = vector.broadcast %sub3A_497 : f32 to vector<34x128xf32>
    %max3A_499 = arith.maximumf %sub3A_191, %max3A_498 : vector<34x128xf32>
    %sub3A_500 = arith.subf %min3A_494, %max3A_499 : vector<34x128xf32>
    %max3A_501 = arith.constant 0.000000e+00 : f32
    %max3A_502 = vector.broadcast %max3A_501 : f32 to vector<34x128xf32>
    %max3A_503 = arith.maximumf %sub3A_500, %max3A_502 : vector<34x128xf32>
    %mul3A_504 = arith.mulf %max3A_489, %max3A_503 : vector<34x128xf32>
    %mul3A_505 = arith.constant 3.000000e+00 : f32
    %mul3A_506 = vector.broadcast %mul3A_505 : f32 to vector<34x128xf32>
    %mul3A_507 = arith.mulf %mul3A_506, %mul3A_504 : vector<34x128xf32>
    %mul3A_508 = arith.mulf %get3A_471, %get3A_475 : f32
    %add3A_509 = vector.broadcast %mul3A_508 : f32 to vector<34x128xf32>
    %add3A_510 = arith.addf %mul3A_196, %add3A_509 : vector<34x128xf32>
    %gt3A_511 = arith.cmpf ogt, %mul3A_507, %add3A_510 : vector<34x128xf32>
    %or3A_512 = arith.ori %or3A_459, %gt3A_511 : vector<34x128xi1>
    %get3A_513 = arith.constant 0 : index
    %get3A_514 = arith.constant 0 : index
    %get3A_515 = arith.constant 24 : index
    %get3A_516 = memref.load %arg2[%get3A_513, %get3A_514, %get3A_515] : memref<1x1x80xf32, #tpu.memory_space<smem>>
    %get3A_517 = arith.constant 0 : index
    %get3A_518 = arith.constant 0 : index
    %get3A_519 = arith.constant 25 : index
    %get3A_520 = memref.load %arg2[%get3A_517, %get3A_518, %get3A_519] : memref<1x1x80xf32, #tpu.memory_space<smem>>
    %get3A_521 = arith.constant 0 : index
    %get3A_522 = arith.constant 0 : index
    %get3A_523 = arith.constant 26 : index
    %get3A_524 = memref.load %arg2[%get3A_521, %get3A_522, %get3A_523] : memref<1x1x80xf32, #tpu.memory_space<smem>>
    %get3A_525 = arith.constant 0 : index
    %get3A_526 = arith.constant 0 : index
    %get3A_527 = arith.constant 27 : index
    %get3A_528 = memref.load %arg2[%get3A_525, %get3A_526, %get3A_527] : memref<1x1x80xf32, #tpu.memory_space<smem>>
    %mul3A_529 = arith.constant 5.000000e-01 : f32
    %mul3A_530 = arith.mulf %get3A_524, %mul3A_529 : f32
    %add3A_531 = arith.addf %get3A_516, %mul3A_530 : f32
    %min3A_532 = vector.broadcast %add3A_531 : f32 to vector<34x128xf32>
    %min3A_533 = arith.minimumf %add3A_187, %min3A_532 : vector<34x128xf32>
    %mul3A_534 = arith.constant 5.000000e-01 : f32
    %mul3A_535 = arith.mulf %get3A_524, %mul3A_534 : f32
    %sub3A_536 = arith.subf %get3A_516, %mul3A_535 : f32
    %max3A_537 = vector.broadcast %sub3A_536 : f32 to vector<34x128xf32>
    %max3A_538 = arith.maximumf %sub3A_183, %max3A_537 : vector<34x128xf32>
    %sub3A_539 = arith.subf %min3A_533, %max3A_538 : vector<34x128xf32>
    %max3A_540 = arith.constant 0.000000e+00 : f32
    %max3A_541 = vector.broadcast %max3A_540 : f32 to vector<34x128xf32>
    %max3A_542 = arith.maximumf %sub3A_539, %max3A_541 : vector<34x128xf32>
    %mul3A_543 = arith.constant 5.000000e-01 : f32
    %mul3A_544 = arith.mulf %get3A_528, %mul3A_543 : f32
    %add3A_545 = arith.addf %get3A_520, %mul3A_544 : f32
    %min3A_546 = vector.broadcast %add3A_545 : f32 to vector<34x128xf32>
    %min3A_547 = arith.minimumf %add3A_195, %min3A_546 : vector<34x128xf32>
    %mul3A_548 = arith.constant 5.000000e-01 : f32
    %mul3A_549 = arith.mulf %get3A_528, %mul3A_548 : f32
    %sub3A_550 = arith.subf %get3A_520, %mul3A_549 : f32
    %max3A_551 = vector.broadcast %sub3A_550 : f32 to vector<34x128xf32>
    %max3A_552 = arith.maximumf %sub3A_191, %max3A_551 : vector<34x128xf32>
    %sub3A_553 = arith.subf %min3A_547, %max3A_552 : vector<34x128xf32>
    %max3A_554 = arith.constant 0.000000e+00 : f32
    %max3A_555 = vector.broadcast %max3A_554 : f32 to vector<34x128xf32>
    %max3A_556 = arith.maximumf %sub3A_553, %max3A_555 : vector<34x128xf32>
    %mul3A_557 = arith.mulf %max3A_542, %max3A_556 : vector<34x128xf32>
    %mul3A_558 = arith.constant 3.000000e+00 : f32
    %mul3A_559 = vector.broadcast %mul3A_558 : f32 to vector<34x128xf32>
    %mul3A_560 = arith.mulf %mul3A_559, %mul3A_557 : vector<34x128xf32>
    %mul3A_561 = arith.mulf %get3A_524, %get3A_528 : f32
    %add3A_562 = vector.broadcast %mul3A_561 : f32 to vector<34x128xf32>
    %add3A_563 = arith.addf %mul3A_196, %add3A_562 : vector<34x128xf32>
    %gt3A_564 = arith.cmpf ogt, %mul3A_560, %add3A_563 : vector<34x128xf32>
    %or3A_565 = arith.ori %or3A_512, %gt3A_564 : vector<34x128xi1>
    %get3A_566 = arith.constant 0 : index
    %get3A_567 = arith.constant 0 : index
    %get3A_568 = arith.constant 28 : index
    %get3A_569 = memref.load %arg2[%get3A_566, %get3A_567, %get3A_568] : memref<1x1x80xf32, #tpu.memory_space<smem>>
    %get3A_570 = arith.constant 0 : index
    %get3A_571 = arith.constant 0 : index
    %get3A_572 = arith.constant 29 : index
    %get3A_573 = memref.load %arg2[%get3A_570, %get3A_571, %get3A_572] : memref<1x1x80xf32, #tpu.memory_space<smem>>
    %get3A_574 = arith.constant 0 : index
    %get3A_575 = arith.constant 0 : index
    %get3A_576 = arith.constant 30 : index
    %get3A_577 = memref.load %arg2[%get3A_574, %get3A_575, %get3A_576] : memref<1x1x80xf32, #tpu.memory_space<smem>>
    %get3A_578 = arith.constant 0 : index
    %get3A_579 = arith.constant 0 : index
    %get3A_580 = arith.constant 31 : index
    %get3A_581 = memref.load %arg2[%get3A_578, %get3A_579, %get3A_580] : memref<1x1x80xf32, #tpu.memory_space<smem>>
    %mul3A_582 = arith.constant 5.000000e-01 : f32
    %mul3A_583 = arith.mulf %get3A_577, %mul3A_582 : f32
    %add3A_584 = arith.addf %get3A_569, %mul3A_583 : f32
    %min3A_585 = vector.broadcast %add3A_584 : f32 to vector<34x128xf32>
    %min3A_586 = arith.minimumf %add3A_187, %min3A_585 : vector<34x128xf32>
    %mul3A_587 = arith.constant 5.000000e-01 : f32
    %mul3A_588 = arith.mulf %get3A_577, %mul3A_587 : f32
    %sub3A_589 = arith.subf %get3A_569, %mul3A_588 : f32
    %max3A_590 = vector.broadcast %sub3A_589 : f32 to vector<34x128xf32>
    %max3A_591 = arith.maximumf %sub3A_183, %max3A_590 : vector<34x128xf32>
    %sub3A_592 = arith.subf %min3A_586, %max3A_591 : vector<34x128xf32>
    %max3A_593 = arith.constant 0.000000e+00 : f32
    %max3A_594 = vector.broadcast %max3A_593 : f32 to vector<34x128xf32>
    %max3A_595 = arith.maximumf %sub3A_592, %max3A_594 : vector<34x128xf32>
    %mul3A_596 = arith.constant 5.000000e-01 : f32
    %mul3A_597 = arith.mulf %get3A_581, %mul3A_596 : f32
    %add3A_598 = arith.addf %get3A_573, %mul3A_597 : f32
    %min3A_599 = vector.broadcast %add3A_598 : f32 to vector<34x128xf32>
    %min3A_600 = arith.minimumf %add3A_195, %min3A_599 : vector<34x128xf32>
    %mul3A_601 = arith.constant 5.000000e-01 : f32
    %mul3A_602 = arith.mulf %get3A_581, %mul3A_601 : f32
    %sub3A_603 = arith.subf %get3A_573, %mul3A_602 : f32
    %max3A_604 = vector.broadcast %sub3A_603 : f32 to vector<34x128xf32>
    %max3A_605 = arith.maximumf %sub3A_191, %max3A_604 : vector<34x128xf32>
    %sub3A_606 = arith.subf %min3A_600, %max3A_605 : vector<34x128xf32>
    %max3A_607 = arith.constant 0.000000e+00 : f32
    %max3A_608 = vector.broadcast %max3A_607 : f32 to vector<34x128xf32>
    %max3A_609 = arith.maximumf %sub3A_606, %max3A_608 : vector<34x128xf32>
    %mul3A_610 = arith.mulf %max3A_595, %max3A_609 : vector<34x128xf32>
    %mul3A_611 = arith.constant 3.000000e+00 : f32
    %mul3A_612 = vector.broadcast %mul3A_611 : f32 to vector<34x128xf32>
    %mul3A_613 = arith.mulf %mul3A_612, %mul3A_610 : vector<34x128xf32>
    %mul3A_614 = arith.mulf %get3A_577, %get3A_581 : f32
    %add3A_615 = vector.broadcast %mul3A_614 : f32 to vector<34x128xf32>
    %add3A_616 = arith.addf %mul3A_196, %add3A_615 : vector<34x128xf32>
    %gt3A_617 = arith.cmpf ogt, %mul3A_613, %add3A_616 : vector<34x128xf32>
    %or3A_618 = arith.ori %or3A_565, %gt3A_617 : vector<34x128xi1>
    %get3A_619 = arith.constant 0 : index
    %get3A_620 = arith.constant 0 : index
    %get3A_621 = arith.constant 32 : index
    %get3A_622 = memref.load %arg2[%get3A_619, %get3A_620, %get3A_621] : memref<1x1x80xf32, #tpu.memory_space<smem>>
    %get3A_623 = arith.constant 0 : index
    %get3A_624 = arith.constant 0 : index
    %get3A_625 = arith.constant 33 : index
    %get3A_626 = memref.load %arg2[%get3A_623, %get3A_624, %get3A_625] : memref<1x1x80xf32, #tpu.memory_space<smem>>
    %get3A_627 = arith.constant 0 : index
    %get3A_628 = arith.constant 0 : index
    %get3A_629 = arith.constant 34 : index
    %get3A_630 = memref.load %arg2[%get3A_627, %get3A_628, %get3A_629] : memref<1x1x80xf32, #tpu.memory_space<smem>>
    %get3A_631 = arith.constant 0 : index
    %get3A_632 = arith.constant 0 : index
    %get3A_633 = arith.constant 35 : index
    %get3A_634 = memref.load %arg2[%get3A_631, %get3A_632, %get3A_633] : memref<1x1x80xf32, #tpu.memory_space<smem>>
    %mul3A_635 = arith.constant 5.000000e-01 : f32
    %mul3A_636 = arith.mulf %get3A_630, %mul3A_635 : f32
    %add3A_637 = arith.addf %get3A_622, %mul3A_636 : f32
    %min3A_638 = vector.broadcast %add3A_637 : f32 to vector<34x128xf32>
    %min3A_639 = arith.minimumf %add3A_187, %min3A_638 : vector<34x128xf32>
    %mul3A_640 = arith.constant 5.000000e-01 : f32
    %mul3A_641 = arith.mulf %get3A_630, %mul3A_640 : f32
    %sub3A_642 = arith.subf %get3A_622, %mul3A_641 : f32
    %max3A_643 = vector.broadcast %sub3A_642 : f32 to vector<34x128xf32>
    %max3A_644 = arith.maximumf %sub3A_183, %max3A_643 : vector<34x128xf32>
    %sub3A_645 = arith.subf %min3A_639, %max3A_644 : vector<34x128xf32>
    %max3A_646 = arith.constant 0.000000e+00 : f32
    %max3A_647 = vector.broadcast %max3A_646 : f32 to vector<34x128xf32>
    %max3A_648 = arith.maximumf %sub3A_645, %max3A_647 : vector<34x128xf32>
    %mul3A_649 = arith.constant 5.000000e-01 : f32
    %mul3A_650 = arith.mulf %get3A_634, %mul3A_649 : f32
    %add3A_651 = arith.addf %get3A_626, %mul3A_650 : f32
    %min3A_652 = vector.broadcast %add3A_651 : f32 to vector<34x128xf32>
    %min3A_653 = arith.minimumf %add3A_195, %min3A_652 : vector<34x128xf32>
    %mul3A_654 = arith.constant 5.000000e-01 : f32
    %mul3A_655 = arith.mulf %get3A_634, %mul3A_654 : f32
    %sub3A_656 = arith.subf %get3A_626, %mul3A_655 : f32
    %max3A_657 = vector.broadcast %sub3A_656 : f32 to vector<34x128xf32>
    %max3A_658 = arith.maximumf %sub3A_191, %max3A_657 : vector<34x128xf32>
    %sub3A_659 = arith.subf %min3A_653, %max3A_658 : vector<34x128xf32>
    %max3A_660 = arith.constant 0.000000e+00 : f32
    %max3A_661 = vector.broadcast %max3A_660 : f32 to vector<34x128xf32>
    %max3A_662 = arith.maximumf %sub3A_659, %max3A_661 : vector<34x128xf32>
    %mul3A_663 = arith.mulf %max3A_648, %max3A_662 : vector<34x128xf32>
    %mul3A_664 = arith.constant 3.000000e+00 : f32
    %mul3A_665 = vector.broadcast %mul3A_664 : f32 to vector<34x128xf32>
    %mul3A_666 = arith.mulf %mul3A_665, %mul3A_663 : vector<34x128xf32>
    %mul3A_667 = arith.mulf %get3A_630, %get3A_634 : f32
    %add3A_668 = vector.broadcast %mul3A_667 : f32 to vector<34x128xf32>
    %add3A_669 = arith.addf %mul3A_196, %add3A_668 : vector<34x128xf32>
    %gt3A_670 = arith.cmpf ogt, %mul3A_666, %add3A_669 : vector<34x128xf32>
    %or3A_671 = arith.ori %or3A_618, %gt3A_670 : vector<34x128xi1>
    %get3A_672 = arith.constant 0 : index
    %get3A_673 = arith.constant 0 : index
    %get3A_674 = arith.constant 36 : index
    %get3A_675 = memref.load %arg2[%get3A_672, %get3A_673, %get3A_674] : memref<1x1x80xf32, #tpu.memory_space<smem>>
    %get3A_676 = arith.constant 0 : index
    %get3A_677 = arith.constant 0 : index
    %get3A_678 = arith.constant 37 : index
    %get3A_679 = memref.load %arg2[%get3A_676, %get3A_677, %get3A_678] : memref<1x1x80xf32, #tpu.memory_space<smem>>
    %get3A_680 = arith.constant 0 : index
    %get3A_681 = arith.constant 0 : index
    %get3A_682 = arith.constant 38 : index
    %get3A_683 = memref.load %arg2[%get3A_680, %get3A_681, %get3A_682] : memref<1x1x80xf32, #tpu.memory_space<smem>>
    %get3A_684 = arith.constant 0 : index
    %get3A_685 = arith.constant 0 : index
    %get3A_686 = arith.constant 39 : index
    %get3A_687 = memref.load %arg2[%get3A_684, %get3A_685, %get3A_686] : memref<1x1x80xf32, #tpu.memory_space<smem>>
    %mul3A_688 = arith.constant 5.000000e-01 : f32
    %mul3A_689 = arith.mulf %get3A_683, %mul3A_688 : f32
    %add3A_690 = arith.addf %get3A_675, %mul3A_689 : f32
    %min3A_691 = vector.broadcast %add3A_690 : f32 to vector<34x128xf32>
    %min3A_692 = arith.minimumf %add3A_187, %min3A_691 : vector<34x128xf32>
    %mul3A_693 = arith.constant 5.000000e-01 : f32
    %mul3A_694 = arith.mulf %get3A_683, %mul3A_693 : f32
    %sub3A_695 = arith.subf %get3A_675, %mul3A_694 : f32
    %max3A_696 = vector.broadcast %sub3A_695 : f32 to vector<34x128xf32>
    %max3A_697 = arith.maximumf %sub3A_183, %max3A_696 : vector<34x128xf32>
    %sub3A_698 = arith.subf %min3A_692, %max3A_697 : vector<34x128xf32>
    %max3A_699 = arith.constant 0.000000e+00 : f32
    %max3A_700 = vector.broadcast %max3A_699 : f32 to vector<34x128xf32>
    %max3A_701 = arith.maximumf %sub3A_698, %max3A_700 : vector<34x128xf32>
    %mul3A_702 = arith.constant 5.000000e-01 : f32
    %mul3A_703 = arith.mulf %get3A_687, %mul3A_702 : f32
    %add3A_704 = arith.addf %get3A_679, %mul3A_703 : f32
    %min3A_705 = vector.broadcast %add3A_704 : f32 to vector<34x128xf32>
    %min3A_706 = arith.minimumf %add3A_195, %min3A_705 : vector<34x128xf32>
    %mul3A_707 = arith.constant 5.000000e-01 : f32
    %mul3A_708 = arith.mulf %get3A_687, %mul3A_707 : f32
    %sub3A_709 = arith.subf %get3A_679, %mul3A_708 : f32
    %max3A_710 = vector.broadcast %sub3A_709 : f32 to vector<34x128xf32>
    %max3A_711 = arith.maximumf %sub3A_191, %max3A_710 : vector<34x128xf32>
    %sub3A_712 = arith.subf %min3A_706, %max3A_711 : vector<34x128xf32>
    %max3A_713 = arith.constant 0.000000e+00 : f32
    %max3A_714 = vector.broadcast %max3A_713 : f32 to vector<34x128xf32>
    %max3A_715 = arith.maximumf %sub3A_712, %max3A_714 : vector<34x128xf32>
    %mul3A_716 = arith.mulf %max3A_701, %max3A_715 : vector<34x128xf32>
    %mul3A_717 = arith.constant 3.000000e+00 : f32
    %mul3A_718 = vector.broadcast %mul3A_717 : f32 to vector<34x128xf32>
    %mul3A_719 = arith.mulf %mul3A_718, %mul3A_716 : vector<34x128xf32>
    %mul3A_720 = arith.mulf %get3A_683, %get3A_687 : f32
    %add3A_721 = vector.broadcast %mul3A_720 : f32 to vector<34x128xf32>
    %add3A_722 = arith.addf %mul3A_196, %add3A_721 : vector<34x128xf32>
    %gt3A_723 = arith.cmpf ogt, %mul3A_719, %add3A_722 : vector<34x128xf32>
    %or3A_724 = arith.ori %or3A_671, %gt3A_723 : vector<34x128xi1>
    %get3A_725 = arith.constant 0 : index
    %get3A_726 = arith.constant 0 : index
    %get3A_727 = arith.constant 40 : index
    %get3A_728 = memref.load %arg2[%get3A_725, %get3A_726, %get3A_727] : memref<1x1x80xf32, #tpu.memory_space<smem>>
    %get3A_729 = arith.constant 0 : index
    %get3A_730 = arith.constant 0 : index
    %get3A_731 = arith.constant 41 : index
    %get3A_732 = memref.load %arg2[%get3A_729, %get3A_730, %get3A_731] : memref<1x1x80xf32, #tpu.memory_space<smem>>
    %get3A_733 = arith.constant 0 : index
    %get3A_734 = arith.constant 0 : index
    %get3A_735 = arith.constant 42 : index
    %get3A_736 = memref.load %arg2[%get3A_733, %get3A_734, %get3A_735] : memref<1x1x80xf32, #tpu.memory_space<smem>>
    %get3A_737 = arith.constant 0 : index
    %get3A_738 = arith.constant 0 : index
    %get3A_739 = arith.constant 43 : index
    %get3A_740 = memref.load %arg2[%get3A_737, %get3A_738, %get3A_739] : memref<1x1x80xf32, #tpu.memory_space<smem>>
    %mul3A_741 = arith.constant 5.000000e-01 : f32
    %mul3A_742 = arith.mulf %get3A_736, %mul3A_741 : f32
    %add3A_743 = arith.addf %get3A_728, %mul3A_742 : f32
    %min3A_744 = vector.broadcast %add3A_743 : f32 to vector<34x128xf32>
    %min3A_745 = arith.minimumf %add3A_187, %min3A_744 : vector<34x128xf32>
    %mul3A_746 = arith.constant 5.000000e-01 : f32
    %mul3A_747 = arith.mulf %get3A_736, %mul3A_746 : f32
    %sub3A_748 = arith.subf %get3A_728, %mul3A_747 : f32
    %max3A_749 = vector.broadcast %sub3A_748 : f32 to vector<34x128xf32>
    %max3A_750 = arith.maximumf %sub3A_183, %max3A_749 : vector<34x128xf32>
    %sub3A_751 = arith.subf %min3A_745, %max3A_750 : vector<34x128xf32>
    %max3A_752 = arith.constant 0.000000e+00 : f32
    %max3A_753 = vector.broadcast %max3A_752 : f32 to vector<34x128xf32>
    %max3A_754 = arith.maximumf %sub3A_751, %max3A_753 : vector<34x128xf32>
    %mul3A_755 = arith.constant 5.000000e-01 : f32
    %mul3A_756 = arith.mulf %get3A_740, %mul3A_755 : f32
    %add3A_757 = arith.addf %get3A_732, %mul3A_756 : f32
    %min3A_758 = vector.broadcast %add3A_757 : f32 to vector<34x128xf32>
    %min3A_759 = arith.minimumf %add3A_195, %min3A_758 : vector<34x128xf32>
    %mul3A_760 = arith.constant 5.000000e-01 : f32
    %mul3A_761 = arith.mulf %get3A_740, %mul3A_760 : f32
    %sub3A_762 = arith.subf %get3A_732, %mul3A_761 : f32
    %max3A_763 = vector.broadcast %sub3A_762 : f32 to vector<34x128xf32>
    %max3A_764 = arith.maximumf %sub3A_191, %max3A_763 : vector<34x128xf32>
    %sub3A_765 = arith.subf %min3A_759, %max3A_764 : vector<34x128xf32>
    %max3A_766 = arith.constant 0.000000e+00 : f32
    %max3A_767 = vector.broadcast %max3A_766 : f32 to vector<34x128xf32>
    %max3A_768 = arith.maximumf %sub3A_765, %max3A_767 : vector<34x128xf32>
    %mul3A_769 = arith.mulf %max3A_754, %max3A_768 : vector<34x128xf32>
    %mul3A_770 = arith.constant 3.000000e+00 : f32
    %mul3A_771 = vector.broadcast %mul3A_770 : f32 to vector<34x128xf32>
    %mul3A_772 = arith.mulf %mul3A_771, %mul3A_769 : vector<34x128xf32>
    %mul3A_773 = arith.mulf %get3A_736, %get3A_740 : f32
    %add3A_774 = vector.broadcast %mul3A_773 : f32 to vector<34x128xf32>
    %add3A_775 = arith.addf %mul3A_196, %add3A_774 : vector<34x128xf32>
    %gt3A_776 = arith.cmpf ogt, %mul3A_772, %add3A_775 : vector<34x128xf32>
    %or3A_777 = arith.ori %or3A_724, %gt3A_776 : vector<34x128xi1>
    %get3A_778 = arith.constant 0 : index
    %get3A_779 = arith.constant 0 : index
    %get3A_780 = arith.constant 44 : index
    %get3A_781 = memref.load %arg2[%get3A_778, %get3A_779, %get3A_780] : memref<1x1x80xf32, #tpu.memory_space<smem>>
    %get3A_782 = arith.constant 0 : index
    %get3A_783 = arith.constant 0 : index
    %get3A_784 = arith.constant 45 : index
    %get3A_785 = memref.load %arg2[%get3A_782, %get3A_783, %get3A_784] : memref<1x1x80xf32, #tpu.memory_space<smem>>
    %get3A_786 = arith.constant 0 : index
    %get3A_787 = arith.constant 0 : index
    %get3A_788 = arith.constant 46 : index
    %get3A_789 = memref.load %arg2[%get3A_786, %get3A_787, %get3A_788] : memref<1x1x80xf32, #tpu.memory_space<smem>>
    %get3A_790 = arith.constant 0 : index
    %get3A_791 = arith.constant 0 : index
    %get3A_792 = arith.constant 47 : index
    %get3A_793 = memref.load %arg2[%get3A_790, %get3A_791, %get3A_792] : memref<1x1x80xf32, #tpu.memory_space<smem>>
    %mul3A_794 = arith.constant 5.000000e-01 : f32
    %mul3A_795 = arith.mulf %get3A_789, %mul3A_794 : f32
    %add3A_796 = arith.addf %get3A_781, %mul3A_795 : f32
    %min3A_797 = vector.broadcast %add3A_796 : f32 to vector<34x128xf32>
    %min3A_798 = arith.minimumf %add3A_187, %min3A_797 : vector<34x128xf32>
    %mul3A_799 = arith.constant 5.000000e-01 : f32
    %mul3A_800 = arith.mulf %get3A_789, %mul3A_799 : f32
    %sub3A_801 = arith.subf %get3A_781, %mul3A_800 : f32
    %max3A_802 = vector.broadcast %sub3A_801 : f32 to vector<34x128xf32>
    %max3A_803 = arith.maximumf %sub3A_183, %max3A_802 : vector<34x128xf32>
    %sub3A_804 = arith.subf %min3A_798, %max3A_803 : vector<34x128xf32>
    %max3A_805 = arith.constant 0.000000e+00 : f32
    %max3A_806 = vector.broadcast %max3A_805 : f32 to vector<34x128xf32>
    %max3A_807 = arith.maximumf %sub3A_804, %max3A_806 : vector<34x128xf32>
    %mul3A_808 = arith.constant 5.000000e-01 : f32
    %mul3A_809 = arith.mulf %get3A_793, %mul3A_808 : f32
    %add3A_810 = arith.addf %get3A_785, %mul3A_809 : f32
    %min3A_811 = vector.broadcast %add3A_810 : f32 to vector<34x128xf32>
    %min3A_812 = arith.minimumf %add3A_195, %min3A_811 : vector<34x128xf32>
    %mul3A_813 = arith.constant 5.000000e-01 : f32
    %mul3A_814 = arith.mulf %get3A_793, %mul3A_813 : f32
    %sub3A_815 = arith.subf %get3A_785, %mul3A_814 : f32
    %max3A_816 = vector.broadcast %sub3A_815 : f32 to vector<34x128xf32>
    %max3A_817 = arith.maximumf %sub3A_191, %max3A_816 : vector<34x128xf32>
    %sub3A_818 = arith.subf %min3A_812, %max3A_817 : vector<34x128xf32>
    %max3A_819 = arith.constant 0.000000e+00 : f32
    %max3A_820 = vector.broadcast %max3A_819 : f32 to vector<34x128xf32>
    %max3A_821 = arith.maximumf %sub3A_818, %max3A_820 : vector<34x128xf32>
    %mul3A_822 = arith.mulf %max3A_807, %max3A_821 : vector<34x128xf32>
    %mul3A_823 = arith.constant 3.000000e+00 : f32
    %mul3A_824 = vector.broadcast %mul3A_823 : f32 to vector<34x128xf32>
    %mul3A_825 = arith.mulf %mul3A_824, %mul3A_822 : vector<34x128xf32>
    %mul3A_826 = arith.mulf %get3A_789, %get3A_793 : f32
    %add3A_827 = vector.broadcast %mul3A_826 : f32 to vector<34x128xf32>
    %add3A_828 = arith.addf %mul3A_196, %add3A_827 : vector<34x128xf32>
    %gt3A_829 = arith.cmpf ogt, %mul3A_825, %add3A_828 : vector<34x128xf32>
    %or3A_830 = arith.ori %or3A_777, %gt3A_829 : vector<34x128xi1>
    %get3A_831 = arith.constant 0 : index
    %get3A_832 = arith.constant 0 : index
    %get3A_833 = arith.constant 48 : index
    %get3A_834 = memref.load %arg2[%get3A_831, %get3A_832, %get3A_833] : memref<1x1x80xf32, #tpu.memory_space<smem>>
    %get3A_835 = arith.constant 0 : index
    %get3A_836 = arith.constant 0 : index
    %get3A_837 = arith.constant 49 : index
    %get3A_838 = memref.load %arg2[%get3A_835, %get3A_836, %get3A_837] : memref<1x1x80xf32, #tpu.memory_space<smem>>
    %get3A_839 = arith.constant 0 : index
    %get3A_840 = arith.constant 0 : index
    %get3A_841 = arith.constant 50 : index
    %get3A_842 = memref.load %arg2[%get3A_839, %get3A_840, %get3A_841] : memref<1x1x80xf32, #tpu.memory_space<smem>>
    %get3A_843 = arith.constant 0 : index
    %get3A_844 = arith.constant 0 : index
    %get3A_845 = arith.constant 51 : index
    %get3A_846 = memref.load %arg2[%get3A_843, %get3A_844, %get3A_845] : memref<1x1x80xf32, #tpu.memory_space<smem>>
    %mul3A_847 = arith.constant 5.000000e-01 : f32
    %mul3A_848 = arith.mulf %get3A_842, %mul3A_847 : f32
    %add3A_849 = arith.addf %get3A_834, %mul3A_848 : f32
    %min3A_850 = vector.broadcast %add3A_849 : f32 to vector<34x128xf32>
    %min3A_851 = arith.minimumf %add3A_187, %min3A_850 : vector<34x128xf32>
    %mul3A_852 = arith.constant 5.000000e-01 : f32
    %mul3A_853 = arith.mulf %get3A_842, %mul3A_852 : f32
    %sub3A_854 = arith.subf %get3A_834, %mul3A_853 : f32
    %max3A_855 = vector.broadcast %sub3A_854 : f32 to vector<34x128xf32>
    %max3A_856 = arith.maximumf %sub3A_183, %max3A_855 : vector<34x128xf32>
    %sub3A_857 = arith.subf %min3A_851, %max3A_856 : vector<34x128xf32>
    %max3A_858 = arith.constant 0.000000e+00 : f32
    %max3A_859 = vector.broadcast %max3A_858 : f32 to vector<34x128xf32>
    %max3A_860 = arith.maximumf %sub3A_857, %max3A_859 : vector<34x128xf32>
    %mul3A_861 = arith.constant 5.000000e-01 : f32
    %mul3A_862 = arith.mulf %get3A_846, %mul3A_861 : f32
    %add3A_863 = arith.addf %get3A_838, %mul3A_862 : f32
    %min3A_864 = vector.broadcast %add3A_863 : f32 to vector<34x128xf32>
    %min3A_865 = arith.minimumf %add3A_195, %min3A_864 : vector<34x128xf32>
    %mul3A_866 = arith.constant 5.000000e-01 : f32
    %mul3A_867 = arith.mulf %get3A_846, %mul3A_866 : f32
    %sub3A_868 = arith.subf %get3A_838, %mul3A_867 : f32
    %max3A_869 = vector.broadcast %sub3A_868 : f32 to vector<34x128xf32>
    %max3A_870 = arith.maximumf %sub3A_191, %max3A_869 : vector<34x128xf32>
    %sub3A_871 = arith.subf %min3A_865, %max3A_870 : vector<34x128xf32>
    %max3A_872 = arith.constant 0.000000e+00 : f32
    %max3A_873 = vector.broadcast %max3A_872 : f32 to vector<34x128xf32>
    %max3A_874 = arith.maximumf %sub3A_871, %max3A_873 : vector<34x128xf32>
    %mul3A_875 = arith.mulf %max3A_860, %max3A_874 : vector<34x128xf32>
    %mul3A_876 = arith.constant 3.000000e+00 : f32
    %mul3A_877 = vector.broadcast %mul3A_876 : f32 to vector<34x128xf32>
    %mul3A_878 = arith.mulf %mul3A_877, %mul3A_875 : vector<34x128xf32>
    %mul3A_879 = arith.mulf %get3A_842, %get3A_846 : f32
    %add3A_880 = vector.broadcast %mul3A_879 : f32 to vector<34x128xf32>
    %add3A_881 = arith.addf %mul3A_196, %add3A_880 : vector<34x128xf32>
    %gt3A_882 = arith.cmpf ogt, %mul3A_878, %add3A_881 : vector<34x128xf32>
    %or3A_883 = arith.ori %or3A_830, %gt3A_882 : vector<34x128xi1>
    %get3A_884 = arith.constant 0 : index
    %get3A_885 = arith.constant 0 : index
    %get3A_886 = arith.constant 52 : index
    %get3A_887 = memref.load %arg2[%get3A_884, %get3A_885, %get3A_886] : memref<1x1x80xf32, #tpu.memory_space<smem>>
    %get3A_888 = arith.constant 0 : index
    %get3A_889 = arith.constant 0 : index
    %get3A_890 = arith.constant 53 : index
    %get3A_891 = memref.load %arg2[%get3A_888, %get3A_889, %get3A_890] : memref<1x1x80xf32, #tpu.memory_space<smem>>
    %get3A_892 = arith.constant 0 : index
    %get3A_893 = arith.constant 0 : index
    %get3A_894 = arith.constant 54 : index
    %get3A_895 = memref.load %arg2[%get3A_892, %get3A_893, %get3A_894] : memref<1x1x80xf32, #tpu.memory_space<smem>>
    %get3A_896 = arith.constant 0 : index
    %get3A_897 = arith.constant 0 : index
    %get3A_898 = arith.constant 55 : index
    %get3A_899 = memref.load %arg2[%get3A_896, %get3A_897, %get3A_898] : memref<1x1x80xf32, #tpu.memory_space<smem>>
    %mul3A_900 = arith.constant 5.000000e-01 : f32
    %mul3A_901 = arith.mulf %get3A_895, %mul3A_900 : f32
    %add3A_902 = arith.addf %get3A_887, %mul3A_901 : f32
    %min3A_903 = vector.broadcast %add3A_902 : f32 to vector<34x128xf32>
    %min3A_904 = arith.minimumf %add3A_187, %min3A_903 : vector<34x128xf32>
    %mul3A_905 = arith.constant 5.000000e-01 : f32
    %mul3A_906 = arith.mulf %get3A_895, %mul3A_905 : f32
    %sub3A_907 = arith.subf %get3A_887, %mul3A_906 : f32
    %max3A_908 = vector.broadcast %sub3A_907 : f32 to vector<34x128xf32>
    %max3A_909 = arith.maximumf %sub3A_183, %max3A_908 : vector<34x128xf32>
    %sub3A_910 = arith.subf %min3A_904, %max3A_909 : vector<34x128xf32>
    %max3A_911 = arith.constant 0.000000e+00 : f32
    %max3A_912 = vector.broadcast %max3A_911 : f32 to vector<34x128xf32>
    %max3A_913 = arith.maximumf %sub3A_910, %max3A_912 : vector<34x128xf32>
    %mul3A_914 = arith.constant 5.000000e-01 : f32
    %mul3A_915 = arith.mulf %get3A_899, %mul3A_914 : f32
    %add3A_916 = arith.addf %get3A_891, %mul3A_915 : f32
    %min3A_917 = vector.broadcast %add3A_916 : f32 to vector<34x128xf32>
    %min3A_918 = arith.minimumf %add3A_195, %min3A_917 : vector<34x128xf32>
    %mul3A_919 = arith.constant 5.000000e-01 : f32
    %mul3A_920 = arith.mulf %get3A_899, %mul3A_919 : f32
    %sub3A_921 = arith.subf %get3A_891, %mul3A_920 : f32
    %max3A_922 = vector.broadcast %sub3A_921 : f32 to vector<34x128xf32>
    %max3A_923 = arith.maximumf %sub3A_191, %max3A_922 : vector<34x128xf32>
    %sub3A_924 = arith.subf %min3A_918, %max3A_923 : vector<34x128xf32>
    %max3A_925 = arith.constant 0.000000e+00 : f32
    %max3A_926 = vector.broadcast %max3A_925 : f32 to vector<34x128xf32>
    %max3A_927 = arith.maximumf %sub3A_924, %max3A_926 : vector<34x128xf32>
    %mul3A_928 = arith.mulf %max3A_913, %max3A_927 : vector<34x128xf32>
    %mul3A_929 = arith.constant 3.000000e+00 : f32
    %mul3A_930 = vector.broadcast %mul3A_929 : f32 to vector<34x128xf32>
    %mul3A_931 = arith.mulf %mul3A_930, %mul3A_928 : vector<34x128xf32>
    %mul3A_932 = arith.mulf %get3A_895, %get3A_899 : f32
    %add3A_933 = vector.broadcast %mul3A_932 : f32 to vector<34x128xf32>
    %add3A_934 = arith.addf %mul3A_196, %add3A_933 : vector<34x128xf32>
    %gt3A_935 = arith.cmpf ogt, %mul3A_931, %add3A_934 : vector<34x128xf32>
    %or3A_936 = arith.ori %or3A_883, %gt3A_935 : vector<34x128xi1>
    %get3A_937 = arith.constant 0 : index
    %get3A_938 = arith.constant 0 : index
    %get3A_939 = arith.constant 56 : index
    %get3A_940 = memref.load %arg2[%get3A_937, %get3A_938, %get3A_939] : memref<1x1x80xf32, #tpu.memory_space<smem>>
    %get3A_941 = arith.constant 0 : index
    %get3A_942 = arith.constant 0 : index
    %get3A_943 = arith.constant 57 : index
    %get3A_944 = memref.load %arg2[%get3A_941, %get3A_942, %get3A_943] : memref<1x1x80xf32, #tpu.memory_space<smem>>
    %get3A_945 = arith.constant 0 : index
    %get3A_946 = arith.constant 0 : index
    %get3A_947 = arith.constant 58 : index
    %get3A_948 = memref.load %arg2[%get3A_945, %get3A_946, %get3A_947] : memref<1x1x80xf32, #tpu.memory_space<smem>>
    %get3A_949 = arith.constant 0 : index
    %get3A_950 = arith.constant 0 : index
    %get3A_951 = arith.constant 59 : index
    %get3A_952 = memref.load %arg2[%get3A_949, %get3A_950, %get3A_951] : memref<1x1x80xf32, #tpu.memory_space<smem>>
    %mul3A_953 = arith.constant 5.000000e-01 : f32
    %mul3A_954 = arith.mulf %get3A_948, %mul3A_953 : f32
    %add3A_955 = arith.addf %get3A_940, %mul3A_954 : f32
    %min3A_956 = vector.broadcast %add3A_955 : f32 to vector<34x128xf32>
    %min3A_957 = arith.minimumf %add3A_187, %min3A_956 : vector<34x128xf32>
    %mul3A_958 = arith.constant 5.000000e-01 : f32
    %mul3A_959 = arith.mulf %get3A_948, %mul3A_958 : f32
    %sub3A_960 = arith.subf %get3A_940, %mul3A_959 : f32
    %max3A_961 = vector.broadcast %sub3A_960 : f32 to vector<34x128xf32>
    %max3A_962 = arith.maximumf %sub3A_183, %max3A_961 : vector<34x128xf32>
    %sub3A_963 = arith.subf %min3A_957, %max3A_962 : vector<34x128xf32>
    %max3A_964 = arith.constant 0.000000e+00 : f32
    %max3A_965 = vector.broadcast %max3A_964 : f32 to vector<34x128xf32>
    %max3A_966 = arith.maximumf %sub3A_963, %max3A_965 : vector<34x128xf32>
    %mul3A_967 = arith.constant 5.000000e-01 : f32
    %mul3A_968 = arith.mulf %get3A_952, %mul3A_967 : f32
    %add3A_969 = arith.addf %get3A_944, %mul3A_968 : f32
    %min3A_970 = vector.broadcast %add3A_969 : f32 to vector<34x128xf32>
    %min3A_971 = arith.minimumf %add3A_195, %min3A_970 : vector<34x128xf32>
    %mul3A_972 = arith.constant 5.000000e-01 : f32
    %mul3A_973 = arith.mulf %get3A_952, %mul3A_972 : f32
    %sub3A_974 = arith.subf %get3A_944, %mul3A_973 : f32
    %max3A_975 = vector.broadcast %sub3A_974 : f32 to vector<34x128xf32>
    %max3A_976 = arith.maximumf %sub3A_191, %max3A_975 : vector<34x128xf32>
    %sub3A_977 = arith.subf %min3A_971, %max3A_976 : vector<34x128xf32>
    %max3A_978 = arith.constant 0.000000e+00 : f32
    %max3A_979 = vector.broadcast %max3A_978 : f32 to vector<34x128xf32>
    %max3A_980 = arith.maximumf %sub3A_977, %max3A_979 : vector<34x128xf32>
    %mul3A_981 = arith.mulf %max3A_966, %max3A_980 : vector<34x128xf32>
    %mul3A_982 = arith.constant 3.000000e+00 : f32
    %mul3A_983 = vector.broadcast %mul3A_982 : f32 to vector<34x128xf32>
    %mul3A_984 = arith.mulf %mul3A_983, %mul3A_981 : vector<34x128xf32>
    %mul3A_985 = arith.mulf %get3A_948, %get3A_952 : f32
    %add3A_986 = vector.broadcast %mul3A_985 : f32 to vector<34x128xf32>
    %add3A_987 = arith.addf %mul3A_196, %add3A_986 : vector<34x128xf32>
    %gt3A_988 = arith.cmpf ogt, %mul3A_984, %add3A_987 : vector<34x128xf32>
    %or3A_989 = arith.ori %or3A_936, %gt3A_988 : vector<34x128xi1>
    %get3A_990 = arith.constant 0 : index
    %get3A_991 = arith.constant 0 : index
    %get3A_992 = arith.constant 60 : index
    %get3A_993 = memref.load %arg2[%get3A_990, %get3A_991, %get3A_992] : memref<1x1x80xf32, #tpu.memory_space<smem>>
    %get3A_994 = arith.constant 0 : index
    %get3A_995 = arith.constant 0 : index
    %get3A_996 = arith.constant 61 : index
    %get3A_997 = memref.load %arg2[%get3A_994, %get3A_995, %get3A_996] : memref<1x1x80xf32, #tpu.memory_space<smem>>
    %get3A_998 = arith.constant 0 : index
    %get3A_999 = arith.constant 0 : index
    %get3A_1000 = arith.constant 62 : index
    %get3A_1001 = memref.load %arg2[%get3A_998, %get3A_999, %get3A_1000] : memref<1x1x80xf32, #tpu.memory_space<smem>>
    %get3A_1002 = arith.constant 0 : index
    %get3A_1003 = arith.constant 0 : index
    %get3A_1004 = arith.constant 63 : index
    %get3A_1005 = memref.load %arg2[%get3A_1002, %get3A_1003, %get3A_1004] : memref<1x1x80xf32, #tpu.memory_space<smem>>
    %mul3A_1006 = arith.constant 5.000000e-01 : f32
    %mul3A_1007 = arith.mulf %get3A_1001, %mul3A_1006 : f32
    %add3A_1008 = arith.addf %get3A_993, %mul3A_1007 : f32
    %min3A_1009 = vector.broadcast %add3A_1008 : f32 to vector<34x128xf32>
    %min3A_1010 = arith.minimumf %add3A_187, %min3A_1009 : vector<34x128xf32>
    %mul3A_1011 = arith.constant 5.000000e-01 : f32
    %mul3A_1012 = arith.mulf %get3A_1001, %mul3A_1011 : f32
    %sub3A_1013 = arith.subf %get3A_993, %mul3A_1012 : f32
    %max3A_1014 = vector.broadcast %sub3A_1013 : f32 to vector<34x128xf32>
    %max3A_1015 = arith.maximumf %sub3A_183, %max3A_1014 : vector<34x128xf32>
    %sub3A_1016 = arith.subf %min3A_1010, %max3A_1015 : vector<34x128xf32>
    %max3A_1017 = arith.constant 0.000000e+00 : f32
    %max3A_1018 = vector.broadcast %max3A_1017 : f32 to vector<34x128xf32>
    %max3A_1019 = arith.maximumf %sub3A_1016, %max3A_1018 : vector<34x128xf32>
    %mul3A_1020 = arith.constant 5.000000e-01 : f32
    %mul3A_1021 = arith.mulf %get3A_1005, %mul3A_1020 : f32
    %add3A_1022 = arith.addf %get3A_997, %mul3A_1021 : f32
    %min3A_1023 = vector.broadcast %add3A_1022 : f32 to vector<34x128xf32>
    %min3A_1024 = arith.minimumf %add3A_195, %min3A_1023 : vector<34x128xf32>
    %mul3A_1025 = arith.constant 5.000000e-01 : f32
    %mul3A_1026 = arith.mulf %get3A_1005, %mul3A_1025 : f32
    %sub3A_1027 = arith.subf %get3A_997, %mul3A_1026 : f32
    %max3A_1028 = vector.broadcast %sub3A_1027 : f32 to vector<34x128xf32>
    %max3A_1029 = arith.maximumf %sub3A_191, %max3A_1028 : vector<34x128xf32>
    %sub3A_1030 = arith.subf %min3A_1024, %max3A_1029 : vector<34x128xf32>
    %max3A_1031 = arith.constant 0.000000e+00 : f32
    %max3A_1032 = vector.broadcast %max3A_1031 : f32 to vector<34x128xf32>
    %max3A_1033 = arith.maximumf %sub3A_1030, %max3A_1032 : vector<34x128xf32>
    %mul3A_1034 = arith.mulf %max3A_1019, %max3A_1033 : vector<34x128xf32>
    %mul3A_1035 = arith.constant 3.000000e+00 : f32
    %mul3A_1036 = vector.broadcast %mul3A_1035 : f32 to vector<34x128xf32>
    %mul3A_1037 = arith.mulf %mul3A_1036, %mul3A_1034 : vector<34x128xf32>
    %mul3A_1038 = arith.mulf %get3A_1001, %get3A_1005 : f32
    %add3A_1039 = vector.broadcast %mul3A_1038 : f32 to vector<34x128xf32>
    %add3A_1040 = arith.addf %mul3A_196, %add3A_1039 : vector<34x128xf32>
    %gt3A_1041 = arith.cmpf ogt, %mul3A_1037, %add3A_1040 : vector<34x128xf32>
    %or3A_1042 = arith.ori %or3A_989, %gt3A_1041 : vector<34x128xi1>
    %get3A_1043 = arith.constant 0 : index
    %get3A_1044 = arith.constant 0 : index
    %get3A_1045 = arith.constant 64 : index
    %get3A_1046 = memref.load %arg2[%get3A_1043, %get3A_1044, %get3A_1045] : memref<1x1x80xf32, #tpu.memory_space<smem>>
    %get3A_1047 = arith.constant 0 : index
    %get3A_1048 = arith.constant 0 : index
    %get3A_1049 = arith.constant 65 : index
    %get3A_1050 = memref.load %arg2[%get3A_1047, %get3A_1048, %get3A_1049] : memref<1x1x80xf32, #tpu.memory_space<smem>>
    %get3A_1051 = arith.constant 0 : index
    %get3A_1052 = arith.constant 0 : index
    %get3A_1053 = arith.constant 66 : index
    %get3A_1054 = memref.load %arg2[%get3A_1051, %get3A_1052, %get3A_1053] : memref<1x1x80xf32, #tpu.memory_space<smem>>
    %get3A_1055 = arith.constant 0 : index
    %get3A_1056 = arith.constant 0 : index
    %get3A_1057 = arith.constant 67 : index
    %get3A_1058 = memref.load %arg2[%get3A_1055, %get3A_1056, %get3A_1057] : memref<1x1x80xf32, #tpu.memory_space<smem>>
    %mul3A_1059 = arith.constant 5.000000e-01 : f32
    %mul3A_1060 = arith.mulf %get3A_1054, %mul3A_1059 : f32
    %add3A_1061 = arith.addf %get3A_1046, %mul3A_1060 : f32
    %min3A_1062 = vector.broadcast %add3A_1061 : f32 to vector<34x128xf32>
    %min3A_1063 = arith.minimumf %add3A_187, %min3A_1062 : vector<34x128xf32>
    %mul3A_1064 = arith.constant 5.000000e-01 : f32
    %mul3A_1065 = arith.mulf %get3A_1054, %mul3A_1064 : f32
    %sub3A_1066 = arith.subf %get3A_1046, %mul3A_1065 : f32
    %max3A_1067 = vector.broadcast %sub3A_1066 : f32 to vector<34x128xf32>
    %max3A_1068 = arith.maximumf %sub3A_183, %max3A_1067 : vector<34x128xf32>
    %sub3A_1069 = arith.subf %min3A_1063, %max3A_1068 : vector<34x128xf32>
    %max3A_1070 = arith.constant 0.000000e+00 : f32
    %max3A_1071 = vector.broadcast %max3A_1070 : f32 to vector<34x128xf32>
    %max3A_1072 = arith.maximumf %sub3A_1069, %max3A_1071 : vector<34x128xf32>
    %mul3A_1073 = arith.constant 5.000000e-01 : f32
    %mul3A_1074 = arith.mulf %get3A_1058, %mul3A_1073 : f32
    %add3A_1075 = arith.addf %get3A_1050, %mul3A_1074 : f32
    %min3A_1076 = vector.broadcast %add3A_1075 : f32 to vector<34x128xf32>
    %min3A_1077 = arith.minimumf %add3A_195, %min3A_1076 : vector<34x128xf32>
    %mul3A_1078 = arith.constant 5.000000e-01 : f32
    %mul3A_1079 = arith.mulf %get3A_1058, %mul3A_1078 : f32
    %sub3A_1080 = arith.subf %get3A_1050, %mul3A_1079 : f32
    %max3A_1081 = vector.broadcast %sub3A_1080 : f32 to vector<34x128xf32>
    %max3A_1082 = arith.maximumf %sub3A_191, %max3A_1081 : vector<34x128xf32>
    %sub3A_1083 = arith.subf %min3A_1077, %max3A_1082 : vector<34x128xf32>
    %max3A_1084 = arith.constant 0.000000e+00 : f32
    %max3A_1085 = vector.broadcast %max3A_1084 : f32 to vector<34x128xf32>
    %max3A_1086 = arith.maximumf %sub3A_1083, %max3A_1085 : vector<34x128xf32>
    %mul3A_1087 = arith.mulf %max3A_1072, %max3A_1086 : vector<34x128xf32>
    %mul3A_1088 = arith.constant 3.000000e+00 : f32
    %mul3A_1089 = vector.broadcast %mul3A_1088 : f32 to vector<34x128xf32>
    %mul3A_1090 = arith.mulf %mul3A_1089, %mul3A_1087 : vector<34x128xf32>
    %mul3A_1091 = arith.mulf %get3A_1054, %get3A_1058 : f32
    %add3A_1092 = vector.broadcast %mul3A_1091 : f32 to vector<34x128xf32>
    %add3A_1093 = arith.addf %mul3A_196, %add3A_1092 : vector<34x128xf32>
    %gt3A_1094 = arith.cmpf ogt, %mul3A_1090, %add3A_1093 : vector<34x128xf32>
    %or3A_1095 = arith.ori %or3A_1042, %gt3A_1094 : vector<34x128xi1>
    %get3A_1096 = arith.constant 0 : index
    %get3A_1097 = arith.constant 0 : index
    %get3A_1098 = arith.constant 68 : index
    %get3A_1099 = memref.load %arg2[%get3A_1096, %get3A_1097, %get3A_1098] : memref<1x1x80xf32, #tpu.memory_space<smem>>
    %get3A_1100 = arith.constant 0 : index
    %get3A_1101 = arith.constant 0 : index
    %get3A_1102 = arith.constant 69 : index
    %get3A_1103 = memref.load %arg2[%get3A_1100, %get3A_1101, %get3A_1102] : memref<1x1x80xf32, #tpu.memory_space<smem>>
    %get3A_1104 = arith.constant 0 : index
    %get3A_1105 = arith.constant 0 : index
    %get3A_1106 = arith.constant 70 : index
    %get3A_1107 = memref.load %arg2[%get3A_1104, %get3A_1105, %get3A_1106] : memref<1x1x80xf32, #tpu.memory_space<smem>>
    %get3A_1108 = arith.constant 0 : index
    %get3A_1109 = arith.constant 0 : index
    %get3A_1110 = arith.constant 71 : index
    %get3A_1111 = memref.load %arg2[%get3A_1108, %get3A_1109, %get3A_1110] : memref<1x1x80xf32, #tpu.memory_space<smem>>
    %mul3A_1112 = arith.constant 5.000000e-01 : f32
    %mul3A_1113 = arith.mulf %get3A_1107, %mul3A_1112 : f32
    %add3A_1114 = arith.addf %get3A_1099, %mul3A_1113 : f32
    %min3A_1115 = vector.broadcast %add3A_1114 : f32 to vector<34x128xf32>
    %min3A_1116 = arith.minimumf %add3A_187, %min3A_1115 : vector<34x128xf32>
    %mul3A_1117 = arith.constant 5.000000e-01 : f32
    %mul3A_1118 = arith.mulf %get3A_1107, %mul3A_1117 : f32
    %sub3A_1119 = arith.subf %get3A_1099, %mul3A_1118 : f32
    %max3A_1120 = vector.broadcast %sub3A_1119 : f32 to vector<34x128xf32>
    %max3A_1121 = arith.maximumf %sub3A_183, %max3A_1120 : vector<34x128xf32>
    %sub3A_1122 = arith.subf %min3A_1116, %max3A_1121 : vector<34x128xf32>
    %max3A_1123 = arith.constant 0.000000e+00 : f32
    %max3A_1124 = vector.broadcast %max3A_1123 : f32 to vector<34x128xf32>
    %max3A_1125 = arith.maximumf %sub3A_1122, %max3A_1124 : vector<34x128xf32>
    %mul3A_1126 = arith.constant 5.000000e-01 : f32
    %mul3A_1127 = arith.mulf %get3A_1111, %mul3A_1126 : f32
    %add3A_1128 = arith.addf %get3A_1103, %mul3A_1127 : f32
    %min3A_1129 = vector.broadcast %add3A_1128 : f32 to vector<34x128xf32>
    %min3A_1130 = arith.minimumf %add3A_195, %min3A_1129 : vector<34x128xf32>
    %mul3A_1131 = arith.constant 5.000000e-01 : f32
    %mul3A_1132 = arith.mulf %get3A_1111, %mul3A_1131 : f32
    %sub3A_1133 = arith.subf %get3A_1103, %mul3A_1132 : f32
    %max3A_1134 = vector.broadcast %sub3A_1133 : f32 to vector<34x128xf32>
    %max3A_1135 = arith.maximumf %sub3A_191, %max3A_1134 : vector<34x128xf32>
    %sub3A_1136 = arith.subf %min3A_1130, %max3A_1135 : vector<34x128xf32>
    %max3A_1137 = arith.constant 0.000000e+00 : f32
    %max3A_1138 = vector.broadcast %max3A_1137 : f32 to vector<34x128xf32>
    %max3A_1139 = arith.maximumf %sub3A_1136, %max3A_1138 : vector<34x128xf32>
    %mul3A_1140 = arith.mulf %max3A_1125, %max3A_1139 : vector<34x128xf32>
    %mul3A_1141 = arith.constant 3.000000e+00 : f32
    %mul3A_1142 = vector.broadcast %mul3A_1141 : f32 to vector<34x128xf32>
    %mul3A_1143 = arith.mulf %mul3A_1142, %mul3A_1140 : vector<34x128xf32>
    %mul3A_1144 = arith.mulf %get3A_1107, %get3A_1111 : f32
    %add3A_1145 = vector.broadcast %mul3A_1144 : f32 to vector<34x128xf32>
    %add3A_1146 = arith.addf %mul3A_196, %add3A_1145 : vector<34x128xf32>
    %gt3A_1147 = arith.cmpf ogt, %mul3A_1143, %add3A_1146 : vector<34x128xf32>
    %or3A_1148 = arith.ori %or3A_1095, %gt3A_1147 : vector<34x128xi1>
    %get3A_1149 = arith.constant 0 : index
    %get3A_1150 = arith.constant 0 : index
    %get3A_1151 = arith.constant 72 : index
    %get3A_1152 = memref.load %arg2[%get3A_1149, %get3A_1150, %get3A_1151] : memref<1x1x80xf32, #tpu.memory_space<smem>>
    %get3A_1153 = arith.constant 0 : index
    %get3A_1154 = arith.constant 0 : index
    %get3A_1155 = arith.constant 73 : index
    %get3A_1156 = memref.load %arg2[%get3A_1153, %get3A_1154, %get3A_1155] : memref<1x1x80xf32, #tpu.memory_space<smem>>
    %get3A_1157 = arith.constant 0 : index
    %get3A_1158 = arith.constant 0 : index
    %get3A_1159 = arith.constant 74 : index
    %get3A_1160 = memref.load %arg2[%get3A_1157, %get3A_1158, %get3A_1159] : memref<1x1x80xf32, #tpu.memory_space<smem>>
    %get3A_1161 = arith.constant 0 : index
    %get3A_1162 = arith.constant 0 : index
    %get3A_1163 = arith.constant 75 : index
    %get3A_1164 = memref.load %arg2[%get3A_1161, %get3A_1162, %get3A_1163] : memref<1x1x80xf32, #tpu.memory_space<smem>>
    %mul3A_1165 = arith.constant 5.000000e-01 : f32
    %mul3A_1166 = arith.mulf %get3A_1160, %mul3A_1165 : f32
    %add3A_1167 = arith.addf %get3A_1152, %mul3A_1166 : f32
    %min3A_1168 = vector.broadcast %add3A_1167 : f32 to vector<34x128xf32>
    %min3A_1169 = arith.minimumf %add3A_187, %min3A_1168 : vector<34x128xf32>
    %mul3A_1170 = arith.constant 5.000000e-01 : f32
    %mul3A_1171 = arith.mulf %get3A_1160, %mul3A_1170 : f32
    %sub3A_1172 = arith.subf %get3A_1152, %mul3A_1171 : f32
    %max3A_1173 = vector.broadcast %sub3A_1172 : f32 to vector<34x128xf32>
    %max3A_1174 = arith.maximumf %sub3A_183, %max3A_1173 : vector<34x128xf32>
    %sub3A_1175 = arith.subf %min3A_1169, %max3A_1174 : vector<34x128xf32>
    %max3A_1176 = arith.constant 0.000000e+00 : f32
    %max3A_1177 = vector.broadcast %max3A_1176 : f32 to vector<34x128xf32>
    %max3A_1178 = arith.maximumf %sub3A_1175, %max3A_1177 : vector<34x128xf32>
    %mul3A_1179 = arith.constant 5.000000e-01 : f32
    %mul3A_1180 = arith.mulf %get3A_1164, %mul3A_1179 : f32
    %add3A_1181 = arith.addf %get3A_1156, %mul3A_1180 : f32
    %min3A_1182 = vector.broadcast %add3A_1181 : f32 to vector<34x128xf32>
    %min3A_1183 = arith.minimumf %add3A_195, %min3A_1182 : vector<34x128xf32>
    %mul3A_1184 = arith.constant 5.000000e-01 : f32
    %mul3A_1185 = arith.mulf %get3A_1164, %mul3A_1184 : f32
    %sub3A_1186 = arith.subf %get3A_1156, %mul3A_1185 : f32
    %max3A_1187 = vector.broadcast %sub3A_1186 : f32 to vector<34x128xf32>
    %max3A_1188 = arith.maximumf %sub3A_191, %max3A_1187 : vector<34x128xf32>
    %sub3A_1189 = arith.subf %min3A_1183, %max3A_1188 : vector<34x128xf32>
    %max3A_1190 = arith.constant 0.000000e+00 : f32
    %max3A_1191 = vector.broadcast %max3A_1190 : f32 to vector<34x128xf32>
    %max3A_1192 = arith.maximumf %sub3A_1189, %max3A_1191 : vector<34x128xf32>
    %mul3A_1193 = arith.mulf %max3A_1178, %max3A_1192 : vector<34x128xf32>
    %mul3A_1194 = arith.constant 3.000000e+00 : f32
    %mul3A_1195 = vector.broadcast %mul3A_1194 : f32 to vector<34x128xf32>
    %mul3A_1196 = arith.mulf %mul3A_1195, %mul3A_1193 : vector<34x128xf32>
    %mul3A_1197 = arith.mulf %get3A_1160, %get3A_1164 : f32
    %add3A_1198 = vector.broadcast %mul3A_1197 : f32 to vector<34x128xf32>
    %add3A_1199 = arith.addf %mul3A_196, %add3A_1198 : vector<34x128xf32>
    %gt3A_1200 = arith.cmpf ogt, %mul3A_1196, %add3A_1199 : vector<34x128xf32>
    %or3A_1201 = arith.ori %or3A_1148, %gt3A_1200 : vector<34x128xi1>
    %get3A_1202 = arith.constant 0 : index
    %get3A_1203 = arith.constant 0 : index
    %get3A_1204 = arith.constant 76 : index
    %get3A_1205 = memref.load %arg2[%get3A_1202, %get3A_1203, %get3A_1204] : memref<1x1x80xf32, #tpu.memory_space<smem>>
    %get3A_1206 = arith.constant 0 : index
    %get3A_1207 = arith.constant 0 : index
    %get3A_1208 = arith.constant 77 : index
    %get3A_1209 = memref.load %arg2[%get3A_1206, %get3A_1207, %get3A_1208] : memref<1x1x80xf32, #tpu.memory_space<smem>>
    %get3A_1210 = arith.constant 0 : index
    %get3A_1211 = arith.constant 0 : index
    %get3A_1212 = arith.constant 78 : index
    %get3A_1213 = memref.load %arg2[%get3A_1210, %get3A_1211, %get3A_1212] : memref<1x1x80xf32, #tpu.memory_space<smem>>
    %get3A_1214 = arith.constant 0 : index
    %get3A_1215 = arith.constant 0 : index
    %get3A_1216 = arith.constant 79 : index
    %get3A_1217 = memref.load %arg2[%get3A_1214, %get3A_1215, %get3A_1216] : memref<1x1x80xf32, #tpu.memory_space<smem>>
    %mul3A_1218 = arith.constant 5.000000e-01 : f32
    %mul3A_1219 = arith.mulf %get3A_1213, %mul3A_1218 : f32
    %add3A_1220 = arith.addf %get3A_1205, %mul3A_1219 : f32
    %min3A_1221 = vector.broadcast %add3A_1220 : f32 to vector<34x128xf32>
    %min3A_1222 = arith.minimumf %add3A_187, %min3A_1221 : vector<34x128xf32>
    %mul3A_1223 = arith.constant 5.000000e-01 : f32
    %mul3A_1224 = arith.mulf %get3A_1213, %mul3A_1223 : f32
    %sub3A_1225 = arith.subf %get3A_1205, %mul3A_1224 : f32
    %max3A_1226 = vector.broadcast %sub3A_1225 : f32 to vector<34x128xf32>
    %max3A_1227 = arith.maximumf %sub3A_183, %max3A_1226 : vector<34x128xf32>
    %sub3A_1228 = arith.subf %min3A_1222, %max3A_1227 : vector<34x128xf32>
    %max3A_1229 = arith.constant 0.000000e+00 : f32
    %max3A_1230 = vector.broadcast %max3A_1229 : f32 to vector<34x128xf32>
    %max3A_1231 = arith.maximumf %sub3A_1228, %max3A_1230 : vector<34x128xf32>
    %mul3A_1232 = arith.constant 5.000000e-01 : f32
    %mul3A_1233 = arith.mulf %get3A_1217, %mul3A_1232 : f32
    %add3A_1234 = arith.addf %get3A_1209, %mul3A_1233 : f32
    %min3A_1235 = vector.broadcast %add3A_1234 : f32 to vector<34x128xf32>
    %min3A_1236 = arith.minimumf %add3A_195, %min3A_1235 : vector<34x128xf32>
    %mul3A_1237 = arith.constant 5.000000e-01 : f32
    %mul3A_1238 = arith.mulf %get3A_1217, %mul3A_1237 : f32
    %sub3A_1239 = arith.subf %get3A_1209, %mul3A_1238 : f32
    %max3A_1240 = vector.broadcast %sub3A_1239 : f32 to vector<34x128xf32>
    %max3A_1241 = arith.maximumf %sub3A_191, %max3A_1240 : vector<34x128xf32>
    %sub3A_1242 = arith.subf %min3A_1236, %max3A_1241 : vector<34x128xf32>
    %max3A_1243 = arith.constant 0.000000e+00 : f32
    %max3A_1244 = vector.broadcast %max3A_1243 : f32 to vector<34x128xf32>
    %max3A_1245 = arith.maximumf %sub3A_1242, %max3A_1244 : vector<34x128xf32>
    %mul3A_1246 = arith.mulf %max3A_1231, %max3A_1245 : vector<34x128xf32>
    %mul3A_1247 = arith.constant 3.000000e+00 : f32
    %mul3A_1248 = vector.broadcast %mul3A_1247 : f32 to vector<34x128xf32>
    %mul3A_1249 = arith.mulf %mul3A_1248, %mul3A_1246 : vector<34x128xf32>
    %mul3A_1250 = arith.mulf %get3A_1213, %get3A_1217 : f32
    %add3A_1251 = vector.broadcast %mul3A_1250 : f32 to vector<34x128xf32>
    %add3A_1252 = arith.addf %mul3A_196, %add3A_1251 : vector<34x128xf32>
    %gt3A_1253 = arith.cmpf ogt, %mul3A_1249, %add3A_1252 : vector<34x128xf32>
    %or3A_1254 = arith.ori %or3A_1201, %gt3A_1253 : vector<34x128xi1>
    %not3A = arith.constant dense<true> : vector<34x128xi1>
    %not3A_1255 = arith.xori %lt3A_101, %not3A : vector<34x128xi1>
    %or3A_1256 = arith.ori %or3A_1254, %not3A_1255 : vector<34x128xi1>
    %custom_jvp_call3A = arith.constant 0.000000e+00 : f32
    %max3A_1257 = vector.broadcast %custom_jvp_call3A : f32 to vector<34x128xf32>
    %max3A_1258 = arith.maximumf %max3A_1257, %get3A_157 : vector<34x128xf32>
    %sub3A_1259 = vector.broadcast %custom_jvp_call3A : f32 to vector<34x128xf32>
    %sub3A_1260 = arith.subf %sub3A_1259, %get3A_157 : vector<34x128xf32>
    %ne3A_1261 = arith.cmpf one, %sub3A_1260, %sub3A_1260 : vector<34x128xf32>
    %add3A_1262 = vector.broadcast %custom_jvp_call3A : f32 to vector<34x128xf32>
    %add3A_1263 = arith.addf %add3A_1262, %get3A_157 : vector<34x128xf32>
    %abs3A = math.absf %sub3A_1260 : vector<34x128xf32>
    %neg3A = arith.constant 0.000000e+00 : f32
    %neg3A_1264 = vector.broadcast %neg3A : f32 to vector<34x128xf32>
    %neg3A_1265 = arith.subf %neg3A_1264, %abs3A : vector<34x128xf32>
    %exp3A_1266 = math.exp %neg3A_1265 : vector<34x128xf32>
    %log1p3A = math.log1p %exp3A_1266 : vector<34x128xf32>
    %add3A_1267 = arith.addf %max3A_1258, %log1p3A : vector<34x128xf32>
    %select_n3A_1268 = arith.select %ne3A_1261, %add3A_1263, %add3A_1267 : vector<34x128xi1>, vector<34x128xf32>
    %jit3A_1269 = arith.constant 0.000000e+00 : f32
    %broadcast_in_dim3A_1270 = vector.broadcast %jit3A_1269 : f32 to vector<34x128xf32>
    %select_n3A_1271 = arith.select %or3A_1256, %broadcast_in_dim3A_1270, %select_n3A_1268 : vector<34x128xi1>, vector<34x128xf32>
    %reduce_sum3A = vector.shape_cast %select_n3A_1271 : vector<34x128xf32> to vector<1x34x128xf32>
    %reduce_sum3A_1272 = arith.constant dense<0.000000e+00> : vector<1xf32>
    %reduce_sum3A_1273 = vector.multi_reduction <add>, %reduce_sum3A, %reduce_sum3A_1272 [1, 2] : vector<1x34x128xf32> to vector<1xf32>
    %reduce_sum3A_1274 = vector.shape_cast %reduce_sum3A_1273 : vector<1xf32> to vector<1x1x1xf32>
    %reduce_sum3A_1275 = vector.extract %reduce_sum3A_1274[0, 0, 0] : f32 from vector<1x1x1xf32>
    %get3A_1276 = arith.constant 0 : index
    %get3A_1277 = arith.constant 0 : index
    %get3A_1278 = arith.constant 0 : index
    %get3A_1279 = vector.load %arg4[%get3A_1276, %get3A_1277, %get3A_1278] : memref<1x20x16xf32, #tpu.memory_space<vmem>>, vector<1x20x16xf32>
    %get3A_1280 = vector.shape_cast %get3A_1279 : vector<1x20x16xf32> to vector<20x16xf32>
    %slice3A = vector.extract_strided_slice %get3A_1280 {offsets = [0, 0], sizes = [20, 1], strides = [1, 1]} : vector<20x16xf32> to vector<20x1xf32>
    %slice3A_1281 = vector.extract_strided_slice %get3A_1280 {offsets = [0, 1], sizes = [20, 1], strides = [1, 1]} : vector<20x16xf32> to vector<20x1xf32>
    %slice3A_1282 = vector.extract_strided_slice %get3A_1280 {offsets = [0, 2], sizes = [20, 1], strides = [1, 1]} : vector<20x16xf32> to vector<20x1xf32>
    %slice3A_1283 = vector.extract_strided_slice %get3A_1280 {offsets = [0, 3], sizes = [20, 1], strides = [1, 1]} : vector<20x16xf32> to vector<20x1xf32>
    %slice3A_1284 = vector.extract_strided_slice %get3A_1280 {offsets = [0, 4], sizes = [20, 1], strides = [1, 1]} : vector<20x16xf32> to vector<20x1xf32>
    %slice3A_1285 = vector.extract_strided_slice %get3A_1280 {offsets = [0, 5], sizes = [20, 1], strides = [1, 1]} : vector<20x16xf32> to vector<20x1xf32>
    %slice3A_1286 = vector.extract_strided_slice %get3A_1280 {offsets = [0, 6], sizes = [20, 1], strides = [1, 1]} : vector<20x16xf32> to vector<20x1xf32>
    %slice3A_1287 = vector.extract_strided_slice %get3A_1280 {offsets = [0, 7], sizes = [20, 1], strides = [1, 1]} : vector<20x16xf32> to vector<20x1xf32>
    %get3A_1288 = arith.constant 0 : index
    %get3A_1289 = arith.constant 0 : index
    %get3A_1290 = arith.constant 0 : index
    %get3A_1291 = vector.load %arg6[%get3A_1288, %get3A_1289, %get3A_1290] : memref<1x32x85xf32, #tpu.memory_space<vmem>>, vector<1x20x85xf32>
    %get3A_1292 = vector.shape_cast %get3A_1291 : vector<1x20x85xf32> to vector<20x85xf32>
    %get3A_1293 = arith.constant 0 : index
    %get3A_1294 = arith.constant 0 : index
    %get3A_1295 = arith.constant 0 : index
    %get3A_1296 = vector.load %arg5[%get3A_1293, %get3A_1294, %get3A_1295] : memref<1x20x85xf32, #tpu.memory_space<vmem>>, vector<1x20x85xf32>
    %get3A_1297 = vector.shape_cast %get3A_1296 : vector<1x20x85xf32> to vector<20x85xf32>
    %iota3A_1298 = tpu.iota {dimensions = array<i32: 1>} : vector<1x85xi32>
    %logistic3A_1299 = arith.negf %get3A_1292 : vector<20x85xf32>
    %logistic3A_1300 = math.exp %logistic3A_1299 : vector<20x85xf32>
    %logistic3A_1301 = arith.constant 1.000000e+00 : f32
    %logistic3A_1302 = vector.broadcast %logistic3A_1301 : f32 to vector<20x85xf32>
    %logistic3A_1303 = arith.addf %logistic3A_1302, %logistic3A_1300 : vector<20x85xf32>
    %logistic3A_1304 = arith.divf %logistic3A_1302, %logistic3A_1303 : vector<20x85xf32>
    %exp3A_1305 = math.exp %get3A_1292 : vector<20x85xf32>
    %custom_jvp_call3A_1306 = arith.constant 0.000000e+00 : f32
    %max3A_1307 = vector.broadcast %custom_jvp_call3A_1306 : f32 to vector<20x85xf32>
    %max3A_1308 = arith.maximumf %max3A_1307, %get3A_1292 : vector<20x85xf32>
    %sub3A_1309 = vector.broadcast %custom_jvp_call3A_1306 : f32 to vector<20x85xf32>
    %sub3A_1310 = arith.subf %sub3A_1309, %get3A_1292 : vector<20x85xf32>
    %ne3A_1311 = arith.cmpf one, %sub3A_1310, %sub3A_1310 : vector<20x85xf32>
    %add3A_1312 = vector.broadcast %custom_jvp_call3A_1306 : f32 to vector<20x85xf32>
    %add3A_1313 = arith.addf %add3A_1312, %get3A_1292 : vector<20x85xf32>
    %abs3A_1314 = math.absf %sub3A_1310 : vector<20x85xf32>
    %neg3A_1315 = arith.constant 0.000000e+00 : f32
    %neg3A_1316 = vector.broadcast %neg3A_1315 : f32 to vector<20x85xf32>
    %neg3A_1317 = arith.subf %neg3A_1316, %abs3A_1314 : vector<20x85xf32>
    %exp3A_1318 = math.exp %neg3A_1317 : vector<20x85xf32>
    %log1p3A_1319 = math.log1p %exp3A_1318 : vector<20x85xf32>
    %add3A_1320 = arith.addf %max3A_1308, %log1p3A_1319 : vector<20x85xf32>
    %select_n3A_1321 = arith.select %ne3A_1311, %add3A_1313, %add3A_1320 : vector<20x85xi1>, vector<20x85xf32>
    %eq3A_1322 = arith.constant 0.000000e+00 : f32
    %eq3A_1323 = vector.broadcast %eq3A_1322 : f32 to vector<20x1xf32>
    %eq3A_1324 = arith.cmpf oeq, %slice3A_1281, %eq3A_1323 : vector<20x1xf32>
    %eq3A_1325 = arith.constant 1.000000e+00 : f32
    %eq3A_1326 = vector.broadcast %eq3A_1325 : f32 to vector<20x1xf32>
    %eq3A_1327 = arith.cmpf oeq, %slice3A_1281, %eq3A_1326 : vector<20x1xf32>
    %jit3A_1328 = arith.constant 0.101973683 : f32
    %jit3A_1329 = arith.constant 0.097039476 : f32
    %broadcast_in_dim3A_1330 = vector.broadcast %jit3A_1328 : f32 to vector<20x1xf32>
    %broadcast_in_dim3A_1331 = vector.broadcast %jit3A_1329 : f32 to vector<20x1xf32>
    %select_n3A_1332 = arith.select %eq3A_1327, %broadcast_in_dim3A_1330, %broadcast_in_dim3A_1331 : vector<20x1xi1>, vector<20x1xf32>
    %jit3A_1333 = arith.constant 0.049342107 : f32
    %broadcast_in_dim3A_1334 = vector.broadcast %jit3A_1333 : f32 to vector<20x1xf32>
    %select_n3A_1335 = arith.select %eq3A_1324, %broadcast_in_dim3A_1334, %select_n3A_1332 : vector<20x1xi1>, vector<20x1xf32>
    %eq3A_1336 = arith.constant 0.000000e+00 : f32
    %eq3A_1337 = vector.broadcast %eq3A_1336 : f32 to vector<20x1xf32>
    %eq3A_1338 = arith.cmpf oeq, %slice3A_1281, %eq3A_1337 : vector<20x1xf32>
    %eq3A_1339 = arith.constant 1.000000e+00 : f32
    %eq3A_1340 = vector.broadcast %eq3A_1339 : f32 to vector<20x1xf32>
    %eq3A_1341 = arith.cmpf oeq, %slice3A_1281, %eq3A_1340 : vector<20x1xf32>
    %jit3A_1342 = arith.constant 0.0740131587 : f32
    %jit3A_1343 = arith.constant 0.195723683 : f32
    %broadcast_in_dim3A_1344 = vector.broadcast %jit3A_1342 : f32 to vector<20x1xf32>
    %broadcast_in_dim3A_1345 = vector.broadcast %jit3A_1343 : f32 to vector<20x1xf32>
    %select_n3A_1346 = arith.select %eq3A_1341, %broadcast_in_dim3A_1344, %broadcast_in_dim3A_1345 : vector<20x1xi1>, vector<20x1xf32>
    %jit3A_1347 = arith.constant 0.100328945 : f32
    %broadcast_in_dim3A_1348 = vector.broadcast %jit3A_1347 : f32 to vector<20x1xf32>
    %select_n3A_1349 = arith.select %eq3A_1338, %broadcast_in_dim3A_1348, %select_n3A_1346 : vector<20x1xi1>, vector<20x1xf32>
    %eq3A_1350 = arith.constant 0 : i32
    %eq3A_1351 = vector.broadcast %eq3A_1350 : i32 to vector<1x85xi32>
    %eq3A_1352 = arith.cmpi eq, %iota3A_1298, %eq3A_1351 : vector<1x85xi32>
    %broadcast_in_dim3A_1353 = vector.shape_cast %eq3A_1352 : vector<1x85xi1> to vector<1x85xi1>
    %broadcast_in_dim3A_1354 = vector.broadcast %broadcast_in_dim3A_1353 : vector<1x85xi1> to vector<20x85xi1>
    %broadcast_in_dim3A_1355 = vector.shape_cast %slice3A_1282 : vector<20x1xf32> to vector<20x1xf32>
    %broadcast_in_dim3A_1356 = vector.broadcast %broadcast_in_dim3A_1355 : vector<20x1xf32> to vector<20x85xf32>
    %broadcast_in_dim3A_1357 = vector.shape_cast %slice3A_1283 : vector<20x1xf32> to vector<20x1xf32>
    %broadcast_in_dim3A_1358 = vector.broadcast %broadcast_in_dim3A_1357 : vector<20x1xf32> to vector<20x85xf32>
    %select_n3A_1359 = arith.select %broadcast_in_dim3A_1354, %broadcast_in_dim3A_1356, %broadcast_in_dim3A_1358 : vector<20x85xi1>, vector<20x85xf32>
    %eq3A_1360 = arith.constant 2 : i32
    %eq3A_1361 = vector.broadcast %eq3A_1360 : i32 to vector<1x85xi32>
    %eq3A_1362 = arith.cmpi eq, %iota3A_1298, %eq3A_1361 : vector<1x85xi32>
    %broadcast_in_dim3A_1363 = vector.shape_cast %eq3A_1362 : vector<1x85xi1> to vector<1x85xi1>
    %broadcast_in_dim3A_1364 = vector.broadcast %broadcast_in_dim3A_1363 : vector<1x85xi1> to vector<20x85xi1>
    %broadcast_in_dim3A_1365 = vector.shape_cast %select_n3A_1335 : vector<20x1xf32> to vector<20x1xf32>
    %broadcast_in_dim3A_1366 = vector.broadcast %broadcast_in_dim3A_1365 : vector<20x1xf32> to vector<20x85xf32>
    %broadcast_in_dim3A_1367 = vector.shape_cast %select_n3A_1349 : vector<20x1xf32> to vector<20x1xf32>
    %broadcast_in_dim3A_1368 = vector.broadcast %broadcast_in_dim3A_1367 : vector<20x1xf32> to vector<20x85xf32>
    %select_n3A_1369 = arith.select %broadcast_in_dim3A_1364, %broadcast_in_dim3A_1366, %broadcast_in_dim3A_1368 : vector<20x85xi1>, vector<20x85xf32>
    %add3A_1370 = arith.addf %logistic3A_1304, %select_n3A_1359 : vector<20x85xf32>
    %mul3A_1371 = arith.constant 0.0263157897 : f32
    %mul3A_1372 = vector.broadcast %mul3A_1371 : f32 to vector<20x85xf32>
    %mul3A_1373 = arith.mulf %add3A_1370, %mul3A_1372 : vector<20x85xf32>
    %mul3A_1374 = arith.mulf %exp3A_1305, %select_n3A_1369 : vector<20x85xf32>
    %eq3A_1375 = arith.constant 0 : i32
    %eq3A_1376 = vector.broadcast %eq3A_1375 : i32 to vector<1x85xi32>
    %eq3A_1377 = arith.cmpi eq, %iota3A_1298, %eq3A_1376 : vector<1x85xi32>
    %eq3A_1378 = arith.constant 1 : i32
    %eq3A_1379 = vector.broadcast %eq3A_1378 : i32 to vector<1x85xi32>
    %eq3A_1380 = arith.cmpi eq, %iota3A_1298, %eq3A_1379 : vector<1x85xi32>
    %eq3A_1381 = arith.constant 2 : i32
    %eq3A_1382 = vector.broadcast %eq3A_1381 : i32 to vector<1x85xi32>
    %eq3A_1383 = arith.cmpi eq, %iota3A_1298, %eq3A_1382 : vector<1x85xi32>
    %broadcast_in_dim3A_1384 = vector.shape_cast %eq3A_1383 : vector<1x85xi1> to vector<1x85xi1>
    %broadcast_in_dim3A_1385 = vector.broadcast %broadcast_in_dim3A_1384 : vector<1x85xi1> to vector<20x85xi1>
    %broadcast_in_dim3A_1386 = vector.shape_cast %slice3A_1286 : vector<20x1xf32> to vector<20x1xf32>
    %broadcast_in_dim3A_1387 = vector.broadcast %broadcast_in_dim3A_1386 : vector<20x1xf32> to vector<20x85xf32>
    %broadcast_in_dim3A_1388 = vector.shape_cast %slice3A_1287 : vector<20x1xf32> to vector<20x1xf32>
    %broadcast_in_dim3A_1389 = vector.broadcast %broadcast_in_dim3A_1388 : vector<20x1xf32> to vector<20x85xf32>
    %select_n3A_1390 = arith.select %broadcast_in_dim3A_1385, %broadcast_in_dim3A_1387, %broadcast_in_dim3A_1389 : vector<20x85xi1>, vector<20x85xf32>
    %broadcast_in_dim3A_1391 = vector.shape_cast %eq3A_1380 : vector<1x85xi1> to vector<1x85xi1>
    %broadcast_in_dim3A_1392 = vector.broadcast %broadcast_in_dim3A_1391 : vector<1x85xi1> to vector<20x85xi1>
    %broadcast_in_dim3A_1393 = vector.shape_cast %slice3A_1285 : vector<20x1xf32> to vector<20x1xf32>
    %broadcast_in_dim3A_1394 = vector.broadcast %broadcast_in_dim3A_1393 : vector<20x1xf32> to vector<20x85xf32>
    %select_n3A_1395 = arith.select %broadcast_in_dim3A_1392, %broadcast_in_dim3A_1394, %select_n3A_1390 : vector<20x85xi1>, vector<20x85xf32>
    %broadcast_in_dim3A_1396 = vector.shape_cast %eq3A_1377 : vector<1x85xi1> to vector<1x85xi1>
    %broadcast_in_dim3A_1397 = vector.broadcast %broadcast_in_dim3A_1396 : vector<1x85xi1> to vector<20x85xi1>
    %broadcast_in_dim3A_1398 = vector.shape_cast %slice3A_1284 : vector<20x1xf32> to vector<20x1xf32>
    %broadcast_in_dim3A_1399 = vector.broadcast %broadcast_in_dim3A_1398 : vector<20x1xf32> to vector<20x85xf32>
    %select_n3A_1400 = arith.select %broadcast_in_dim3A_1397, %broadcast_in_dim3A_1399, %select_n3A_1395 : vector<20x85xi1>, vector<20x85xf32>
    %le3A = arith.constant 1 : i32
    %le3A_1401 = vector.broadcast %le3A : i32 to vector<1x85xi32>
    %le3A_1402 = arith.cmpi sle, %iota3A_1298, %le3A_1401 : vector<1x85xi32>
    %convert_element_type3A_1403 = arith.extui %le3A_1402 : vector<1x85xi1> to vector<1x85xi32>
    %convert_element_type3A_1404 = arith.sitofp %convert_element_type3A_1403 : vector<1x85xi32> to vector<1x85xf32>
    %eq3A_1405 = arith.constant 2 : i32
    %eq3A_1406 = vector.broadcast %eq3A_1405 : i32 to vector<1x85xi32>
    %eq3A_1407 = arith.cmpi eq, %iota3A_1298, %eq3A_1406 : vector<1x85xi32>
    %eq3A_1408 = arith.constant 3 : i32
    %eq3A_1409 = vector.broadcast %eq3A_1408 : i32 to vector<1x85xi32>
    %eq3A_1410 = arith.cmpi eq, %iota3A_1298, %eq3A_1409 : vector<1x85xi32>
    %or3A_1411 = arith.ori %eq3A_1407, %eq3A_1410 : vector<1x85xi1>
    %convert_element_type3A_1412 = arith.extui %or3A_1411 : vector<1x85xi1> to vector<1x85xi32>
    %convert_element_type3A_1413 = arith.sitofp %convert_element_type3A_1412 : vector<1x85xi32> to vector<1x85xf32>
    %eq3A_1414 = arith.constant 4 : i32
    %eq3A_1415 = vector.broadcast %eq3A_1414 : i32 to vector<1x85xi32>
    %eq3A_1416 = arith.cmpi eq, %iota3A_1298, %eq3A_1415 : vector<1x85xi32>
    %convert_element_type3A_1417 = arith.extui %eq3A_1416 : vector<1x85xi1> to vector<1x85xi32>
    %convert_element_type3A_1418 = arith.sitofp %convert_element_type3A_1417 : vector<1x85xi32> to vector<1x85xf32>
    %ge3A = arith.constant 5 : i32
    %ge3A_1419 = vector.broadcast %ge3A : i32 to vector<1x85xi32>
    %ge3A_1420 = arith.cmpi sge, %iota3A_1298, %ge3A_1419 : vector<1x85xi32>
    %convert_element_type3A_1421 = arith.extui %ge3A_1420 : vector<1x85xi1> to vector<1x85xi32>
    %convert_element_type3A_1422 = arith.sitofp %convert_element_type3A_1421 : vector<1x85xi32> to vector<1x85xf32>
    %sub3A_1423 = arith.subf %mul3A_1373, %select_n3A_1400 : vector<20x85xf32>
    %sub3A_1424 = arith.subf %mul3A_1374, %select_n3A_1400 : vector<20x85xf32>
    %mul3A_1425 = arith.mulf %sub3A_1423, %sub3A_1423 : vector<20x85xf32>
    %mul3A_1426 = vector.broadcast %convert_element_type3A_1404 : vector<1x85xf32> to vector<20x85xf32>
    %mul3A_1427 = arith.mulf %mul3A_1425, %mul3A_1426 : vector<20x85xf32>
    %mul3A_1428 = arith.mulf %sub3A_1424, %sub3A_1424 : vector<20x85xf32>
    %mul3A_1429 = vector.broadcast %convert_element_type3A_1413 : vector<1x85xf32> to vector<20x85xf32>
    %mul3A_1430 = arith.mulf %mul3A_1428, %mul3A_1429 : vector<20x85xf32>
    %add3A_1431 = arith.addf %mul3A_1427, %mul3A_1430 : vector<20x85xf32>
    %mul3A_1432 = vector.broadcast %slice3A : vector<20x1xf32> to vector<20x85xf32>
    %mul3A_1433 = arith.mulf %mul3A_1432, %add3A_1431 : vector<20x85xf32>
    %reduce_sum3A_1434 = vector.shape_cast %mul3A_1433 : vector<20x85xf32> to vector<1x20x85xf32>
    %reduce_sum3A_1435 = arith.constant dense<0.000000e+00> : vector<1xf32>
    %reduce_sum3A_1436 = vector.multi_reduction <add>, %reduce_sum3A_1434, %reduce_sum3A_1435 [1, 2] : vector<1x20x85xf32> to vector<1xf32>
    %reduce_sum3A_1437 = vector.shape_cast %reduce_sum3A_1436 : vector<1xf32> to vector<1x1x1xf32>
    %reduce_sum3A_1438 = vector.extract %reduce_sum3A_1437[0, 0, 0] : f32 from vector<1x1x1xf32>
    %mul3A_1439 = arith.mulf %get3A_1292, %get3A_1297 : vector<20x85xf32>
    %sub3A_1440 = arith.subf %select_n3A_1321, %mul3A_1439 : vector<20x85xf32>
    %mul3A_1441 = vector.broadcast %slice3A : vector<20x1xf32> to vector<20x85xf32>
    %mul3A_1442 = arith.mulf %mul3A_1441, %sub3A_1440 : vector<20x85xf32>
    %mul3A_1443 = vector.broadcast %convert_element_type3A_1422 : vector<1x85xf32> to vector<20x85xf32>
    %mul3A_1444 = arith.mulf %mul3A_1442, %mul3A_1443 : vector<20x85xf32>
    %reduce_sum3A_1445 = vector.shape_cast %mul3A_1444 : vector<20x85xf32> to vector<1x20x85xf32>
    %reduce_sum3A_1446 = arith.constant dense<0.000000e+00> : vector<1xf32>
    %reduce_sum3A_1447 = vector.multi_reduction <add>, %reduce_sum3A_1445, %reduce_sum3A_1446 [1, 2] : vector<1x20x85xf32> to vector<1xf32>
    %reduce_sum3A_1448 = vector.shape_cast %reduce_sum3A_1447 : vector<1xf32> to vector<1x1x1xf32>
    %reduce_sum3A_1449 = vector.extract %reduce_sum3A_1448[0, 0, 0] : f32 from vector<1x1x1xf32>
    %mul3A_1450 = vector.broadcast %convert_element_type3A_1418 : vector<1x85xf32> to vector<20x85xf32>
    %mul3A_1451 = arith.mulf %get3A_1292, %mul3A_1450 : vector<20x85xf32>
    %reduce_sum3A_1452 = arith.constant dense<0.000000e+00> : vector<20xf32>
    %reduce_sum3A_1453 = vector.multi_reduction <add>, %mul3A_1451, %reduce_sum3A_1452 [1] : vector<20x85xf32> to vector<20xf32>
    %broadcast_in_dim3A_1454 = vector.shape_cast %reduce_sum3A_1453 : vector<20xf32> to vector<20x1xf32>
    %mul3A_1455 = vector.broadcast %convert_element_type3A_1418 : vector<1x85xf32> to vector<20x85xf32>
    %mul3A_1456 = arith.mulf %select_n3A_1321, %mul3A_1455 : vector<20x85xf32>
    %reduce_sum3A_1457 = arith.constant dense<0.000000e+00> : vector<20xf32>
    %reduce_sum3A_1458 = vector.multi_reduction <add>, %mul3A_1456, %reduce_sum3A_1457 [1] : vector<20x85xf32> to vector<20xf32>
    %broadcast_in_dim3A_1459 = vector.shape_cast %reduce_sum3A_1458 : vector<20xf32> to vector<20x1xf32>
    %eq3A_1460 = arith.constant 0 : i32
    %eq3A_1461 = vector.broadcast %eq3A_1460 : i32 to vector<1x85xi32>
    %eq3A_1462 = arith.cmpi eq, %iota3A_1298, %eq3A_1461 : vector<1x85xi32>
    %convert_element_type3A_1463 = arith.extui %eq3A_1462 : vector<1x85xi1> to vector<1x85xi32>
    %convert_element_type3A_1464 = arith.sitofp %convert_element_type3A_1463 : vector<1x85xi32> to vector<1x85xf32>
    %mul3A_1465 = vector.broadcast %convert_element_type3A_1464 : vector<1x85xf32> to vector<20x85xf32>
    %mul3A_1466 = arith.mulf %mul3A_1373, %mul3A_1465 : vector<20x85xf32>
    %reduce_sum3A_1467 = arith.constant dense<0.000000e+00> : vector<20xf32>
    %reduce_sum3A_1468 = vector.multi_reduction <add>, %mul3A_1466, %reduce_sum3A_1467 [1] : vector<20x85xf32> to vector<20xf32>
    %broadcast_in_dim3A_1469 = vector.shape_cast %reduce_sum3A_1468 : vector<20xf32> to vector<20x1xf32>
    %eq3A_1470 = arith.constant 1 : i32
    %eq3A_1471 = vector.broadcast %eq3A_1470 : i32 to vector<1x85xi32>
    %eq3A_1472 = arith.cmpi eq, %iota3A_1298, %eq3A_1471 : vector<1x85xi32>
    %convert_element_type3A_1473 = arith.extui %eq3A_1472 : vector<1x85xi1> to vector<1x85xi32>
    %convert_element_type3A_1474 = arith.sitofp %convert_element_type3A_1473 : vector<1x85xi32> to vector<1x85xf32>
    %mul3A_1475 = vector.broadcast %convert_element_type3A_1474 : vector<1x85xf32> to vector<20x85xf32>
    %mul3A_1476 = arith.mulf %mul3A_1373, %mul3A_1475 : vector<20x85xf32>
    %reduce_sum3A_1477 = arith.constant dense<0.000000e+00> : vector<20xf32>
    %reduce_sum3A_1478 = vector.multi_reduction <add>, %mul3A_1476, %reduce_sum3A_1477 [1] : vector<20x85xf32> to vector<20xf32>
    %broadcast_in_dim3A_1479 = vector.shape_cast %reduce_sum3A_1478 : vector<20xf32> to vector<20x1xf32>
    %eq3A_1480 = arith.constant 2 : i32
    %eq3A_1481 = vector.broadcast %eq3A_1480 : i32 to vector<1x85xi32>
    %eq3A_1482 = arith.cmpi eq, %iota3A_1298, %eq3A_1481 : vector<1x85xi32>
    %convert_element_type3A_1483 = arith.extui %eq3A_1482 : vector<1x85xi1> to vector<1x85xi32>
    %convert_element_type3A_1484 = arith.sitofp %convert_element_type3A_1483 : vector<1x85xi32> to vector<1x85xf32>
    %mul3A_1485 = vector.broadcast %convert_element_type3A_1484 : vector<1x85xf32> to vector<20x85xf32>
    %mul3A_1486 = arith.mulf %mul3A_1374, %mul3A_1485 : vector<20x85xf32>
    %reduce_sum3A_1487 = arith.constant dense<0.000000e+00> : vector<20xf32>
    %reduce_sum3A_1488 = vector.multi_reduction <add>, %mul3A_1486, %reduce_sum3A_1487 [1] : vector<20x85xf32> to vector<20xf32>
    %broadcast_in_dim3A_1489 = vector.shape_cast %reduce_sum3A_1488 : vector<20xf32> to vector<20x1xf32>
    %eq3A_1490 = arith.constant 3 : i32
    %eq3A_1491 = vector.broadcast %eq3A_1490 : i32 to vector<1x85xi32>
    %eq3A_1492 = arith.cmpi eq, %iota3A_1298, %eq3A_1491 : vector<1x85xi32>
    %convert_element_type3A_1493 = arith.extui %eq3A_1492 : vector<1x85xi1> to vector<1x85xi32>
    %convert_element_type3A_1494 = arith.sitofp %convert_element_type3A_1493 : vector<1x85xi32> to vector<1x85xf32>
    %mul3A_1495 = vector.broadcast %convert_element_type3A_1494 : vector<1x85xf32> to vector<20x85xf32>
    %mul3A_1496 = arith.mulf %mul3A_1374, %mul3A_1495 : vector<20x85xf32>
    %reduce_sum3A_1497 = arith.constant dense<0.000000e+00> : vector<20xf32>
    %reduce_sum3A_1498 = vector.multi_reduction <add>, %mul3A_1496, %reduce_sum3A_1497 [1] : vector<20x85xf32> to vector<20xf32>
    %broadcast_in_dim3A_1499 = vector.shape_cast %reduce_sum3A_1498 : vector<20xf32> to vector<20x1xf32>
    %get3A_1500 = arith.constant 0 : index
    %get3A_1501 = arith.constant 0 : index
    %get3A_1502 = arith.constant 0 : index
    %get3A_1503 = vector.load %arg3[%get3A_1500, %get3A_1501, %get3A_1502] : memref<1x4x20xf32, #tpu.memory_space<vmem>>, vector<1x4x20xf32>
    %get3A_1504 = vector.shape_cast %get3A_1503 : vector<1x4x20xf32> to vector<4x20xf32>
    %slice3A_1505 = vector.extract_strided_slice %get3A_1504 {offsets = [0, 0], sizes = [1, 20], strides = [1, 1]} : vector<4x20xf32> to vector<1x20xf32>
    %slice3A_1506 = vector.extract_strided_slice %get3A_1504 {offsets = [1, 0], sizes = [1, 20], strides = [1, 1]} : vector<4x20xf32> to vector<1x20xf32>
    %slice3A_1507 = vector.extract_strided_slice %get3A_1504 {offsets = [2, 0], sizes = [1, 20], strides = [1, 1]} : vector<4x20xf32> to vector<1x20xf32>
    %slice3A_1508 = vector.extract_strided_slice %get3A_1504 {offsets = [3, 0], sizes = [1, 20], strides = [1, 1]} : vector<4x20xf32> to vector<1x20xf32>
    %mul3A_1509 = arith.constant 5.000000e-01 : f32
    %mul3A_1510 = vector.broadcast %mul3A_1509 : f32 to vector<1x20xf32>
    %mul3A_1511 = arith.mulf %slice3A_1507, %mul3A_1510 : vector<1x20xf32>
    %sub3A_1512 = arith.subf %slice3A_1505, %mul3A_1511 : vector<1x20xf32>
    %mul3A_1513 = arith.constant 5.000000e-01 : f32
    %mul3A_1514 = vector.broadcast %mul3A_1513 : f32 to vector<1x20xf32>
    %mul3A_1515 = arith.mulf %slice3A_1507, %mul3A_1514 : vector<1x20xf32>
    %add3A_1516 = arith.addf %slice3A_1505, %mul3A_1515 : vector<1x20xf32>
    %mul3A_1517 = arith.constant 5.000000e-01 : f32
    %mul3A_1518 = vector.broadcast %mul3A_1517 : f32 to vector<1x20xf32>
    %mul3A_1519 = arith.mulf %slice3A_1508, %mul3A_1518 : vector<1x20xf32>
    %sub3A_1520 = arith.subf %slice3A_1506, %mul3A_1519 : vector<1x20xf32>
    %mul3A_1521 = arith.constant 5.000000e-01 : f32
    %mul3A_1522 = vector.broadcast %mul3A_1521 : f32 to vector<1x20xf32>
    %mul3A_1523 = arith.mulf %slice3A_1508, %mul3A_1522 : vector<1x20xf32>
    %add3A_1524 = arith.addf %slice3A_1506, %mul3A_1523 : vector<1x20xf32>
    %mul3A_1525 = arith.mulf %slice3A_1507, %slice3A_1508 : vector<1x20xf32>
    %mul3A_1526 = arith.constant 5.000000e-01 : f32
    %mul3A_1527 = vector.broadcast %mul3A_1526 : f32 to vector<20x1xf32>
    %mul3A_1528 = arith.mulf %broadcast_in_dim3A_1489, %mul3A_1527 : vector<20x1xf32>
    %add3A_1529 = arith.addf %broadcast_in_dim3A_1469, %mul3A_1528 : vector<20x1xf32>
    %min3A_1530 = vector.broadcast %add3A_1529 : vector<20x1xf32> to vector<20x20xf32>
    %min3A_1531 = vector.broadcast %add3A_1516 : vector<1x20xf32> to vector<20x20xf32>
    %min3A_1532 = arith.minimumf %min3A_1530, %min3A_1531 : vector<20x20xf32>
    %mul3A_1533 = arith.constant 5.000000e-01 : f32
    %mul3A_1534 = vector.broadcast %mul3A_1533 : f32 to vector<20x1xf32>
    %mul3A_1535 = arith.mulf %broadcast_in_dim3A_1489, %mul3A_1534 : vector<20x1xf32>
    %sub3A_1536 = arith.subf %broadcast_in_dim3A_1469, %mul3A_1535 : vector<20x1xf32>
    %max3A_1537 = vector.broadcast %sub3A_1536 : vector<20x1xf32> to vector<20x20xf32>
    %max3A_1538 = vector.broadcast %sub3A_1512 : vector<1x20xf32> to vector<20x20xf32>
    %max3A_1539 = arith.maximumf %max3A_1537, %max3A_1538 : vector<20x20xf32>
    %sub3A_1540 = arith.subf %min3A_1532, %max3A_1539 : vector<20x20xf32>
    %max3A_1541 = arith.constant 0.000000e+00 : f32
    %max3A_1542 = vector.broadcast %max3A_1541 : f32 to vector<20x20xf32>
    %max3A_1543 = arith.maximumf %sub3A_1540, %max3A_1542 : vector<20x20xf32>
    %mul3A_1544 = arith.constant 5.000000e-01 : f32
    %mul3A_1545 = vector.broadcast %mul3A_1544 : f32 to vector<20x1xf32>
    %mul3A_1546 = arith.mulf %broadcast_in_dim3A_1499, %mul3A_1545 : vector<20x1xf32>
    %add3A_1547 = arith.addf %broadcast_in_dim3A_1479, %mul3A_1546 : vector<20x1xf32>
    %min3A_1548 = vector.broadcast %add3A_1547 : vector<20x1xf32> to vector<20x20xf32>
    %min3A_1549 = vector.broadcast %add3A_1524 : vector<1x20xf32> to vector<20x20xf32>
    %min3A_1550 = arith.minimumf %min3A_1548, %min3A_1549 : vector<20x20xf32>
    %mul3A_1551 = arith.constant 5.000000e-01 : f32
    %mul3A_1552 = vector.broadcast %mul3A_1551 : f32 to vector<20x1xf32>
    %mul3A_1553 = arith.mulf %broadcast_in_dim3A_1499, %mul3A_1552 : vector<20x1xf32>
    %sub3A_1554 = arith.subf %broadcast_in_dim3A_1479, %mul3A_1553 : vector<20x1xf32>
    %max3A_1555 = vector.broadcast %sub3A_1554 : vector<20x1xf32> to vector<20x20xf32>
    %max3A_1556 = vector.broadcast %sub3A_1520 : vector<1x20xf32> to vector<20x20xf32>
    %max3A_1557 = arith.maximumf %max3A_1555, %max3A_1556 : vector<20x20xf32>
    %sub3A_1558 = arith.subf %min3A_1550, %max3A_1557 : vector<20x20xf32>
    %max3A_1559 = arith.constant 0.000000e+00 : f32
    %max3A_1560 = vector.broadcast %max3A_1559 : f32 to vector<20x20xf32>
    %max3A_1561 = arith.maximumf %sub3A_1558, %max3A_1560 : vector<20x20xf32>
    %mul3A_1562 = arith.mulf %max3A_1543, %max3A_1561 : vector<20x20xf32>
    %mul3A_1563 = arith.mulf %broadcast_in_dim3A_1489, %broadcast_in_dim3A_1499 : vector<20x1xf32>
    %add3A_1564 = vector.broadcast %mul3A_1563 : vector<20x1xf32> to vector<20x20xf32>
    %add3A_1565 = vector.broadcast %mul3A_1525 : vector<1x20xf32> to vector<20x20xf32>
    %add3A_1566 = arith.addf %add3A_1564, %add3A_1565 : vector<20x20xf32>
    %sub3A_1567 = arith.subf %add3A_1566, %mul3A_1562 : vector<20x20xf32>
    %add3A_1568 = arith.constant 9.99999971E-10 : f32
    %add3A_1569 = vector.broadcast %add3A_1568 : f32 to vector<20x20xf32>
    %add3A_1570 = arith.addf %sub3A_1567, %add3A_1569 : vector<20x20xf32>
    %div3A_1571 = arith.divf %mul3A_1562, %add3A_1570 : vector<20x20xf32>
    %reduce_max3A = arith.constant dense<0xFF800000> : vector<20xf32>
    %reduce_max3A_1572 = vector.multi_reduction <maximumf>, %div3A_1571, %reduce_max3A [1] : vector<20x20xf32> to vector<20xf32>
    %broadcast_in_dim3A_1573 = vector.shape_cast %reduce_max3A_1572 : vector<20xf32> to vector<20x1xf32>
    %gt3A_1574 = arith.constant 5.000000e-01 : f32
    %gt3A_1575 = vector.broadcast %gt3A_1574 : f32 to vector<20x1xf32>
    %gt3A_1576 = arith.cmpf ogt, %broadcast_in_dim3A_1573, %gt3A_1575 : vector<20x1xf32>
    %sub3A_1577 = arith.subf %broadcast_in_dim3A_1459, %broadcast_in_dim3A_1454 : vector<20x1xf32>
    %mul3A_1578 = arith.constant 5.000000e-01 : f32
    %mul3A_1579 = vector.broadcast %mul3A_1578 : f32 to vector<20x1xf32>
    %mul3A_1580 = arith.mulf %mul3A_1579, %broadcast_in_dim3A_1459 : vector<20x1xf32>
    %jit3A_1581 = arith.constant 0.000000e+00 : f32
    %broadcast_in_dim3A_1582 = vector.broadcast %jit3A_1581 : f32 to vector<20x1xf32>
    %select_n3A_1583 = arith.select %gt3A_1576, %broadcast_in_dim3A_1582, %mul3A_1580 : vector<20x1xi1>, vector<20x1xf32>
    %sub3A_1584 = arith.subf %sub3A_1577, %select_n3A_1583 : vector<20x1xf32>
    %mul3A_1585 = arith.mulf %slice3A, %sub3A_1584 : vector<20x1xf32>
    %reduce_sum3A_1586 = vector.shape_cast %mul3A_1585 : vector<20x1xf32> to vector<1x20x1xf32>
    %reduce_sum3A_1587 = arith.constant dense<0.000000e+00> : vector<1xf32>
    %reduce_sum3A_1588 = vector.multi_reduction <add>, %reduce_sum3A_1586, %reduce_sum3A_1587 [1, 2] : vector<1x20x1xf32> to vector<1xf32>
    %reduce_sum3A_1589 = vector.shape_cast %reduce_sum3A_1588 : vector<1xf32> to vector<1x1x1xf32>
    %reduce_sum3A_1590 = vector.extract %reduce_sum3A_1589[0, 0, 0] : f32 from vector<1x1x1xf32>
    %reduce_sum3A_1591 = vector.shape_cast %slice3A : vector<20x1xf32> to vector<1x20x1xf32>
    %reduce_sum3A_1592 = arith.constant dense<0.000000e+00> : vector<1xf32>
    %reduce_sum3A_1593 = vector.multi_reduction <add>, %reduce_sum3A_1591, %reduce_sum3A_1592 [1, 2] : vector<1x20x1xf32> to vector<1xf32>
    %reduce_sum3A_1594 = vector.shape_cast %reduce_sum3A_1593 : vector<1xf32> to vector<1x1x1xf32>
    %reduce_sum3A_1595 = vector.extract %reduce_sum3A_1594[0, 0, 0] : f32 from vector<1x1x1xf32>
    %get3A_1596 = arith.constant 0 : index
    %get3A_1597 = memref.load %arg7[%get3A_1596] : memref<1xf32, #tpu.memory_space<smem>>
    %add3A_1598 = arith.addf %get3A_1597, %reduce_sum3A_1438 : f32
    %swap3A = arith.constant 0 : index
    %swap3A_1599 = memref.load %arg7[%swap3A] : memref<1xf32, #tpu.memory_space<smem>>
    memref.store %add3A_1598, %arg7[%swap3A] : memref<1xf32, #tpu.memory_space<smem>>
    %get3A_1600 = arith.constant 0 : index
    %get3A_1601 = memref.load %arg8[%get3A_1600] : memref<1xf32, #tpu.memory_space<smem>>
    %add3A_1602 = arith.addf %get3A_1601, %reduce_sum3A_1449 : f32
    %swap3A_1603 = arith.constant 0 : index
    %swap3A_1604 = memref.load %arg8[%swap3A_1603] : memref<1xf32, #tpu.memory_space<smem>>
    memref.store %add3A_1602, %arg8[%swap3A_1603] : memref<1xf32, #tpu.memory_space<smem>>
    %get3A_1605 = arith.constant 0 : index
    %get3A_1606 = memref.load %arg9[%get3A_1605] : memref<1xf32, #tpu.memory_space<smem>>
    %add3A_1607 = arith.addf %get3A_1606, %reduce_sum3A_1590 : f32
    %swap3A_1608 = arith.constant 0 : index
    %swap3A_1609 = memref.load %arg9[%swap3A_1608] : memref<1xf32, #tpu.memory_space<smem>>
    memref.store %add3A_1607, %arg9[%swap3A_1608] : memref<1xf32, #tpu.memory_space<smem>>
    %get3A_1610 = arith.constant 0 : index
    %get3A_1611 = memref.load %arg10[%get3A_1610] : memref<1xf32, #tpu.memory_space<smem>>
    %add3A_1612 = arith.addf %get3A_1611, %reduce_sum3A_1275 : f32
    %swap3A_1613 = arith.constant 0 : index
    %swap3A_1614 = memref.load %arg10[%swap3A_1613] : memref<1xf32, #tpu.memory_space<smem>>
    memref.store %add3A_1612, %arg10[%swap3A_1613] : memref<1xf32, #tpu.memory_space<smem>>
    %get3A_1615 = arith.constant 0 : index
    %get3A_1616 = memref.load %arg11[%get3A_1615] : memref<1xf32, #tpu.memory_space<smem>>
    %add3A_1617 = arith.addf %get3A_1616, %reduce_sum3A_1595 : f32
    %swap3A_1618 = arith.constant 0 : index
    %swap3A_1619 = memref.load %arg11[%swap3A_1618] : memref<1xf32, #tpu.memory_space<smem>>
    memref.store %add3A_1617, %arg11[%swap3A_1618] : memref<1xf32, #tpu.memory_space<smem>>
    return
  }
  func.func @transform_0(%arg0: i32) -> (i32, i32, i32, i32) {
    %c0_i32 = arith.constant 0 : i32
    %c0_i32_0 = arith.constant 0 : i32
    %c0_i32_1 = arith.constant 0 : i32
    %c0_i32_2 = arith.constant 0 : i32
    return %arg0, %c0_i32, %c0_i32_0, %c0_i32_1 : i32, i32, i32, i32
  }
  func.func @transform_1(%arg0: i32) -> (i32, i32, i32) {
    %c0_i32 = arith.constant 0 : i32
    %c0_i32_0 = arith.constant 0 : i32
    %c0_i32_1 = arith.constant 0 : i32
    return %arg0, %c0_i32, %c0_i32_0 : i32, i32, i32
  }
  func.func @transform_2(%arg0: i32) -> (i32, i32, i32) {
    %c0_i32 = arith.constant 0 : i32
    %c0_i32_0 = arith.constant 0 : i32
    %c0_i32_1 = arith.constant 0 : i32
    return %arg0, %c0_i32, %c0_i32_0 : i32, i32, i32
  }
  func.func @transform_3(%arg0: i32) -> (i32, i32, i32) {
    %c0_i32 = arith.constant 0 : i32
    %c0_i32_0 = arith.constant 0 : i32
    %c0_i32_1 = arith.constant 0 : i32
    return %arg0, %c0_i32, %c0_i32_0 : i32, i32, i32
  }
  func.func @transform_4(%arg0: i32) -> (i32, i32, i32) {
    %c0_i32 = arith.constant 0 : i32
    %c0_i32_0 = arith.constant 0 : i32
    %c0_i32_1 = arith.constant 0 : i32
    return %arg0, %c0_i32, %c0_i32_0 : i32, i32, i32
  }
  func.func @transform_5(%arg0: i32) -> (i32, i32, i32) {
    %c0_i32 = arith.constant 0 : i32
    %c0_i32_0 = arith.constant 0 : i32
    %c0_i32_1 = arith.constant 0 : i32
    return %arg0, %c0_i32, %c0_i32_0 : i32, i32, i32
  }
  func.func @transform_6(%arg0: i32) -> i32 {
    %c0_i32 = arith.constant 0 : i32
    %c0_i32_0 = arith.constant 0 : i32
    return %c0_i32 : i32
  }
  func.func @transform_7(%arg0: i32) -> i32 {
    %c0_i32 = arith.constant 0 : i32
    %c0_i32_0 = arith.constant 0 : i32
    return %c0_i32 : i32
  }
  func.func @transform_8(%arg0: i32) -> i32 {
    %c0_i32 = arith.constant 0 : i32
    %c0_i32_0 = arith.constant 0 : i32
    return %c0_i32 : i32
  }
  func.func @transform_9(%arg0: i32) -> i32 {
    %c0_i32 = arith.constant 0 : i32
    %c0_i32_0 = arith.constant 0 : i32
    return %c0_i32 : i32
  }
  func.func @transform_10(%arg0: i32) -> i32 {
    %c0_i32 = arith.constant 0 : i32
    %c0_i32_0 = arith.constant 0 : i32
    return %c0_i32 : i32
  }
}

module attributes {stable_mosaic.version = 14 : i64} {
  func.func @_scale_kernel(%arg0: i32, %arg1: memref<1x5x136x128xf32, #tpu.memory_space<vmem>>, %arg2: memref<1x1x80xf32, #tpu.memory_space<smem>>, %arg3: memref<1x4x20xf32, #tpu.memory_space<vmem>>, %arg4: memref<1x20x16xf32, #tpu.memory_space<vmem>>, %arg5: memref<1x20x85xf32, #tpu.memory_space<vmem>>, %arg6: memref<1x32x85xf32, #tpu.memory_space<vmem>>, %arg7: memref<1xf32, #tpu.memory_space<smem>>, %arg8: memref<1xf32, #tpu.memory_space<smem>>, %arg9: memref<1xf32, #tpu.memory_space<smem>>, %arg10: memref<1xf32, #tpu.memory_space<smem>>, %arg11: memref<1xf32, #tpu.memory_space<smem>>) attributes {dimension_semantics = [#tpu.dimension_semantics<arbitrary>], iteration_bounds = array<i64: 16>, scalar_prefetch = 0 : i64, scratch_operands = 0 : i64, tpu.core_type = #tpu.core_type<tc>, window_params = [{transform_indices = @transform_0, window_bounds = array<i64: 1, 5, 136, 128>}, {transform_indices = @transform_1, window_bounds = array<i64: 1, 1, 80>}, {transform_indices = @transform_2, window_bounds = array<i64: 1, 4, 20>}, {transform_indices = @transform_3, window_bounds = array<i64: 1, 20, 16>}, {transform_indices = @transform_4, window_bounds = array<i64: 1, 20, 85>}, {transform_indices = @transform_5, window_bounds = array<i64: 1, 32, 85>}, {transform_indices = @transform_6, window_bounds = array<i64: 1>}, {transform_indices = @transform_7, window_bounds = array<i64: 1>}, {transform_indices = @transform_8, window_bounds = array<i64: 1>}, {transform_indices = @transform_9, window_bounds = array<i64: 1>}, {transform_indices = @transform_10, window_bounds = array<i64: 1>}]} {
    %eq3A = arith.constant 0 : i32
    %eq3A_0 = arith.cmpi eq, %arg0, %eq3A : i32
    %convert_element_type3A = arith.extui %eq3A_0 : i1 to i32
    %cond3A = arith.constant 0 : i32
    %cond3A_1 = arith.cmpi ne, %convert_element_type3A, %cond3A : i32
    scf.if %cond3A_1 {
      %swap3A_1620 = arith.constant 0.000000e+00 : f32
      %swap3A_1621 = arith.constant 0 : index
      %swap3A_1622 = memref.load %arg7[%swap3A_1621] : memref<1xf32, #tpu.memory_space<smem>>
      memref.store %swap3A_1620, %arg7[%swap3A_1621] : memref<1xf32, #tpu.memory_space<smem>>
      %swap3A_1623 = arith.constant 0.000000e+00 : f32
      %swap3A_1624 = arith.constant 0 : index
      %swap3A_1625 = memref.load %arg8[%swap3A_1624] : memref<1xf32, #tpu.memory_space<smem>>
      memref.store %swap3A_1623, %arg8[%swap3A_1624] : memref<1xf32, #tpu.memory_space<smem>>
      %swap3A_1626 = arith.constant 0.000000e+00 : f32
      %swap3A_1627 = arith.constant 0 : index
      %swap3A_1628 = memref.load %arg9[%swap3A_1627] : memref<1xf32, #tpu.memory_space<smem>>
      memref.store %swap3A_1626, %arg9[%swap3A_1627] : memref<1xf32, #tpu.memory_space<smem>>
      %swap3A_1629 = arith.constant 0.000000e+00 : f32
      %swap3A_1630 = arith.constant 0 : index
      %swap3A_1631 = memref.load %arg10[%swap3A_1630] : memref<1xf32, #tpu.memory_space<smem>>
      memref.store %swap3A_1629, %arg10[%swap3A_1630] : memref<1xf32, #tpu.memory_space<smem>>
      %swap3A_1632 = arith.constant 0.000000e+00 : f32
      %swap3A_1633 = arith.constant 0 : index
      %swap3A_1634 = memref.load %arg11[%swap3A_1633] : memref<1xf32, #tpu.memory_space<smem>>
      memref.store %swap3A_1632, %arg11[%swap3A_1633] : memref<1xf32, #tpu.memory_space<smem>>
    } else {
    }
    %iota3A = tpu.iota {dimensions = array<i32: 0>} : vector<136x128xi32>
    %mul3A = arith.constant 128 : i32
    %mul3A_2 = vector.broadcast %mul3A : i32 to vector<136x128xi32>
    %mul3A_3 = arith.muli %iota3A, %mul3A_2 : vector<136x128xi32>
    %iota3A_4 = tpu.iota {dimensions = array<i32: 1>} : vector<136x128xi32>
    %add3A = arith.addi %mul3A_3, %iota3A_4 : vector<136x128xi32>
    %jit3A = arith.constant 5776 : i32
    %div3A = vector.broadcast %jit3A : i32 to vector<136x128xi32>
    %div3A_5 = arith.divsi %add3A, %div3A : vector<136x128xi32>
    %sign3A = arith.constant 0 : i32
    %sign3A_6 = vector.broadcast %sign3A : i32 to vector<136x128xi32>
    %sign3A_7 = arith.cmpi sgt, %add3A, %sign3A_6 : vector<136x128xi32>
    %sign3A_8 = arith.extui %sign3A_7 : vector<136x128xi1> to vector<136x128xi32>
    %sign3A_9 = arith.constant 0 : i32
    %sign3A_10 = vector.broadcast %sign3A_9 : i32 to vector<136x128xi32>
    %sign3A_11 = arith.cmpi slt, %add3A, %sign3A_10 : vector<136x128xi32>
    %sign3A_12 = arith.extui %sign3A_11 : vector<136x128xi1> to vector<136x128xi32>
    %sign3A_13 = arith.subi %sign3A_8, %sign3A_12 : vector<136x128xi32>
    %sign3A_14 = arith.constant 0 : i32
    %sign3A_15 = arith.cmpi sgt, %jit3A, %sign3A_14 : i32
    %sign3A_16 = arith.extui %sign3A_15 : i1 to i32
    %sign3A_17 = arith.constant 0 : i32
    %sign3A_18 = arith.cmpi slt, %jit3A, %sign3A_17 : i32
    %sign3A_19 = arith.extui %sign3A_18 : i1 to i32
    %sign3A_20 = arith.subi %sign3A_16, %sign3A_19 : i32
    %ne3A = vector.broadcast %sign3A_20 : i32 to vector<136x128xi32>
    %ne3A_21 = arith.cmpi ne, %sign3A_13, %ne3A : vector<136x128xi32>
    %rem3A = vector.broadcast %jit3A : i32 to vector<136x128xi32>
    %rem3A_22 = arith.remsi %add3A, %rem3A : vector<136x128xi32>
    %ne3A_23 = arith.constant 0 : i32
    %ne3A_24 = vector.broadcast %ne3A_23 : i32 to vector<136x128xi32>
    %ne3A_25 = arith.cmpi ne, %rem3A_22, %ne3A_24 : vector<136x128xi32>
    %and3A = arith.andi %ne3A_21, %ne3A_25 : vector<136x128xi1>
    %sub3A = arith.constant 1 : i32
    %sub3A_26 = vector.broadcast %sub3A : i32 to vector<136x128xi32>
    %sub3A_27 = arith.subi %div3A_5, %sub3A_26 : vector<136x128xi32>
    %select_n3A = arith.select %and3A, %sub3A_27, %div3A_5 : vector<136x128xi1>, vector<136x128xi32>
    %mul3A_28 = arith.constant 5776 : i32
    %mul3A_29 = vector.broadcast %mul3A_28 : i32 to vector<136x128xi32>
    %mul3A_30 = arith.muli %select_n3A, %mul3A_29 : vector<136x128xi32>
    %sub3A_31 = arith.subi %add3A, %mul3A_30 : vector<136x128xi32>
    %jit3A_32 = arith.constant 76 : i32
    %div3A_33 = vector.broadcast %jit3A_32 : i32 to vector<136x128xi32>
    %div3A_34 = arith.divsi %sub3A_31, %div3A_33 : vector<136x128xi32>
    %sign3A_35 = arith.constant 0 : i32
    %sign3A_36 = vector.broadcast %sign3A_35 : i32 to vector<136x128xi32>
    %sign3A_37 = arith.cmpi sgt, %sub3A_31, %sign3A_36 : vector<136x128xi32>
    %sign3A_38 = arith.extui %sign3A_37 : vector<136x128xi1> to vector<136x128xi32>
    %sign3A_39 = arith.constant 0 : i32
    %sign3A_40 = vector.broadcast %sign3A_39 : i32 to vector<136x128xi32>
    %sign3A_41 = arith.cmpi slt, %sub3A_31, %sign3A_40 : vector<136x128xi32>
    %sign3A_42 = arith.extui %sign3A_41 : vector<136x128xi1> to vector<136x128xi32>
    %sign3A_43 = arith.subi %sign3A_38, %sign3A_42 : vector<136x128xi32>
    %sign3A_44 = arith.constant 0 : i32
    %sign3A_45 = arith.cmpi sgt, %jit3A_32, %sign3A_44 : i32
    %sign3A_46 = arith.extui %sign3A_45 : i1 to i32
    %sign3A_47 = arith.constant 0 : i32
    %sign3A_48 = arith.cmpi slt, %jit3A_32, %sign3A_47 : i32
    %sign3A_49 = arith.extui %sign3A_48 : i1 to i32
    %sign3A_50 = arith.subi %sign3A_46, %sign3A_49 : i32
    %ne3A_51 = vector.broadcast %sign3A_50 : i32 to vector<136x128xi32>
    %ne3A_52 = arith.cmpi ne, %sign3A_43, %ne3A_51 : vector<136x128xi32>
    %rem3A_53 = vector.broadcast %jit3A_32 : i32 to vector<136x128xi32>
    %rem3A_54 = arith.remsi %sub3A_31, %rem3A_53 : vector<136x128xi32>
    %ne3A_55 = arith.constant 0 : i32
    %ne3A_56 = vector.broadcast %ne3A_55 : i32 to vector<136x128xi32>
    %ne3A_57 = arith.cmpi ne, %rem3A_54, %ne3A_56 : vector<136x128xi32>
    %and3A_58 = arith.andi %ne3A_52, %ne3A_57 : vector<136x128xi1>
    %sub3A_59 = arith.constant 1 : i32
    %sub3A_60 = vector.broadcast %sub3A_59 : i32 to vector<136x128xi32>
    %sub3A_61 = arith.subi %div3A_34, %sub3A_60 : vector<136x128xi32>
    %select_n3A_62 = arith.select %and3A_58, %sub3A_61, %div3A_34 : vector<136x128xi1>, vector<136x128xi32>
    %convert_element_type3A_63 = arith.sitofp %select_n3A_62 : vector<136x128xi32> to vector<136x128xf32>
    %jit3A_64 = arith.constant 76 : i32
    %div3A_65 = vector.broadcast %jit3A_64 : i32 to vector<136x128xi32>
    %div3A_66 = arith.divsi %sub3A_31, %div3A_65 : vector<136x128xi32>
    %sign3A_67 = arith.constant 0 : i32
    %sign3A_68 = vector.broadcast %sign3A_67 : i32 to vector<136x128xi32>
    %sign3A_69 = arith.cmpi sgt, %sub3A_31, %sign3A_68 : vector<136x128xi32>
    %sign3A_70 = arith.extui %sign3A_69 : vector<136x128xi1> to vector<136x128xi32>
    %sign3A_71 = arith.constant 0 : i32
    %sign3A_72 = vector.broadcast %sign3A_71 : i32 to vector<136x128xi32>
    %sign3A_73 = arith.cmpi slt, %sub3A_31, %sign3A_72 : vector<136x128xi32>
    %sign3A_74 = arith.extui %sign3A_73 : vector<136x128xi1> to vector<136x128xi32>
    %sign3A_75 = arith.subi %sign3A_70, %sign3A_74 : vector<136x128xi32>
    %sign3A_76 = arith.constant 0 : i32
    %sign3A_77 = arith.cmpi sgt, %jit3A_64, %sign3A_76 : i32
    %sign3A_78 = arith.extui %sign3A_77 : i1 to i32
    %sign3A_79 = arith.constant 0 : i32
    %sign3A_80 = arith.cmpi slt, %jit3A_64, %sign3A_79 : i32
    %sign3A_81 = arith.extui %sign3A_80 : i1 to i32
    %sign3A_82 = arith.subi %sign3A_78, %sign3A_81 : i32
    %ne3A_83 = vector.broadcast %sign3A_82 : i32 to vector<136x128xi32>
    %ne3A_84 = arith.cmpi ne, %sign3A_75, %ne3A_83 : vector<136x128xi32>
    %rem3A_85 = vector.broadcast %jit3A_64 : i32 to vector<136x128xi32>
    %rem3A_86 = arith.remsi %sub3A_31, %rem3A_85 : vector<136x128xi32>
    %ne3A_87 = arith.constant 0 : i32
    %ne3A_88 = vector.broadcast %ne3A_87 : i32 to vector<136x128xi32>
    %ne3A_89 = arith.cmpi ne, %rem3A_86, %ne3A_88 : vector<136x128xi32>
    %and3A_90 = arith.andi %ne3A_84, %ne3A_89 : vector<136x128xi1>
    %sub3A_91 = arith.constant 1 : i32
    %sub3A_92 = vector.broadcast %sub3A_91 : i32 to vector<136x128xi32>
    %sub3A_93 = arith.subi %div3A_66, %sub3A_92 : vector<136x128xi32>
    %select_n3A_94 = arith.select %and3A_90, %sub3A_93, %div3A_66 : vector<136x128xi1>, vector<136x128xi32>
    %mul3A_95 = arith.constant 76 : i32
    %mul3A_96 = vector.broadcast %mul3A_95 : i32 to vector<136x128xi32>
    %mul3A_97 = arith.muli %select_n3A_94, %mul3A_96 : vector<136x128xi32>
    %sub3A_98 = arith.subi %sub3A_31, %mul3A_97 : vector<136x128xi32>
    %convert_element_type3A_99 = arith.sitofp %sub3A_98 : vector<136x128xi32> to vector<136x128xf32>
    %lt3A = arith.constant 17328 : i32
    %lt3A_100 = vector.broadcast %lt3A : i32 to vector<136x128xi32>
    %lt3A_101 = arith.cmpi slt, %add3A, %lt3A_100 : vector<136x128xi32>
    %eq3A_102 = arith.constant 0 : i32
    %eq3A_103 = vector.broadcast %eq3A_102 : i32 to vector<136x128xi32>
    %eq3A_104 = arith.cmpi eq, %select_n3A, %eq3A_103 : vector<136x128xi32>
    %eq3A_105 = arith.constant 1 : i32
    %eq3A_106 = vector.broadcast %eq3A_105 : i32 to vector<136x128xi32>
    %eq3A_107 = arith.cmpi eq, %select_n3A, %eq3A_106 : vector<136x128xi32>
    %jit3A_108 = arith.constant 0.256578952 : f32
    %jit3A_109 = arith.constant 0.613486826 : f32
    %broadcast_in_dim3A = vector.broadcast %jit3A_108 : f32 to vector<136x128xf32>
    %broadcast_in_dim3A_110 = vector.broadcast %jit3A_109 : f32 to vector<136x128xf32>
    %select_n3A_111 = arith.select %eq3A_107, %broadcast_in_dim3A, %broadcast_in_dim3A_110 : vector<136x128xi1>, vector<136x128xf32>
    %jit3A_112 = arith.constant 0.190789476 : f32
    %broadcast_in_dim3A_113 = vector.broadcast %jit3A_112 : f32 to vector<136x128xf32>
    %select_n3A_114 = arith.select %eq3A_104, %broadcast_in_dim3A_113, %select_n3A_111 : vector<136x128xi1>, vector<136x128xf32>
    %eq3A_115 = arith.constant 0 : i32
    %eq3A_116 = vector.broadcast %eq3A_115 : i32 to vector<136x128xi32>
    %eq3A_117 = arith.cmpi eq, %select_n3A, %eq3A_116 : vector<136x128xi32>
    %eq3A_118 = arith.constant 1 : i32
    %eq3A_119 = vector.broadcast %eq3A_118 : i32 to vector<136x128xi32>
    %eq3A_120 = arith.cmpi eq, %select_n3A, %eq3A_119 : vector<136x128xi32>
    %jit3A_121 = arith.constant 0.325657904 : f32
    %jit3A_122 = arith.constant 0.536184192 : f32
    %broadcast_in_dim3A_123 = vector.broadcast %jit3A_121 : f32 to vector<136x128xf32>
    %broadcast_in_dim3A_124 = vector.broadcast %jit3A_122 : f32 to vector<136x128xf32>
    %select_n3A_125 = arith.select %eq3A_120, %broadcast_in_dim3A_123, %broadcast_in_dim3A_124 : vector<136x128xi1>, vector<136x128xf32>
    %jit3A_126 = arith.constant 0.148026317 : f32
    %broadcast_in_dim3A_127 = vector.broadcast %jit3A_126 : f32 to vector<136x128xf32>
    %select_n3A_128 = arith.select %eq3A_117, %broadcast_in_dim3A_127, %select_n3A_125 : vector<136x128xi1>, vector<136x128xf32>
    %get3A = arith.constant 0 : index
    %get3A_129 = arith.constant 0 : index
    %get3A_130 = arith.constant 0 : index
    %get3A_131 = arith.constant 0 : index
    %get3A_132 = vector.load %arg1[%get3A, %get3A_129, %get3A_130, %get3A_131] : memref<1x5x136x128xf32, #tpu.memory_space<vmem>>, vector<1x1x136x128xf32>
    %get3A_133 = vector.shape_cast %get3A_132 : vector<1x1x136x128xf32> to vector<136x128xf32>
    %get3A_134 = arith.constant 0 : index
    %get3A_135 = arith.constant 1 : index
    %get3A_136 = arith.constant 0 : index
    %get3A_137 = arith.constant 0 : index
    %get3A_138 = vector.load %arg1[%get3A_134, %get3A_135, %get3A_136, %get3A_137] : memref<1x5x136x128xf32, #tpu.memory_space<vmem>>, vector<1x1x136x128xf32>
    %get3A_139 = vector.shape_cast %get3A_138 : vector<1x1x136x128xf32> to vector<136x128xf32>
    %get3A_140 = arith.constant 0 : index
    %get3A_141 = arith.constant 2 : index
    %get3A_142 = arith.constant 0 : index
    %get3A_143 = arith.constant 0 : index
    %get3A_144 = vector.load %arg1[%get3A_140, %get3A_141, %get3A_142, %get3A_143] : memref<1x5x136x128xf32, #tpu.memory_space<vmem>>, vector<1x1x136x128xf32>
    %get3A_145 = vector.shape_cast %get3A_144 : vector<1x1x136x128xf32> to vector<136x128xf32>
    %get3A_146 = arith.constant 0 : index
    %get3A_147 = arith.constant 3 : index
    %get3A_148 = arith.constant 0 : index
    %get3A_149 = arith.constant 0 : index
    %get3A_150 = vector.load %arg1[%get3A_146, %get3A_147, %get3A_148, %get3A_149] : memref<1x5x136x128xf32, #tpu.memory_space<vmem>>, vector<1x1x136x128xf32>
    %get3A_151 = vector.shape_cast %get3A_150 : vector<1x1x136x128xf32> to vector<136x128xf32>
    %get3A_152 = arith.constant 0 : index
    %get3A_153 = arith.constant 4 : index
    %get3A_154 = arith.constant 0 : index
    %get3A_155 = arith.constant 0 : index
    %get3A_156 = vector.load %arg1[%get3A_152, %get3A_153, %get3A_154, %get3A_155] : memref<1x5x136x128xf32, #tpu.memory_space<vmem>>, vector<1x1x136x128xf32>
    %get3A_157 = vector.shape_cast %get3A_156 : vector<1x1x136x128xf32> to vector<136x128xf32>
    %logistic3A = arith.negf %get3A_133 : vector<136x128xf32>
    %logistic3A_158 = math.exp %logistic3A : vector<136x128xf32>
    %logistic3A_159 = arith.constant 1.000000e+00 : f32
    %logistic3A_160 = vector.broadcast %logistic3A_159 : f32 to vector<136x128xf32>
    %logistic3A_161 = arith.addf %logistic3A_160, %logistic3A_158 : vector<136x128xf32>
    %logistic3A_162 = arith.divf %logistic3A_160, %logistic3A_161 : vector<136x128xf32>
    %add3A_163 = arith.addf %logistic3A_162, %convert_element_type3A_63 : vector<136x128xf32>
    %mul3A_164 = arith.constant 0.0131578948 : f32
    %mul3A_165 = vector.broadcast %mul3A_164 : f32 to vector<136x128xf32>
    %mul3A_166 = arith.mulf %add3A_163, %mul3A_165 : vector<136x128xf32>
    %logistic3A_167 = arith.negf %get3A_139 : vector<136x128xf32>
    %logistic3A_168 = math.exp %logistic3A_167 : vector<136x128xf32>
    %logistic3A_169 = arith.constant 1.000000e+00 : f32
    %logistic3A_170 = vector.broadcast %logistic3A_169 : f32 to vector<136x128xf32>
    %logistic3A_171 = arith.addf %logistic3A_170, %logistic3A_168 : vector<136x128xf32>
    %logistic3A_172 = arith.divf %logistic3A_170, %logistic3A_171 : vector<136x128xf32>
    %add3A_173 = arith.addf %logistic3A_172, %convert_element_type3A_99 : vector<136x128xf32>
    %mul3A_174 = arith.constant 0.0131578948 : f32
    %mul3A_175 = vector.broadcast %mul3A_174 : f32 to vector<136x128xf32>
    %mul3A_176 = arith.mulf %add3A_173, %mul3A_175 : vector<136x128xf32>
    %exp3A = math.exp %get3A_145 : vector<136x128xf32>
    %mul3A_177 = arith.mulf %exp3A, %select_n3A_114 : vector<136x128xf32>
    %exp3A_178 = math.exp %get3A_151 : vector<136x128xf32>
    %mul3A_179 = arith.mulf %exp3A_178, %select_n3A_128 : vector<136x128xf32>
    %mul3A_180 = arith.constant 5.000000e-01 : f32
    %mul3A_181 = vector.broadcast %mul3A_180 : f32 to vector<136x128xf32>
    %mul3A_182 = arith.mulf %mul3A_177, %mul3A_181 : vector<136x128xf32>
    %sub3A_183 = arith.subf %mul3A_166, %mul3A_182 : vector<136x128xf32>
    %mul3A_184 = arith.constant 5.000000e-01 : f32
    %mul3A_185 = vector.broadcast %mul3A_184 : f32 to vector<136x128xf32>
    %mul3A_186 = arith.mulf %mul3A_177, %mul3A_185 : vector<136x128xf32>
    %add3A_187 = arith.addf %mul3A_166, %mul3A_186 : vector<136x128xf32>
    %mul3A_188 = arith.constant 5.000000e-01 : f32
    %mul3A_189 = vector.broadcast %mul3A_188 : f32 to vector<136x128xf32>
    %mul3A_190 = arith.mulf %mul3A_179, %mul3A_189 : vector<136x128xf32>
    %sub3A_191 = arith.subf %mul3A_176, %mul3A_190 : vector<136x128xf32>
    %mul3A_192 = arith.constant 5.000000e-01 : f32
    %mul3A_193 = vector.broadcast %mul3A_192 : f32 to vector<136x128xf32>
    %mul3A_194 = arith.mulf %mul3A_179, %mul3A_193 : vector<136x128xf32>
    %add3A_195 = arith.addf %mul3A_176, %mul3A_194 : vector<136x128xf32>
    %mul3A_196 = arith.mulf %mul3A_177, %mul3A_179 : vector<136x128xf32>
    %broadcast_in_dim3A_197 = arith.constant false
    %broadcast_in_dim3A_198 = vector.broadcast %broadcast_in_dim3A_197 : i1 to vector<136x128xi1>
    %get3A_199 = arith.constant 0 : index
    %get3A_200 = arith.constant 0 : index
    %get3A_201 = arith.constant 0 : index
    %get3A_202 = memref.load %arg2[%get3A_199, %get3A_200, %get3A_201] : memref<1x1x80xf32, #tpu.memory_space<smem>>
    %get3A_203 = arith.constant 0 : index
    %get3A_204 = arith.constant 0 : index
    %get3A_205 = arith.constant 1 : index
    %get3A_206 = memref.load %arg2[%get3A_203, %get3A_204, %get3A_205] : memref<1x1x80xf32, #tpu.memory_space<smem>>
    %get3A_207 = arith.constant 0 : index
    %get3A_208 = arith.constant 0 : index
    %get3A_209 = arith.constant 2 : index
    %get3A_210 = memref.load %arg2[%get3A_207, %get3A_208, %get3A_209] : memref<1x1x80xf32, #tpu.memory_space<smem>>
    %get3A_211 = arith.constant 0 : index
    %get3A_212 = arith.constant 0 : index
    %get3A_213 = arith.constant 3 : index
    %get3A_214 = memref.load %arg2[%get3A_211, %get3A_212, %get3A_213] : memref<1x1x80xf32, #tpu.memory_space<smem>>
    %mul3A_215 = arith.constant 5.000000e-01 : f32
    %mul3A_216 = arith.mulf %get3A_210, %mul3A_215 : f32
    %add3A_217 = arith.addf %get3A_202, %mul3A_216 : f32
    %min3A = vector.broadcast %add3A_217 : f32 to vector<136x128xf32>
    %min3A_218 = arith.minimumf %add3A_187, %min3A : vector<136x128xf32>
    %mul3A_219 = arith.constant 5.000000e-01 : f32
    %mul3A_220 = arith.mulf %get3A_210, %mul3A_219 : f32
    %sub3A_221 = arith.subf %get3A_202, %mul3A_220 : f32
    %max3A = vector.broadcast %sub3A_221 : f32 to vector<136x128xf32>
    %max3A_222 = arith.maximumf %sub3A_183, %max3A : vector<136x128xf32>
    %sub3A_223 = arith.subf %min3A_218, %max3A_222 : vector<136x128xf32>
    %max3A_224 = arith.constant 0.000000e+00 : f32
    %max3A_225 = vector.broadcast %max3A_224 : f32 to vector<136x128xf32>
    %max3A_226 = arith.maximumf %sub3A_223, %max3A_225 : vector<136x128xf32>
    %mul3A_227 = arith.constant 5.000000e-01 : f32
    %mul3A_228 = arith.mulf %get3A_214, %mul3A_227 : f32
    %add3A_229 = arith.addf %get3A_206, %mul3A_228 : f32
    %min3A_230 = vector.broadcast %add3A_229 : f32 to vector<136x128xf32>
    %min3A_231 = arith.minimumf %add3A_195, %min3A_230 : vector<136x128xf32>
    %mul3A_232 = arith.constant 5.000000e-01 : f32
    %mul3A_233 = arith.mulf %get3A_214, %mul3A_232 : f32
    %sub3A_234 = arith.subf %get3A_206, %mul3A_233 : f32
    %max3A_235 = vector.broadcast %sub3A_234 : f32 to vector<136x128xf32>
    %max3A_236 = arith.maximumf %sub3A_191, %max3A_235 : vector<136x128xf32>
    %sub3A_237 = arith.subf %min3A_231, %max3A_236 : vector<136x128xf32>
    %max3A_238 = arith.constant 0.000000e+00 : f32
    %max3A_239 = vector.broadcast %max3A_238 : f32 to vector<136x128xf32>
    %max3A_240 = arith.maximumf %sub3A_237, %max3A_239 : vector<136x128xf32>
    %mul3A_241 = arith.mulf %max3A_226, %max3A_240 : vector<136x128xf32>
    %mul3A_242 = arith.constant 3.000000e+00 : f32
    %mul3A_243 = vector.broadcast %mul3A_242 : f32 to vector<136x128xf32>
    %mul3A_244 = arith.mulf %mul3A_243, %mul3A_241 : vector<136x128xf32>
    %mul3A_245 = arith.mulf %get3A_210, %get3A_214 : f32
    %add3A_246 = vector.broadcast %mul3A_245 : f32 to vector<136x128xf32>
    %add3A_247 = arith.addf %mul3A_196, %add3A_246 : vector<136x128xf32>
    %gt3A = arith.cmpf ogt, %mul3A_244, %add3A_247 : vector<136x128xf32>
    %or3A = arith.ori %broadcast_in_dim3A_198, %gt3A : vector<136x128xi1>
    %get3A_248 = arith.constant 0 : index
    %get3A_249 = arith.constant 0 : index
    %get3A_250 = arith.constant 4 : index
    %get3A_251 = memref.load %arg2[%get3A_248, %get3A_249, %get3A_250] : memref<1x1x80xf32, #tpu.memory_space<smem>>
    %get3A_252 = arith.constant 0 : index
    %get3A_253 = arith.constant 0 : index
    %get3A_254 = arith.constant 5 : index
    %get3A_255 = memref.load %arg2[%get3A_252, %get3A_253, %get3A_254] : memref<1x1x80xf32, #tpu.memory_space<smem>>
    %get3A_256 = arith.constant 0 : index
    %get3A_257 = arith.constant 0 : index
    %get3A_258 = arith.constant 6 : index
    %get3A_259 = memref.load %arg2[%get3A_256, %get3A_257, %get3A_258] : memref<1x1x80xf32, #tpu.memory_space<smem>>
    %get3A_260 = arith.constant 0 : index
    %get3A_261 = arith.constant 0 : index
    %get3A_262 = arith.constant 7 : index
    %get3A_263 = memref.load %arg2[%get3A_260, %get3A_261, %get3A_262] : memref<1x1x80xf32, #tpu.memory_space<smem>>
    %mul3A_264 = arith.constant 5.000000e-01 : f32
    %mul3A_265 = arith.mulf %get3A_259, %mul3A_264 : f32
    %add3A_266 = arith.addf %get3A_251, %mul3A_265 : f32
    %min3A_267 = vector.broadcast %add3A_266 : f32 to vector<136x128xf32>
    %min3A_268 = arith.minimumf %add3A_187, %min3A_267 : vector<136x128xf32>
    %mul3A_269 = arith.constant 5.000000e-01 : f32
    %mul3A_270 = arith.mulf %get3A_259, %mul3A_269 : f32
    %sub3A_271 = arith.subf %get3A_251, %mul3A_270 : f32
    %max3A_272 = vector.broadcast %sub3A_271 : f32 to vector<136x128xf32>
    %max3A_273 = arith.maximumf %sub3A_183, %max3A_272 : vector<136x128xf32>
    %sub3A_274 = arith.subf %min3A_268, %max3A_273 : vector<136x128xf32>
    %max3A_275 = arith.constant 0.000000e+00 : f32
    %max3A_276 = vector.broadcast %max3A_275 : f32 to vector<136x128xf32>
    %max3A_277 = arith.maximumf %sub3A_274, %max3A_276 : vector<136x128xf32>
    %mul3A_278 = arith.constant 5.000000e-01 : f32
    %mul3A_279 = arith.mulf %get3A_263, %mul3A_278 : f32
    %add3A_280 = arith.addf %get3A_255, %mul3A_279 : f32
    %min3A_281 = vector.broadcast %add3A_280 : f32 to vector<136x128xf32>
    %min3A_282 = arith.minimumf %add3A_195, %min3A_281 : vector<136x128xf32>
    %mul3A_283 = arith.constant 5.000000e-01 : f32
    %mul3A_284 = arith.mulf %get3A_263, %mul3A_283 : f32
    %sub3A_285 = arith.subf %get3A_255, %mul3A_284 : f32
    %max3A_286 = vector.broadcast %sub3A_285 : f32 to vector<136x128xf32>
    %max3A_287 = arith.maximumf %sub3A_191, %max3A_286 : vector<136x128xf32>
    %sub3A_288 = arith.subf %min3A_282, %max3A_287 : vector<136x128xf32>
    %max3A_289 = arith.constant 0.000000e+00 : f32
    %max3A_290 = vector.broadcast %max3A_289 : f32 to vector<136x128xf32>
    %max3A_291 = arith.maximumf %sub3A_288, %max3A_290 : vector<136x128xf32>
    %mul3A_292 = arith.mulf %max3A_277, %max3A_291 : vector<136x128xf32>
    %mul3A_293 = arith.constant 3.000000e+00 : f32
    %mul3A_294 = vector.broadcast %mul3A_293 : f32 to vector<136x128xf32>
    %mul3A_295 = arith.mulf %mul3A_294, %mul3A_292 : vector<136x128xf32>
    %mul3A_296 = arith.mulf %get3A_259, %get3A_263 : f32
    %add3A_297 = vector.broadcast %mul3A_296 : f32 to vector<136x128xf32>
    %add3A_298 = arith.addf %mul3A_196, %add3A_297 : vector<136x128xf32>
    %gt3A_299 = arith.cmpf ogt, %mul3A_295, %add3A_298 : vector<136x128xf32>
    %or3A_300 = arith.ori %or3A, %gt3A_299 : vector<136x128xi1>
    %get3A_301 = arith.constant 0 : index
    %get3A_302 = arith.constant 0 : index
    %get3A_303 = arith.constant 8 : index
    %get3A_304 = memref.load %arg2[%get3A_301, %get3A_302, %get3A_303] : memref<1x1x80xf32, #tpu.memory_space<smem>>
    %get3A_305 = arith.constant 0 : index
    %get3A_306 = arith.constant 0 : index
    %get3A_307 = arith.constant 9 : index
    %get3A_308 = memref.load %arg2[%get3A_305, %get3A_306, %get3A_307] : memref<1x1x80xf32, #tpu.memory_space<smem>>
    %get3A_309 = arith.constant 0 : index
    %get3A_310 = arith.constant 0 : index
    %get3A_311 = arith.constant 10 : index
    %get3A_312 = memref.load %arg2[%get3A_309, %get3A_310, %get3A_311] : memref<1x1x80xf32, #tpu.memory_space<smem>>
    %get3A_313 = arith.constant 0 : index
    %get3A_314 = arith.constant 0 : index
    %get3A_315 = arith.constant 11 : index
    %get3A_316 = memref.load %arg2[%get3A_313, %get3A_314, %get3A_315] : memref<1x1x80xf32, #tpu.memory_space<smem>>
    %mul3A_317 = arith.constant 5.000000e-01 : f32
    %mul3A_318 = arith.mulf %get3A_312, %mul3A_317 : f32
    %add3A_319 = arith.addf %get3A_304, %mul3A_318 : f32
    %min3A_320 = vector.broadcast %add3A_319 : f32 to vector<136x128xf32>
    %min3A_321 = arith.minimumf %add3A_187, %min3A_320 : vector<136x128xf32>
    %mul3A_322 = arith.constant 5.000000e-01 : f32
    %mul3A_323 = arith.mulf %get3A_312, %mul3A_322 : f32
    %sub3A_324 = arith.subf %get3A_304, %mul3A_323 : f32
    %max3A_325 = vector.broadcast %sub3A_324 : f32 to vector<136x128xf32>
    %max3A_326 = arith.maximumf %sub3A_183, %max3A_325 : vector<136x128xf32>
    %sub3A_327 = arith.subf %min3A_321, %max3A_326 : vector<136x128xf32>
    %max3A_328 = arith.constant 0.000000e+00 : f32
    %max3A_329 = vector.broadcast %max3A_328 : f32 to vector<136x128xf32>
    %max3A_330 = arith.maximumf %sub3A_327, %max3A_329 : vector<136x128xf32>
    %mul3A_331 = arith.constant 5.000000e-01 : f32
    %mul3A_332 = arith.mulf %get3A_316, %mul3A_331 : f32
    %add3A_333 = arith.addf %get3A_308, %mul3A_332 : f32
    %min3A_334 = vector.broadcast %add3A_333 : f32 to vector<136x128xf32>
    %min3A_335 = arith.minimumf %add3A_195, %min3A_334 : vector<136x128xf32>
    %mul3A_336 = arith.constant 5.000000e-01 : f32
    %mul3A_337 = arith.mulf %get3A_316, %mul3A_336 : f32
    %sub3A_338 = arith.subf %get3A_308, %mul3A_337 : f32
    %max3A_339 = vector.broadcast %sub3A_338 : f32 to vector<136x128xf32>
    %max3A_340 = arith.maximumf %sub3A_191, %max3A_339 : vector<136x128xf32>
    %sub3A_341 = arith.subf %min3A_335, %max3A_340 : vector<136x128xf32>
    %max3A_342 = arith.constant 0.000000e+00 : f32
    %max3A_343 = vector.broadcast %max3A_342 : f32 to vector<136x128xf32>
    %max3A_344 = arith.maximumf %sub3A_341, %max3A_343 : vector<136x128xf32>
    %mul3A_345 = arith.mulf %max3A_330, %max3A_344 : vector<136x128xf32>
    %mul3A_346 = arith.constant 3.000000e+00 : f32
    %mul3A_347 = vector.broadcast %mul3A_346 : f32 to vector<136x128xf32>
    %mul3A_348 = arith.mulf %mul3A_347, %mul3A_345 : vector<136x128xf32>
    %mul3A_349 = arith.mulf %get3A_312, %get3A_316 : f32
    %add3A_350 = vector.broadcast %mul3A_349 : f32 to vector<136x128xf32>
    %add3A_351 = arith.addf %mul3A_196, %add3A_350 : vector<136x128xf32>
    %gt3A_352 = arith.cmpf ogt, %mul3A_348, %add3A_351 : vector<136x128xf32>
    %or3A_353 = arith.ori %or3A_300, %gt3A_352 : vector<136x128xi1>
    %get3A_354 = arith.constant 0 : index
    %get3A_355 = arith.constant 0 : index
    %get3A_356 = arith.constant 12 : index
    %get3A_357 = memref.load %arg2[%get3A_354, %get3A_355, %get3A_356] : memref<1x1x80xf32, #tpu.memory_space<smem>>
    %get3A_358 = arith.constant 0 : index
    %get3A_359 = arith.constant 0 : index
    %get3A_360 = arith.constant 13 : index
    %get3A_361 = memref.load %arg2[%get3A_358, %get3A_359, %get3A_360] : memref<1x1x80xf32, #tpu.memory_space<smem>>
    %get3A_362 = arith.constant 0 : index
    %get3A_363 = arith.constant 0 : index
    %get3A_364 = arith.constant 14 : index
    %get3A_365 = memref.load %arg2[%get3A_362, %get3A_363, %get3A_364] : memref<1x1x80xf32, #tpu.memory_space<smem>>
    %get3A_366 = arith.constant 0 : index
    %get3A_367 = arith.constant 0 : index
    %get3A_368 = arith.constant 15 : index
    %get3A_369 = memref.load %arg2[%get3A_366, %get3A_367, %get3A_368] : memref<1x1x80xf32, #tpu.memory_space<smem>>
    %mul3A_370 = arith.constant 5.000000e-01 : f32
    %mul3A_371 = arith.mulf %get3A_365, %mul3A_370 : f32
    %add3A_372 = arith.addf %get3A_357, %mul3A_371 : f32
    %min3A_373 = vector.broadcast %add3A_372 : f32 to vector<136x128xf32>
    %min3A_374 = arith.minimumf %add3A_187, %min3A_373 : vector<136x128xf32>
    %mul3A_375 = arith.constant 5.000000e-01 : f32
    %mul3A_376 = arith.mulf %get3A_365, %mul3A_375 : f32
    %sub3A_377 = arith.subf %get3A_357, %mul3A_376 : f32
    %max3A_378 = vector.broadcast %sub3A_377 : f32 to vector<136x128xf32>
    %max3A_379 = arith.maximumf %sub3A_183, %max3A_378 : vector<136x128xf32>
    %sub3A_380 = arith.subf %min3A_374, %max3A_379 : vector<136x128xf32>
    %max3A_381 = arith.constant 0.000000e+00 : f32
    %max3A_382 = vector.broadcast %max3A_381 : f32 to vector<136x128xf32>
    %max3A_383 = arith.maximumf %sub3A_380, %max3A_382 : vector<136x128xf32>
    %mul3A_384 = arith.constant 5.000000e-01 : f32
    %mul3A_385 = arith.mulf %get3A_369, %mul3A_384 : f32
    %add3A_386 = arith.addf %get3A_361, %mul3A_385 : f32
    %min3A_387 = vector.broadcast %add3A_386 : f32 to vector<136x128xf32>
    %min3A_388 = arith.minimumf %add3A_195, %min3A_387 : vector<136x128xf32>
    %mul3A_389 = arith.constant 5.000000e-01 : f32
    %mul3A_390 = arith.mulf %get3A_369, %mul3A_389 : f32
    %sub3A_391 = arith.subf %get3A_361, %mul3A_390 : f32
    %max3A_392 = vector.broadcast %sub3A_391 : f32 to vector<136x128xf32>
    %max3A_393 = arith.maximumf %sub3A_191, %max3A_392 : vector<136x128xf32>
    %sub3A_394 = arith.subf %min3A_388, %max3A_393 : vector<136x128xf32>
    %max3A_395 = arith.constant 0.000000e+00 : f32
    %max3A_396 = vector.broadcast %max3A_395 : f32 to vector<136x128xf32>
    %max3A_397 = arith.maximumf %sub3A_394, %max3A_396 : vector<136x128xf32>
    %mul3A_398 = arith.mulf %max3A_383, %max3A_397 : vector<136x128xf32>
    %mul3A_399 = arith.constant 3.000000e+00 : f32
    %mul3A_400 = vector.broadcast %mul3A_399 : f32 to vector<136x128xf32>
    %mul3A_401 = arith.mulf %mul3A_400, %mul3A_398 : vector<136x128xf32>
    %mul3A_402 = arith.mulf %get3A_365, %get3A_369 : f32
    %add3A_403 = vector.broadcast %mul3A_402 : f32 to vector<136x128xf32>
    %add3A_404 = arith.addf %mul3A_196, %add3A_403 : vector<136x128xf32>
    %gt3A_405 = arith.cmpf ogt, %mul3A_401, %add3A_404 : vector<136x128xf32>
    %or3A_406 = arith.ori %or3A_353, %gt3A_405 : vector<136x128xi1>
    %get3A_407 = arith.constant 0 : index
    %get3A_408 = arith.constant 0 : index
    %get3A_409 = arith.constant 16 : index
    %get3A_410 = memref.load %arg2[%get3A_407, %get3A_408, %get3A_409] : memref<1x1x80xf32, #tpu.memory_space<smem>>
    %get3A_411 = arith.constant 0 : index
    %get3A_412 = arith.constant 0 : index
    %get3A_413 = arith.constant 17 : index
    %get3A_414 = memref.load %arg2[%get3A_411, %get3A_412, %get3A_413] : memref<1x1x80xf32, #tpu.memory_space<smem>>
    %get3A_415 = arith.constant 0 : index
    %get3A_416 = arith.constant 0 : index
    %get3A_417 = arith.constant 18 : index
    %get3A_418 = memref.load %arg2[%get3A_415, %get3A_416, %get3A_417] : memref<1x1x80xf32, #tpu.memory_space<smem>>
    %get3A_419 = arith.constant 0 : index
    %get3A_420 = arith.constant 0 : index
    %get3A_421 = arith.constant 19 : index
    %get3A_422 = memref.load %arg2[%get3A_419, %get3A_420, %get3A_421] : memref<1x1x80xf32, #tpu.memory_space<smem>>
    %mul3A_423 = arith.constant 5.000000e-01 : f32
    %mul3A_424 = arith.mulf %get3A_418, %mul3A_423 : f32
    %add3A_425 = arith.addf %get3A_410, %mul3A_424 : f32
    %min3A_426 = vector.broadcast %add3A_425 : f32 to vector<136x128xf32>
    %min3A_427 = arith.minimumf %add3A_187, %min3A_426 : vector<136x128xf32>
    %mul3A_428 = arith.constant 5.000000e-01 : f32
    %mul3A_429 = arith.mulf %get3A_418, %mul3A_428 : f32
    %sub3A_430 = arith.subf %get3A_410, %mul3A_429 : f32
    %max3A_431 = vector.broadcast %sub3A_430 : f32 to vector<136x128xf32>
    %max3A_432 = arith.maximumf %sub3A_183, %max3A_431 : vector<136x128xf32>
    %sub3A_433 = arith.subf %min3A_427, %max3A_432 : vector<136x128xf32>
    %max3A_434 = arith.constant 0.000000e+00 : f32
    %max3A_435 = vector.broadcast %max3A_434 : f32 to vector<136x128xf32>
    %max3A_436 = arith.maximumf %sub3A_433, %max3A_435 : vector<136x128xf32>
    %mul3A_437 = arith.constant 5.000000e-01 : f32
    %mul3A_438 = arith.mulf %get3A_422, %mul3A_437 : f32
    %add3A_439 = arith.addf %get3A_414, %mul3A_438 : f32
    %min3A_440 = vector.broadcast %add3A_439 : f32 to vector<136x128xf32>
    %min3A_441 = arith.minimumf %add3A_195, %min3A_440 : vector<136x128xf32>
    %mul3A_442 = arith.constant 5.000000e-01 : f32
    %mul3A_443 = arith.mulf %get3A_422, %mul3A_442 : f32
    %sub3A_444 = arith.subf %get3A_414, %mul3A_443 : f32
    %max3A_445 = vector.broadcast %sub3A_444 : f32 to vector<136x128xf32>
    %max3A_446 = arith.maximumf %sub3A_191, %max3A_445 : vector<136x128xf32>
    %sub3A_447 = arith.subf %min3A_441, %max3A_446 : vector<136x128xf32>
    %max3A_448 = arith.constant 0.000000e+00 : f32
    %max3A_449 = vector.broadcast %max3A_448 : f32 to vector<136x128xf32>
    %max3A_450 = arith.maximumf %sub3A_447, %max3A_449 : vector<136x128xf32>
    %mul3A_451 = arith.mulf %max3A_436, %max3A_450 : vector<136x128xf32>
    %mul3A_452 = arith.constant 3.000000e+00 : f32
    %mul3A_453 = vector.broadcast %mul3A_452 : f32 to vector<136x128xf32>
    %mul3A_454 = arith.mulf %mul3A_453, %mul3A_451 : vector<136x128xf32>
    %mul3A_455 = arith.mulf %get3A_418, %get3A_422 : f32
    %add3A_456 = vector.broadcast %mul3A_455 : f32 to vector<136x128xf32>
    %add3A_457 = arith.addf %mul3A_196, %add3A_456 : vector<136x128xf32>
    %gt3A_458 = arith.cmpf ogt, %mul3A_454, %add3A_457 : vector<136x128xf32>
    %or3A_459 = arith.ori %or3A_406, %gt3A_458 : vector<136x128xi1>
    %get3A_460 = arith.constant 0 : index
    %get3A_461 = arith.constant 0 : index
    %get3A_462 = arith.constant 20 : index
    %get3A_463 = memref.load %arg2[%get3A_460, %get3A_461, %get3A_462] : memref<1x1x80xf32, #tpu.memory_space<smem>>
    %get3A_464 = arith.constant 0 : index
    %get3A_465 = arith.constant 0 : index
    %get3A_466 = arith.constant 21 : index
    %get3A_467 = memref.load %arg2[%get3A_464, %get3A_465, %get3A_466] : memref<1x1x80xf32, #tpu.memory_space<smem>>
    %get3A_468 = arith.constant 0 : index
    %get3A_469 = arith.constant 0 : index
    %get3A_470 = arith.constant 22 : index
    %get3A_471 = memref.load %arg2[%get3A_468, %get3A_469, %get3A_470] : memref<1x1x80xf32, #tpu.memory_space<smem>>
    %get3A_472 = arith.constant 0 : index
    %get3A_473 = arith.constant 0 : index
    %get3A_474 = arith.constant 23 : index
    %get3A_475 = memref.load %arg2[%get3A_472, %get3A_473, %get3A_474] : memref<1x1x80xf32, #tpu.memory_space<smem>>
    %mul3A_476 = arith.constant 5.000000e-01 : f32
    %mul3A_477 = arith.mulf %get3A_471, %mul3A_476 : f32
    %add3A_478 = arith.addf %get3A_463, %mul3A_477 : f32
    %min3A_479 = vector.broadcast %add3A_478 : f32 to vector<136x128xf32>
    %min3A_480 = arith.minimumf %add3A_187, %min3A_479 : vector<136x128xf32>
    %mul3A_481 = arith.constant 5.000000e-01 : f32
    %mul3A_482 = arith.mulf %get3A_471, %mul3A_481 : f32
    %sub3A_483 = arith.subf %get3A_463, %mul3A_482 : f32
    %max3A_484 = vector.broadcast %sub3A_483 : f32 to vector<136x128xf32>
    %max3A_485 = arith.maximumf %sub3A_183, %max3A_484 : vector<136x128xf32>
    %sub3A_486 = arith.subf %min3A_480, %max3A_485 : vector<136x128xf32>
    %max3A_487 = arith.constant 0.000000e+00 : f32
    %max3A_488 = vector.broadcast %max3A_487 : f32 to vector<136x128xf32>
    %max3A_489 = arith.maximumf %sub3A_486, %max3A_488 : vector<136x128xf32>
    %mul3A_490 = arith.constant 5.000000e-01 : f32
    %mul3A_491 = arith.mulf %get3A_475, %mul3A_490 : f32
    %add3A_492 = arith.addf %get3A_467, %mul3A_491 : f32
    %min3A_493 = vector.broadcast %add3A_492 : f32 to vector<136x128xf32>
    %min3A_494 = arith.minimumf %add3A_195, %min3A_493 : vector<136x128xf32>
    %mul3A_495 = arith.constant 5.000000e-01 : f32
    %mul3A_496 = arith.mulf %get3A_475, %mul3A_495 : f32
    %sub3A_497 = arith.subf %get3A_467, %mul3A_496 : f32
    %max3A_498 = vector.broadcast %sub3A_497 : f32 to vector<136x128xf32>
    %max3A_499 = arith.maximumf %sub3A_191, %max3A_498 : vector<136x128xf32>
    %sub3A_500 = arith.subf %min3A_494, %max3A_499 : vector<136x128xf32>
    %max3A_501 = arith.constant 0.000000e+00 : f32
    %max3A_502 = vector.broadcast %max3A_501 : f32 to vector<136x128xf32>
    %max3A_503 = arith.maximumf %sub3A_500, %max3A_502 : vector<136x128xf32>
    %mul3A_504 = arith.mulf %max3A_489, %max3A_503 : vector<136x128xf32>
    %mul3A_505 = arith.constant 3.000000e+00 : f32
    %mul3A_506 = vector.broadcast %mul3A_505 : f32 to vector<136x128xf32>
    %mul3A_507 = arith.mulf %mul3A_506, %mul3A_504 : vector<136x128xf32>
    %mul3A_508 = arith.mulf %get3A_471, %get3A_475 : f32
    %add3A_509 = vector.broadcast %mul3A_508 : f32 to vector<136x128xf32>
    %add3A_510 = arith.addf %mul3A_196, %add3A_509 : vector<136x128xf32>
    %gt3A_511 = arith.cmpf ogt, %mul3A_507, %add3A_510 : vector<136x128xf32>
    %or3A_512 = arith.ori %or3A_459, %gt3A_511 : vector<136x128xi1>
    %get3A_513 = arith.constant 0 : index
    %get3A_514 = arith.constant 0 : index
    %get3A_515 = arith.constant 24 : index
    %get3A_516 = memref.load %arg2[%get3A_513, %get3A_514, %get3A_515] : memref<1x1x80xf32, #tpu.memory_space<smem>>
    %get3A_517 = arith.constant 0 : index
    %get3A_518 = arith.constant 0 : index
    %get3A_519 = arith.constant 25 : index
    %get3A_520 = memref.load %arg2[%get3A_517, %get3A_518, %get3A_519] : memref<1x1x80xf32, #tpu.memory_space<smem>>
    %get3A_521 = arith.constant 0 : index
    %get3A_522 = arith.constant 0 : index
    %get3A_523 = arith.constant 26 : index
    %get3A_524 = memref.load %arg2[%get3A_521, %get3A_522, %get3A_523] : memref<1x1x80xf32, #tpu.memory_space<smem>>
    %get3A_525 = arith.constant 0 : index
    %get3A_526 = arith.constant 0 : index
    %get3A_527 = arith.constant 27 : index
    %get3A_528 = memref.load %arg2[%get3A_525, %get3A_526, %get3A_527] : memref<1x1x80xf32, #tpu.memory_space<smem>>
    %mul3A_529 = arith.constant 5.000000e-01 : f32
    %mul3A_530 = arith.mulf %get3A_524, %mul3A_529 : f32
    %add3A_531 = arith.addf %get3A_516, %mul3A_530 : f32
    %min3A_532 = vector.broadcast %add3A_531 : f32 to vector<136x128xf32>
    %min3A_533 = arith.minimumf %add3A_187, %min3A_532 : vector<136x128xf32>
    %mul3A_534 = arith.constant 5.000000e-01 : f32
    %mul3A_535 = arith.mulf %get3A_524, %mul3A_534 : f32
    %sub3A_536 = arith.subf %get3A_516, %mul3A_535 : f32
    %max3A_537 = vector.broadcast %sub3A_536 : f32 to vector<136x128xf32>
    %max3A_538 = arith.maximumf %sub3A_183, %max3A_537 : vector<136x128xf32>
    %sub3A_539 = arith.subf %min3A_533, %max3A_538 : vector<136x128xf32>
    %max3A_540 = arith.constant 0.000000e+00 : f32
    %max3A_541 = vector.broadcast %max3A_540 : f32 to vector<136x128xf32>
    %max3A_542 = arith.maximumf %sub3A_539, %max3A_541 : vector<136x128xf32>
    %mul3A_543 = arith.constant 5.000000e-01 : f32
    %mul3A_544 = arith.mulf %get3A_528, %mul3A_543 : f32
    %add3A_545 = arith.addf %get3A_520, %mul3A_544 : f32
    %min3A_546 = vector.broadcast %add3A_545 : f32 to vector<136x128xf32>
    %min3A_547 = arith.minimumf %add3A_195, %min3A_546 : vector<136x128xf32>
    %mul3A_548 = arith.constant 5.000000e-01 : f32
    %mul3A_549 = arith.mulf %get3A_528, %mul3A_548 : f32
    %sub3A_550 = arith.subf %get3A_520, %mul3A_549 : f32
    %max3A_551 = vector.broadcast %sub3A_550 : f32 to vector<136x128xf32>
    %max3A_552 = arith.maximumf %sub3A_191, %max3A_551 : vector<136x128xf32>
    %sub3A_553 = arith.subf %min3A_547, %max3A_552 : vector<136x128xf32>
    %max3A_554 = arith.constant 0.000000e+00 : f32
    %max3A_555 = vector.broadcast %max3A_554 : f32 to vector<136x128xf32>
    %max3A_556 = arith.maximumf %sub3A_553, %max3A_555 : vector<136x128xf32>
    %mul3A_557 = arith.mulf %max3A_542, %max3A_556 : vector<136x128xf32>
    %mul3A_558 = arith.constant 3.000000e+00 : f32
    %mul3A_559 = vector.broadcast %mul3A_558 : f32 to vector<136x128xf32>
    %mul3A_560 = arith.mulf %mul3A_559, %mul3A_557 : vector<136x128xf32>
    %mul3A_561 = arith.mulf %get3A_524, %get3A_528 : f32
    %add3A_562 = vector.broadcast %mul3A_561 : f32 to vector<136x128xf32>
    %add3A_563 = arith.addf %mul3A_196, %add3A_562 : vector<136x128xf32>
    %gt3A_564 = arith.cmpf ogt, %mul3A_560, %add3A_563 : vector<136x128xf32>
    %or3A_565 = arith.ori %or3A_512, %gt3A_564 : vector<136x128xi1>
    %get3A_566 = arith.constant 0 : index
    %get3A_567 = arith.constant 0 : index
    %get3A_568 = arith.constant 28 : index
    %get3A_569 = memref.load %arg2[%get3A_566, %get3A_567, %get3A_568] : memref<1x1x80xf32, #tpu.memory_space<smem>>
    %get3A_570 = arith.constant 0 : index
    %get3A_571 = arith.constant 0 : index
    %get3A_572 = arith.constant 29 : index
    %get3A_573 = memref.load %arg2[%get3A_570, %get3A_571, %get3A_572] : memref<1x1x80xf32, #tpu.memory_space<smem>>
    %get3A_574 = arith.constant 0 : index
    %get3A_575 = arith.constant 0 : index
    %get3A_576 = arith.constant 30 : index
    %get3A_577 = memref.load %arg2[%get3A_574, %get3A_575, %get3A_576] : memref<1x1x80xf32, #tpu.memory_space<smem>>
    %get3A_578 = arith.constant 0 : index
    %get3A_579 = arith.constant 0 : index
    %get3A_580 = arith.constant 31 : index
    %get3A_581 = memref.load %arg2[%get3A_578, %get3A_579, %get3A_580] : memref<1x1x80xf32, #tpu.memory_space<smem>>
    %mul3A_582 = arith.constant 5.000000e-01 : f32
    %mul3A_583 = arith.mulf %get3A_577, %mul3A_582 : f32
    %add3A_584 = arith.addf %get3A_569, %mul3A_583 : f32
    %min3A_585 = vector.broadcast %add3A_584 : f32 to vector<136x128xf32>
    %min3A_586 = arith.minimumf %add3A_187, %min3A_585 : vector<136x128xf32>
    %mul3A_587 = arith.constant 5.000000e-01 : f32
    %mul3A_588 = arith.mulf %get3A_577, %mul3A_587 : f32
    %sub3A_589 = arith.subf %get3A_569, %mul3A_588 : f32
    %max3A_590 = vector.broadcast %sub3A_589 : f32 to vector<136x128xf32>
    %max3A_591 = arith.maximumf %sub3A_183, %max3A_590 : vector<136x128xf32>
    %sub3A_592 = arith.subf %min3A_586, %max3A_591 : vector<136x128xf32>
    %max3A_593 = arith.constant 0.000000e+00 : f32
    %max3A_594 = vector.broadcast %max3A_593 : f32 to vector<136x128xf32>
    %max3A_595 = arith.maximumf %sub3A_592, %max3A_594 : vector<136x128xf32>
    %mul3A_596 = arith.constant 5.000000e-01 : f32
    %mul3A_597 = arith.mulf %get3A_581, %mul3A_596 : f32
    %add3A_598 = arith.addf %get3A_573, %mul3A_597 : f32
    %min3A_599 = vector.broadcast %add3A_598 : f32 to vector<136x128xf32>
    %min3A_600 = arith.minimumf %add3A_195, %min3A_599 : vector<136x128xf32>
    %mul3A_601 = arith.constant 5.000000e-01 : f32
    %mul3A_602 = arith.mulf %get3A_581, %mul3A_601 : f32
    %sub3A_603 = arith.subf %get3A_573, %mul3A_602 : f32
    %max3A_604 = vector.broadcast %sub3A_603 : f32 to vector<136x128xf32>
    %max3A_605 = arith.maximumf %sub3A_191, %max3A_604 : vector<136x128xf32>
    %sub3A_606 = arith.subf %min3A_600, %max3A_605 : vector<136x128xf32>
    %max3A_607 = arith.constant 0.000000e+00 : f32
    %max3A_608 = vector.broadcast %max3A_607 : f32 to vector<136x128xf32>
    %max3A_609 = arith.maximumf %sub3A_606, %max3A_608 : vector<136x128xf32>
    %mul3A_610 = arith.mulf %max3A_595, %max3A_609 : vector<136x128xf32>
    %mul3A_611 = arith.constant 3.000000e+00 : f32
    %mul3A_612 = vector.broadcast %mul3A_611 : f32 to vector<136x128xf32>
    %mul3A_613 = arith.mulf %mul3A_612, %mul3A_610 : vector<136x128xf32>
    %mul3A_614 = arith.mulf %get3A_577, %get3A_581 : f32
    %add3A_615 = vector.broadcast %mul3A_614 : f32 to vector<136x128xf32>
    %add3A_616 = arith.addf %mul3A_196, %add3A_615 : vector<136x128xf32>
    %gt3A_617 = arith.cmpf ogt, %mul3A_613, %add3A_616 : vector<136x128xf32>
    %or3A_618 = arith.ori %or3A_565, %gt3A_617 : vector<136x128xi1>
    %get3A_619 = arith.constant 0 : index
    %get3A_620 = arith.constant 0 : index
    %get3A_621 = arith.constant 32 : index
    %get3A_622 = memref.load %arg2[%get3A_619, %get3A_620, %get3A_621] : memref<1x1x80xf32, #tpu.memory_space<smem>>
    %get3A_623 = arith.constant 0 : index
    %get3A_624 = arith.constant 0 : index
    %get3A_625 = arith.constant 33 : index
    %get3A_626 = memref.load %arg2[%get3A_623, %get3A_624, %get3A_625] : memref<1x1x80xf32, #tpu.memory_space<smem>>
    %get3A_627 = arith.constant 0 : index
    %get3A_628 = arith.constant 0 : index
    %get3A_629 = arith.constant 34 : index
    %get3A_630 = memref.load %arg2[%get3A_627, %get3A_628, %get3A_629] : memref<1x1x80xf32, #tpu.memory_space<smem>>
    %get3A_631 = arith.constant 0 : index
    %get3A_632 = arith.constant 0 : index
    %get3A_633 = arith.constant 35 : index
    %get3A_634 = memref.load %arg2[%get3A_631, %get3A_632, %get3A_633] : memref<1x1x80xf32, #tpu.memory_space<smem>>
    %mul3A_635 = arith.constant 5.000000e-01 : f32
    %mul3A_636 = arith.mulf %get3A_630, %mul3A_635 : f32
    %add3A_637 = arith.addf %get3A_622, %mul3A_636 : f32
    %min3A_638 = vector.broadcast %add3A_637 : f32 to vector<136x128xf32>
    %min3A_639 = arith.minimumf %add3A_187, %min3A_638 : vector<136x128xf32>
    %mul3A_640 = arith.constant 5.000000e-01 : f32
    %mul3A_641 = arith.mulf %get3A_630, %mul3A_640 : f32
    %sub3A_642 = arith.subf %get3A_622, %mul3A_641 : f32
    %max3A_643 = vector.broadcast %sub3A_642 : f32 to vector<136x128xf32>
    %max3A_644 = arith.maximumf %sub3A_183, %max3A_643 : vector<136x128xf32>
    %sub3A_645 = arith.subf %min3A_639, %max3A_644 : vector<136x128xf32>
    %max3A_646 = arith.constant 0.000000e+00 : f32
    %max3A_647 = vector.broadcast %max3A_646 : f32 to vector<136x128xf32>
    %max3A_648 = arith.maximumf %sub3A_645, %max3A_647 : vector<136x128xf32>
    %mul3A_649 = arith.constant 5.000000e-01 : f32
    %mul3A_650 = arith.mulf %get3A_634, %mul3A_649 : f32
    %add3A_651 = arith.addf %get3A_626, %mul3A_650 : f32
    %min3A_652 = vector.broadcast %add3A_651 : f32 to vector<136x128xf32>
    %min3A_653 = arith.minimumf %add3A_195, %min3A_652 : vector<136x128xf32>
    %mul3A_654 = arith.constant 5.000000e-01 : f32
    %mul3A_655 = arith.mulf %get3A_634, %mul3A_654 : f32
    %sub3A_656 = arith.subf %get3A_626, %mul3A_655 : f32
    %max3A_657 = vector.broadcast %sub3A_656 : f32 to vector<136x128xf32>
    %max3A_658 = arith.maximumf %sub3A_191, %max3A_657 : vector<136x128xf32>
    %sub3A_659 = arith.subf %min3A_653, %max3A_658 : vector<136x128xf32>
    %max3A_660 = arith.constant 0.000000e+00 : f32
    %max3A_661 = vector.broadcast %max3A_660 : f32 to vector<136x128xf32>
    %max3A_662 = arith.maximumf %sub3A_659, %max3A_661 : vector<136x128xf32>
    %mul3A_663 = arith.mulf %max3A_648, %max3A_662 : vector<136x128xf32>
    %mul3A_664 = arith.constant 3.000000e+00 : f32
    %mul3A_665 = vector.broadcast %mul3A_664 : f32 to vector<136x128xf32>
    %mul3A_666 = arith.mulf %mul3A_665, %mul3A_663 : vector<136x128xf32>
    %mul3A_667 = arith.mulf %get3A_630, %get3A_634 : f32
    %add3A_668 = vector.broadcast %mul3A_667 : f32 to vector<136x128xf32>
    %add3A_669 = arith.addf %mul3A_196, %add3A_668 : vector<136x128xf32>
    %gt3A_670 = arith.cmpf ogt, %mul3A_666, %add3A_669 : vector<136x128xf32>
    %or3A_671 = arith.ori %or3A_618, %gt3A_670 : vector<136x128xi1>
    %get3A_672 = arith.constant 0 : index
    %get3A_673 = arith.constant 0 : index
    %get3A_674 = arith.constant 36 : index
    %get3A_675 = memref.load %arg2[%get3A_672, %get3A_673, %get3A_674] : memref<1x1x80xf32, #tpu.memory_space<smem>>
    %get3A_676 = arith.constant 0 : index
    %get3A_677 = arith.constant 0 : index
    %get3A_678 = arith.constant 37 : index
    %get3A_679 = memref.load %arg2[%get3A_676, %get3A_677, %get3A_678] : memref<1x1x80xf32, #tpu.memory_space<smem>>
    %get3A_680 = arith.constant 0 : index
    %get3A_681 = arith.constant 0 : index
    %get3A_682 = arith.constant 38 : index
    %get3A_683 = memref.load %arg2[%get3A_680, %get3A_681, %get3A_682] : memref<1x1x80xf32, #tpu.memory_space<smem>>
    %get3A_684 = arith.constant 0 : index
    %get3A_685 = arith.constant 0 : index
    %get3A_686 = arith.constant 39 : index
    %get3A_687 = memref.load %arg2[%get3A_684, %get3A_685, %get3A_686] : memref<1x1x80xf32, #tpu.memory_space<smem>>
    %mul3A_688 = arith.constant 5.000000e-01 : f32
    %mul3A_689 = arith.mulf %get3A_683, %mul3A_688 : f32
    %add3A_690 = arith.addf %get3A_675, %mul3A_689 : f32
    %min3A_691 = vector.broadcast %add3A_690 : f32 to vector<136x128xf32>
    %min3A_692 = arith.minimumf %add3A_187, %min3A_691 : vector<136x128xf32>
    %mul3A_693 = arith.constant 5.000000e-01 : f32
    %mul3A_694 = arith.mulf %get3A_683, %mul3A_693 : f32
    %sub3A_695 = arith.subf %get3A_675, %mul3A_694 : f32
    %max3A_696 = vector.broadcast %sub3A_695 : f32 to vector<136x128xf32>
    %max3A_697 = arith.maximumf %sub3A_183, %max3A_696 : vector<136x128xf32>
    %sub3A_698 = arith.subf %min3A_692, %max3A_697 : vector<136x128xf32>
    %max3A_699 = arith.constant 0.000000e+00 : f32
    %max3A_700 = vector.broadcast %max3A_699 : f32 to vector<136x128xf32>
    %max3A_701 = arith.maximumf %sub3A_698, %max3A_700 : vector<136x128xf32>
    %mul3A_702 = arith.constant 5.000000e-01 : f32
    %mul3A_703 = arith.mulf %get3A_687, %mul3A_702 : f32
    %add3A_704 = arith.addf %get3A_679, %mul3A_703 : f32
    %min3A_705 = vector.broadcast %add3A_704 : f32 to vector<136x128xf32>
    %min3A_706 = arith.minimumf %add3A_195, %min3A_705 : vector<136x128xf32>
    %mul3A_707 = arith.constant 5.000000e-01 : f32
    %mul3A_708 = arith.mulf %get3A_687, %mul3A_707 : f32
    %sub3A_709 = arith.subf %get3A_679, %mul3A_708 : f32
    %max3A_710 = vector.broadcast %sub3A_709 : f32 to vector<136x128xf32>
    %max3A_711 = arith.maximumf %sub3A_191, %max3A_710 : vector<136x128xf32>
    %sub3A_712 = arith.subf %min3A_706, %max3A_711 : vector<136x128xf32>
    %max3A_713 = arith.constant 0.000000e+00 : f32
    %max3A_714 = vector.broadcast %max3A_713 : f32 to vector<136x128xf32>
    %max3A_715 = arith.maximumf %sub3A_712, %max3A_714 : vector<136x128xf32>
    %mul3A_716 = arith.mulf %max3A_701, %max3A_715 : vector<136x128xf32>
    %mul3A_717 = arith.constant 3.000000e+00 : f32
    %mul3A_718 = vector.broadcast %mul3A_717 : f32 to vector<136x128xf32>
    %mul3A_719 = arith.mulf %mul3A_718, %mul3A_716 : vector<136x128xf32>
    %mul3A_720 = arith.mulf %get3A_683, %get3A_687 : f32
    %add3A_721 = vector.broadcast %mul3A_720 : f32 to vector<136x128xf32>
    %add3A_722 = arith.addf %mul3A_196, %add3A_721 : vector<136x128xf32>
    %gt3A_723 = arith.cmpf ogt, %mul3A_719, %add3A_722 : vector<136x128xf32>
    %or3A_724 = arith.ori %or3A_671, %gt3A_723 : vector<136x128xi1>
    %get3A_725 = arith.constant 0 : index
    %get3A_726 = arith.constant 0 : index
    %get3A_727 = arith.constant 40 : index
    %get3A_728 = memref.load %arg2[%get3A_725, %get3A_726, %get3A_727] : memref<1x1x80xf32, #tpu.memory_space<smem>>
    %get3A_729 = arith.constant 0 : index
    %get3A_730 = arith.constant 0 : index
    %get3A_731 = arith.constant 41 : index
    %get3A_732 = memref.load %arg2[%get3A_729, %get3A_730, %get3A_731] : memref<1x1x80xf32, #tpu.memory_space<smem>>
    %get3A_733 = arith.constant 0 : index
    %get3A_734 = arith.constant 0 : index
    %get3A_735 = arith.constant 42 : index
    %get3A_736 = memref.load %arg2[%get3A_733, %get3A_734, %get3A_735] : memref<1x1x80xf32, #tpu.memory_space<smem>>
    %get3A_737 = arith.constant 0 : index
    %get3A_738 = arith.constant 0 : index
    %get3A_739 = arith.constant 43 : index
    %get3A_740 = memref.load %arg2[%get3A_737, %get3A_738, %get3A_739] : memref<1x1x80xf32, #tpu.memory_space<smem>>
    %mul3A_741 = arith.constant 5.000000e-01 : f32
    %mul3A_742 = arith.mulf %get3A_736, %mul3A_741 : f32
    %add3A_743 = arith.addf %get3A_728, %mul3A_742 : f32
    %min3A_744 = vector.broadcast %add3A_743 : f32 to vector<136x128xf32>
    %min3A_745 = arith.minimumf %add3A_187, %min3A_744 : vector<136x128xf32>
    %mul3A_746 = arith.constant 5.000000e-01 : f32
    %mul3A_747 = arith.mulf %get3A_736, %mul3A_746 : f32
    %sub3A_748 = arith.subf %get3A_728, %mul3A_747 : f32
    %max3A_749 = vector.broadcast %sub3A_748 : f32 to vector<136x128xf32>
    %max3A_750 = arith.maximumf %sub3A_183, %max3A_749 : vector<136x128xf32>
    %sub3A_751 = arith.subf %min3A_745, %max3A_750 : vector<136x128xf32>
    %max3A_752 = arith.constant 0.000000e+00 : f32
    %max3A_753 = vector.broadcast %max3A_752 : f32 to vector<136x128xf32>
    %max3A_754 = arith.maximumf %sub3A_751, %max3A_753 : vector<136x128xf32>
    %mul3A_755 = arith.constant 5.000000e-01 : f32
    %mul3A_756 = arith.mulf %get3A_740, %mul3A_755 : f32
    %add3A_757 = arith.addf %get3A_732, %mul3A_756 : f32
    %min3A_758 = vector.broadcast %add3A_757 : f32 to vector<136x128xf32>
    %min3A_759 = arith.minimumf %add3A_195, %min3A_758 : vector<136x128xf32>
    %mul3A_760 = arith.constant 5.000000e-01 : f32
    %mul3A_761 = arith.mulf %get3A_740, %mul3A_760 : f32
    %sub3A_762 = arith.subf %get3A_732, %mul3A_761 : f32
    %max3A_763 = vector.broadcast %sub3A_762 : f32 to vector<136x128xf32>
    %max3A_764 = arith.maximumf %sub3A_191, %max3A_763 : vector<136x128xf32>
    %sub3A_765 = arith.subf %min3A_759, %max3A_764 : vector<136x128xf32>
    %max3A_766 = arith.constant 0.000000e+00 : f32
    %max3A_767 = vector.broadcast %max3A_766 : f32 to vector<136x128xf32>
    %max3A_768 = arith.maximumf %sub3A_765, %max3A_767 : vector<136x128xf32>
    %mul3A_769 = arith.mulf %max3A_754, %max3A_768 : vector<136x128xf32>
    %mul3A_770 = arith.constant 3.000000e+00 : f32
    %mul3A_771 = vector.broadcast %mul3A_770 : f32 to vector<136x128xf32>
    %mul3A_772 = arith.mulf %mul3A_771, %mul3A_769 : vector<136x128xf32>
    %mul3A_773 = arith.mulf %get3A_736, %get3A_740 : f32
    %add3A_774 = vector.broadcast %mul3A_773 : f32 to vector<136x128xf32>
    %add3A_775 = arith.addf %mul3A_196, %add3A_774 : vector<136x128xf32>
    %gt3A_776 = arith.cmpf ogt, %mul3A_772, %add3A_775 : vector<136x128xf32>
    %or3A_777 = arith.ori %or3A_724, %gt3A_776 : vector<136x128xi1>
    %get3A_778 = arith.constant 0 : index
    %get3A_779 = arith.constant 0 : index
    %get3A_780 = arith.constant 44 : index
    %get3A_781 = memref.load %arg2[%get3A_778, %get3A_779, %get3A_780] : memref<1x1x80xf32, #tpu.memory_space<smem>>
    %get3A_782 = arith.constant 0 : index
    %get3A_783 = arith.constant 0 : index
    %get3A_784 = arith.constant 45 : index
    %get3A_785 = memref.load %arg2[%get3A_782, %get3A_783, %get3A_784] : memref<1x1x80xf32, #tpu.memory_space<smem>>
    %get3A_786 = arith.constant 0 : index
    %get3A_787 = arith.constant 0 : index
    %get3A_788 = arith.constant 46 : index
    %get3A_789 = memref.load %arg2[%get3A_786, %get3A_787, %get3A_788] : memref<1x1x80xf32, #tpu.memory_space<smem>>
    %get3A_790 = arith.constant 0 : index
    %get3A_791 = arith.constant 0 : index
    %get3A_792 = arith.constant 47 : index
    %get3A_793 = memref.load %arg2[%get3A_790, %get3A_791, %get3A_792] : memref<1x1x80xf32, #tpu.memory_space<smem>>
    %mul3A_794 = arith.constant 5.000000e-01 : f32
    %mul3A_795 = arith.mulf %get3A_789, %mul3A_794 : f32
    %add3A_796 = arith.addf %get3A_781, %mul3A_795 : f32
    %min3A_797 = vector.broadcast %add3A_796 : f32 to vector<136x128xf32>
    %min3A_798 = arith.minimumf %add3A_187, %min3A_797 : vector<136x128xf32>
    %mul3A_799 = arith.constant 5.000000e-01 : f32
    %mul3A_800 = arith.mulf %get3A_789, %mul3A_799 : f32
    %sub3A_801 = arith.subf %get3A_781, %mul3A_800 : f32
    %max3A_802 = vector.broadcast %sub3A_801 : f32 to vector<136x128xf32>
    %max3A_803 = arith.maximumf %sub3A_183, %max3A_802 : vector<136x128xf32>
    %sub3A_804 = arith.subf %min3A_798, %max3A_803 : vector<136x128xf32>
    %max3A_805 = arith.constant 0.000000e+00 : f32
    %max3A_806 = vector.broadcast %max3A_805 : f32 to vector<136x128xf32>
    %max3A_807 = arith.maximumf %sub3A_804, %max3A_806 : vector<136x128xf32>
    %mul3A_808 = arith.constant 5.000000e-01 : f32
    %mul3A_809 = arith.mulf %get3A_793, %mul3A_808 : f32
    %add3A_810 = arith.addf %get3A_785, %mul3A_809 : f32
    %min3A_811 = vector.broadcast %add3A_810 : f32 to vector<136x128xf32>
    %min3A_812 = arith.minimumf %add3A_195, %min3A_811 : vector<136x128xf32>
    %mul3A_813 = arith.constant 5.000000e-01 : f32
    %mul3A_814 = arith.mulf %get3A_793, %mul3A_813 : f32
    %sub3A_815 = arith.subf %get3A_785, %mul3A_814 : f32
    %max3A_816 = vector.broadcast %sub3A_815 : f32 to vector<136x128xf32>
    %max3A_817 = arith.maximumf %sub3A_191, %max3A_816 : vector<136x128xf32>
    %sub3A_818 = arith.subf %min3A_812, %max3A_817 : vector<136x128xf32>
    %max3A_819 = arith.constant 0.000000e+00 : f32
    %max3A_820 = vector.broadcast %max3A_819 : f32 to vector<136x128xf32>
    %max3A_821 = arith.maximumf %sub3A_818, %max3A_820 : vector<136x128xf32>
    %mul3A_822 = arith.mulf %max3A_807, %max3A_821 : vector<136x128xf32>
    %mul3A_823 = arith.constant 3.000000e+00 : f32
    %mul3A_824 = vector.broadcast %mul3A_823 : f32 to vector<136x128xf32>
    %mul3A_825 = arith.mulf %mul3A_824, %mul3A_822 : vector<136x128xf32>
    %mul3A_826 = arith.mulf %get3A_789, %get3A_793 : f32
    %add3A_827 = vector.broadcast %mul3A_826 : f32 to vector<136x128xf32>
    %add3A_828 = arith.addf %mul3A_196, %add3A_827 : vector<136x128xf32>
    %gt3A_829 = arith.cmpf ogt, %mul3A_825, %add3A_828 : vector<136x128xf32>
    %or3A_830 = arith.ori %or3A_777, %gt3A_829 : vector<136x128xi1>
    %get3A_831 = arith.constant 0 : index
    %get3A_832 = arith.constant 0 : index
    %get3A_833 = arith.constant 48 : index
    %get3A_834 = memref.load %arg2[%get3A_831, %get3A_832, %get3A_833] : memref<1x1x80xf32, #tpu.memory_space<smem>>
    %get3A_835 = arith.constant 0 : index
    %get3A_836 = arith.constant 0 : index
    %get3A_837 = arith.constant 49 : index
    %get3A_838 = memref.load %arg2[%get3A_835, %get3A_836, %get3A_837] : memref<1x1x80xf32, #tpu.memory_space<smem>>
    %get3A_839 = arith.constant 0 : index
    %get3A_840 = arith.constant 0 : index
    %get3A_841 = arith.constant 50 : index
    %get3A_842 = memref.load %arg2[%get3A_839, %get3A_840, %get3A_841] : memref<1x1x80xf32, #tpu.memory_space<smem>>
    %get3A_843 = arith.constant 0 : index
    %get3A_844 = arith.constant 0 : index
    %get3A_845 = arith.constant 51 : index
    %get3A_846 = memref.load %arg2[%get3A_843, %get3A_844, %get3A_845] : memref<1x1x80xf32, #tpu.memory_space<smem>>
    %mul3A_847 = arith.constant 5.000000e-01 : f32
    %mul3A_848 = arith.mulf %get3A_842, %mul3A_847 : f32
    %add3A_849 = arith.addf %get3A_834, %mul3A_848 : f32
    %min3A_850 = vector.broadcast %add3A_849 : f32 to vector<136x128xf32>
    %min3A_851 = arith.minimumf %add3A_187, %min3A_850 : vector<136x128xf32>
    %mul3A_852 = arith.constant 5.000000e-01 : f32
    %mul3A_853 = arith.mulf %get3A_842, %mul3A_852 : f32
    %sub3A_854 = arith.subf %get3A_834, %mul3A_853 : f32
    %max3A_855 = vector.broadcast %sub3A_854 : f32 to vector<136x128xf32>
    %max3A_856 = arith.maximumf %sub3A_183, %max3A_855 : vector<136x128xf32>
    %sub3A_857 = arith.subf %min3A_851, %max3A_856 : vector<136x128xf32>
    %max3A_858 = arith.constant 0.000000e+00 : f32
    %max3A_859 = vector.broadcast %max3A_858 : f32 to vector<136x128xf32>
    %max3A_860 = arith.maximumf %sub3A_857, %max3A_859 : vector<136x128xf32>
    %mul3A_861 = arith.constant 5.000000e-01 : f32
    %mul3A_862 = arith.mulf %get3A_846, %mul3A_861 : f32
    %add3A_863 = arith.addf %get3A_838, %mul3A_862 : f32
    %min3A_864 = vector.broadcast %add3A_863 : f32 to vector<136x128xf32>
    %min3A_865 = arith.minimumf %add3A_195, %min3A_864 : vector<136x128xf32>
    %mul3A_866 = arith.constant 5.000000e-01 : f32
    %mul3A_867 = arith.mulf %get3A_846, %mul3A_866 : f32
    %sub3A_868 = arith.subf %get3A_838, %mul3A_867 : f32
    %max3A_869 = vector.broadcast %sub3A_868 : f32 to vector<136x128xf32>
    %max3A_870 = arith.maximumf %sub3A_191, %max3A_869 : vector<136x128xf32>
    %sub3A_871 = arith.subf %min3A_865, %max3A_870 : vector<136x128xf32>
    %max3A_872 = arith.constant 0.000000e+00 : f32
    %max3A_873 = vector.broadcast %max3A_872 : f32 to vector<136x128xf32>
    %max3A_874 = arith.maximumf %sub3A_871, %max3A_873 : vector<136x128xf32>
    %mul3A_875 = arith.mulf %max3A_860, %max3A_874 : vector<136x128xf32>
    %mul3A_876 = arith.constant 3.000000e+00 : f32
    %mul3A_877 = vector.broadcast %mul3A_876 : f32 to vector<136x128xf32>
    %mul3A_878 = arith.mulf %mul3A_877, %mul3A_875 : vector<136x128xf32>
    %mul3A_879 = arith.mulf %get3A_842, %get3A_846 : f32
    %add3A_880 = vector.broadcast %mul3A_879 : f32 to vector<136x128xf32>
    %add3A_881 = arith.addf %mul3A_196, %add3A_880 : vector<136x128xf32>
    %gt3A_882 = arith.cmpf ogt, %mul3A_878, %add3A_881 : vector<136x128xf32>
    %or3A_883 = arith.ori %or3A_830, %gt3A_882 : vector<136x128xi1>
    %get3A_884 = arith.constant 0 : index
    %get3A_885 = arith.constant 0 : index
    %get3A_886 = arith.constant 52 : index
    %get3A_887 = memref.load %arg2[%get3A_884, %get3A_885, %get3A_886] : memref<1x1x80xf32, #tpu.memory_space<smem>>
    %get3A_888 = arith.constant 0 : index
    %get3A_889 = arith.constant 0 : index
    %get3A_890 = arith.constant 53 : index
    %get3A_891 = memref.load %arg2[%get3A_888, %get3A_889, %get3A_890] : memref<1x1x80xf32, #tpu.memory_space<smem>>
    %get3A_892 = arith.constant 0 : index
    %get3A_893 = arith.constant 0 : index
    %get3A_894 = arith.constant 54 : index
    %get3A_895 = memref.load %arg2[%get3A_892, %get3A_893, %get3A_894] : memref<1x1x80xf32, #tpu.memory_space<smem>>
    %get3A_896 = arith.constant 0 : index
    %get3A_897 = arith.constant 0 : index
    %get3A_898 = arith.constant 55 : index
    %get3A_899 = memref.load %arg2[%get3A_896, %get3A_897, %get3A_898] : memref<1x1x80xf32, #tpu.memory_space<smem>>
    %mul3A_900 = arith.constant 5.000000e-01 : f32
    %mul3A_901 = arith.mulf %get3A_895, %mul3A_900 : f32
    %add3A_902 = arith.addf %get3A_887, %mul3A_901 : f32
    %min3A_903 = vector.broadcast %add3A_902 : f32 to vector<136x128xf32>
    %min3A_904 = arith.minimumf %add3A_187, %min3A_903 : vector<136x128xf32>
    %mul3A_905 = arith.constant 5.000000e-01 : f32
    %mul3A_906 = arith.mulf %get3A_895, %mul3A_905 : f32
    %sub3A_907 = arith.subf %get3A_887, %mul3A_906 : f32
    %max3A_908 = vector.broadcast %sub3A_907 : f32 to vector<136x128xf32>
    %max3A_909 = arith.maximumf %sub3A_183, %max3A_908 : vector<136x128xf32>
    %sub3A_910 = arith.subf %min3A_904, %max3A_909 : vector<136x128xf32>
    %max3A_911 = arith.constant 0.000000e+00 : f32
    %max3A_912 = vector.broadcast %max3A_911 : f32 to vector<136x128xf32>
    %max3A_913 = arith.maximumf %sub3A_910, %max3A_912 : vector<136x128xf32>
    %mul3A_914 = arith.constant 5.000000e-01 : f32
    %mul3A_915 = arith.mulf %get3A_899, %mul3A_914 : f32
    %add3A_916 = arith.addf %get3A_891, %mul3A_915 : f32
    %min3A_917 = vector.broadcast %add3A_916 : f32 to vector<136x128xf32>
    %min3A_918 = arith.minimumf %add3A_195, %min3A_917 : vector<136x128xf32>
    %mul3A_919 = arith.constant 5.000000e-01 : f32
    %mul3A_920 = arith.mulf %get3A_899, %mul3A_919 : f32
    %sub3A_921 = arith.subf %get3A_891, %mul3A_920 : f32
    %max3A_922 = vector.broadcast %sub3A_921 : f32 to vector<136x128xf32>
    %max3A_923 = arith.maximumf %sub3A_191, %max3A_922 : vector<136x128xf32>
    %sub3A_924 = arith.subf %min3A_918, %max3A_923 : vector<136x128xf32>
    %max3A_925 = arith.constant 0.000000e+00 : f32
    %max3A_926 = vector.broadcast %max3A_925 : f32 to vector<136x128xf32>
    %max3A_927 = arith.maximumf %sub3A_924, %max3A_926 : vector<136x128xf32>
    %mul3A_928 = arith.mulf %max3A_913, %max3A_927 : vector<136x128xf32>
    %mul3A_929 = arith.constant 3.000000e+00 : f32
    %mul3A_930 = vector.broadcast %mul3A_929 : f32 to vector<136x128xf32>
    %mul3A_931 = arith.mulf %mul3A_930, %mul3A_928 : vector<136x128xf32>
    %mul3A_932 = arith.mulf %get3A_895, %get3A_899 : f32
    %add3A_933 = vector.broadcast %mul3A_932 : f32 to vector<136x128xf32>
    %add3A_934 = arith.addf %mul3A_196, %add3A_933 : vector<136x128xf32>
    %gt3A_935 = arith.cmpf ogt, %mul3A_931, %add3A_934 : vector<136x128xf32>
    %or3A_936 = arith.ori %or3A_883, %gt3A_935 : vector<136x128xi1>
    %get3A_937 = arith.constant 0 : index
    %get3A_938 = arith.constant 0 : index
    %get3A_939 = arith.constant 56 : index
    %get3A_940 = memref.load %arg2[%get3A_937, %get3A_938, %get3A_939] : memref<1x1x80xf32, #tpu.memory_space<smem>>
    %get3A_941 = arith.constant 0 : index
    %get3A_942 = arith.constant 0 : index
    %get3A_943 = arith.constant 57 : index
    %get3A_944 = memref.load %arg2[%get3A_941, %get3A_942, %get3A_943] : memref<1x1x80xf32, #tpu.memory_space<smem>>
    %get3A_945 = arith.constant 0 : index
    %get3A_946 = arith.constant 0 : index
    %get3A_947 = arith.constant 58 : index
    %get3A_948 = memref.load %arg2[%get3A_945, %get3A_946, %get3A_947] : memref<1x1x80xf32, #tpu.memory_space<smem>>
    %get3A_949 = arith.constant 0 : index
    %get3A_950 = arith.constant 0 : index
    %get3A_951 = arith.constant 59 : index
    %get3A_952 = memref.load %arg2[%get3A_949, %get3A_950, %get3A_951] : memref<1x1x80xf32, #tpu.memory_space<smem>>
    %mul3A_953 = arith.constant 5.000000e-01 : f32
    %mul3A_954 = arith.mulf %get3A_948, %mul3A_953 : f32
    %add3A_955 = arith.addf %get3A_940, %mul3A_954 : f32
    %min3A_956 = vector.broadcast %add3A_955 : f32 to vector<136x128xf32>
    %min3A_957 = arith.minimumf %add3A_187, %min3A_956 : vector<136x128xf32>
    %mul3A_958 = arith.constant 5.000000e-01 : f32
    %mul3A_959 = arith.mulf %get3A_948, %mul3A_958 : f32
    %sub3A_960 = arith.subf %get3A_940, %mul3A_959 : f32
    %max3A_961 = vector.broadcast %sub3A_960 : f32 to vector<136x128xf32>
    %max3A_962 = arith.maximumf %sub3A_183, %max3A_961 : vector<136x128xf32>
    %sub3A_963 = arith.subf %min3A_957, %max3A_962 : vector<136x128xf32>
    %max3A_964 = arith.constant 0.000000e+00 : f32
    %max3A_965 = vector.broadcast %max3A_964 : f32 to vector<136x128xf32>
    %max3A_966 = arith.maximumf %sub3A_963, %max3A_965 : vector<136x128xf32>
    %mul3A_967 = arith.constant 5.000000e-01 : f32
    %mul3A_968 = arith.mulf %get3A_952, %mul3A_967 : f32
    %add3A_969 = arith.addf %get3A_944, %mul3A_968 : f32
    %min3A_970 = vector.broadcast %add3A_969 : f32 to vector<136x128xf32>
    %min3A_971 = arith.minimumf %add3A_195, %min3A_970 : vector<136x128xf32>
    %mul3A_972 = arith.constant 5.000000e-01 : f32
    %mul3A_973 = arith.mulf %get3A_952, %mul3A_972 : f32
    %sub3A_974 = arith.subf %get3A_944, %mul3A_973 : f32
    %max3A_975 = vector.broadcast %sub3A_974 : f32 to vector<136x128xf32>
    %max3A_976 = arith.maximumf %sub3A_191, %max3A_975 : vector<136x128xf32>
    %sub3A_977 = arith.subf %min3A_971, %max3A_976 : vector<136x128xf32>
    %max3A_978 = arith.constant 0.000000e+00 : f32
    %max3A_979 = vector.broadcast %max3A_978 : f32 to vector<136x128xf32>
    %max3A_980 = arith.maximumf %sub3A_977, %max3A_979 : vector<136x128xf32>
    %mul3A_981 = arith.mulf %max3A_966, %max3A_980 : vector<136x128xf32>
    %mul3A_982 = arith.constant 3.000000e+00 : f32
    %mul3A_983 = vector.broadcast %mul3A_982 : f32 to vector<136x128xf32>
    %mul3A_984 = arith.mulf %mul3A_983, %mul3A_981 : vector<136x128xf32>
    %mul3A_985 = arith.mulf %get3A_948, %get3A_952 : f32
    %add3A_986 = vector.broadcast %mul3A_985 : f32 to vector<136x128xf32>
    %add3A_987 = arith.addf %mul3A_196, %add3A_986 : vector<136x128xf32>
    %gt3A_988 = arith.cmpf ogt, %mul3A_984, %add3A_987 : vector<136x128xf32>
    %or3A_989 = arith.ori %or3A_936, %gt3A_988 : vector<136x128xi1>
    %get3A_990 = arith.constant 0 : index
    %get3A_991 = arith.constant 0 : index
    %get3A_992 = arith.constant 60 : index
    %get3A_993 = memref.load %arg2[%get3A_990, %get3A_991, %get3A_992] : memref<1x1x80xf32, #tpu.memory_space<smem>>
    %get3A_994 = arith.constant 0 : index
    %get3A_995 = arith.constant 0 : index
    %get3A_996 = arith.constant 61 : index
    %get3A_997 = memref.load %arg2[%get3A_994, %get3A_995, %get3A_996] : memref<1x1x80xf32, #tpu.memory_space<smem>>
    %get3A_998 = arith.constant 0 : index
    %get3A_999 = arith.constant 0 : index
    %get3A_1000 = arith.constant 62 : index
    %get3A_1001 = memref.load %arg2[%get3A_998, %get3A_999, %get3A_1000] : memref<1x1x80xf32, #tpu.memory_space<smem>>
    %get3A_1002 = arith.constant 0 : index
    %get3A_1003 = arith.constant 0 : index
    %get3A_1004 = arith.constant 63 : index
    %get3A_1005 = memref.load %arg2[%get3A_1002, %get3A_1003, %get3A_1004] : memref<1x1x80xf32, #tpu.memory_space<smem>>
    %mul3A_1006 = arith.constant 5.000000e-01 : f32
    %mul3A_1007 = arith.mulf %get3A_1001, %mul3A_1006 : f32
    %add3A_1008 = arith.addf %get3A_993, %mul3A_1007 : f32
    %min3A_1009 = vector.broadcast %add3A_1008 : f32 to vector<136x128xf32>
    %min3A_1010 = arith.minimumf %add3A_187, %min3A_1009 : vector<136x128xf32>
    %mul3A_1011 = arith.constant 5.000000e-01 : f32
    %mul3A_1012 = arith.mulf %get3A_1001, %mul3A_1011 : f32
    %sub3A_1013 = arith.subf %get3A_993, %mul3A_1012 : f32
    %max3A_1014 = vector.broadcast %sub3A_1013 : f32 to vector<136x128xf32>
    %max3A_1015 = arith.maximumf %sub3A_183, %max3A_1014 : vector<136x128xf32>
    %sub3A_1016 = arith.subf %min3A_1010, %max3A_1015 : vector<136x128xf32>
    %max3A_1017 = arith.constant 0.000000e+00 : f32
    %max3A_1018 = vector.broadcast %max3A_1017 : f32 to vector<136x128xf32>
    %max3A_1019 = arith.maximumf %sub3A_1016, %max3A_1018 : vector<136x128xf32>
    %mul3A_1020 = arith.constant 5.000000e-01 : f32
    %mul3A_1021 = arith.mulf %get3A_1005, %mul3A_1020 : f32
    %add3A_1022 = arith.addf %get3A_997, %mul3A_1021 : f32
    %min3A_1023 = vector.broadcast %add3A_1022 : f32 to vector<136x128xf32>
    %min3A_1024 = arith.minimumf %add3A_195, %min3A_1023 : vector<136x128xf32>
    %mul3A_1025 = arith.constant 5.000000e-01 : f32
    %mul3A_1026 = arith.mulf %get3A_1005, %mul3A_1025 : f32
    %sub3A_1027 = arith.subf %get3A_997, %mul3A_1026 : f32
    %max3A_1028 = vector.broadcast %sub3A_1027 : f32 to vector<136x128xf32>
    %max3A_1029 = arith.maximumf %sub3A_191, %max3A_1028 : vector<136x128xf32>
    %sub3A_1030 = arith.subf %min3A_1024, %max3A_1029 : vector<136x128xf32>
    %max3A_1031 = arith.constant 0.000000e+00 : f32
    %max3A_1032 = vector.broadcast %max3A_1031 : f32 to vector<136x128xf32>
    %max3A_1033 = arith.maximumf %sub3A_1030, %max3A_1032 : vector<136x128xf32>
    %mul3A_1034 = arith.mulf %max3A_1019, %max3A_1033 : vector<136x128xf32>
    %mul3A_1035 = arith.constant 3.000000e+00 : f32
    %mul3A_1036 = vector.broadcast %mul3A_1035 : f32 to vector<136x128xf32>
    %mul3A_1037 = arith.mulf %mul3A_1036, %mul3A_1034 : vector<136x128xf32>
    %mul3A_1038 = arith.mulf %get3A_1001, %get3A_1005 : f32
    %add3A_1039 = vector.broadcast %mul3A_1038 : f32 to vector<136x128xf32>
    %add3A_1040 = arith.addf %mul3A_196, %add3A_1039 : vector<136x128xf32>
    %gt3A_1041 = arith.cmpf ogt, %mul3A_1037, %add3A_1040 : vector<136x128xf32>
    %or3A_1042 = arith.ori %or3A_989, %gt3A_1041 : vector<136x128xi1>
    %get3A_1043 = arith.constant 0 : index
    %get3A_1044 = arith.constant 0 : index
    %get3A_1045 = arith.constant 64 : index
    %get3A_1046 = memref.load %arg2[%get3A_1043, %get3A_1044, %get3A_1045] : memref<1x1x80xf32, #tpu.memory_space<smem>>
    %get3A_1047 = arith.constant 0 : index
    %get3A_1048 = arith.constant 0 : index
    %get3A_1049 = arith.constant 65 : index
    %get3A_1050 = memref.load %arg2[%get3A_1047, %get3A_1048, %get3A_1049] : memref<1x1x80xf32, #tpu.memory_space<smem>>
    %get3A_1051 = arith.constant 0 : index
    %get3A_1052 = arith.constant 0 : index
    %get3A_1053 = arith.constant 66 : index
    %get3A_1054 = memref.load %arg2[%get3A_1051, %get3A_1052, %get3A_1053] : memref<1x1x80xf32, #tpu.memory_space<smem>>
    %get3A_1055 = arith.constant 0 : index
    %get3A_1056 = arith.constant 0 : index
    %get3A_1057 = arith.constant 67 : index
    %get3A_1058 = memref.load %arg2[%get3A_1055, %get3A_1056, %get3A_1057] : memref<1x1x80xf32, #tpu.memory_space<smem>>
    %mul3A_1059 = arith.constant 5.000000e-01 : f32
    %mul3A_1060 = arith.mulf %get3A_1054, %mul3A_1059 : f32
    %add3A_1061 = arith.addf %get3A_1046, %mul3A_1060 : f32
    %min3A_1062 = vector.broadcast %add3A_1061 : f32 to vector<136x128xf32>
    %min3A_1063 = arith.minimumf %add3A_187, %min3A_1062 : vector<136x128xf32>
    %mul3A_1064 = arith.constant 5.000000e-01 : f32
    %mul3A_1065 = arith.mulf %get3A_1054, %mul3A_1064 : f32
    %sub3A_1066 = arith.subf %get3A_1046, %mul3A_1065 : f32
    %max3A_1067 = vector.broadcast %sub3A_1066 : f32 to vector<136x128xf32>
    %max3A_1068 = arith.maximumf %sub3A_183, %max3A_1067 : vector<136x128xf32>
    %sub3A_1069 = arith.subf %min3A_1063, %max3A_1068 : vector<136x128xf32>
    %max3A_1070 = arith.constant 0.000000e+00 : f32
    %max3A_1071 = vector.broadcast %max3A_1070 : f32 to vector<136x128xf32>
    %max3A_1072 = arith.maximumf %sub3A_1069, %max3A_1071 : vector<136x128xf32>
    %mul3A_1073 = arith.constant 5.000000e-01 : f32
    %mul3A_1074 = arith.mulf %get3A_1058, %mul3A_1073 : f32
    %add3A_1075 = arith.addf %get3A_1050, %mul3A_1074 : f32
    %min3A_1076 = vector.broadcast %add3A_1075 : f32 to vector<136x128xf32>
    %min3A_1077 = arith.minimumf %add3A_195, %min3A_1076 : vector<136x128xf32>
    %mul3A_1078 = arith.constant 5.000000e-01 : f32
    %mul3A_1079 = arith.mulf %get3A_1058, %mul3A_1078 : f32
    %sub3A_1080 = arith.subf %get3A_1050, %mul3A_1079 : f32
    %max3A_1081 = vector.broadcast %sub3A_1080 : f32 to vector<136x128xf32>
    %max3A_1082 = arith.maximumf %sub3A_191, %max3A_1081 : vector<136x128xf32>
    %sub3A_1083 = arith.subf %min3A_1077, %max3A_1082 : vector<136x128xf32>
    %max3A_1084 = arith.constant 0.000000e+00 : f32
    %max3A_1085 = vector.broadcast %max3A_1084 : f32 to vector<136x128xf32>
    %max3A_1086 = arith.maximumf %sub3A_1083, %max3A_1085 : vector<136x128xf32>
    %mul3A_1087 = arith.mulf %max3A_1072, %max3A_1086 : vector<136x128xf32>
    %mul3A_1088 = arith.constant 3.000000e+00 : f32
    %mul3A_1089 = vector.broadcast %mul3A_1088 : f32 to vector<136x128xf32>
    %mul3A_1090 = arith.mulf %mul3A_1089, %mul3A_1087 : vector<136x128xf32>
    %mul3A_1091 = arith.mulf %get3A_1054, %get3A_1058 : f32
    %add3A_1092 = vector.broadcast %mul3A_1091 : f32 to vector<136x128xf32>
    %add3A_1093 = arith.addf %mul3A_196, %add3A_1092 : vector<136x128xf32>
    %gt3A_1094 = arith.cmpf ogt, %mul3A_1090, %add3A_1093 : vector<136x128xf32>
    %or3A_1095 = arith.ori %or3A_1042, %gt3A_1094 : vector<136x128xi1>
    %get3A_1096 = arith.constant 0 : index
    %get3A_1097 = arith.constant 0 : index
    %get3A_1098 = arith.constant 68 : index
    %get3A_1099 = memref.load %arg2[%get3A_1096, %get3A_1097, %get3A_1098] : memref<1x1x80xf32, #tpu.memory_space<smem>>
    %get3A_1100 = arith.constant 0 : index
    %get3A_1101 = arith.constant 0 : index
    %get3A_1102 = arith.constant 69 : index
    %get3A_1103 = memref.load %arg2[%get3A_1100, %get3A_1101, %get3A_1102] : memref<1x1x80xf32, #tpu.memory_space<smem>>
    %get3A_1104 = arith.constant 0 : index
    %get3A_1105 = arith.constant 0 : index
    %get3A_1106 = arith.constant 70 : index
    %get3A_1107 = memref.load %arg2[%get3A_1104, %get3A_1105, %get3A_1106] : memref<1x1x80xf32, #tpu.memory_space<smem>>
    %get3A_1108 = arith.constant 0 : index
    %get3A_1109 = arith.constant 0 : index
    %get3A_1110 = arith.constant 71 : index
    %get3A_1111 = memref.load %arg2[%get3A_1108, %get3A_1109, %get3A_1110] : memref<1x1x80xf32, #tpu.memory_space<smem>>
    %mul3A_1112 = arith.constant 5.000000e-01 : f32
    %mul3A_1113 = arith.mulf %get3A_1107, %mul3A_1112 : f32
    %add3A_1114 = arith.addf %get3A_1099, %mul3A_1113 : f32
    %min3A_1115 = vector.broadcast %add3A_1114 : f32 to vector<136x128xf32>
    %min3A_1116 = arith.minimumf %add3A_187, %min3A_1115 : vector<136x128xf32>
    %mul3A_1117 = arith.constant 5.000000e-01 : f32
    %mul3A_1118 = arith.mulf %get3A_1107, %mul3A_1117 : f32
    %sub3A_1119 = arith.subf %get3A_1099, %mul3A_1118 : f32
    %max3A_1120 = vector.broadcast %sub3A_1119 : f32 to vector<136x128xf32>
    %max3A_1121 = arith.maximumf %sub3A_183, %max3A_1120 : vector<136x128xf32>
    %sub3A_1122 = arith.subf %min3A_1116, %max3A_1121 : vector<136x128xf32>
    %max3A_1123 = arith.constant 0.000000e+00 : f32
    %max3A_1124 = vector.broadcast %max3A_1123 : f32 to vector<136x128xf32>
    %max3A_1125 = arith.maximumf %sub3A_1122, %max3A_1124 : vector<136x128xf32>
    %mul3A_1126 = arith.constant 5.000000e-01 : f32
    %mul3A_1127 = arith.mulf %get3A_1111, %mul3A_1126 : f32
    %add3A_1128 = arith.addf %get3A_1103, %mul3A_1127 : f32
    %min3A_1129 = vector.broadcast %add3A_1128 : f32 to vector<136x128xf32>
    %min3A_1130 = arith.minimumf %add3A_195, %min3A_1129 : vector<136x128xf32>
    %mul3A_1131 = arith.constant 5.000000e-01 : f32
    %mul3A_1132 = arith.mulf %get3A_1111, %mul3A_1131 : f32
    %sub3A_1133 = arith.subf %get3A_1103, %mul3A_1132 : f32
    %max3A_1134 = vector.broadcast %sub3A_1133 : f32 to vector<136x128xf32>
    %max3A_1135 = arith.maximumf %sub3A_191, %max3A_1134 : vector<136x128xf32>
    %sub3A_1136 = arith.subf %min3A_1130, %max3A_1135 : vector<136x128xf32>
    %max3A_1137 = arith.constant 0.000000e+00 : f32
    %max3A_1138 = vector.broadcast %max3A_1137 : f32 to vector<136x128xf32>
    %max3A_1139 = arith.maximumf %sub3A_1136, %max3A_1138 : vector<136x128xf32>
    %mul3A_1140 = arith.mulf %max3A_1125, %max3A_1139 : vector<136x128xf32>
    %mul3A_1141 = arith.constant 3.000000e+00 : f32
    %mul3A_1142 = vector.broadcast %mul3A_1141 : f32 to vector<136x128xf32>
    %mul3A_1143 = arith.mulf %mul3A_1142, %mul3A_1140 : vector<136x128xf32>
    %mul3A_1144 = arith.mulf %get3A_1107, %get3A_1111 : f32
    %add3A_1145 = vector.broadcast %mul3A_1144 : f32 to vector<136x128xf32>
    %add3A_1146 = arith.addf %mul3A_196, %add3A_1145 : vector<136x128xf32>
    %gt3A_1147 = arith.cmpf ogt, %mul3A_1143, %add3A_1146 : vector<136x128xf32>
    %or3A_1148 = arith.ori %or3A_1095, %gt3A_1147 : vector<136x128xi1>
    %get3A_1149 = arith.constant 0 : index
    %get3A_1150 = arith.constant 0 : index
    %get3A_1151 = arith.constant 72 : index
    %get3A_1152 = memref.load %arg2[%get3A_1149, %get3A_1150, %get3A_1151] : memref<1x1x80xf32, #tpu.memory_space<smem>>
    %get3A_1153 = arith.constant 0 : index
    %get3A_1154 = arith.constant 0 : index
    %get3A_1155 = arith.constant 73 : index
    %get3A_1156 = memref.load %arg2[%get3A_1153, %get3A_1154, %get3A_1155] : memref<1x1x80xf32, #tpu.memory_space<smem>>
    %get3A_1157 = arith.constant 0 : index
    %get3A_1158 = arith.constant 0 : index
    %get3A_1159 = arith.constant 74 : index
    %get3A_1160 = memref.load %arg2[%get3A_1157, %get3A_1158, %get3A_1159] : memref<1x1x80xf32, #tpu.memory_space<smem>>
    %get3A_1161 = arith.constant 0 : index
    %get3A_1162 = arith.constant 0 : index
    %get3A_1163 = arith.constant 75 : index
    %get3A_1164 = memref.load %arg2[%get3A_1161, %get3A_1162, %get3A_1163] : memref<1x1x80xf32, #tpu.memory_space<smem>>
    %mul3A_1165 = arith.constant 5.000000e-01 : f32
    %mul3A_1166 = arith.mulf %get3A_1160, %mul3A_1165 : f32
    %add3A_1167 = arith.addf %get3A_1152, %mul3A_1166 : f32
    %min3A_1168 = vector.broadcast %add3A_1167 : f32 to vector<136x128xf32>
    %min3A_1169 = arith.minimumf %add3A_187, %min3A_1168 : vector<136x128xf32>
    %mul3A_1170 = arith.constant 5.000000e-01 : f32
    %mul3A_1171 = arith.mulf %get3A_1160, %mul3A_1170 : f32
    %sub3A_1172 = arith.subf %get3A_1152, %mul3A_1171 : f32
    %max3A_1173 = vector.broadcast %sub3A_1172 : f32 to vector<136x128xf32>
    %max3A_1174 = arith.maximumf %sub3A_183, %max3A_1173 : vector<136x128xf32>
    %sub3A_1175 = arith.subf %min3A_1169, %max3A_1174 : vector<136x128xf32>
    %max3A_1176 = arith.constant 0.000000e+00 : f32
    %max3A_1177 = vector.broadcast %max3A_1176 : f32 to vector<136x128xf32>
    %max3A_1178 = arith.maximumf %sub3A_1175, %max3A_1177 : vector<136x128xf32>
    %mul3A_1179 = arith.constant 5.000000e-01 : f32
    %mul3A_1180 = arith.mulf %get3A_1164, %mul3A_1179 : f32
    %add3A_1181 = arith.addf %get3A_1156, %mul3A_1180 : f32
    %min3A_1182 = vector.broadcast %add3A_1181 : f32 to vector<136x128xf32>
    %min3A_1183 = arith.minimumf %add3A_195, %min3A_1182 : vector<136x128xf32>
    %mul3A_1184 = arith.constant 5.000000e-01 : f32
    %mul3A_1185 = arith.mulf %get3A_1164, %mul3A_1184 : f32
    %sub3A_1186 = arith.subf %get3A_1156, %mul3A_1185 : f32
    %max3A_1187 = vector.broadcast %sub3A_1186 : f32 to vector<136x128xf32>
    %max3A_1188 = arith.maximumf %sub3A_191, %max3A_1187 : vector<136x128xf32>
    %sub3A_1189 = arith.subf %min3A_1183, %max3A_1188 : vector<136x128xf32>
    %max3A_1190 = arith.constant 0.000000e+00 : f32
    %max3A_1191 = vector.broadcast %max3A_1190 : f32 to vector<136x128xf32>
    %max3A_1192 = arith.maximumf %sub3A_1189, %max3A_1191 : vector<136x128xf32>
    %mul3A_1193 = arith.mulf %max3A_1178, %max3A_1192 : vector<136x128xf32>
    %mul3A_1194 = arith.constant 3.000000e+00 : f32
    %mul3A_1195 = vector.broadcast %mul3A_1194 : f32 to vector<136x128xf32>
    %mul3A_1196 = arith.mulf %mul3A_1195, %mul3A_1193 : vector<136x128xf32>
    %mul3A_1197 = arith.mulf %get3A_1160, %get3A_1164 : f32
    %add3A_1198 = vector.broadcast %mul3A_1197 : f32 to vector<136x128xf32>
    %add3A_1199 = arith.addf %mul3A_196, %add3A_1198 : vector<136x128xf32>
    %gt3A_1200 = arith.cmpf ogt, %mul3A_1196, %add3A_1199 : vector<136x128xf32>
    %or3A_1201 = arith.ori %or3A_1148, %gt3A_1200 : vector<136x128xi1>
    %get3A_1202 = arith.constant 0 : index
    %get3A_1203 = arith.constant 0 : index
    %get3A_1204 = arith.constant 76 : index
    %get3A_1205 = memref.load %arg2[%get3A_1202, %get3A_1203, %get3A_1204] : memref<1x1x80xf32, #tpu.memory_space<smem>>
    %get3A_1206 = arith.constant 0 : index
    %get3A_1207 = arith.constant 0 : index
    %get3A_1208 = arith.constant 77 : index
    %get3A_1209 = memref.load %arg2[%get3A_1206, %get3A_1207, %get3A_1208] : memref<1x1x80xf32, #tpu.memory_space<smem>>
    %get3A_1210 = arith.constant 0 : index
    %get3A_1211 = arith.constant 0 : index
    %get3A_1212 = arith.constant 78 : index
    %get3A_1213 = memref.load %arg2[%get3A_1210, %get3A_1211, %get3A_1212] : memref<1x1x80xf32, #tpu.memory_space<smem>>
    %get3A_1214 = arith.constant 0 : index
    %get3A_1215 = arith.constant 0 : index
    %get3A_1216 = arith.constant 79 : index
    %get3A_1217 = memref.load %arg2[%get3A_1214, %get3A_1215, %get3A_1216] : memref<1x1x80xf32, #tpu.memory_space<smem>>
    %mul3A_1218 = arith.constant 5.000000e-01 : f32
    %mul3A_1219 = arith.mulf %get3A_1213, %mul3A_1218 : f32
    %add3A_1220 = arith.addf %get3A_1205, %mul3A_1219 : f32
    %min3A_1221 = vector.broadcast %add3A_1220 : f32 to vector<136x128xf32>
    %min3A_1222 = arith.minimumf %add3A_187, %min3A_1221 : vector<136x128xf32>
    %mul3A_1223 = arith.constant 5.000000e-01 : f32
    %mul3A_1224 = arith.mulf %get3A_1213, %mul3A_1223 : f32
    %sub3A_1225 = arith.subf %get3A_1205, %mul3A_1224 : f32
    %max3A_1226 = vector.broadcast %sub3A_1225 : f32 to vector<136x128xf32>
    %max3A_1227 = arith.maximumf %sub3A_183, %max3A_1226 : vector<136x128xf32>
    %sub3A_1228 = arith.subf %min3A_1222, %max3A_1227 : vector<136x128xf32>
    %max3A_1229 = arith.constant 0.000000e+00 : f32
    %max3A_1230 = vector.broadcast %max3A_1229 : f32 to vector<136x128xf32>
    %max3A_1231 = arith.maximumf %sub3A_1228, %max3A_1230 : vector<136x128xf32>
    %mul3A_1232 = arith.constant 5.000000e-01 : f32
    %mul3A_1233 = arith.mulf %get3A_1217, %mul3A_1232 : f32
    %add3A_1234 = arith.addf %get3A_1209, %mul3A_1233 : f32
    %min3A_1235 = vector.broadcast %add3A_1234 : f32 to vector<136x128xf32>
    %min3A_1236 = arith.minimumf %add3A_195, %min3A_1235 : vector<136x128xf32>
    %mul3A_1237 = arith.constant 5.000000e-01 : f32
    %mul3A_1238 = arith.mulf %get3A_1217, %mul3A_1237 : f32
    %sub3A_1239 = arith.subf %get3A_1209, %mul3A_1238 : f32
    %max3A_1240 = vector.broadcast %sub3A_1239 : f32 to vector<136x128xf32>
    %max3A_1241 = arith.maximumf %sub3A_191, %max3A_1240 : vector<136x128xf32>
    %sub3A_1242 = arith.subf %min3A_1236, %max3A_1241 : vector<136x128xf32>
    %max3A_1243 = arith.constant 0.000000e+00 : f32
    %max3A_1244 = vector.broadcast %max3A_1243 : f32 to vector<136x128xf32>
    %max3A_1245 = arith.maximumf %sub3A_1242, %max3A_1244 : vector<136x128xf32>
    %mul3A_1246 = arith.mulf %max3A_1231, %max3A_1245 : vector<136x128xf32>
    %mul3A_1247 = arith.constant 3.000000e+00 : f32
    %mul3A_1248 = vector.broadcast %mul3A_1247 : f32 to vector<136x128xf32>
    %mul3A_1249 = arith.mulf %mul3A_1248, %mul3A_1246 : vector<136x128xf32>
    %mul3A_1250 = arith.mulf %get3A_1213, %get3A_1217 : f32
    %add3A_1251 = vector.broadcast %mul3A_1250 : f32 to vector<136x128xf32>
    %add3A_1252 = arith.addf %mul3A_196, %add3A_1251 : vector<136x128xf32>
    %gt3A_1253 = arith.cmpf ogt, %mul3A_1249, %add3A_1252 : vector<136x128xf32>
    %or3A_1254 = arith.ori %or3A_1201, %gt3A_1253 : vector<136x128xi1>
    %not3A = arith.constant dense<true> : vector<136x128xi1>
    %not3A_1255 = arith.xori %lt3A_101, %not3A : vector<136x128xi1>
    %or3A_1256 = arith.ori %or3A_1254, %not3A_1255 : vector<136x128xi1>
    %custom_jvp_call3A = arith.constant 0.000000e+00 : f32
    %max3A_1257 = vector.broadcast %custom_jvp_call3A : f32 to vector<136x128xf32>
    %max3A_1258 = arith.maximumf %max3A_1257, %get3A_157 : vector<136x128xf32>
    %sub3A_1259 = vector.broadcast %custom_jvp_call3A : f32 to vector<136x128xf32>
    %sub3A_1260 = arith.subf %sub3A_1259, %get3A_157 : vector<136x128xf32>
    %ne3A_1261 = arith.cmpf one, %sub3A_1260, %sub3A_1260 : vector<136x128xf32>
    %add3A_1262 = vector.broadcast %custom_jvp_call3A : f32 to vector<136x128xf32>
    %add3A_1263 = arith.addf %add3A_1262, %get3A_157 : vector<136x128xf32>
    %abs3A = math.absf %sub3A_1260 : vector<136x128xf32>
    %neg3A = arith.constant 0.000000e+00 : f32
    %neg3A_1264 = vector.broadcast %neg3A : f32 to vector<136x128xf32>
    %neg3A_1265 = arith.subf %neg3A_1264, %abs3A : vector<136x128xf32>
    %exp3A_1266 = math.exp %neg3A_1265 : vector<136x128xf32>
    %log1p3A = math.log1p %exp3A_1266 : vector<136x128xf32>
    %add3A_1267 = arith.addf %max3A_1258, %log1p3A : vector<136x128xf32>
    %select_n3A_1268 = arith.select %ne3A_1261, %add3A_1263, %add3A_1267 : vector<136x128xi1>, vector<136x128xf32>
    %jit3A_1269 = arith.constant 0.000000e+00 : f32
    %broadcast_in_dim3A_1270 = vector.broadcast %jit3A_1269 : f32 to vector<136x128xf32>
    %select_n3A_1271 = arith.select %or3A_1256, %broadcast_in_dim3A_1270, %select_n3A_1268 : vector<136x128xi1>, vector<136x128xf32>
    %reduce_sum3A = vector.shape_cast %select_n3A_1271 : vector<136x128xf32> to vector<1x136x128xf32>
    %reduce_sum3A_1272 = arith.constant dense<0.000000e+00> : vector<1xf32>
    %reduce_sum3A_1273 = vector.multi_reduction <add>, %reduce_sum3A, %reduce_sum3A_1272 [1, 2] : vector<1x136x128xf32> to vector<1xf32>
    %reduce_sum3A_1274 = vector.shape_cast %reduce_sum3A_1273 : vector<1xf32> to vector<1x1x1xf32>
    %reduce_sum3A_1275 = vector.extract %reduce_sum3A_1274[0, 0, 0] : f32 from vector<1x1x1xf32>
    %get3A_1276 = arith.constant 0 : index
    %get3A_1277 = arith.constant 0 : index
    %get3A_1278 = arith.constant 0 : index
    %get3A_1279 = vector.load %arg4[%get3A_1276, %get3A_1277, %get3A_1278] : memref<1x20x16xf32, #tpu.memory_space<vmem>>, vector<1x20x16xf32>
    %get3A_1280 = vector.shape_cast %get3A_1279 : vector<1x20x16xf32> to vector<20x16xf32>
    %slice3A = vector.extract_strided_slice %get3A_1280 {offsets = [0, 0], sizes = [20, 1], strides = [1, 1]} : vector<20x16xf32> to vector<20x1xf32>
    %slice3A_1281 = vector.extract_strided_slice %get3A_1280 {offsets = [0, 1], sizes = [20, 1], strides = [1, 1]} : vector<20x16xf32> to vector<20x1xf32>
    %slice3A_1282 = vector.extract_strided_slice %get3A_1280 {offsets = [0, 2], sizes = [20, 1], strides = [1, 1]} : vector<20x16xf32> to vector<20x1xf32>
    %slice3A_1283 = vector.extract_strided_slice %get3A_1280 {offsets = [0, 3], sizes = [20, 1], strides = [1, 1]} : vector<20x16xf32> to vector<20x1xf32>
    %slice3A_1284 = vector.extract_strided_slice %get3A_1280 {offsets = [0, 4], sizes = [20, 1], strides = [1, 1]} : vector<20x16xf32> to vector<20x1xf32>
    %slice3A_1285 = vector.extract_strided_slice %get3A_1280 {offsets = [0, 5], sizes = [20, 1], strides = [1, 1]} : vector<20x16xf32> to vector<20x1xf32>
    %slice3A_1286 = vector.extract_strided_slice %get3A_1280 {offsets = [0, 6], sizes = [20, 1], strides = [1, 1]} : vector<20x16xf32> to vector<20x1xf32>
    %slice3A_1287 = vector.extract_strided_slice %get3A_1280 {offsets = [0, 7], sizes = [20, 1], strides = [1, 1]} : vector<20x16xf32> to vector<20x1xf32>
    %get3A_1288 = arith.constant 0 : index
    %get3A_1289 = arith.constant 0 : index
    %get3A_1290 = arith.constant 0 : index
    %get3A_1291 = vector.load %arg6[%get3A_1288, %get3A_1289, %get3A_1290] : memref<1x32x85xf32, #tpu.memory_space<vmem>>, vector<1x20x85xf32>
    %get3A_1292 = vector.shape_cast %get3A_1291 : vector<1x20x85xf32> to vector<20x85xf32>
    %get3A_1293 = arith.constant 0 : index
    %get3A_1294 = arith.constant 0 : index
    %get3A_1295 = arith.constant 0 : index
    %get3A_1296 = vector.load %arg5[%get3A_1293, %get3A_1294, %get3A_1295] : memref<1x20x85xf32, #tpu.memory_space<vmem>>, vector<1x20x85xf32>
    %get3A_1297 = vector.shape_cast %get3A_1296 : vector<1x20x85xf32> to vector<20x85xf32>
    %iota3A_1298 = tpu.iota {dimensions = array<i32: 1>} : vector<1x85xi32>
    %logistic3A_1299 = arith.negf %get3A_1292 : vector<20x85xf32>
    %logistic3A_1300 = math.exp %logistic3A_1299 : vector<20x85xf32>
    %logistic3A_1301 = arith.constant 1.000000e+00 : f32
    %logistic3A_1302 = vector.broadcast %logistic3A_1301 : f32 to vector<20x85xf32>
    %logistic3A_1303 = arith.addf %logistic3A_1302, %logistic3A_1300 : vector<20x85xf32>
    %logistic3A_1304 = arith.divf %logistic3A_1302, %logistic3A_1303 : vector<20x85xf32>
    %exp3A_1305 = math.exp %get3A_1292 : vector<20x85xf32>
    %custom_jvp_call3A_1306 = arith.constant 0.000000e+00 : f32
    %max3A_1307 = vector.broadcast %custom_jvp_call3A_1306 : f32 to vector<20x85xf32>
    %max3A_1308 = arith.maximumf %max3A_1307, %get3A_1292 : vector<20x85xf32>
    %sub3A_1309 = vector.broadcast %custom_jvp_call3A_1306 : f32 to vector<20x85xf32>
    %sub3A_1310 = arith.subf %sub3A_1309, %get3A_1292 : vector<20x85xf32>
    %ne3A_1311 = arith.cmpf one, %sub3A_1310, %sub3A_1310 : vector<20x85xf32>
    %add3A_1312 = vector.broadcast %custom_jvp_call3A_1306 : f32 to vector<20x85xf32>
    %add3A_1313 = arith.addf %add3A_1312, %get3A_1292 : vector<20x85xf32>
    %abs3A_1314 = math.absf %sub3A_1310 : vector<20x85xf32>
    %neg3A_1315 = arith.constant 0.000000e+00 : f32
    %neg3A_1316 = vector.broadcast %neg3A_1315 : f32 to vector<20x85xf32>
    %neg3A_1317 = arith.subf %neg3A_1316, %abs3A_1314 : vector<20x85xf32>
    %exp3A_1318 = math.exp %neg3A_1317 : vector<20x85xf32>
    %log1p3A_1319 = math.log1p %exp3A_1318 : vector<20x85xf32>
    %add3A_1320 = arith.addf %max3A_1308, %log1p3A_1319 : vector<20x85xf32>
    %select_n3A_1321 = arith.select %ne3A_1311, %add3A_1313, %add3A_1320 : vector<20x85xi1>, vector<20x85xf32>
    %eq3A_1322 = arith.constant 0.000000e+00 : f32
    %eq3A_1323 = vector.broadcast %eq3A_1322 : f32 to vector<20x1xf32>
    %eq3A_1324 = arith.cmpf oeq, %slice3A_1281, %eq3A_1323 : vector<20x1xf32>
    %eq3A_1325 = arith.constant 1.000000e+00 : f32
    %eq3A_1326 = vector.broadcast %eq3A_1325 : f32 to vector<20x1xf32>
    %eq3A_1327 = arith.cmpf oeq, %slice3A_1281, %eq3A_1326 : vector<20x1xf32>
    %jit3A_1328 = arith.constant 0.256578952 : f32
    %jit3A_1329 = arith.constant 0.613486826 : f32
    %broadcast_in_dim3A_1330 = vector.broadcast %jit3A_1328 : f32 to vector<20x1xf32>
    %broadcast_in_dim3A_1331 = vector.broadcast %jit3A_1329 : f32 to vector<20x1xf32>
    %select_n3A_1332 = arith.select %eq3A_1327, %broadcast_in_dim3A_1330, %broadcast_in_dim3A_1331 : vector<20x1xi1>, vector<20x1xf32>
    %jit3A_1333 = arith.constant 0.190789476 : f32
    %broadcast_in_dim3A_1334 = vector.broadcast %jit3A_1333 : f32 to vector<20x1xf32>
    %select_n3A_1335 = arith.select %eq3A_1324, %broadcast_in_dim3A_1334, %select_n3A_1332 : vector<20x1xi1>, vector<20x1xf32>
    %eq3A_1336 = arith.constant 0.000000e+00 : f32
    %eq3A_1337 = vector.broadcast %eq3A_1336 : f32 to vector<20x1xf32>
    %eq3A_1338 = arith.cmpf oeq, %slice3A_1281, %eq3A_1337 : vector<20x1xf32>
    %eq3A_1339 = arith.constant 1.000000e+00 : f32
    %eq3A_1340 = vector.broadcast %eq3A_1339 : f32 to vector<20x1xf32>
    %eq3A_1341 = arith.cmpf oeq, %slice3A_1281, %eq3A_1340 : vector<20x1xf32>
    %jit3A_1342 = arith.constant 0.325657904 : f32
    %jit3A_1343 = arith.constant 0.536184192 : f32
    %broadcast_in_dim3A_1344 = vector.broadcast %jit3A_1342 : f32 to vector<20x1xf32>
    %broadcast_in_dim3A_1345 = vector.broadcast %jit3A_1343 : f32 to vector<20x1xf32>
    %select_n3A_1346 = arith.select %eq3A_1341, %broadcast_in_dim3A_1344, %broadcast_in_dim3A_1345 : vector<20x1xi1>, vector<20x1xf32>
    %jit3A_1347 = arith.constant 0.148026317 : f32
    %broadcast_in_dim3A_1348 = vector.broadcast %jit3A_1347 : f32 to vector<20x1xf32>
    %select_n3A_1349 = arith.select %eq3A_1338, %broadcast_in_dim3A_1348, %select_n3A_1346 : vector<20x1xi1>, vector<20x1xf32>
    %eq3A_1350 = arith.constant 0 : i32
    %eq3A_1351 = vector.broadcast %eq3A_1350 : i32 to vector<1x85xi32>
    %eq3A_1352 = arith.cmpi eq, %iota3A_1298, %eq3A_1351 : vector<1x85xi32>
    %broadcast_in_dim3A_1353 = vector.shape_cast %eq3A_1352 : vector<1x85xi1> to vector<1x85xi1>
    %broadcast_in_dim3A_1354 = vector.broadcast %broadcast_in_dim3A_1353 : vector<1x85xi1> to vector<20x85xi1>
    %broadcast_in_dim3A_1355 = vector.shape_cast %slice3A_1282 : vector<20x1xf32> to vector<20x1xf32>
    %broadcast_in_dim3A_1356 = vector.broadcast %broadcast_in_dim3A_1355 : vector<20x1xf32> to vector<20x85xf32>
    %broadcast_in_dim3A_1357 = vector.shape_cast %slice3A_1283 : vector<20x1xf32> to vector<20x1xf32>
    %broadcast_in_dim3A_1358 = vector.broadcast %broadcast_in_dim3A_1357 : vector<20x1xf32> to vector<20x85xf32>
    %select_n3A_1359 = arith.select %broadcast_in_dim3A_1354, %broadcast_in_dim3A_1356, %broadcast_in_dim3A_1358 : vector<20x85xi1>, vector<20x85xf32>
    %eq3A_1360 = arith.constant 2 : i32
    %eq3A_1361 = vector.broadcast %eq3A_1360 : i32 to vector<1x85xi32>
    %eq3A_1362 = arith.cmpi eq, %iota3A_1298, %eq3A_1361 : vector<1x85xi32>
    %broadcast_in_dim3A_1363 = vector.shape_cast %eq3A_1362 : vector<1x85xi1> to vector<1x85xi1>
    %broadcast_in_dim3A_1364 = vector.broadcast %broadcast_in_dim3A_1363 : vector<1x85xi1> to vector<20x85xi1>
    %broadcast_in_dim3A_1365 = vector.shape_cast %select_n3A_1335 : vector<20x1xf32> to vector<20x1xf32>
    %broadcast_in_dim3A_1366 = vector.broadcast %broadcast_in_dim3A_1365 : vector<20x1xf32> to vector<20x85xf32>
    %broadcast_in_dim3A_1367 = vector.shape_cast %select_n3A_1349 : vector<20x1xf32> to vector<20x1xf32>
    %broadcast_in_dim3A_1368 = vector.broadcast %broadcast_in_dim3A_1367 : vector<20x1xf32> to vector<20x85xf32>
    %select_n3A_1369 = arith.select %broadcast_in_dim3A_1364, %broadcast_in_dim3A_1366, %broadcast_in_dim3A_1368 : vector<20x85xi1>, vector<20x85xf32>
    %add3A_1370 = arith.addf %logistic3A_1304, %select_n3A_1359 : vector<20x85xf32>
    %mul3A_1371 = arith.constant 0.0131578948 : f32
    %mul3A_1372 = vector.broadcast %mul3A_1371 : f32 to vector<20x85xf32>
    %mul3A_1373 = arith.mulf %add3A_1370, %mul3A_1372 : vector<20x85xf32>
    %mul3A_1374 = arith.mulf %exp3A_1305, %select_n3A_1369 : vector<20x85xf32>
    %eq3A_1375 = arith.constant 0 : i32
    %eq3A_1376 = vector.broadcast %eq3A_1375 : i32 to vector<1x85xi32>
    %eq3A_1377 = arith.cmpi eq, %iota3A_1298, %eq3A_1376 : vector<1x85xi32>
    %eq3A_1378 = arith.constant 1 : i32
    %eq3A_1379 = vector.broadcast %eq3A_1378 : i32 to vector<1x85xi32>
    %eq3A_1380 = arith.cmpi eq, %iota3A_1298, %eq3A_1379 : vector<1x85xi32>
    %eq3A_1381 = arith.constant 2 : i32
    %eq3A_1382 = vector.broadcast %eq3A_1381 : i32 to vector<1x85xi32>
    %eq3A_1383 = arith.cmpi eq, %iota3A_1298, %eq3A_1382 : vector<1x85xi32>
    %broadcast_in_dim3A_1384 = vector.shape_cast %eq3A_1383 : vector<1x85xi1> to vector<1x85xi1>
    %broadcast_in_dim3A_1385 = vector.broadcast %broadcast_in_dim3A_1384 : vector<1x85xi1> to vector<20x85xi1>
    %broadcast_in_dim3A_1386 = vector.shape_cast %slice3A_1286 : vector<20x1xf32> to vector<20x1xf32>
    %broadcast_in_dim3A_1387 = vector.broadcast %broadcast_in_dim3A_1386 : vector<20x1xf32> to vector<20x85xf32>
    %broadcast_in_dim3A_1388 = vector.shape_cast %slice3A_1287 : vector<20x1xf32> to vector<20x1xf32>
    %broadcast_in_dim3A_1389 = vector.broadcast %broadcast_in_dim3A_1388 : vector<20x1xf32> to vector<20x85xf32>
    %select_n3A_1390 = arith.select %broadcast_in_dim3A_1385, %broadcast_in_dim3A_1387, %broadcast_in_dim3A_1389 : vector<20x85xi1>, vector<20x85xf32>
    %broadcast_in_dim3A_1391 = vector.shape_cast %eq3A_1380 : vector<1x85xi1> to vector<1x85xi1>
    %broadcast_in_dim3A_1392 = vector.broadcast %broadcast_in_dim3A_1391 : vector<1x85xi1> to vector<20x85xi1>
    %broadcast_in_dim3A_1393 = vector.shape_cast %slice3A_1285 : vector<20x1xf32> to vector<20x1xf32>
    %broadcast_in_dim3A_1394 = vector.broadcast %broadcast_in_dim3A_1393 : vector<20x1xf32> to vector<20x85xf32>
    %select_n3A_1395 = arith.select %broadcast_in_dim3A_1392, %broadcast_in_dim3A_1394, %select_n3A_1390 : vector<20x85xi1>, vector<20x85xf32>
    %broadcast_in_dim3A_1396 = vector.shape_cast %eq3A_1377 : vector<1x85xi1> to vector<1x85xi1>
    %broadcast_in_dim3A_1397 = vector.broadcast %broadcast_in_dim3A_1396 : vector<1x85xi1> to vector<20x85xi1>
    %broadcast_in_dim3A_1398 = vector.shape_cast %slice3A_1284 : vector<20x1xf32> to vector<20x1xf32>
    %broadcast_in_dim3A_1399 = vector.broadcast %broadcast_in_dim3A_1398 : vector<20x1xf32> to vector<20x85xf32>
    %select_n3A_1400 = arith.select %broadcast_in_dim3A_1397, %broadcast_in_dim3A_1399, %select_n3A_1395 : vector<20x85xi1>, vector<20x85xf32>
    %le3A = arith.constant 1 : i32
    %le3A_1401 = vector.broadcast %le3A : i32 to vector<1x85xi32>
    %le3A_1402 = arith.cmpi sle, %iota3A_1298, %le3A_1401 : vector<1x85xi32>
    %convert_element_type3A_1403 = arith.extui %le3A_1402 : vector<1x85xi1> to vector<1x85xi32>
    %convert_element_type3A_1404 = arith.sitofp %convert_element_type3A_1403 : vector<1x85xi32> to vector<1x85xf32>
    %eq3A_1405 = arith.constant 2 : i32
    %eq3A_1406 = vector.broadcast %eq3A_1405 : i32 to vector<1x85xi32>
    %eq3A_1407 = arith.cmpi eq, %iota3A_1298, %eq3A_1406 : vector<1x85xi32>
    %eq3A_1408 = arith.constant 3 : i32
    %eq3A_1409 = vector.broadcast %eq3A_1408 : i32 to vector<1x85xi32>
    %eq3A_1410 = arith.cmpi eq, %iota3A_1298, %eq3A_1409 : vector<1x85xi32>
    %or3A_1411 = arith.ori %eq3A_1407, %eq3A_1410 : vector<1x85xi1>
    %convert_element_type3A_1412 = arith.extui %or3A_1411 : vector<1x85xi1> to vector<1x85xi32>
    %convert_element_type3A_1413 = arith.sitofp %convert_element_type3A_1412 : vector<1x85xi32> to vector<1x85xf32>
    %eq3A_1414 = arith.constant 4 : i32
    %eq3A_1415 = vector.broadcast %eq3A_1414 : i32 to vector<1x85xi32>
    %eq3A_1416 = arith.cmpi eq, %iota3A_1298, %eq3A_1415 : vector<1x85xi32>
    %convert_element_type3A_1417 = arith.extui %eq3A_1416 : vector<1x85xi1> to vector<1x85xi32>
    %convert_element_type3A_1418 = arith.sitofp %convert_element_type3A_1417 : vector<1x85xi32> to vector<1x85xf32>
    %ge3A = arith.constant 5 : i32
    %ge3A_1419 = vector.broadcast %ge3A : i32 to vector<1x85xi32>
    %ge3A_1420 = arith.cmpi sge, %iota3A_1298, %ge3A_1419 : vector<1x85xi32>
    %convert_element_type3A_1421 = arith.extui %ge3A_1420 : vector<1x85xi1> to vector<1x85xi32>
    %convert_element_type3A_1422 = arith.sitofp %convert_element_type3A_1421 : vector<1x85xi32> to vector<1x85xf32>
    %sub3A_1423 = arith.subf %mul3A_1373, %select_n3A_1400 : vector<20x85xf32>
    %sub3A_1424 = arith.subf %mul3A_1374, %select_n3A_1400 : vector<20x85xf32>
    %mul3A_1425 = arith.mulf %sub3A_1423, %sub3A_1423 : vector<20x85xf32>
    %mul3A_1426 = vector.broadcast %convert_element_type3A_1404 : vector<1x85xf32> to vector<20x85xf32>
    %mul3A_1427 = arith.mulf %mul3A_1425, %mul3A_1426 : vector<20x85xf32>
    %mul3A_1428 = arith.mulf %sub3A_1424, %sub3A_1424 : vector<20x85xf32>
    %mul3A_1429 = vector.broadcast %convert_element_type3A_1413 : vector<1x85xf32> to vector<20x85xf32>
    %mul3A_1430 = arith.mulf %mul3A_1428, %mul3A_1429 : vector<20x85xf32>
    %add3A_1431 = arith.addf %mul3A_1427, %mul3A_1430 : vector<20x85xf32>
    %mul3A_1432 = vector.broadcast %slice3A : vector<20x1xf32> to vector<20x85xf32>
    %mul3A_1433 = arith.mulf %mul3A_1432, %add3A_1431 : vector<20x85xf32>
    %reduce_sum3A_1434 = vector.shape_cast %mul3A_1433 : vector<20x85xf32> to vector<1x20x85xf32>
    %reduce_sum3A_1435 = arith.constant dense<0.000000e+00> : vector<1xf32>
    %reduce_sum3A_1436 = vector.multi_reduction <add>, %reduce_sum3A_1434, %reduce_sum3A_1435 [1, 2] : vector<1x20x85xf32> to vector<1xf32>
    %reduce_sum3A_1437 = vector.shape_cast %reduce_sum3A_1436 : vector<1xf32> to vector<1x1x1xf32>
    %reduce_sum3A_1438 = vector.extract %reduce_sum3A_1437[0, 0, 0] : f32 from vector<1x1x1xf32>
    %mul3A_1439 = arith.mulf %get3A_1292, %get3A_1297 : vector<20x85xf32>
    %sub3A_1440 = arith.subf %select_n3A_1321, %mul3A_1439 : vector<20x85xf32>
    %mul3A_1441 = vector.broadcast %slice3A : vector<20x1xf32> to vector<20x85xf32>
    %mul3A_1442 = arith.mulf %mul3A_1441, %sub3A_1440 : vector<20x85xf32>
    %mul3A_1443 = vector.broadcast %convert_element_type3A_1422 : vector<1x85xf32> to vector<20x85xf32>
    %mul3A_1444 = arith.mulf %mul3A_1442, %mul3A_1443 : vector<20x85xf32>
    %reduce_sum3A_1445 = vector.shape_cast %mul3A_1444 : vector<20x85xf32> to vector<1x20x85xf32>
    %reduce_sum3A_1446 = arith.constant dense<0.000000e+00> : vector<1xf32>
    %reduce_sum3A_1447 = vector.multi_reduction <add>, %reduce_sum3A_1445, %reduce_sum3A_1446 [1, 2] : vector<1x20x85xf32> to vector<1xf32>
    %reduce_sum3A_1448 = vector.shape_cast %reduce_sum3A_1447 : vector<1xf32> to vector<1x1x1xf32>
    %reduce_sum3A_1449 = vector.extract %reduce_sum3A_1448[0, 0, 0] : f32 from vector<1x1x1xf32>
    %mul3A_1450 = vector.broadcast %convert_element_type3A_1418 : vector<1x85xf32> to vector<20x85xf32>
    %mul3A_1451 = arith.mulf %get3A_1292, %mul3A_1450 : vector<20x85xf32>
    %reduce_sum3A_1452 = arith.constant dense<0.000000e+00> : vector<20xf32>
    %reduce_sum3A_1453 = vector.multi_reduction <add>, %mul3A_1451, %reduce_sum3A_1452 [1] : vector<20x85xf32> to vector<20xf32>
    %broadcast_in_dim3A_1454 = vector.shape_cast %reduce_sum3A_1453 : vector<20xf32> to vector<20x1xf32>
    %mul3A_1455 = vector.broadcast %convert_element_type3A_1418 : vector<1x85xf32> to vector<20x85xf32>
    %mul3A_1456 = arith.mulf %select_n3A_1321, %mul3A_1455 : vector<20x85xf32>
    %reduce_sum3A_1457 = arith.constant dense<0.000000e+00> : vector<20xf32>
    %reduce_sum3A_1458 = vector.multi_reduction <add>, %mul3A_1456, %reduce_sum3A_1457 [1] : vector<20x85xf32> to vector<20xf32>
    %broadcast_in_dim3A_1459 = vector.shape_cast %reduce_sum3A_1458 : vector<20xf32> to vector<20x1xf32>
    %eq3A_1460 = arith.constant 0 : i32
    %eq3A_1461 = vector.broadcast %eq3A_1460 : i32 to vector<1x85xi32>
    %eq3A_1462 = arith.cmpi eq, %iota3A_1298, %eq3A_1461 : vector<1x85xi32>
    %convert_element_type3A_1463 = arith.extui %eq3A_1462 : vector<1x85xi1> to vector<1x85xi32>
    %convert_element_type3A_1464 = arith.sitofp %convert_element_type3A_1463 : vector<1x85xi32> to vector<1x85xf32>
    %mul3A_1465 = vector.broadcast %convert_element_type3A_1464 : vector<1x85xf32> to vector<20x85xf32>
    %mul3A_1466 = arith.mulf %mul3A_1373, %mul3A_1465 : vector<20x85xf32>
    %reduce_sum3A_1467 = arith.constant dense<0.000000e+00> : vector<20xf32>
    %reduce_sum3A_1468 = vector.multi_reduction <add>, %mul3A_1466, %reduce_sum3A_1467 [1] : vector<20x85xf32> to vector<20xf32>
    %broadcast_in_dim3A_1469 = vector.shape_cast %reduce_sum3A_1468 : vector<20xf32> to vector<20x1xf32>
    %eq3A_1470 = arith.constant 1 : i32
    %eq3A_1471 = vector.broadcast %eq3A_1470 : i32 to vector<1x85xi32>
    %eq3A_1472 = arith.cmpi eq, %iota3A_1298, %eq3A_1471 : vector<1x85xi32>
    %convert_element_type3A_1473 = arith.extui %eq3A_1472 : vector<1x85xi1> to vector<1x85xi32>
    %convert_element_type3A_1474 = arith.sitofp %convert_element_type3A_1473 : vector<1x85xi32> to vector<1x85xf32>
    %mul3A_1475 = vector.broadcast %convert_element_type3A_1474 : vector<1x85xf32> to vector<20x85xf32>
    %mul3A_1476 = arith.mulf %mul3A_1373, %mul3A_1475 : vector<20x85xf32>
    %reduce_sum3A_1477 = arith.constant dense<0.000000e+00> : vector<20xf32>
    %reduce_sum3A_1478 = vector.multi_reduction <add>, %mul3A_1476, %reduce_sum3A_1477 [1] : vector<20x85xf32> to vector<20xf32>
    %broadcast_in_dim3A_1479 = vector.shape_cast %reduce_sum3A_1478 : vector<20xf32> to vector<20x1xf32>
    %eq3A_1480 = arith.constant 2 : i32
    %eq3A_1481 = vector.broadcast %eq3A_1480 : i32 to vector<1x85xi32>
    %eq3A_1482 = arith.cmpi eq, %iota3A_1298, %eq3A_1481 : vector<1x85xi32>
    %convert_element_type3A_1483 = arith.extui %eq3A_1482 : vector<1x85xi1> to vector<1x85xi32>
    %convert_element_type3A_1484 = arith.sitofp %convert_element_type3A_1483 : vector<1x85xi32> to vector<1x85xf32>
    %mul3A_1485 = vector.broadcast %convert_element_type3A_1484 : vector<1x85xf32> to vector<20x85xf32>
    %mul3A_1486 = arith.mulf %mul3A_1374, %mul3A_1485 : vector<20x85xf32>
    %reduce_sum3A_1487 = arith.constant dense<0.000000e+00> : vector<20xf32>
    %reduce_sum3A_1488 = vector.multi_reduction <add>, %mul3A_1486, %reduce_sum3A_1487 [1] : vector<20x85xf32> to vector<20xf32>
    %broadcast_in_dim3A_1489 = vector.shape_cast %reduce_sum3A_1488 : vector<20xf32> to vector<20x1xf32>
    %eq3A_1490 = arith.constant 3 : i32
    %eq3A_1491 = vector.broadcast %eq3A_1490 : i32 to vector<1x85xi32>
    %eq3A_1492 = arith.cmpi eq, %iota3A_1298, %eq3A_1491 : vector<1x85xi32>
    %convert_element_type3A_1493 = arith.extui %eq3A_1492 : vector<1x85xi1> to vector<1x85xi32>
    %convert_element_type3A_1494 = arith.sitofp %convert_element_type3A_1493 : vector<1x85xi32> to vector<1x85xf32>
    %mul3A_1495 = vector.broadcast %convert_element_type3A_1494 : vector<1x85xf32> to vector<20x85xf32>
    %mul3A_1496 = arith.mulf %mul3A_1374, %mul3A_1495 : vector<20x85xf32>
    %reduce_sum3A_1497 = arith.constant dense<0.000000e+00> : vector<20xf32>
    %reduce_sum3A_1498 = vector.multi_reduction <add>, %mul3A_1496, %reduce_sum3A_1497 [1] : vector<20x85xf32> to vector<20xf32>
    %broadcast_in_dim3A_1499 = vector.shape_cast %reduce_sum3A_1498 : vector<20xf32> to vector<20x1xf32>
    %get3A_1500 = arith.constant 0 : index
    %get3A_1501 = arith.constant 0 : index
    %get3A_1502 = arith.constant 0 : index
    %get3A_1503 = vector.load %arg3[%get3A_1500, %get3A_1501, %get3A_1502] : memref<1x4x20xf32, #tpu.memory_space<vmem>>, vector<1x4x20xf32>
    %get3A_1504 = vector.shape_cast %get3A_1503 : vector<1x4x20xf32> to vector<4x20xf32>
    %slice3A_1505 = vector.extract_strided_slice %get3A_1504 {offsets = [0, 0], sizes = [1, 20], strides = [1, 1]} : vector<4x20xf32> to vector<1x20xf32>
    %slice3A_1506 = vector.extract_strided_slice %get3A_1504 {offsets = [1, 0], sizes = [1, 20], strides = [1, 1]} : vector<4x20xf32> to vector<1x20xf32>
    %slice3A_1507 = vector.extract_strided_slice %get3A_1504 {offsets = [2, 0], sizes = [1, 20], strides = [1, 1]} : vector<4x20xf32> to vector<1x20xf32>
    %slice3A_1508 = vector.extract_strided_slice %get3A_1504 {offsets = [3, 0], sizes = [1, 20], strides = [1, 1]} : vector<4x20xf32> to vector<1x20xf32>
    %mul3A_1509 = arith.constant 5.000000e-01 : f32
    %mul3A_1510 = vector.broadcast %mul3A_1509 : f32 to vector<1x20xf32>
    %mul3A_1511 = arith.mulf %slice3A_1507, %mul3A_1510 : vector<1x20xf32>
    %sub3A_1512 = arith.subf %slice3A_1505, %mul3A_1511 : vector<1x20xf32>
    %mul3A_1513 = arith.constant 5.000000e-01 : f32
    %mul3A_1514 = vector.broadcast %mul3A_1513 : f32 to vector<1x20xf32>
    %mul3A_1515 = arith.mulf %slice3A_1507, %mul3A_1514 : vector<1x20xf32>
    %add3A_1516 = arith.addf %slice3A_1505, %mul3A_1515 : vector<1x20xf32>
    %mul3A_1517 = arith.constant 5.000000e-01 : f32
    %mul3A_1518 = vector.broadcast %mul3A_1517 : f32 to vector<1x20xf32>
    %mul3A_1519 = arith.mulf %slice3A_1508, %mul3A_1518 : vector<1x20xf32>
    %sub3A_1520 = arith.subf %slice3A_1506, %mul3A_1519 : vector<1x20xf32>
    %mul3A_1521 = arith.constant 5.000000e-01 : f32
    %mul3A_1522 = vector.broadcast %mul3A_1521 : f32 to vector<1x20xf32>
    %mul3A_1523 = arith.mulf %slice3A_1508, %mul3A_1522 : vector<1x20xf32>
    %add3A_1524 = arith.addf %slice3A_1506, %mul3A_1523 : vector<1x20xf32>
    %mul3A_1525 = arith.mulf %slice3A_1507, %slice3A_1508 : vector<1x20xf32>
    %mul3A_1526 = arith.constant 5.000000e-01 : f32
    %mul3A_1527 = vector.broadcast %mul3A_1526 : f32 to vector<20x1xf32>
    %mul3A_1528 = arith.mulf %broadcast_in_dim3A_1489, %mul3A_1527 : vector<20x1xf32>
    %add3A_1529 = arith.addf %broadcast_in_dim3A_1469, %mul3A_1528 : vector<20x1xf32>
    %min3A_1530 = vector.broadcast %add3A_1529 : vector<20x1xf32> to vector<20x20xf32>
    %min3A_1531 = vector.broadcast %add3A_1516 : vector<1x20xf32> to vector<20x20xf32>
    %min3A_1532 = arith.minimumf %min3A_1530, %min3A_1531 : vector<20x20xf32>
    %mul3A_1533 = arith.constant 5.000000e-01 : f32
    %mul3A_1534 = vector.broadcast %mul3A_1533 : f32 to vector<20x1xf32>
    %mul3A_1535 = arith.mulf %broadcast_in_dim3A_1489, %mul3A_1534 : vector<20x1xf32>
    %sub3A_1536 = arith.subf %broadcast_in_dim3A_1469, %mul3A_1535 : vector<20x1xf32>
    %max3A_1537 = vector.broadcast %sub3A_1536 : vector<20x1xf32> to vector<20x20xf32>
    %max3A_1538 = vector.broadcast %sub3A_1512 : vector<1x20xf32> to vector<20x20xf32>
    %max3A_1539 = arith.maximumf %max3A_1537, %max3A_1538 : vector<20x20xf32>
    %sub3A_1540 = arith.subf %min3A_1532, %max3A_1539 : vector<20x20xf32>
    %max3A_1541 = arith.constant 0.000000e+00 : f32
    %max3A_1542 = vector.broadcast %max3A_1541 : f32 to vector<20x20xf32>
    %max3A_1543 = arith.maximumf %sub3A_1540, %max3A_1542 : vector<20x20xf32>
    %mul3A_1544 = arith.constant 5.000000e-01 : f32
    %mul3A_1545 = vector.broadcast %mul3A_1544 : f32 to vector<20x1xf32>
    %mul3A_1546 = arith.mulf %broadcast_in_dim3A_1499, %mul3A_1545 : vector<20x1xf32>
    %add3A_1547 = arith.addf %broadcast_in_dim3A_1479, %mul3A_1546 : vector<20x1xf32>
    %min3A_1548 = vector.broadcast %add3A_1547 : vector<20x1xf32> to vector<20x20xf32>
    %min3A_1549 = vector.broadcast %add3A_1524 : vector<1x20xf32> to vector<20x20xf32>
    %min3A_1550 = arith.minimumf %min3A_1548, %min3A_1549 : vector<20x20xf32>
    %mul3A_1551 = arith.constant 5.000000e-01 : f32
    %mul3A_1552 = vector.broadcast %mul3A_1551 : f32 to vector<20x1xf32>
    %mul3A_1553 = arith.mulf %broadcast_in_dim3A_1499, %mul3A_1552 : vector<20x1xf32>
    %sub3A_1554 = arith.subf %broadcast_in_dim3A_1479, %mul3A_1553 : vector<20x1xf32>
    %max3A_1555 = vector.broadcast %sub3A_1554 : vector<20x1xf32> to vector<20x20xf32>
    %max3A_1556 = vector.broadcast %sub3A_1520 : vector<1x20xf32> to vector<20x20xf32>
    %max3A_1557 = arith.maximumf %max3A_1555, %max3A_1556 : vector<20x20xf32>
    %sub3A_1558 = arith.subf %min3A_1550, %max3A_1557 : vector<20x20xf32>
    %max3A_1559 = arith.constant 0.000000e+00 : f32
    %max3A_1560 = vector.broadcast %max3A_1559 : f32 to vector<20x20xf32>
    %max3A_1561 = arith.maximumf %sub3A_1558, %max3A_1560 : vector<20x20xf32>
    %mul3A_1562 = arith.mulf %max3A_1543, %max3A_1561 : vector<20x20xf32>
    %mul3A_1563 = arith.mulf %broadcast_in_dim3A_1489, %broadcast_in_dim3A_1499 : vector<20x1xf32>
    %add3A_1564 = vector.broadcast %mul3A_1563 : vector<20x1xf32> to vector<20x20xf32>
    %add3A_1565 = vector.broadcast %mul3A_1525 : vector<1x20xf32> to vector<20x20xf32>
    %add3A_1566 = arith.addf %add3A_1564, %add3A_1565 : vector<20x20xf32>
    %sub3A_1567 = arith.subf %add3A_1566, %mul3A_1562 : vector<20x20xf32>
    %add3A_1568 = arith.constant 9.99999971E-10 : f32
    %add3A_1569 = vector.broadcast %add3A_1568 : f32 to vector<20x20xf32>
    %add3A_1570 = arith.addf %sub3A_1567, %add3A_1569 : vector<20x20xf32>
    %div3A_1571 = arith.divf %mul3A_1562, %add3A_1570 : vector<20x20xf32>
    %reduce_max3A = arith.constant dense<0xFF800000> : vector<20xf32>
    %reduce_max3A_1572 = vector.multi_reduction <maximumf>, %div3A_1571, %reduce_max3A [1] : vector<20x20xf32> to vector<20xf32>
    %broadcast_in_dim3A_1573 = vector.shape_cast %reduce_max3A_1572 : vector<20xf32> to vector<20x1xf32>
    %gt3A_1574 = arith.constant 5.000000e-01 : f32
    %gt3A_1575 = vector.broadcast %gt3A_1574 : f32 to vector<20x1xf32>
    %gt3A_1576 = arith.cmpf ogt, %broadcast_in_dim3A_1573, %gt3A_1575 : vector<20x1xf32>
    %sub3A_1577 = arith.subf %broadcast_in_dim3A_1459, %broadcast_in_dim3A_1454 : vector<20x1xf32>
    %mul3A_1578 = arith.constant 5.000000e-01 : f32
    %mul3A_1579 = vector.broadcast %mul3A_1578 : f32 to vector<20x1xf32>
    %mul3A_1580 = arith.mulf %mul3A_1579, %broadcast_in_dim3A_1459 : vector<20x1xf32>
    %jit3A_1581 = arith.constant 0.000000e+00 : f32
    %broadcast_in_dim3A_1582 = vector.broadcast %jit3A_1581 : f32 to vector<20x1xf32>
    %select_n3A_1583 = arith.select %gt3A_1576, %broadcast_in_dim3A_1582, %mul3A_1580 : vector<20x1xi1>, vector<20x1xf32>
    %sub3A_1584 = arith.subf %sub3A_1577, %select_n3A_1583 : vector<20x1xf32>
    %mul3A_1585 = arith.mulf %slice3A, %sub3A_1584 : vector<20x1xf32>
    %reduce_sum3A_1586 = vector.shape_cast %mul3A_1585 : vector<20x1xf32> to vector<1x20x1xf32>
    %reduce_sum3A_1587 = arith.constant dense<0.000000e+00> : vector<1xf32>
    %reduce_sum3A_1588 = vector.multi_reduction <add>, %reduce_sum3A_1586, %reduce_sum3A_1587 [1, 2] : vector<1x20x1xf32> to vector<1xf32>
    %reduce_sum3A_1589 = vector.shape_cast %reduce_sum3A_1588 : vector<1xf32> to vector<1x1x1xf32>
    %reduce_sum3A_1590 = vector.extract %reduce_sum3A_1589[0, 0, 0] : f32 from vector<1x1x1xf32>
    %reduce_sum3A_1591 = vector.shape_cast %slice3A : vector<20x1xf32> to vector<1x20x1xf32>
    %reduce_sum3A_1592 = arith.constant dense<0.000000e+00> : vector<1xf32>
    %reduce_sum3A_1593 = vector.multi_reduction <add>, %reduce_sum3A_1591, %reduce_sum3A_1592 [1, 2] : vector<1x20x1xf32> to vector<1xf32>
    %reduce_sum3A_1594 = vector.shape_cast %reduce_sum3A_1593 : vector<1xf32> to vector<1x1x1xf32>
    %reduce_sum3A_1595 = vector.extract %reduce_sum3A_1594[0, 0, 0] : f32 from vector<1x1x1xf32>
    %get3A_1596 = arith.constant 0 : index
    %get3A_1597 = memref.load %arg7[%get3A_1596] : memref<1xf32, #tpu.memory_space<smem>>
    %add3A_1598 = arith.addf %get3A_1597, %reduce_sum3A_1438 : f32
    %swap3A = arith.constant 0 : index
    %swap3A_1599 = memref.load %arg7[%swap3A] : memref<1xf32, #tpu.memory_space<smem>>
    memref.store %add3A_1598, %arg7[%swap3A] : memref<1xf32, #tpu.memory_space<smem>>
    %get3A_1600 = arith.constant 0 : index
    %get3A_1601 = memref.load %arg8[%get3A_1600] : memref<1xf32, #tpu.memory_space<smem>>
    %add3A_1602 = arith.addf %get3A_1601, %reduce_sum3A_1449 : f32
    %swap3A_1603 = arith.constant 0 : index
    %swap3A_1604 = memref.load %arg8[%swap3A_1603] : memref<1xf32, #tpu.memory_space<smem>>
    memref.store %add3A_1602, %arg8[%swap3A_1603] : memref<1xf32, #tpu.memory_space<smem>>
    %get3A_1605 = arith.constant 0 : index
    %get3A_1606 = memref.load %arg9[%get3A_1605] : memref<1xf32, #tpu.memory_space<smem>>
    %add3A_1607 = arith.addf %get3A_1606, %reduce_sum3A_1590 : f32
    %swap3A_1608 = arith.constant 0 : index
    %swap3A_1609 = memref.load %arg9[%swap3A_1608] : memref<1xf32, #tpu.memory_space<smem>>
    memref.store %add3A_1607, %arg9[%swap3A_1608] : memref<1xf32, #tpu.memory_space<smem>>
    %get3A_1610 = arith.constant 0 : index
    %get3A_1611 = memref.load %arg10[%get3A_1610] : memref<1xf32, #tpu.memory_space<smem>>
    %add3A_1612 = arith.addf %get3A_1611, %reduce_sum3A_1275 : f32
    %swap3A_1613 = arith.constant 0 : index
    %swap3A_1614 = memref.load %arg10[%swap3A_1613] : memref<1xf32, #tpu.memory_space<smem>>
    memref.store %add3A_1612, %arg10[%swap3A_1613] : memref<1xf32, #tpu.memory_space<smem>>
    %get3A_1615 = arith.constant 0 : index
    %get3A_1616 = memref.load %arg11[%get3A_1615] : memref<1xf32, #tpu.memory_space<smem>>
    %add3A_1617 = arith.addf %get3A_1616, %reduce_sum3A_1595 : f32
    %swap3A_1618 = arith.constant 0 : index
    %swap3A_1619 = memref.load %arg11[%swap3A_1618] : memref<1xf32, #tpu.memory_space<smem>>
    memref.store %add3A_1617, %arg11[%swap3A_1618] : memref<1xf32, #tpu.memory_space<smem>>
    return
  }
  func.func @transform_0(%arg0: i32) -> (i32, i32, i32, i32) {
    %c0_i32 = arith.constant 0 : i32
    %c0_i32_0 = arith.constant 0 : i32
    %c0_i32_1 = arith.constant 0 : i32
    %c0_i32_2 = arith.constant 0 : i32
    return %arg0, %c0_i32, %c0_i32_0, %c0_i32_1 : i32, i32, i32, i32
  }
  func.func @transform_1(%arg0: i32) -> (i32, i32, i32) {
    %c0_i32 = arith.constant 0 : i32
    %c0_i32_0 = arith.constant 0 : i32
    %c0_i32_1 = arith.constant 0 : i32
    return %arg0, %c0_i32, %c0_i32_0 : i32, i32, i32
  }
  func.func @transform_2(%arg0: i32) -> (i32, i32, i32) {
    %c0_i32 = arith.constant 0 : i32
    %c0_i32_0 = arith.constant 0 : i32
    %c0_i32_1 = arith.constant 0 : i32
    return %arg0, %c0_i32, %c0_i32_0 : i32, i32, i32
  }
  func.func @transform_3(%arg0: i32) -> (i32, i32, i32) {
    %c0_i32 = arith.constant 0 : i32
    %c0_i32_0 = arith.constant 0 : i32
    %c0_i32_1 = arith.constant 0 : i32
    return %arg0, %c0_i32, %c0_i32_0 : i32, i32, i32
  }
  func.func @transform_4(%arg0: i32) -> (i32, i32, i32) {
    %c0_i32 = arith.constant 0 : i32
    %c0_i32_0 = arith.constant 0 : i32
    %c0_i32_1 = arith.constant 0 : i32
    return %arg0, %c0_i32, %c0_i32_0 : i32, i32, i32
  }
  func.func @transform_5(%arg0: i32) -> (i32, i32, i32) {
    %c0_i32 = arith.constant 0 : i32
    %c0_i32_0 = arith.constant 0 : i32
    %c0_i32_1 = arith.constant 0 : i32
    return %arg0, %c0_i32, %c0_i32_0 : i32, i32, i32
  }
  func.func @transform_6(%arg0: i32) -> i32 {
    %c0_i32 = arith.constant 0 : i32
    %c0_i32_0 = arith.constant 0 : i32
    return %c0_i32 : i32
  }
  func.func @transform_7(%arg0: i32) -> i32 {
    %c0_i32 = arith.constant 0 : i32
    %c0_i32_0 = arith.constant 0 : i32
    return %c0_i32 : i32
  }
  func.func @transform_8(%arg0: i32) -> i32 {
    %c0_i32 = arith.constant 0 : i32
    %c0_i32_0 = arith.constant 0 : i32
    return %c0_i32 : i32
  }
  func.func @transform_9(%arg0: i32) -> i32 {
    %c0_i32 = arith.constant 0 : i32
    %c0_i32_0 = arith.constant 0 : i32
    return %c0_i32 : i32
  }
  func.func @transform_10(%arg0: i32) -> i32 {
    %c0_i32 = arith.constant 0 : i32
    %c0_i32_0 = arith.constant 0 : i32
    return %c0_i32 : i32
  }
}

</mosaic_0001>

<sc_bundles>
// kernel: kernel.7.cloned.1.call-start
scs
__scs_entry_jumppad:
0x0: {  	(pc) =	sbr.rel $0x88, $3  }
0x1: {  	(tag) =	ssettag $0x0;
	lr =	simm.s32 $0x1  }
0x2: {  	[smem:$0x3F9C] =	sst lr;
	_ =	strace $0xD0000000  }
0x3: {  	_ = 	snop  }
0x4: {  	_ = 	snop  }
0x5: {  	_ = 	snop  }
0x6: {  	_ = 	snop  }
0x7: {  	_ = 	snop  }
__scs_overlays_trampoline_lowered:
0x8: {  	[smem:$0x3FAB] =	sst s0  }
0x9: {  	[smem:$0x3FAC] =	sst s1  }
0xa: {  	[smem:$0x3FAD] =	sst s2  }
0xb: {  	[smem:$0x3FAE] =	sst s3  }
0xc: {  	[smem:$0x3FAF] =	sst s4  }
0xd: {  	[smem:$0x3FB0] =	sst s5  }
0xe: {  	[smem:$0x3FB1] =	sst s6  }
0xf: {  	[smem:$0x3FB2] =	sst s7  }
0x10: {  	[smem:$0x3FB3] =	sst s8  }
0x11: {  	[smem:$0x3FB4] =	sst s9;
	s0 =	simm.s32 @!p0 $0x0  }
0x12: {  	s1 =	sld [smem:$0x3F9A];
	s0 =	simm.s32 @p0 $0x1  }
0x13: {  	[smem:$0x3FB5] =	sst s0;
	s0 =	simm.s32 @!p1 $0x0  }
0x14: {  	s2 =	sld [smem:$0x3F99];
	s0 =	simm.s32 @p1 $0x1  }
0x15: {  	[smem:$0x3FB6] =	sst s0;
	s0 =	simm.s32 @!p2 $0x0  }
0x16: {  	s3 =	sld [smem:$0x3FDB];
	s0 =	simm.s32 @p2 $0x1  }
0x17: {  	s4 =	simm.s32 $0x1BF5;
	[smem:$0x3FB8] =	sst s0  }
0x18: {  	s0 =	sld [smem:$0x3F9B];
	_ =	swait.ge [sflag:s4], $0x0  }
0x19: {  	s7 =	sld [smem:$0x3F9C]  }
0x1a: {  	s8 =	sadd.s32 $0xFFFFE003, lr  }
0x1b: {  	s9 =	sadd.s32 $0xFFFFFEF7, lr;
	s5 =	simm.s32 $0xFFFFFFFF;
	p2 =	slt.u32 s8, $0xFFFFF086  }
0x1c: {  	p1 =	slt.u32 s9, $0xF7A;
	s5 =	simm.s32 @!p2 $0x0  }
0x1d: {  	s5 =	simm.s32 @p1 $0x1;
	p0 =	seq.s32 s7, s2  }
0x1e: {  	s7 =	smul.u32 @!p0 $0xF7A, s2;
	p2 =	seq.s32 @!p0 s5, $0x0  }
0x1f: {  	s9 =	smul.u32 $0xF7A, s1;
	s8 =	simm.s32 @!p0 $0x1BF5;
	p2 =	por !p2, p0  }
0x20: {  	[sflag:s8] =	ssyncset.s32 @!p0 $0xFFFFF086;
	s6 =	sadd.s32 @!p0 s3, s7;
	s7 =	simm.s32 @!p0 $0x108  }
0x21: {  	s3 =	sadd.s32 s3, s9;
	s6 =	sadd.s32 @!p0 $0x88, s6;
	s7 =	simm.s32 @p2 $0x1082  }
0x22: {  	[simem:s7], [sflag:s8] =	dma.local @!p0 [hbm:s6], $0xF7A  }
0x23: {  	s9 =	sor.u32 $0xD0000000, s2;
	s6 =	simm.s32 $0x108;
	_ =	swait.ge @!p0 [sflag:s8], $0x0  }
0x24: {  	s3 =	sadd.s32 $0x88, s3;
	s6 =	simm.s32 @!p1 $0x1082;
	[sflag:s4] =	ssyncset.s32 $0xFFFFF086  }
0x25: {  	[simem:s6], [sflag:s4] =	dma.local [hbm:s3], $0xF7A  }
0x26: {  	[smem:$0x3F9C] =	sst s1;
	(tag) =	ssettag s2;
	_ =	strace s9  }
0x27: {  	s1 =	sld [smem:$0x3FAC]  }
0x28: {  	s2 =	sld [smem:$0x3FAD]  }
0x29: {  	s4 =	sld [smem:$0x3FAF]  }
0x2a: {  	p0 =	seq.s32 s5, $0x0;
	s5 =	sld [smem:$0x3FB0]  }
0x2b: {  	s6 =	sld [smem:$0x3FB1]  }
0x2c: {  	s7 =	sld [smem:$0x3FB2]  }
0x2d: {  	s3 =	simm.s32 $0x108;
	s8 =	sld [smem:$0x3FB3]  }
0x2e: {  	s3 =	simm.s32 @!p0 $0x1082;
	s9 =	sld [smem:$0x3FB4]  }
0x2f: {  	lr =	sadd.s32 s0, s3;
	s0 =	sld [smem:$0x3FAB]  }
0x30: {  	s3 =	sld [smem:$0x3FAE]  }
0x31: {  	[smem:$0x3FB7] =	sst s10  }
0x32: {  	s10 =	sld [smem:$0x3FB5];
	_ =	sdelay $0x3  }
0x33: {  	p0 =	seq.s32 s10, $0x1;
	s10 =	sld [smem:$0x3FB7];
	_ =	sdelay $0x3  }
0x34: {  	[smem:$0x3FB7] =	sst s10  }
0x35: {  	s10 =	sld [smem:$0x3FB6];
	_ =	sdelay $0x3  }
0x36: {  	p1 =	seq.s32 s10, $0x1;
	s10 =	sld [smem:$0x3FB7];
	_ =	sdelay $0x3  }
0x37: {  	[smem:$0x3FB7] =	sst s10  }
0x38: {  	s10 =	sld [smem:$0x3FB8]  }
0x39: {  	_ = 	snop;
	(pc) =	sbr.ind lr, $3  }
0x3a: {  	_ = 	snop  }
0x3b: {  	_ = 	snop  }
0x3c: {  	p2 =	seq.s32 s10, $0x1;
	s10 =	sld [smem:$0x3FB7]  }
0x3d: {  	_ =	shalt  }
0x3e: {  	_ =	shalt  }
0x3f: {  	_ =	shalt  }
0x40: {  	_ =	shalt  }
0x41: {  	_ =	shalt  }
0x42: {  	_ =	shalt  }
0x43: {  	_ =	shalt  }
0x44: {  	_ =	shalt  }
0x45: {  	_ =	shalt  }
0x46: {  	_ =	shalt  }
0x47: {  	_ =	shalt  }
0x48: {  	_ =	shalt  }
0x49: {  	_ =	shalt  }
0x4a: {  	_ =	shalt  }
0x4b: {  	_ =	shalt  }
0x4c: {  	_ =	shalt  }
0x4d: {  	_ =	shalt  }
0x4e: {  	_ =	shalt  }
0x4f: {  	_ =	shalt  }
0x50: {  	_ =	shalt  }
0x51: {  	_ =	shalt  }
0x52: {  	_ =	shalt  }
0x53: {  	_ =	shalt  }
0x54: {  	_ =	shalt  }
0x55: {  	_ =	shalt  }
0x56: {  	_ =	shalt  }
0x57: {  	_ =	shalt  }
0x58: {  	_ =	shalt  }
0x59: {  	_ =	shalt  }
0x5a: {  	_ =	shalt  }
0x5b: {  	_ =	shalt  }
0x5c: {  	_ =	shalt  }
0x5d: {  	_ =	shalt  }
0x5e: {  	_ =	shalt  }
0x5f: {  	_ =	shalt  }
0x60: {  	_ =	shalt  }
0x61: {  	_ =	shalt  }
0x62: {  	_ =	shalt  }
0x63: {  	_ =	shalt  }
0x64: {  	_ =	shalt  }
0x65: {  	_ =	shalt  }
0x66: {  	_ =	shalt  }
0x67: {  	_ =	shalt  }
0x68: {  	_ =	shalt  }
0x69: {  	_ =	shalt  }
0x6a: {  	_ =	shalt  }
0x6b: {  	_ =	shalt  }
0x6c: {  	_ =	shalt  }
0x6d: {  	_ =	shalt  }
0x6e: {  	_ =	shalt  }
0x6f: {  	_ =	shalt  }
0x70: {  	_ =	shalt  }
0x71: {  	_ =	shalt  }
0x72: {  	_ =	shalt  }
0x73: {  	_ =	shalt  }
0x74: {  	_ =	shalt  }
0x75: {  	_ =	shalt  }
0x76: {  	_ =	shalt  }
0x77: {  	_ =	shalt  }
0x78: {  	_ =	shalt  }
0x79: {  	_ =	shalt  }
0x7a: {  	_ =	shalt  }
0x7b: {  	_ =	shalt  }
0x7c: {  	_ =	shalt  }
0x7d: {  	_ =	shalt  }
0x7e: {  	_ =	shalt  }
0x7f: {  	_ =	shalt  }
0x80: {  	_ =	shalt  }
0x81: {  	_ =	shalt  }
0x82: {  	_ =	shalt  }
0x83: {  	_ =	shalt  }
0x84: {  	_ =	shalt  }
0x85: {  	_ =	shalt  }
0x86: {  	_ =	shalt  }
0x87: {  	_ =	shalt  }
.Lfunc_end0:
.L_simem_size_0:
called_computation_lowered:
.L_overlay_start_0:
0x88: {  	s2 =	sld [smem:$0x3FD9]  }
0x89: {  	s3 =	sld [smem:$0x3FFE];
	_ =	sdelay $0x1  }
0x8a: {  	s1 =	srdreg.scid  }
0x8b: {  	s0 =	sand.u32 $0x1, s1  }
0x8c: {  	s16 =	sshll.u32 s0, $0xA;
	s2 =	sadd.s32 s3, s2  }
0x8d: {  	s2 =	sadd.s32 s2, s16  }
0x8e: {  	[smem:$0x3FC3] =	sst s2  }
0x8f: {  	_ = 	snop  }
0x90: {  	(tm) =	ssettm $0x1  }
0x91: {  	s17 =	sld [smem:$0x3FFB];
	_ =	sdelay $0x3  }
0x92: {  	_ =	strace s17  }
0x93: {  	s2 =	sld [smem:$0x3FFC];
	_ =	sdelay $0x3  }
0x94: {  	_ =	strace s2  }
0x95: {  	s2 =	sld [smem:$0x3FFD];
	_ =	sdelay $0x3  }
0x96: {  	_ =	strace s2  }
0x97: {  	_ =	strace $0x8FFFFFFF  }
0x98: {  	s18 =	sld [smem:$0x3FDB];
	_ =	sdelay $0x1  }
0x99: {  	s19 =	simm.s32 $_scs_section_size  }
0x9a: {  	s4 =	simm.s32 $_size__tile_overlayer_lowered;
	s5 =	simm.s32 $_tile_overlayer_lowered  }
0x9b: {  	s22 =	simm.s32 $0x1BFF;
	s21 =	sshll.u32 s5, $0x1;
	s2 =	sadd.s32 s19, s18  }
0x9c: {  	s6 =	simm.s32 $0x0;
	s20 =	sshll.u32 s4, $0x1;
	s4 =	sadd.s32 s21, s2  }
0x9d: {  	[timem:s6], [sflag:s22] =	dma.local [hbm:s4], s20  }
0x9e: {  	_ =	swait.ge [sflag:s22], s20  }
0x9f: {  	s3 =	ssub.s32 $0x0, s20;
	[sflag:s22] =	ssyncset.done $0x0  }
0xa0: {  	[sflag:s22] =	ssyncadd.s32 s3;
	_ =	sdelay $0x1  }
0xa1: {  	s23 =	simm.s32 $0x1B8B  }
0xa2: {  	_ =	swait.ge [sflag:s23], $0x1  }
0xa3: {  	[sflag:s23] =	ssyncset.done $0x0  }
0xa4: {  	s25 =	simm.s32 $0x1B8E;
	s24 =	sld [smem:$0x3FFE];
	[sflag:s23] =	ssyncadd.s32 $0xFFFFFFFF  }
0xa5: {  	s26 =	simm.s32 $execute0_lowered;
	[smem:$0x3FD2] =	sst s25  }
0xa6: {  	s4 =	sshll.u32 s26, $0x1;
	_ =	strace $0x80000046;
	[dreg:$0x1] =	wrdreg $0xFFFFFFFF  }
0xa7: {  	s28 =	simm.s32 $_size_execute0_lowered;
	s2 =	sadd.s32 s2, s4;
	[dreg:$0x0] =	wrdreg $0x0  }
0xa8: {  	s4 =	sshll.u32 s28, $0x1;
	[dreg:$0x2] =	wrdreg s2  }
0xa9: {  	[dreg:$0x3] =	wrdreg s4  }
0xaa: {  	[dreg:$0x4] =	wrdreg $0xC0  }
0xab: {  	_ =	task [dreg:s6], $0x5FFFF  }
0xac: {  	[dreg:$0x1] =	wrdreg $0xFFFFFFFF  }
0xad: {  	[dreg:$0x0] =	wrdreg $0x60  }
0xae: {  	[dreg:$0x2] =	wrdreg s24  }
0xaf: {  	[dreg:$0x3] =	wrdreg $0x9  }
0xb0: {  	_ =	task.clear_ibuf [dreg:s6], $0x4FFFF;
	_ =	strace $0x90000046  }
0xb1: {  	s29 =	simm.s32 $0x9;
	_ =	strace $0x80000048  }
0xb2: {  	_ =	swait.ge [sflag:s29], $0x1  }
0xb3: {  	[sflag:s29] =	ssyncadd.s32 $0xFFFFFFFF  }
0xb4: {  	_ =	strace $0x90000048  }
0xb5: {  	_ =	sfence  }
0xb6: {  	s30 =	sld [smem:$0x0];
	_ =	sdelay $0x2  }
0xb7: {  	s31 =	sshll.u32 s1, $0xD;
	s1 =	sshrl.u32 s1, $0x2  }
0xb8: {  	s3 =	sand.u32 $0x4000, s31;
	s1 =	sadd.s32 s1, s30  }
0xb9: {  	s0 =	sor.u32 s3, s0;
	s1 =	sshll.u32 s1, $0x11  }
0xba: {  	s0 =	sor.u32 s1, s0  }
0xbb: {  	s0 =	sadd.s32 $0x8F2B, s0  }
0xbc: {  	[sflag:s0] =	ssyncadd.remote.s32 $0x1  }
0xbd: {  	_ =	sfence.sel $0xFFFF  }
0xbe: {  	[dreg:$0x0] =	wrdreg $0xFFFFFFFF;
	(pc) =	sbr.abs _section_cstart, $3  }
0xbf: {  	[dreg:$0x1] =	wrdreg $0xFFFFFFFF  }
0xc0: {  	_ =	task.clear_ibuf [dreg:s6], $0x2FFFF;
	_ =	strace $0x9FFFFFFF  }
0xc1: {  	(tm) =	ssettm $0x7FFFFFFF  }
tec
execute0_lowered:
.L_overlay_start_1:
0x0: {  	(tag) =	ssettag $0x1  }
0x1: {  	s1 =	srdreg.scid;
	s0 =	stileid.u32  }
0x2: {  	s14 =	sand.u32 $0x1, s1;
	s30 =	sshll.u32 s0, $0x1  }
0x3: {  	s1 =	sor.u32 s14, s30  }
0x4: {  	s13 =	rddreg [dreg:$0x0];
	s2 =	simm.s32 $0x0;
	s3 =	smul.u32 $0xB0, s1  }
0x5: {  	[smem:$0x7FF] =	sst s2  }
0x6: {  	s1 =	rddreg [dreg:$0x1];
	s15 =	sadd.s32 s3, s13  }
0x7: {  	_ =	strace $0x80000047;
	s3 =	simm.s32 $0x2;
	s4 =	sadd.s32 $0xF600, s15  }
0x8: {  	[tilespmem:s2], [sflag:$0x2] =	stream.linear.gather [hbm4b:s4+s2], $0x580, $0x38;
	[tilespmem:$0xB00] =	vst v63  }
0x9: {  	_ =	swait.ge [sflag:s3], $0x580  }
0xa: {  	s6 =	simm.s32 $0x580;
	[sflag:s3] =	ssyncset.done $0x0  }
0xb: {  	s7 =	simm.s32 $0x1;
	s5 =	sadd.s32 $0x10C00, s13;
	[sflag:s3] =	ssyncadd.s32 $0xFFFFFA80  }
0xc: {  	[tilespmem:s6], [sflag:$0x1] =	stream.indirect.gather [hbm4b:s5+s6], $0x1, s2, s6, $0xb8;
	[tilespmem:$0xB00] =	vst v63  }
0xd: {  	_ =	swait.ge [sflag:s7], $0x580  }
0xe: {  	[sflag:s7] =	ssyncset.done $0x0  }
0xf: {  	s8 =	sadd.s32 $0x3F200, s15;
	[sflag:s7] =	ssyncadd.s32 $0xFFFFFA80  }
0x10: {  	[hbm4b:s8+s2] =	stream.linear.scatter [tilespmem:s6], [sflag:$0x2], $0x580, $0x38;
	[tilespmem:$0xB00] =	vst v63  }
0x11: {  	_ =	swait.ge [sflag:s3], $0x580  }
0x12: {  	[sflag:s3] =	ssyncset.done $0x0  }
0x13: {  	s9 =	sadd.s32 $0xE000, s15;
	[sflag:s3] =	ssyncadd.s32 $0xFFFFFA80  }
0x14: {  	[tilespmem:s2], [sflag:$0x2] =	stream.linear.gather [hbm4b:s9+s2], $0x580, $0x38;
	[tilespmem:$0xB00] =	vst v63  }
0x15: {  	_ =	swait.ge [sflag:s3], $0x580  }
0x16: {  	[sflag:s3] =	ssyncset.done $0x0  }
0x17: {  	s10 =	sadd.s32 $0x12DC00, s13;
	[sflag:s3] =	ssyncadd.s32 $0xFFFFFA80  }
0x18: {  	[tilespmem:s6], [sflag:$0x1] =	stream.indirect.gather [hbm4b:s10+s6], $0x1, s2, s6, $0xb8;
	[tilespmem:$0xB00] =	vst v63  }
0x19: {  	_ =	swait.ge [sflag:s7], $0x580  }
0x1a: {  	[sflag:s7] =	ssyncset.done $0x0  }
0x1b: {  	s11 =	sadd.s32 $0x3DC00, s15;
	[sflag:s7] =	ssyncadd.s32 $0xFFFFFA80  }
0x1c: {  	[hbm4b:s11+s2] =	stream.linear.scatter [tilespmem:s6], [sflag:$0x2], $0x580, $0x38;
	[tilespmem:$0xB00] =	vst v63  }
0x1d: {  	_ =	swait.ge [sflag:s3], $0x580  }
0x1e: {  	[sflag:s3] =	ssyncset.done $0x0  }
0x1f: {  	s14 =	ssub.s32 $0x2, s14;
	s12 =	sadd.s32 $0xCA00, s15;
	[sflag:s3] =	ssyncadd.s32 $0xFFFFFA80  }
0x20: {  	[tilespmem:s2], [sflag:$0x2] =	stream.linear.gather [hbm4b:s12+s2], $0x580, $0x38;
	[tilespmem:$0xB00] =	vst v63  }
0x21: {  	s16 =	sshrl.u32 s14, $0x1;
	_ =	swait.ge [sflag:s3], $0x580  }
0x22: {  	s16 =	ssub.s32 s14, s16;
	[sflag:s3] =	ssyncset.done $0x0  }
0x23: {  	s13 =	sadd.s32 $0x484C00, s13;
	s31 =	smax.u32 s16, $0x1;
	[sflag:s3] =	ssyncadd.s32 $0xFFFFFA80  }
0x24: {  	[tilespmem:s6], [sflag:$0x1] =	stream.indirect.gather [hbm4b:s13+s6], $0x1, s2, s6, $0xb8;
	[tilespmem:$0xB00] =	vst v63  }
0x25: {  	p0 =	sne.s32 s31, $0x1;
	_ =	swait.ge [sflag:s7], $0x580  }
.Ltmp0:
0x26: {  	[sflag:s7] =	ssyncset.done $0x0;
	(pc) =	sbr.rel @!p0 .LBB2_2-.Ltmp0, $4  }
0x27: {  	s14 =	sadd.s32 $0x40800, s15;
	[sflag:s7] =	ssyncadd.s32 $0xFFFFFA80  }
0x28: {  	[hbm4b:s14+s2] =	stream.linear.scatter [tilespmem:s6], [sflag:$0x2], $0x580, $0x38;
	[tilespmem:$0xB00] =	vst v63  }
0x29: {  	_ =	swait.ge [sflag:s3], $0x580  }
0x2a: {  	s15 =	sadd.s32 $0xFFFFFFFF, s31;
	[sflag:s3] =	ssyncset.done $0x0  }
.LBB2_1:
0x2b: {  	p0 =	sne.s32 s15, $0x1;
	s15 =	sadd.s32 $0xFFFFFFFF, s15;
	[sflag:s3] =	ssyncadd.s32 $0xFFFFFA80  }
0x2c: {  	[tilespmem:s2], [sflag:$0x2] =	stream.linear.gather [hbm4b:s4+s2], $0x580, $0x38;
	[tilespmem:$0xB00] =	vst v63  }
0x2d: {  	_ =	swait.ge [sflag:s3], $0x580  }
0x2e: {  	[sflag:s3] =	ssyncset.done $0x0  }
0x2f: {  	[sflag:s3] =	ssyncadd.s32 $0xFFFFFA80  }
0x30: {  	[tilespmem:s6], [sflag:$0x1] =	stream.indirect.gather [hbm4b:s5+s6], $0x1, s2, s6, $0xb8;
	[tilespmem:$0xB00] =	vst v63  }
0x31: {  	_ =	swait.ge [sflag:s7], $0x580  }
0x32: {  	[sflag:s7] =	ssyncset.done $0x0  }
0x33: {  	[sflag:s7] =	ssyncadd.s32 $0xFFFFFA80  }
0x34: {  	[hbm4b:s8+s2] =	stream.linear.scatter [tilespmem:s6], [sflag:$0x2], $0x580, $0x38;
	[tilespmem:$0xB00] =	vst v63  }
0x35: {  	_ =	swait.ge [sflag:s3], $0x580  }
0x36: {  	[sflag:s3] =	ssyncset.done $0x0  }
0x37: {  	[sflag:s3] =	ssyncadd.s32 $0xFFFFFA80  }
0x38: {  	[tilespmem:s2], [sflag:$0x2] =	stream.linear.gather [hbm4b:s9+s2], $0x580, $0x38;
	[tilespmem:$0xB00] =	vst v63  }
0x39: {  	_ =	swait.ge [sflag:s3], $0x580  }
0x3a: {  	[sflag:s3] =	ssyncset.done $0x0  }
0x3b: {  	[sflag:s3] =	ssyncadd.s32 $0xFFFFFA80  }
0x3c: {  	[tilespmem:s6], [sflag:$0x1] =	stream.indirect.gather [hbm4b:s10+s6], $0x1, s2, s6, $0xb8;
	[tilespmem:$0xB00] =	vst v63  }
0x3d: {  	_ =	swait.ge [sflag:s7], $0x580  }
0x3e: {  	[sflag:s7] =	ssyncset.done $0x0  }
0x3f: {  	[sflag:s7] =	ssyncadd.s32 $0xFFFFFA80  }
0x40: {  	[hbm4b:s11+s2] =	stream.linear.scatter [tilespmem:s6], [sflag:$0x2], $0x580, $0x38;
	[tilespmem:$0xB00] =	vst v63  }
0x41: {  	_ =	swait.ge [sflag:s3], $0x580  }
0x42: {  	[sflag:s3] =	ssyncset.done $0x0  }
0x43: {  	[sflag:s3] =	ssyncadd.s32 $0xFFFFFA80  }
0x44: {  	[tilespmem:s2], [sflag:$0x2] =	stream.linear.gather [hbm4b:s12+s2], $0x580, $0x38;
	[tilespmem:$0xB00] =	vst v63  }
0x45: {  	_ =	swait.ge [sflag:s3], $0x580  }
0x46: {  	[sflag:s3] =	ssyncset.done $0x0  }
0x47: {  	[sflag:s3] =	ssyncadd.s32 $0xFFFFFA80  }
0x48: {  	[tilespmem:s6], [sflag:$0x1] =	stream.indirect.gather [hbm4b:s13+s6], $0x1, s2, s6, $0xb8;
	[tilespmem:$0xB00] =	vst v63  }
0x49: {  	_ =	swait.ge [sflag:s7], $0x580  }
.Ltmp1:
0x4a: {  	[sflag:s7] =	ssyncset.done $0x0;
	(pc) =	sbr.rel @p0 .LBB2_1-.Ltmp1, $4  }
0x4b: {  	[sflag:s7] =	ssyncadd.s32 $0xFFFFFA80  }
0x4c: {  	[hbm4b:s14+s2] =	stream.linear.scatter [tilespmem:s6], [sflag:$0x2], $0x580, $0x38;
	[tilespmem:$0xB00] =	vst v63  }
0x4d: {  	_ =	swait.ge [sflag:s3], $0x580  }
0x4e: {  	[sflag:s3] =	ssyncset.done $0x0  }
.LBB2_2:
0x4f: {  	[sflag:s3] =	ssyncadd.s32 $0xFFFFFA80  }
0x50: {  	_ =	sfence.sel $0x180000  }
0x51: {  	[bflag:$0x0] =	sbarrier.arrive $0xFFFF  }
0x52: {  	p0 =	sne.s32 s0, $0x0;
	_ =	strace $0x90000047  }
0x53: {  	s0 =	sadd.s32 @!p0 $0x100000, s1;
	[bflag:$0x2] =	sbarrier.arrive $0xFFFF  }
0x54: {  	[sflag:s0] =	ssyncadd.tile.s32 @!p0 $0x1;
	_ =	shalt  }
.Lfunc_end2:
_tile_overlayer_lowered:
.L_overlay_start_2:
0x55: {  	(tag) =	ssettag $0x2  }
0x56: {  	s0 =	rddreg [dreg:$0x0];
	s2 =	stileid.u32  }
0x57: {  	s1 =	rddreg [dreg:$0x1];
	p0 =	sne.s32 s2, $0x0  }
0x58: {  	s3 =	rddreg [dreg:$0x2];
	[bflag:$0x3] =	sbarrier.arrive $0xFFFF;
	s2 =	simm.s32 @!p0 $0x1C02  }
0x59: {  	[timem:s3], [sflag:s2] =	dma.local @!p0 [hbm:s0], s1  }
0x5a: {  	s0 =	simm.s32 @!p0 $0x2  }
0x5b: {  	_ =	swait.ge @!p0 [sflag:s0], s1  }
0x5c: {  	s1 =	ssub.s32 @!p0 $0x0, s1;
	[sflag:s0] =	ssyncset.done @!p0 $0x0  }
0x5d: {  	[sflag:s0] =	ssyncadd.s32 @!p0 s1  }
0x5e: {  	[bflag:$0x3] =	sbarrier.arrive $0xFFFF  }
0x5f: {  	_ =	shalt  }

</sc_bundles>
